<compile_context>
chip_gen: v7x
topology: tpu7x:2x2x1
jax: 0.10.2.dev20260603
libtpu: 0.0.44.dev20260713+nightly
codegen_flags: <defaults>
</compile_context>

<pallas_src>
import functools

import jax
import jax.numpy as jnp
from jax import lax
from jax.experimental import pallas as pl
from jax.experimental.pallas import tpu as pltpu
from jax.experimental.pallas import tpu_sc as plsc

H, W, A = 100, 152, 3
N_ANCHORS = H * W * A
PRE_NMS_TOPK = 2000
POST_NMS_TOPK = 1000
NMS_THRESH = 0.7
IMG_H, IMG_W = 800.0, 1216.0

M_PAD = 2048
CHUNK = 128
N_CHUNKS = M_PAD // CHUNK
GB = M_PAD // 32
ADC = 128

HP, WP = H + 2, W + 2
P_VALID = HP * WP
T_CONV = 512
N_T = (P_VALID + T_CONV - 1) // T_CONV
P_PAD = N_T * T_CONV
MARGIN = WP + 1
X_ROWS = ((P_PAD + 2 * MARGIN + T_CONV - 1) // T_CONV) * T_CONV
WIDE = ((T_CONV + 2 * MARGIN + 511) // 512) * 512
_OFFS = tuple((dh - 1) * WP + (dw - 1) + MARGIN
              for dh in range(3) for dw in range(3))


def _conv_body(x_ref, w_ref, wh_ref, bc_ref, bh_ref, o_ref):
    t = pl.program_id(0)
    xw = x_ref[pl.ds(t * T_CONV, WIDE), :]
    acc = jnp.zeros((T_CONV, 256), jnp.float32)
    for k in range(9):
        off = _OFFS[k]
        acc += jnp.dot(xw[off:off + T_CONV, :], w_ref[k],
                       preferred_element_type=jnp.float32)
    xr = jax.nn.relu(acc + bc_ref[...])
    o_ref[...] = jnp.dot(xr, wh_ref[...],
                         preferred_element_type=jnp.float32) + bh_ref[...]


def _conv_head(features, conv_w, conv_b, obj_w, obj_b, delta_w, delta_b):
    xp = jnp.pad(features[0], ((0, 0), (1, 1), (1, 1)))
    xp = xp.reshape(256, P_VALID).T
    xb = jnp.zeros((X_ROWS, 256), jnp.float32)
    xb = jax.lax.dynamic_update_slice(xb, xp, (MARGIN, 0))
    w9 = jnp.transpose(conv_w, (2, 3, 1, 0)).reshape(9, 256, 256)
    wh = jnp.concatenate([obj_w[:, :, 0, 0], delta_w[:, :, 0, 0]], axis=0).T
    bh = jnp.concatenate([obj_b, delta_b])[None, :]
    out = pl.pallas_call(
        _conv_body,
        grid=(N_T,),
        in_specs=[
            pl.BlockSpec((X_ROWS, 256), lambda t: (0, 0)),
            pl.BlockSpec((9, 256, 256), lambda t: (0, 0, 0)),
            pl.BlockSpec((256, 15), lambda t: (0, 0)),
            pl.BlockSpec((1, 256), lambda t: (0, 0)),
            pl.BlockSpec((1, 15), lambda t: (0, 0)),
        ],
        out_specs=pl.BlockSpec((T_CONV, 15), lambda t: (t, 0)),
        out_shape=jax.ShapeDtypeStruct((P_PAD, 15), jnp.float32),
    )(xb, w9, wh, conv_b[None, :], bh)
    hw = out[:P_VALID].reshape(HP, WP, 15)[1:1 + H, 1:1 + W]
    scores = hw[..., :A].reshape(N_ANCHORS)
    deltas = hw[..., A:].reshape(H, W, A, 4).reshape(N_ANCHORS, 4)
    return scores, deltas


def _sc_gather(ad_table, top_idx):
    mesh = plsc.VectorSubcoreMesh(core_axis_name="c", subcore_axis_name="s")

    @functools.partial(
        pl.kernel, mesh=mesh,
        out_type=jax.ShapeDtypeStruct((M_PAD, ADC), jnp.float32),
        scratch_types=[
            pltpu.VMEM((GB,), jnp.int32),
            pltpu.VMEM((GB, ADC), jnp.float32),
            pltpu.SemaphoreType.DMA,
        ],
    )
    def gather(table_hbm, idx_hbm, out_hbm, idx_v, rows_v, sem):
        wid = lax.axis_index("s") * 2 + lax.axis_index("c")
        base = wid * GB
        pltpu.sync_copy(idx_hbm.at[pl.ds(base, GB)], idx_v)
        pltpu.async_copy(table_hbm.at[idx_v], rows_v, sem).wait()
        pltpu.sync_copy(rows_v, out_hbm.at[pl.ds(base, GB)])

    return gather(ad_table, top_idx)


def _decode8(a0, a1, a2, a3, d0, d1, d2, d3):
    w = a2 - a0
    h = a3 - a1
    cx = a0 + 0.5 * w
    cy = a1 + 0.5 * h
    dw = jnp.clip(d2, -4.0, 4.0)
    dh = jnp.clip(d3, -4.0, 4.0)
    pcx = d0 * w + cx
    pcy = d1 * h + cy
    pw = jnp.exp(dw) * w
    ph = jnp.exp(dh) * h
    x1 = jnp.clip(pcx - 0.5 * pw, 0.0, IMG_W)
    y1 = jnp.clip(pcy - 0.5 * ph, 0.0, IMG_H)
    x2 = jnp.clip(pcx + 0.5 * pw, 0.0, IMG_W)
    y2 = jnp.clip(pcy + 0.5 * ph, 0.0, IMG_H)
    return x1, y1, x2, y2


def _nms_body(ad_ref, adt_ref, out_ref, q_ref, bx_ref):
    x1r, y1r, x2r, y2r = _decode8(*(adt_ref[i:i + 1, :] for i in range(8)))
    area_r = (x2r - x1r) * (y2r - y1r)

    for c in range(N_CHUNKS):
        ad = ad_ref[c * CHUNK:(c + 1) * CHUNK, :]
        x1i, y1i, x2i, y2i = _decode8(*(ad[:, i:i + 1] for i in range(8)))
        bx_ref[c * CHUNK:(c + 1) * CHUNK, :] = jnp.concatenate(
            [x1i, y1i, x2i, y2i], axis=1)
        area_i = (x2i - x1i) * (y2i - y1i)
        if c > 0:
            q_ref[c * CHUNK:(c + 1) * CHUNK, :c * CHUNK] = jnp.zeros(
                (CHUNK, c * CHUNK), jnp.bfloat16)
        sl = slice(c * CHUNK, (c + 1) * CHUNK)
        wx = jnp.clip(jnp.minimum(x2i, x2r[:, sl]) - jnp.maximum(x1i, x1r[:, sl]), 0.0)
        wy = jnp.clip(jnp.minimum(y2i, y2r[:, sl]) - jnp.maximum(y1i, y1r[:, sl]), 0.0)
        inter = wx * wy
        iou = inter / (area_i + area_r[:, sl] - inter + 1e-9)
        al = jax.lax.broadcasted_iota(jnp.int32, (CHUNK, CHUNK), 0)
        bl = jax.lax.broadcasted_iota(jnp.int32, (CHUNK, CHUNK), 1)
        q_ref[sl, sl] = ((iou > NMS_THRESH) & (al < bl)).astype(jnp.bfloat16)
        if c + 1 < N_CHUNKS:
            sr = slice((c + 1) * CHUNK, M_PAD)
            wx = jnp.clip(jnp.minimum(x2i, x2r[:, sr]) - jnp.maximum(x1i, x1r[:, sr]), 0.0)
            wy = jnp.clip(jnp.minimum(y2i, y2r[:, sr]) - jnp.maximum(y1i, y1r[:, sr]), 0.0)
            inter = wx * wy
            iou = inter / (area_i + area_r[:, sr] - inter + 1e-9)
            q_ref[sl, sr] = (iou > NMS_THRESH).astype(jnp.bfloat16)

    valid = (jax.lax.broadcasted_iota(jnp.int32, (1, M_PAD), 1)
             < PRE_NMS_TOPK)
    k0 = valid.astype(jnp.float32)

    def cond(carry):
        return carry[1]

    def body(carry):
        k, _ = carry
        cnt = jnp.dot(k.astype(jnp.bfloat16), q_ref[...],
                      preferred_element_type=jnp.float32)
        k_new = jnp.where((cnt == 0.0) & valid, 1.0, 0.0)
        return k_new, jnp.any(k_new != k)

    k, _ = jax.lax.while_loop(cond, body, (k0, jnp.bool_(True)))

    u128 = (jax.lax.broadcasted_iota(jnp.int32, (CHUNK, CHUNK), 0)
            < jax.lax.broadcasted_iota(jnp.int32, (CHUNK, CHUNK), 1)
            ).astype(jnp.float32)
    rr = jax.lax.broadcasted_iota(jnp.int32, (POST_NMS_TOPK, CHUNK), 0)
    acc = jnp.zeros((POST_NMS_TOPK, 4), jnp.float32)
    base = jnp.float32(0.0)
    for c in range(N_CHUNKS):
        kc = k[:, c * CHUNK:(c + 1) * CHUNK]
        slot = base + jnp.dot(kc, u128, preferred_element_type=jnp.float32)
        base = base + jnp.sum(kc)
        pt = ((slot.astype(jnp.int32) == rr) & (kc == 1.0)).astype(jnp.float32)
        bc = bx_ref[c * CHUNK:(c + 1) * CHUNK, :]
        acc += jnp.dot(pt, bc, preferred_element_type=jnp.float32)
    out_ref[...] = acc


def _nms_compact(ad):
    return pl.pallas_call(
        _nms_body,
        out_shape=jax.ShapeDtypeStruct((POST_NMS_TOPK, 4), jnp.float32),
        scratch_shapes=[pltpu.VMEM((M_PAD, M_PAD), jnp.bfloat16),
                        pltpu.VMEM((M_PAD, 4), jnp.float32)],
    )(ad, ad.T)


def kernel(features, conv_w, conv_b, obj_w, obj_b, delta_w, delta_b, anchors):
    scores, deltas = _conv_head(
        features, conv_w, conv_b, obj_w, obj_b, delta_w, delta_b)
    top_scores, top_idx = jax.lax.top_k(scores, PRE_NMS_TOPK)
    ad_table = jnp.concatenate(
        [anchors, deltas, jnp.zeros((N_ANCHORS, ADC - 8), jnp.float32)],
        axis=1)
    idx_pad = jnp.concatenate(
        [top_idx.astype(jnp.int32),
         jnp.zeros((M_PAD - PRE_NMS_TOPK,), jnp.int32)])
    ad = _sc_gather(ad_table, idx_pad)[:, :16]
    return _nms_compact(ad)

# --- scband reference (transcript-rebuilt; emitter-appended) ---
"""Pipeline reference for scband-rpn-47639777247769 (READ-ONLY COPY).

The authoritative reference and input builder live on the scoring server;
editing this copy changes nothing except your own understanding.
"""

import jax, jax.numpy as jnp
import numpy as np

H, W, A = 100, 152, 3
N_ANCHORS = H * W * A
PRE_NMS_TOPK = 2000
POST_NMS_TOPK = 1000
NMS_THRESH = 0.7
IMG_H, IMG_W = 800.0, 1216.0


def conv2d(x, w, b, padding):
    y = jax.lax.conv_general_dilated(x, w, (1, 1), padding, dimension_numbers=('NCHW', 'OIHW', 'NCHW'))
    return y + b[None, :, None, None]


def delta_to_pos(anchors, deltas):
    w = anchors[:, 2] - anchors[:, 0]
    h = anchors[:, 3] - anchors[:, 1]
    cx = anchors[:, 0] + 0.5 * w
    cy = anchors[:, 1] + 0.5 * h
    dx, dy = deltas[:, 0], deltas[:, 1]
    dw = jnp.clip(deltas[:, 2], -4.0, 4.0)
    dh = jnp.clip(deltas[:, 3], -4.0, 4.0)
    pcx = dx * w + cx
    pcy = dy * h + cy
    pw = jnp.exp(dw) * w
    ph = jnp.exp(dh) * h
    return jnp.stack([pcx - 0.5 * pw, pcy - 0.5 * ph, pcx + 0.5 * pw, pcy + 0.5 * ph], axis=-1)


def pairwise_iou(b):
    area = (b[:, 2] - b[:, 0]) * (b[:, 3] - b[:, 1])
    lt = jnp.maximum(b[:, None, :2], b[None, :, :2])
    rb = jnp.minimum(b[:, None, 2:], b[None, :, 2:])
    wh = jnp.clip(rb - lt, 0.0)
    inter = wh[..., 0] * wh[..., 1]
    return inter / (area[:, None] + area[None, :] - inter + 1e-9)


def nms_keep(boxes, thresh):
    M = boxes.shape[0]
    iou = pairwise_iou(boxes)
    idx = jnp.arange(M)

    def body(i, keep):
        sup = (iou[i] > thresh) & (idx > i) & keep[i]
        return keep & (~sup)

    return jax.lax.fori_loop(0, M, body, jnp.ones((M,), dtype=bool))


def rpn_head(features, conv_w, conv_b, obj_w, obj_b, delta_w, delta_b, anchors):
    x = jax.nn.relu(conv2d(features, conv_w, conv_b, 'SAME'))
    s = conv2d(x, obj_w, obj_b, 'VALID')
    d = conv2d(x, delta_w, delta_b, 'VALID')
    bs = s.shape[0]
    scores = jnp.transpose(s, (0, 2, 3, 1)).reshape(bs, H * W * A)[0]
    deltas = jnp.transpose(d.reshape(bs, A, 4, H, W), (0, 3, 4, 1, 2)).reshape(bs, H * W * A, 4)[0]
    top_scores, top_idx = jax.lax.top_k(scores, PRE_NMS_TOPK)
    props = delta_to_pos(anchors[top_idx], deltas[top_idx])
    props = jnp.stack([
        jnp.clip(props[:, 0], 0.0, IMG_W),
        jnp.clip(props[:, 1], 0.0, IMG_H),
        jnp.clip(props[:, 2], 0.0, IMG_W),
        jnp.clip(props[:, 3], 0.0, IMG_H),
    ], axis=-1)
    return props, top_scores


def setup_inputs(seed: int = 0) -> dict:
    key = jax.random.key(seed)
    ks = jax.random.split(key, 4)
    features = jax.random.normal(ks[0], (1, 256, H, W), dtype=jnp.float32)
    conv_w = jax.random.normal(ks[1], (256, 256, 3, 3), dtype=jnp.float32) * 0.02
    conv_b = jnp.zeros((256,), jnp.float32)
    obj_w = jax.random.normal(ks[2], (A, 256, 1, 1), dtype=jnp.float32) * 0.01
    obj_b = jnp.zeros((A,), jnp.float32)
    delta_w = jax.random.normal(ks[3], (4 * A, 256, 1, 1), dtype=jnp.float32) * 0.01
    delta_b = jnp.zeros((4 * A,), jnp.float32)
    ratios = np.array([0.5, 1.0, 2.0])
    base, stride = 64.0, 8.0
    h_a = base * np.sqrt(ratios)
    w_a = base / np.sqrt(ratios)
    sx = (np.arange(W) + 0.5) * stride
    sy = (np.arange(H) + 0.5) * stride
    cy, cx = np.meshgrid(sy, sx, indexing='ij')
    anchors = np.stack([
        cx[..., None] - w_a / 2.0,
        cy[..., None] - h_a / 2.0,
        cx[..., None] + w_a / 2.0,
        cy[..., None] + h_a / 2.0,
    ], axis=-1).reshape(-1, 4).astype(np.float32)
    return dict(features=features, conv_w=conv_w, conv_b=conv_b, obj_w=obj_w, obj_b=obj_b, delta_w=delta_w, delta_b=delta_b, anchors=jnp.asarray(anchors))


def reference(features, conv_w, conv_b, obj_w, obj_b, delta_w, delta_b, anchors):
    props, top_scores = rpn_head(features, conv_w, conv_b, obj_w, obj_b, delta_w, delta_b, anchors)
    keep = nms_keep(props, NMS_THRESH)
    kidx = jnp.nonzero(keep, size=POST_NMS_TOPK, fill_value=0)[0]
    valid = (jnp.arange(POST_NMS_TOPK) < jnp.sum(keep)).astype(props.dtype)
    return props[kidx] * valid[:, None]

if __name__ == "__main__":
    import jax
    _d = setup_inputs()
    print(jax.jit(kernel)(*tuple(_d.values())))

</pallas_src>

<mosaic_0001>
#map = affine_map<(d0, d1) -> (0, 0)>
#map1 = affine_map<(d0, d1) -> (0)>
module attributes {stable_mosaic.version = 14 : i64} {
  func.func @gather(%arg0: i32, %arg1: i32, %arg2: memref<45600x128xf32, #tpu.memory_space<hbm>>, %arg3: memref<2048xi32, #tpu.memory_space<hbm>>, %arg4: memref<2048x128xf32, #tpu.memory_space<hbm>>, %arg5: memref<64xi32, #tpu.memory_space<vmem>>, %arg6: memref<64x128xf32, #tpu.memory_space<vmem>>, %arg7: memref<!tpu.dma_semaphore, #tpu.memory_space<semaphore_mem>>) attributes {dimension_semantics = [#tpu.dimension_semantics<core_parallel>, #tpu.dimension_semantics<subcore_parallel>], iteration_bounds = array<i64: 2, 16>, scalar_prefetch = 0 : i64, scratch_operands = 3 : i64, tpu.core_type = #tpu.core_type<sc_vector_subcore>, window_params = [{transform_indices = #map}, {transform_indices = #map1}, {transform_indices = #map}]} {
    %mul3A = arith.constant 2 : i32
    %mul3A_0 = arith.muli %arg1, %mul3A : i32
    %add3A = arith.addi %mul3A_0, %arg0 : i32
    %mul3A_1 = arith.constant 64 : i32
    %mul3A_2 = arith.muli %add3A, %mul3A_1 : i32
    "tpu.region"() ({
      %run_scoped3A = tpu.sem_alloc : memref<!tpu.dma_semaphore, #tpu.memory_space<semaphore_mem>>
      %dma_start3A_7 = tpu.memref_slice %arg3[%mul3A_2] : memref<2048xi32, #tpu.memory_space<hbm>> -> memref<64xi32, #tpu.memory_space<hbm>>
      %dma_start3A_8 = tpu.memref_slice %arg3[%mul3A_2] : memref<2048xi32, #tpu.memory_space<hbm>> -> memref<64xi32, #tpu.memory_space<hbm>>
      tpu.enqueue_dma source(%dma_start3A_8 : memref<64xi32, #tpu.memory_space<hbm>>) target(%arg5 : memref<64xi32, #tpu.memory_space<vmem>>) target_semaphore(%run_scoped3A : memref<!tpu.dma_semaphore, #tpu.memory_space<semaphore_mem>>)
      %dma_wait3A_9 = tpu.memref_slice %arg3[%mul3A_2] : memref<2048xi32, #tpu.memory_space<hbm>> -> memref<64xi32, #tpu.memory_space<hbm>>
      %dma_wait3A_10 = tpu.memref_slice %arg3[%mul3A_2] : memref<2048xi32, #tpu.memory_space<hbm>> -> memref<64xi32, #tpu.memory_space<hbm>>
      tpu.wait_dma2 semaphore(%run_scoped3A : memref<!tpu.dma_semaphore, #tpu.memory_space<semaphore_mem>>) src(%dma_wait3A_10 : memref<64xi32, #tpu.memory_space<hbm>>) dst(%arg5 : memref<64xi32, #tpu.memory_space<vmem>>)
      tpu.yield
    }) : () -> ()
    %dma_start3A = arith.constant 0 : i32
    %dma_start3A_3 = arith.constant 0 : i32
    %dma_start3A_4 = tpu.memref_slice %arg2[%dma_start3A, %dma_start3A_3] : memref<45600x128xf32, #tpu.memory_space<hbm>> -> memref<45600x128xf32, #tpu.memory_space<hbm>>
    tpu.enqueue_indirect_dma source(%dma_start3A_4 : memref<45600x128xf32, #tpu.memory_space<hbm>>) target(%arg6 : memref<64x128xf32, #tpu.memory_space<vmem>>) offsets(%arg5 : memref<64xi32, #tpu.memory_space<vmem>>) semaphore(%arg7 : memref<!tpu.dma_semaphore, #tpu.memory_space<semaphore_mem>>)
    %dma_wait3A = arith.constant 0 : i32
    %dma_wait3A_5 = arith.constant 0 : i32
    %dma_wait3A_6 = tpu.memref_slice %arg2[%dma_wait3A, %dma_wait3A_5] : memref<45600x128xf32, #tpu.memory_space<hbm>> -> memref<45600x128xf32, #tpu.memory_space<hbm>>
    tpu.wait_indirect_dma semaphore(%arg7 : memref<!tpu.dma_semaphore, #tpu.memory_space<semaphore_mem>>) src(%dma_wait3A_6 : memref<45600x128xf32, #tpu.memory_space<hbm>>) dst(%arg6 : memref<64x128xf32, #tpu.memory_space<vmem>>)
    "tpu.region"() ({
      %run_scoped3A = tpu.sem_alloc : memref<!tpu.dma_semaphore, #tpu.memory_space<semaphore_mem>>
      %dma_start3A_7 = arith.constant 0 : i32
      %dma_start3A_8 = tpu.memref_slice %arg4[%mul3A_2, %dma_start3A_7] : memref<2048x128xf32, #tpu.memory_space<hbm>> -> memref<64x128xf32, #tpu.memory_space<hbm>>
      %dma_start3A_9 = arith.constant 0 : i32
      %dma_start3A_10 = tpu.memref_slice %arg4[%mul3A_2, %dma_start3A_9] : memref<2048x128xf32, #tpu.memory_space<hbm>> -> memref<64x128xf32, #tpu.memory_space<hbm>>
      tpu.enqueue_dma source(%arg6 : memref<64x128xf32, #tpu.memory_space<vmem>>) target(%dma_start3A_10 : memref<64x128xf32, #tpu.memory_space<hbm>>) target_semaphore(%run_scoped3A : memref<!tpu.dma_semaphore, #tpu.memory_space<semaphore_mem>>)
      %dma_wait3A_11 = arith.constant 0 : i32
      %dma_wait3A_12 = tpu.memref_slice %arg4[%mul3A_2, %dma_wait3A_11] : memref<2048x128xf32, #tpu.memory_space<hbm>> -> memref<64x128xf32, #tpu.memory_space<hbm>>
      %dma_wait3A_13 = arith.constant 0 : i32
      %dma_wait3A_14 = tpu.memref_slice %arg4[%mul3A_2, %dma_wait3A_13] : memref<2048x128xf32, #tpu.memory_space<hbm>> -> memref<64x128xf32, #tpu.memory_space<hbm>>
      tpu.wait_dma2 semaphore(%run_scoped3A : memref<!tpu.dma_semaphore, #tpu.memory_space<semaphore_mem>>) src(%arg6 : memref<64x128xf32, #tpu.memory_space<vmem>>) dst(%dma_wait3A_14 : memref<64x128xf32, #tpu.memory_space<hbm>>)
      tpu.yield
    }) : () -> ()
    return
  }
}

module attributes {stable_mosaic.version = 14 : i64} {
  func.func @_conv_body(%arg0: i32, %arg1: memref<16384x256xf32, #tpu.memory_space<vmem>>, %arg2: memref<9x256x256xf32, #tpu.memory_space<vmem>>, %arg3: memref<256x15xf32, #tpu.memory_space<vmem>>, %arg4: memref<1x256xf32, #tpu.memory_space<vmem>>, %arg5: memref<1x15xf32, #tpu.memory_space<vmem>>, %arg6: memref<512x15xf32, #tpu.memory_space<vmem>>) attributes {dimension_semantics = [#tpu.dimension_semantics<arbitrary>], iteration_bounds = array<i64: 31>, scalar_prefetch = 0 : i64, scratch_operands = 0 : i64, tpu.core_type = #tpu.core_type<tc>, window_params = [{pipeline_mode = #tpu.pipeline_mode<synchronous>, transform_indices = @transform_0, window_bounds = array<i64: 16384, 256>}, {pipeline_mode = #tpu.pipeline_mode<synchronous>, transform_indices = @transform_1, window_bounds = array<i64: 9, 256, 256>}, {pipeline_mode = #tpu.pipeline_mode<synchronous>, transform_indices = @transform_2, window_bounds = array<i64: 256, 15>}, {pipeline_mode = #tpu.pipeline_mode<synchronous>, transform_indices = @transform_3, window_bounds = array<i64: 1, 256>}, {pipeline_mode = #tpu.pipeline_mode<synchronous>, transform_indices = @transform_4, window_bounds = array<i64: 1, 15>}, {transform_indices = @transform_5, window_bounds = array<i64: 512, 15>}]} {
    %mul3A = arith.constant 512 : i32
    %mul3A_0 = arith.muli %arg0, %mul3A : i32
    %get3A = arith.index_cast %mul3A_0 : i32 to index
    %get3A_1 = arith.constant 0 : index
    %get3A_2 = vector.load %arg1[%get3A, %get3A_1] : memref<16384x256xf32, #tpu.memory_space<vmem>>, vector<1024x256xf32>
    %broadcast_in_dim3A = arith.constant 0.000000e+00 : f32
    %broadcast_in_dim3A_3 = vector.broadcast %broadcast_in_dim3A : f32 to vector<512x256xf32>
    %slice3A = vector.extract_strided_slice %get3A_2 {offsets = [0, 0], sizes = [512, 256], strides = [1, 1]} : vector<1024x256xf32> to vector<512x256xf32>
    %get3A_4 = arith.constant 0 : index
    %get3A_5 = arith.constant 0 : index
    %get3A_6 = arith.constant 0 : index
    %get3A_7 = vector.load %arg2[%get3A_4, %get3A_5, %get3A_6] : memref<9x256x256xf32, #tpu.memory_space<vmem>>, vector<1x256x256xf32>
    %get3A_8 = vector.shape_cast %get3A_7 : vector<1x256x256xf32> to vector<256x256xf32>
    %dot_general3A = arith.constant dense<0.000000e+00> : vector<512x256xf32>
    %dot_general3A_9 = tpu.matmul %slice3A, %get3A_8, %dot_general3A {dimension_numbers = #tpu.dot_dimension_numbers<[1], [0], [0], [1], [0, 0, 1, 1], [], []>, transpose_lhs_hint = false} : vector<512x256xf32>, vector<256x256xf32>, vector<512x256xf32> -> vector<512x256xf32>
    %add3A = arith.addf %broadcast_in_dim3A_3, %dot_general3A_9 : vector<512x256xf32>
    %slice3A_10 = vector.extract_strided_slice %get3A_2 {offsets = [1, 0], sizes = [512, 256], strides = [1, 1]} : vector<1024x256xf32> to vector<512x256xf32>
    %get3A_11 = arith.constant 1 : index
    %get3A_12 = arith.constant 0 : index
    %get3A_13 = arith.constant 0 : index
    %get3A_14 = vector.load %arg2[%get3A_11, %get3A_12, %get3A_13] : memref<9x256x256xf32, #tpu.memory_space<vmem>>, vector<1x256x256xf32>
    %get3A_15 = vector.shape_cast %get3A_14 : vector<1x256x256xf32> to vector<256x256xf32>
    %dot_general3A_16 = arith.constant dense<0.000000e+00> : vector<512x256xf32>
    %dot_general3A_17 = tpu.matmul %slice3A_10, %get3A_15, %dot_general3A_16 {dimension_numbers = #tpu.dot_dimension_numbers<[1], [0], [0], [1], [0, 0, 1, 1], [], []>, transpose_lhs_hint = false} : vector<512x256xf32>, vector<256x256xf32>, vector<512x256xf32> -> vector<512x256xf32>
    %add3A_18 = arith.addf %add3A, %dot_general3A_17 : vector<512x256xf32>
    %slice3A_19 = vector.extract_strided_slice %get3A_2 {offsets = [2, 0], sizes = [512, 256], strides = [1, 1]} : vector<1024x256xf32> to vector<512x256xf32>
    %get3A_20 = arith.constant 2 : index
    %get3A_21 = arith.constant 0 : index
    %get3A_22 = arith.constant 0 : index
    %get3A_23 = vector.load %arg2[%get3A_20, %get3A_21, %get3A_22] : memref<9x256x256xf32, #tpu.memory_space<vmem>>, vector<1x256x256xf32>
    %get3A_24 = vector.shape_cast %get3A_23 : vector<1x256x256xf32> to vector<256x256xf32>
    %dot_general3A_25 = arith.constant dense<0.000000e+00> : vector<512x256xf32>
    %dot_general3A_26 = tpu.matmul %slice3A_19, %get3A_24, %dot_general3A_25 {dimension_numbers = #tpu.dot_dimension_numbers<[1], [0], [0], [1], [0, 0, 1, 1], [], []>, transpose_lhs_hint = false} : vector<512x256xf32>, vector<256x256xf32>, vector<512x256xf32> -> vector<512x256xf32>
    %add3A_27 = arith.addf %add3A_18, %dot_general3A_26 : vector<512x256xf32>
    %slice3A_28 = vector.extract_strided_slice %get3A_2 {offsets = [154, 0], sizes = [512, 256], strides = [1, 1]} : vector<1024x256xf32> to vector<512x256xf32>
    %get3A_29 = arith.constant 3 : index
    %get3A_30 = arith.constant 0 : index
    %get3A_31 = arith.constant 0 : index
    %get3A_32 = vector.load %arg2[%get3A_29, %get3A_30, %get3A_31] : memref<9x256x256xf32, #tpu.memory_space<vmem>>, vector<1x256x256xf32>
    %get3A_33 = vector.shape_cast %get3A_32 : vector<1x256x256xf32> to vector<256x256xf32>
    %dot_general3A_34 = arith.constant dense<0.000000e+00> : vector<512x256xf32>
    %dot_general3A_35 = tpu.matmul %slice3A_28, %get3A_33, %dot_general3A_34 {dimension_numbers = #tpu.dot_dimension_numbers<[1], [0], [0], [1], [0, 0, 1, 1], [], []>, transpose_lhs_hint = false} : vector<512x256xf32>, vector<256x256xf32>, vector<512x256xf32> -> vector<512x256xf32>
    %add3A_36 = arith.addf %add3A_27, %dot_general3A_35 : vector<512x256xf32>
    %slice3A_37 = vector.extract_strided_slice %get3A_2 {offsets = [155, 0], sizes = [512, 256], strides = [1, 1]} : vector<1024x256xf32> to vector<512x256xf32>
    %get3A_38 = arith.constant 4 : index
    %get3A_39 = arith.constant 0 : index
    %get3A_40 = arith.constant 0 : index
    %get3A_41 = vector.load %arg2[%get3A_38, %get3A_39, %get3A_40] : memref<9x256x256xf32, #tpu.memory_space<vmem>>, vector<1x256x256xf32>
    %get3A_42 = vector.shape_cast %get3A_41 : vector<1x256x256xf32> to vector<256x256xf32>
    %dot_general3A_43 = arith.constant dense<0.000000e+00> : vector<512x256xf32>
    %dot_general3A_44 = tpu.matmul %slice3A_37, %get3A_42, %dot_general3A_43 {dimension_numbers = #tpu.dot_dimension_numbers<[1], [0], [0], [1], [0, 0, 1, 1], [], []>, transpose_lhs_hint = false} : vector<512x256xf32>, vector<256x256xf32>, vector<512x256xf32> -> vector<512x256xf32>
    %add3A_45 = arith.addf %add3A_36, %dot_general3A_44 : vector<512x256xf32>
    %slice3A_46 = vector.extract_strided_slice %get3A_2 {offsets = [156, 0], sizes = [512, 256], strides = [1, 1]} : vector<1024x256xf32> to vector<512x256xf32>
    %get3A_47 = arith.constant 5 : index
    %get3A_48 = arith.constant 0 : index
    %get3A_49 = arith.constant 0 : index
    %get3A_50 = vector.load %arg2[%get3A_47, %get3A_48, %get3A_49] : memref<9x256x256xf32, #tpu.memory_space<vmem>>, vector<1x256x256xf32>
    %get3A_51 = vector.shape_cast %get3A_50 : vector<1x256x256xf32> to vector<256x256xf32>
    %dot_general3A_52 = arith.constant dense<0.000000e+00> : vector<512x256xf32>
    %dot_general3A_53 = tpu.matmul %slice3A_46, %get3A_51, %dot_general3A_52 {dimension_numbers = #tpu.dot_dimension_numbers<[1], [0], [0], [1], [0, 0, 1, 1], [], []>, transpose_lhs_hint = false} : vector<512x256xf32>, vector<256x256xf32>, vector<512x256xf32> -> vector<512x256xf32>
    %add3A_54 = arith.addf %add3A_45, %dot_general3A_53 : vector<512x256xf32>
    %slice3A_55 = vector.extract_strided_slice %get3A_2 {offsets = [308, 0], sizes = [512, 256], strides = [1, 1]} : vector<1024x256xf32> to vector<512x256xf32>
    %get3A_56 = arith.constant 6 : index
    %get3A_57 = arith.constant 0 : index
    %get3A_58 = arith.constant 0 : index
    %get3A_59 = vector.load %arg2[%get3A_56, %get3A_57, %get3A_58] : memref<9x256x256xf32, #tpu.memory_space<vmem>>, vector<1x256x256xf32>
    %get3A_60 = vector.shape_cast %get3A_59 : vector<1x256x256xf32> to vector<256x256xf32>
    %dot_general3A_61 = arith.constant dense<0.000000e+00> : vector<512x256xf32>
    %dot_general3A_62 = tpu.matmul %slice3A_55, %get3A_60, %dot_general3A_61 {dimension_numbers = #tpu.dot_dimension_numbers<[1], [0], [0], [1], [0, 0, 1, 1], [], []>, transpose_lhs_hint = false} : vector<512x256xf32>, vector<256x256xf32>, vector<512x256xf32> -> vector<512x256xf32>
    %add3A_63 = arith.addf %add3A_54, %dot_general3A_62 : vector<512x256xf32>
    %slice3A_64 = vector.extract_strided_slice %get3A_2 {offsets = [309, 0], sizes = [512, 256], strides = [1, 1]} : vector<1024x256xf32> to vector<512x256xf32>
    %get3A_65 = arith.constant 7 : index
    %get3A_66 = arith.constant 0 : index
    %get3A_67 = arith.constant 0 : index
    %get3A_68 = vector.load %arg2[%get3A_65, %get3A_66, %get3A_67] : memref<9x256x256xf32, #tpu.memory_space<vmem>>, vector<1x256x256xf32>
    %get3A_69 = vector.shape_cast %get3A_68 : vector<1x256x256xf32> to vector<256x256xf32>
    %dot_general3A_70 = arith.constant dense<0.000000e+00> : vector<512x256xf32>
    %dot_general3A_71 = tpu.matmul %slice3A_64, %get3A_69, %dot_general3A_70 {dimension_numbers = #tpu.dot_dimension_numbers<[1], [0], [0], [1], [0, 0, 1, 1], [], []>, transpose_lhs_hint = false} : vector<512x256xf32>, vector<256x256xf32>, vector<512x256xf32> -> vector<512x256xf32>
    %add3A_72 = arith.addf %add3A_63, %dot_general3A_71 : vector<512x256xf32>
    %slice3A_73 = vector.extract_strided_slice %get3A_2 {offsets = [310, 0], sizes = [512, 256], strides = [1, 1]} : vector<1024x256xf32> to vector<512x256xf32>
    %get3A_74 = arith.constant 8 : index
    %get3A_75 = arith.constant 0 : index
    %get3A_76 = arith.constant 0 : index
    %get3A_77 = vector.load %arg2[%get3A_74, %get3A_75, %get3A_76] : memref<9x256x256xf32, #tpu.memory_space<vmem>>, vector<1x256x256xf32>
    %get3A_78 = vector.shape_cast %get3A_77 : vector<1x256x256xf32> to vector<256x256xf32>
    %dot_general3A_79 = arith.constant dense<0.000000e+00> : vector<512x256xf32>
    %dot_general3A_80 = tpu.matmul %slice3A_73, %get3A_78, %dot_general3A_79 {dimension_numbers = #tpu.dot_dimension_numbers<[1], [0], [0], [1], [0, 0, 1, 1], [], []>, transpose_lhs_hint = false} : vector<512x256xf32>, vector<256x256xf32>, vector<512x256xf32> -> vector<512x256xf32>
    %add3A_81 = arith.addf %add3A_72, %dot_general3A_80 : vector<512x256xf32>
    %get3A_82 = arith.constant 0 : index
    %get3A_83 = arith.constant 0 : index
    %get3A_84 = vector.load %arg4[%get3A_82, %get3A_83] : memref<1x256xf32, #tpu.memory_space<vmem>>, vector<1x256xf32>
    %add3A_85 = vector.broadcast %get3A_84 : vector<1x256xf32> to vector<512x256xf32>
    %add3A_86 = arith.addf %add3A_81, %add3A_85 : vector<512x256xf32>
    %max3A = arith.constant 0.000000e+00 : f32
    %max3A_87 = vector.broadcast %max3A : f32 to vector<512x256xf32>
    %max3A_88 = arith.maximumf %add3A_86, %max3A_87 : vector<512x256xf32>
    %get3A_89 = arith.constant 0 : index
    %get3A_90 = arith.constant 0 : index
    %get3A_91 = vector.load %arg3[%get3A_89, %get3A_90] : memref<256x15xf32, #tpu.memory_space<vmem>>, vector<256x15xf32>
    %dot_general3A_92 = arith.constant dense<0.000000e+00> : vector<512x15xf32>
    %dot_general3A_93 = tpu.matmul %max3A_88, %get3A_91, %dot_general3A_92 {dimension_numbers = #tpu.dot_dimension_numbers<[1], [0], [0], [1], [0, 0, 1, 1], [], []>, transpose_lhs_hint = false} : vector<512x256xf32>, vector<256x15xf32>, vector<512x15xf32> -> vector<512x15xf32>
    %get3A_94 = arith.constant 0 : index
    %get3A_95 = arith.constant 0 : index
    %get3A_96 = vector.load %arg5[%get3A_94, %get3A_95] : memref<1x15xf32, #tpu.memory_space<vmem>>, vector<1x15xf32>
    %add3A_97 = vector.broadcast %get3A_96 : vector<1x15xf32> to vector<512x15xf32>
    %add3A_98 = arith.addf %dot_general3A_93, %add3A_97 : vector<512x15xf32>
    %swap3A = arith.constant 0 : index
    %swap3A_99 = arith.constant 0 : index
    %swap3A_100 = vector.load %arg6[%swap3A, %swap3A_99] : memref<512x15xf32, #tpu.memory_space<vmem>>, vector<512x15xf32>
    tpu.vector_store %arg6[%swap3A, %swap3A_99], %add3A_98 {strides = array<i32>} : memref<512x15xf32, #tpu.memory_space<vmem>>, vector<512x15xf32>,
    return
  }
  func.func @transform_0(%arg0: i32) -> (i32, i32) {
    %c0_i32 = arith.constant 0 : i32
    %c0_i32_0 = arith.constant 0 : i32
    %c0_i32_1 = arith.constant 0 : i32
    return %c0_i32, %c0_i32_0 : i32, i32
  }
  func.func @transform_1(%arg0: i32) -> (i32, i32, i32) {
    %c0_i32 = arith.constant 0 : i32
    %c0_i32_0 = arith.constant 0 : i32
    %c0_i32_1 = arith.constant 0 : i32
    %c0_i32_2 = arith.constant 0 : i32
    return %c0_i32, %c0_i32_0, %c0_i32_1 : i32, i32, i32
  }
  func.func @transform_2(%arg0: i32) -> (i32, i32) {
    %c0_i32 = arith.constant 0 : i32
    %c0_i32_0 = arith.constant 0 : i32
    %c0_i32_1 = arith.constant 0 : i32
    return %c0_i32, %c0_i32_0 : i32, i32
  }
  func.func @transform_3(%arg0: i32) -> (i32, i32) {
    %c0_i32 = arith.constant 0 : i32
    %c0_i32_0 = arith.constant 0 : i32
    %c0_i32_1 = arith.constant 0 : i32
    return %c0_i32, %c0_i32_0 : i32, i32
  }
  func.func @transform_4(%arg0: i32) -> (i32, i32) {
    %c0_i32 = arith.constant 0 : i32
    %c0_i32_0 = arith.constant 0 : i32
    %c0_i32_1 = arith.constant 0 : i32
    return %c0_i32, %c0_i32_0 : i32, i32
  }
  func.func @transform_5(%arg0: i32) -> (i32, i32) {
    %c0_i32 = arith.constant 0 : i32
    %c0_i32_0 = arith.constant 0 : i32
    return %arg0, %c0_i32 : i32, i32
  }
}

module attributes {stable_mosaic.version = 14 : i64} {
  func.func @_nms_body(%arg0: memref<2048x16xf32, #tpu.memory_space<vmem>>, %arg1: memref<16x2048xf32, #tpu.memory_space<vmem>>, %arg2: memref<1000x4xf32, #tpu.memory_space<vmem>>, %arg3: memref<2048x2048xbf16, #tpu.memory_space<vmem>>, %arg4: memref<2048x4xf32, #tpu.memory_space<vmem>>) attributes {dimension_semantics = [], scalar_prefetch = 0 : i64, scratch_operands = 2 : i64, tpu.core_type = #tpu.core_type<tc>} {
    %get3A = arith.constant 0 : index
    %get3A_0 = arith.constant 0 : index
    %get3A_1 = vector.load %arg1[%get3A, %get3A_0] : memref<16x2048xf32, #tpu.memory_space<vmem>>, vector<1x2048xf32>
    %get3A_2 = arith.constant 1 : index
    %get3A_3 = arith.constant 0 : index
    %get3A_4 = vector.load %arg1[%get3A_2, %get3A_3] : memref<16x2048xf32, #tpu.memory_space<vmem>>, vector<1x2048xf32>
    %get3A_5 = arith.constant 2 : index
    %get3A_6 = arith.constant 0 : index
    %get3A_7 = vector.load %arg1[%get3A_5, %get3A_6] : memref<16x2048xf32, #tpu.memory_space<vmem>>, vector<1x2048xf32>
    %get3A_8 = arith.constant 3 : index
    %get3A_9 = arith.constant 0 : index
    %get3A_10 = vector.load %arg1[%get3A_8, %get3A_9] : memref<16x2048xf32, #tpu.memory_space<vmem>>, vector<1x2048xf32>
    %get3A_11 = arith.constant 4 : index
    %get3A_12 = arith.constant 0 : index
    %get3A_13 = vector.load %arg1[%get3A_11, %get3A_12] : memref<16x2048xf32, #tpu.memory_space<vmem>>, vector<1x2048xf32>
    %get3A_14 = arith.constant 5 : index
    %get3A_15 = arith.constant 0 : index
    %get3A_16 = vector.load %arg1[%get3A_14, %get3A_15] : memref<16x2048xf32, #tpu.memory_space<vmem>>, vector<1x2048xf32>
    %get3A_17 = arith.constant 6 : index
    %get3A_18 = arith.constant 0 : index
    %get3A_19 = vector.load %arg1[%get3A_17, %get3A_18] : memref<16x2048xf32, #tpu.memory_space<vmem>>, vector<1x2048xf32>
    %get3A_20 = arith.constant 7 : index
    %get3A_21 = arith.constant 0 : index
    %get3A_22 = vector.load %arg1[%get3A_20, %get3A_21] : memref<16x2048xf32, #tpu.memory_space<vmem>>, vector<1x2048xf32>
    %sub3A = arith.subf %get3A_7, %get3A_1 : vector<1x2048xf32>
    %sub3A_23 = arith.subf %get3A_10, %get3A_4 : vector<1x2048xf32>
    %mul3A = arith.constant 5.000000e-01 : f32
    %mul3A_24 = vector.broadcast %mul3A : f32 to vector<1x2048xf32>
    %mul3A_25 = arith.mulf %mul3A_24, %sub3A : vector<1x2048xf32>
    %add3A = arith.addf %get3A_1, %mul3A_25 : vector<1x2048xf32>
    %mul3A_26 = arith.constant 5.000000e-01 : f32
    %mul3A_27 = vector.broadcast %mul3A_26 : f32 to vector<1x2048xf32>
    %mul3A_28 = arith.mulf %mul3A_27, %sub3A_23 : vector<1x2048xf32>
    %add3A_29 = arith.addf %get3A_4, %mul3A_28 : vector<1x2048xf32>
    %jit3A = arith.constant -4.000000e+00 : f32
    %jit3A_30 = arith.constant 4.000000e+00 : f32
    %max3A = vector.broadcast %jit3A : f32 to vector<1x2048xf32>
    %max3A_31 = arith.maximumf %max3A, %get3A_19 : vector<1x2048xf32>
    %min3A = vector.broadcast %jit3A_30 : f32 to vector<1x2048xf32>
    %min3A_32 = arith.minimumf %min3A, %max3A_31 : vector<1x2048xf32>
    %jit3A_33 = arith.constant -4.000000e+00 : f32
    %jit3A_34 = arith.constant 4.000000e+00 : f32
    %max3A_35 = vector.broadcast %jit3A_33 : f32 to vector<1x2048xf32>
    %max3A_36 = arith.maximumf %max3A_35, %get3A_22 : vector<1x2048xf32>
    %min3A_37 = vector.broadcast %jit3A_34 : f32 to vector<1x2048xf32>
    %min3A_38 = arith.minimumf %min3A_37, %max3A_36 : vector<1x2048xf32>
    %mul3A_39 = arith.mulf %get3A_13, %sub3A : vector<1x2048xf32>
    %add3A_40 = arith.addf %mul3A_39, %add3A : vector<1x2048xf32>
    %mul3A_41 = arith.mulf %get3A_16, %sub3A_23 : vector<1x2048xf32>
    %add3A_42 = arith.addf %mul3A_41, %add3A_29 : vector<1x2048xf32>
    %exp3A = math.exp %min3A_32 : vector<1x2048xf32>
    %mul3A_43 = arith.mulf %exp3A, %sub3A : vector<1x2048xf32>
    %exp3A_44 = math.exp %min3A_38 : vector<1x2048xf32>
    %mul3A_45 = arith.mulf %exp3A_44, %sub3A_23 : vector<1x2048xf32>
    %mul3A_46 = arith.constant 5.000000e-01 : f32
    %mul3A_47 = vector.broadcast %mul3A_46 : f32 to vector<1x2048xf32>
    %mul3A_48 = arith.mulf %mul3A_47, %mul3A_43 : vector<1x2048xf32>
    %sub3A_49 = arith.subf %add3A_40, %mul3A_48 : vector<1x2048xf32>
    %jit3A_50 = arith.constant 0.000000e+00 : f32
    %jit3A_51 = arith.constant 1.216000e+03 : f32
    %max3A_52 = vector.broadcast %jit3A_50 : f32 to vector<1x2048xf32>
    %max3A_53 = arith.maximumf %max3A_52, %sub3A_49 : vector<1x2048xf32>
    %min3A_54 = vector.broadcast %jit3A_51 : f32 to vector<1x2048xf32>
    %min3A_55 = arith.minimumf %min3A_54, %max3A_53 : vector<1x2048xf32>
    %mul3A_56 = arith.constant 5.000000e-01 : f32
    %mul3A_57 = vector.broadcast %mul3A_56 : f32 to vector<1x2048xf32>
    %mul3A_58 = arith.mulf %mul3A_57, %mul3A_45 : vector<1x2048xf32>
    %sub3A_59 = arith.subf %add3A_42, %mul3A_58 : vector<1x2048xf32>
    %jit3A_60 = arith.constant 0.000000e+00 : f32
    %jit3A_61 = arith.constant 8.000000e+02 : f32
    %max3A_62 = vector.broadcast %jit3A_60 : f32 to vector<1x2048xf32>
    %max3A_63 = arith.maximumf %max3A_62, %sub3A_59 : vector<1x2048xf32>
    %min3A_64 = vector.broadcast %jit3A_61 : f32 to vector<1x2048xf32>
    %min3A_65 = arith.minimumf %min3A_64, %max3A_63 : vector<1x2048xf32>
    %mul3A_66 = arith.constant 5.000000e-01 : f32
    %mul3A_67 = vector.broadcast %mul3A_66 : f32 to vector<1x2048xf32>
    %mul3A_68 = arith.mulf %mul3A_67, %mul3A_43 : vector<1x2048xf32>
    %add3A_69 = arith.addf %add3A_40, %mul3A_68 : vector<1x2048xf32>
    %jit3A_70 = arith.constant 0.000000e+00 : f32
    %jit3A_71 = arith.constant 1.216000e+03 : f32
    %max3A_72 = vector.broadcast %jit3A_70 : f32 to vector<1x2048xf32>
    %max3A_73 = arith.maximumf %max3A_72, %add3A_69 : vector<1x2048xf32>
    %min3A_74 = vector.broadcast %jit3A_71 : f32 to vector<1x2048xf32>
    %min3A_75 = arith.minimumf %min3A_74, %max3A_73 : vector<1x2048xf32>
    %mul3A_76 = arith.constant 5.000000e-01 : f32
    %mul3A_77 = vector.broadcast %mul3A_76 : f32 to vector<1x2048xf32>
    %mul3A_78 = arith.mulf %mul3A_77, %mul3A_45 : vector<1x2048xf32>
    %add3A_79 = arith.addf %add3A_42, %mul3A_78 : vector<1x2048xf32>
    %jit3A_80 = arith.constant 0.000000e+00 : f32
    %jit3A_81 = arith.constant 8.000000e+02 : f32
    %max3A_82 = vector.broadcast %jit3A_80 : f32 to vector<1x2048xf32>
    %max3A_83 = arith.maximumf %max3A_82, %add3A_79 : vector<1x2048xf32>
    %min3A_84 = vector.broadcast %jit3A_81 : f32 to vector<1x2048xf32>
    %min3A_85 = arith.minimumf %min3A_84, %max3A_83 : vector<1x2048xf32>
    %sub3A_86 = arith.subf %min3A_75, %min3A_55 : vector<1x2048xf32>
    %sub3A_87 = arith.subf %min3A_85, %min3A_65 : vector<1x2048xf32>
    %mul3A_88 = arith.mulf %sub3A_86, %sub3A_87 : vector<1x2048xf32>
    %get3A_89 = arith.constant 0 : index
    %get3A_90 = arith.constant 0 : index
    %get3A_91 = vector.load %arg0[%get3A_89, %get3A_90] : memref<2048x16xf32, #tpu.memory_space<vmem>>, vector<128x16xf32>
    %slice3A = vector.extract_strided_slice %get3A_91 {offsets = [0, 0], sizes = [128, 1], strides = [1, 1]} : vector<128x16xf32> to vector<128x1xf32>
    %slice3A_92 = vector.extract_strided_slice %get3A_91 {offsets = [0, 1], sizes = [128, 1], strides = [1, 1]} : vector<128x16xf32> to vector<128x1xf32>
    %slice3A_93 = vector.extract_strided_slice %get3A_91 {offsets = [0, 2], sizes = [128, 1], strides = [1, 1]} : vector<128x16xf32> to vector<128x1xf32>
    %slice3A_94 = vector.extract_strided_slice %get3A_91 {offsets = [0, 3], sizes = [128, 1], strides = [1, 1]} : vector<128x16xf32> to vector<128x1xf32>
    %slice3A_95 = vector.extract_strided_slice %get3A_91 {offsets = [0, 4], sizes = [128, 1], strides = [1, 1]} : vector<128x16xf32> to vector<128x1xf32>
    %slice3A_96 = vector.extract_strided_slice %get3A_91 {offsets = [0, 5], sizes = [128, 1], strides = [1, 1]} : vector<128x16xf32> to vector<128x1xf32>
    %slice3A_97 = vector.extract_strided_slice %get3A_91 {offsets = [0, 6], sizes = [128, 1], strides = [1, 1]} : vector<128x16xf32> to vector<128x1xf32>
    %slice3A_98 = vector.extract_strided_slice %get3A_91 {offsets = [0, 7], sizes = [128, 1], strides = [1, 1]} : vector<128x16xf32> to vector<128x1xf32>
    %sub3A_99 = arith.subf %slice3A_93, %slice3A : vector<128x1xf32>
    %sub3A_100 = arith.subf %slice3A_94, %slice3A_92 : vector<128x1xf32>
    %mul3A_101 = arith.constant 5.000000e-01 : f32
    %mul3A_102 = vector.broadcast %mul3A_101 : f32 to vector<128x1xf32>
    %mul3A_103 = arith.mulf %mul3A_102, %sub3A_99 : vector<128x1xf32>
    %add3A_104 = arith.addf %slice3A, %mul3A_103 : vector<128x1xf32>
    %mul3A_105 = arith.constant 5.000000e-01 : f32
    %mul3A_106 = vector.broadcast %mul3A_105 : f32 to vector<128x1xf32>
    %mul3A_107 = arith.mulf %mul3A_106, %sub3A_100 : vector<128x1xf32>
    %add3A_108 = arith.addf %slice3A_92, %mul3A_107 : vector<128x1xf32>
    %jit3A_109 = arith.constant -4.000000e+00 : f32
    %jit3A_110 = arith.constant 4.000000e+00 : f32
    %max3A_111 = vector.broadcast %jit3A_109 : f32 to vector<128x1xf32>
    %max3A_112 = arith.maximumf %max3A_111, %slice3A_97 : vector<128x1xf32>
    %min3A_113 = vector.broadcast %jit3A_110 : f32 to vector<128x1xf32>
    %min3A_114 = arith.minimumf %min3A_113, %max3A_112 : vector<128x1xf32>
    %jit3A_115 = arith.constant -4.000000e+00 : f32
    %jit3A_116 = arith.constant 4.000000e+00 : f32
    %max3A_117 = vector.broadcast %jit3A_115 : f32 to vector<128x1xf32>
    %max3A_118 = arith.maximumf %max3A_117, %slice3A_98 : vector<128x1xf32>
    %min3A_119 = vector.broadcast %jit3A_116 : f32 to vector<128x1xf32>
    %min3A_120 = arith.minimumf %min3A_119, %max3A_118 : vector<128x1xf32>
    %mul3A_121 = arith.mulf %slice3A_95, %sub3A_99 : vector<128x1xf32>
    %add3A_122 = arith.addf %mul3A_121, %add3A_104 : vector<128x1xf32>
    %mul3A_123 = arith.mulf %slice3A_96, %sub3A_100 : vector<128x1xf32>
    %add3A_124 = arith.addf %mul3A_123, %add3A_108 : vector<128x1xf32>
    %exp3A_125 = math.exp %min3A_114 : vector<128x1xf32>
    %mul3A_126 = arith.mulf %exp3A_125, %sub3A_99 : vector<128x1xf32>
    %exp3A_127 = math.exp %min3A_120 : vector<128x1xf32>
    %mul3A_128 = arith.mulf %exp3A_127, %sub3A_100 : vector<128x1xf32>
    %mul3A_129 = arith.constant 5.000000e-01 : f32
    %mul3A_130 = vector.broadcast %mul3A_129 : f32 to vector<128x1xf32>
    %mul3A_131 = arith.mulf %mul3A_130, %mul3A_126 : vector<128x1xf32>
    %sub3A_132 = arith.subf %add3A_122, %mul3A_131 : vector<128x1xf32>
    %jit3A_133 = arith.constant 0.000000e+00 : f32
    %jit3A_134 = arith.constant 1.216000e+03 : f32
    %max3A_135 = vector.broadcast %jit3A_133 : f32 to vector<128x1xf32>
    %max3A_136 = arith.maximumf %max3A_135, %sub3A_132 : vector<128x1xf32>
    %min3A_137 = vector.broadcast %jit3A_134 : f32 to vector<128x1xf32>
    %min3A_138 = arith.minimumf %min3A_137, %max3A_136 : vector<128x1xf32>
    %mul3A_139 = arith.constant 5.000000e-01 : f32
    %mul3A_140 = vector.broadcast %mul3A_139 : f32 to vector<128x1xf32>
    %mul3A_141 = arith.mulf %mul3A_140, %mul3A_128 : vector<128x1xf32>
    %sub3A_142 = arith.subf %add3A_124, %mul3A_141 : vector<128x1xf32>
    %jit3A_143 = arith.constant 0.000000e+00 : f32
    %jit3A_144 = arith.constant 8.000000e+02 : f32
    %max3A_145 = vector.broadcast %jit3A_143 : f32 to vector<128x1xf32>
    %max3A_146 = arith.maximumf %max3A_145, %sub3A_142 : vector<128x1xf32>
    %min3A_147 = vector.broadcast %jit3A_144 : f32 to vector<128x1xf32>
    %min3A_148 = arith.minimumf %min3A_147, %max3A_146 : vector<128x1xf32>
    %mul3A_149 = arith.constant 5.000000e-01 : f32
    %mul3A_150 = vector.broadcast %mul3A_149 : f32 to vector<128x1xf32>
    %mul3A_151 = arith.mulf %mul3A_150, %mul3A_126 : vector<128x1xf32>
    %add3A_152 = arith.addf %add3A_122, %mul3A_151 : vector<128x1xf32>
    %jit3A_153 = arith.constant 0.000000e+00 : f32
    %jit3A_154 = arith.constant 1.216000e+03 : f32
    %max3A_155 = vector.broadcast %jit3A_153 : f32 to vector<128x1xf32>
    %max3A_156 = arith.maximumf %max3A_155, %add3A_152 : vector<128x1xf32>
    %min3A_157 = vector.broadcast %jit3A_154 : f32 to vector<128x1xf32>
    %min3A_158 = arith.minimumf %min3A_157, %max3A_156 : vector<128x1xf32>
    %mul3A_159 = arith.constant 5.000000e-01 : f32
    %mul3A_160 = vector.broadcast %mul3A_159 : f32 to vector<128x1xf32>
    %mul3A_161 = arith.mulf %mul3A_160, %mul3A_128 : vector<128x1xf32>
    %add3A_162 = arith.addf %add3A_124, %mul3A_161 : vector<128x1xf32>
    %jit3A_163 = arith.constant 0.000000e+00 : f32
    %jit3A_164 = arith.constant 8.000000e+02 : f32
    %max3A_165 = vector.broadcast %jit3A_163 : f32 to vector<128x1xf32>
    %max3A_166 = arith.maximumf %max3A_165, %add3A_162 : vector<128x1xf32>
    %min3A_167 = vector.broadcast %jit3A_164 : f32 to vector<128x1xf32>
    %min3A_168 = arith.minimumf %min3A_167, %max3A_166 : vector<128x1xf32>
    %concatenate3A = tpu.concatenate %min3A_138, %min3A_148, %min3A_158, %min3A_168 in 1 : vector<128x1xf32>, vector<128x1xf32>, vector<128x1xf32>, vector<128x1xf32> -> vector<128x4xf32>
    %swap3A = arith.constant 0 : index
    %swap3A_169 = arith.constant 0 : index
    %swap3A_170 = vector.load %arg4[%swap3A, %swap3A_169] : memref<2048x4xf32, #tpu.memory_space<vmem>>, vector<128x4xf32>
    tpu.vector_store %arg4[%swap3A, %swap3A_169], %concatenate3A {strides = array<i32>} : memref<2048x4xf32, #tpu.memory_space<vmem>>, vector<128x4xf32>,
    %sub3A_171 = arith.subf %min3A_158, %min3A_138 : vector<128x1xf32>
    %sub3A_172 = arith.subf %min3A_168, %min3A_148 : vector<128x1xf32>
    %mul3A_173 = arith.mulf %sub3A_171, %sub3A_172 : vector<128x1xf32>
    %slice3A_174 = vector.extract_strided_slice %min3A_75 {offsets = [0, 0], sizes = [1, 128], strides = [1, 1]} : vector<1x2048xf32> to vector<1x128xf32>
    %min3A_175 = vector.broadcast %min3A_158 : vector<128x1xf32> to vector<128x128xf32>
    %min3A_176 = vector.broadcast %slice3A_174 : vector<1x128xf32> to vector<128x128xf32>
    %min3A_177 = arith.minimumf %min3A_175, %min3A_176 : vector<128x128xf32>
    %slice3A_178 = vector.extract_strided_slice %min3A_55 {offsets = [0, 0], sizes = [1, 128], strides = [1, 1]} : vector<1x2048xf32> to vector<1x128xf32>
    %max3A_179 = vector.broadcast %min3A_138 : vector<128x1xf32> to vector<128x128xf32>
    %max3A_180 = vector.broadcast %slice3A_178 : vector<1x128xf32> to vector<128x128xf32>
    %max3A_181 = arith.maximumf %max3A_179, %max3A_180 : vector<128x128xf32>
    %sub3A_182 = arith.subf %min3A_177, %max3A_181 : vector<128x128xf32>
    %jit3A_183 = arith.constant 0.000000e+00 : f32
    %max3A_184 = vector.broadcast %jit3A_183 : f32 to vector<128x128xf32>
    %max3A_185 = arith.maximumf %max3A_184, %sub3A_182 : vector<128x128xf32>
    %slice3A_186 = vector.extract_strided_slice %min3A_85 {offsets = [0, 0], sizes = [1, 128], strides = [1, 1]} : vector<1x2048xf32> to vector<1x128xf32>
    %min3A_187 = vector.broadcast %min3A_168 : vector<128x1xf32> to vector<128x128xf32>
    %min3A_188 = vector.broadcast %slice3A_186 : vector<1x128xf32> to vector<128x128xf32>
    %min3A_189 = arith.minimumf %min3A_187, %min3A_188 : vector<128x128xf32>
    %slice3A_190 = vector.extract_strided_slice %min3A_65 {offsets = [0, 0], sizes = [1, 128], strides = [1, 1]} : vector<1x2048xf32> to vector<1x128xf32>
    %max3A_191 = vector.broadcast %min3A_148 : vector<128x1xf32> to vector<128x128xf32>
    %max3A_192 = vector.broadcast %slice3A_190 : vector<1x128xf32> to vector<128x128xf32>
    %max3A_193 = arith.maximumf %max3A_191, %max3A_192 : vector<128x128xf32>
    %sub3A_194 = arith.subf %min3A_189, %max3A_193 : vector<128x128xf32>
    %jit3A_195 = arith.constant 0.000000e+00 : f32
    %max3A_196 = vector.broadcast %jit3A_195 : f32 to vector<128x128xf32>
    %max3A_197 = arith.maximumf %max3A_196, %sub3A_194 : vector<128x128xf32>
    %mul3A_198 = arith.mulf %max3A_185, %max3A_197 : vector<128x128xf32>
    %slice3A_199 = vector.extract_strided_slice %mul3A_88 {offsets = [0, 0], sizes = [1, 128], strides = [1, 1]} : vector<1x2048xf32> to vector<1x128xf32>
    %add3A_200 = vector.broadcast %mul3A_173 : vector<128x1xf32> to vector<128x128xf32>
    %add3A_201 = vector.broadcast %slice3A_199 : vector<1x128xf32> to vector<128x128xf32>
    %add3A_202 = arith.addf %add3A_200, %add3A_201 : vector<128x128xf32>
    %sub3A_203 = arith.subf %add3A_202, %mul3A_198 : vector<128x128xf32>
    %add3A_204 = arith.constant 9.99999971E-10 : f32
    %add3A_205 = vector.broadcast %add3A_204 : f32 to vector<128x128xf32>
    %add3A_206 = arith.addf %sub3A_203, %add3A_205 : vector<128x128xf32>
    %div3A = arith.divf %mul3A_198, %add3A_206 : vector<128x128xf32>
    %iota3A = tpu.iota {dimensions = array<i32: 0>} : vector<128x128xi32>
    %iota3A_207 = tpu.iota {dimensions = array<i32: 1>} : vector<128x128xi32>
    %gt3A = arith.constant 0.699999988 : f32
    %gt3A_208 = vector.broadcast %gt3A : f32 to vector<128x128xf32>
    %gt3A_209 = arith.cmpf ogt, %div3A, %gt3A_208 : vector<128x128xf32>
    %lt3A = arith.cmpi slt, %iota3A, %iota3A_207 : vector<128x128xi32>
    %and3A = arith.andi %gt3A_209, %lt3A : vector<128x128xi1>
    %convert_element_type3A = arith.extui %and3A : vector<128x128xi1> to vector<128x128xi32>
    %convert_element_type3A_210 = arith.sitofp %convert_element_type3A : vector<128x128xi32> to vector<128x128xf32>
    %convert_element_type3A_211 = arith.truncf %convert_element_type3A_210 : vector<128x128xf32> to vector<128x128xbf16>
    %swap3A_212 = arith.constant 0 : index
    %swap3A_213 = arith.constant 0 : index
    %swap3A_214 = vector.load %arg3[%swap3A_212, %swap3A_213] : memref<2048x2048xbf16, #tpu.memory_space<vmem>>, vector<128x128xbf16>
    tpu.vector_store %arg3[%swap3A_212, %swap3A_213], %convert_element_type3A_211 {strides = array<i32>} : memref<2048x2048xbf16, #tpu.memory_space<vmem>>, vector<128x128xbf16>,
    %slice3A_215 = vector.extract_strided_slice %min3A_75 {offsets = [0, 128], sizes = [1, 1920], strides = [1, 1]} : vector<1x2048xf32> to vector<1x1920xf32>
    %min3A_216 = vector.broadcast %min3A_158 : vector<128x1xf32> to vector<128x1920xf32>
    %min3A_217 = vector.broadcast %slice3A_215 : vector<1x1920xf32> to vector<128x1920xf32>
    %min3A_218 = arith.minimumf %min3A_216, %min3A_217 : vector<128x1920xf32>
    %slice3A_219 = vector.extract_strided_slice %min3A_55 {offsets = [0, 128], sizes = [1, 1920], strides = [1, 1]} : vector<1x2048xf32> to vector<1x1920xf32>
    %max3A_220 = vector.broadcast %min3A_138 : vector<128x1xf32> to vector<128x1920xf32>
    %max3A_221 = vector.broadcast %slice3A_219 : vector<1x1920xf32> to vector<128x1920xf32>
    %max3A_222 = arith.maximumf %max3A_220, %max3A_221 : vector<128x1920xf32>
    %sub3A_223 = arith.subf %min3A_218, %max3A_222 : vector<128x1920xf32>
    %jit3A_224 = arith.constant 0.000000e+00 : f32
    %max3A_225 = vector.broadcast %jit3A_224 : f32 to vector<128x1920xf32>
    %max3A_226 = arith.maximumf %max3A_225, %sub3A_223 : vector<128x1920xf32>
    %slice3A_227 = vector.extract_strided_slice %min3A_85 {offsets = [0, 128], sizes = [1, 1920], strides = [1, 1]} : vector<1x2048xf32> to vector<1x1920xf32>
    %min3A_228 = vector.broadcast %min3A_168 : vector<128x1xf32> to vector<128x1920xf32>
    %min3A_229 = vector.broadcast %slice3A_227 : vector<1x1920xf32> to vector<128x1920xf32>
    %min3A_230 = arith.minimumf %min3A_228, %min3A_229 : vector<128x1920xf32>
    %slice3A_231 = vector.extract_strided_slice %min3A_65 {offsets = [0, 128], sizes = [1, 1920], strides = [1, 1]} : vector<1x2048xf32> to vector<1x1920xf32>
    %max3A_232 = vector.broadcast %min3A_148 : vector<128x1xf32> to vector<128x1920xf32>
    %max3A_233 = vector.broadcast %slice3A_231 : vector<1x1920xf32> to vector<128x1920xf32>
    %max3A_234 = arith.maximumf %max3A_232, %max3A_233 : vector<128x1920xf32>
    %sub3A_235 = arith.subf %min3A_230, %max3A_234 : vector<128x1920xf32>
    %jit3A_236 = arith.constant 0.000000e+00 : f32
    %max3A_237 = vector.broadcast %jit3A_236 : f32 to vector<128x1920xf32>
    %max3A_238 = arith.maximumf %max3A_237, %sub3A_235 : vector<128x1920xf32>
    %mul3A_239 = arith.mulf %max3A_226, %max3A_238 : vector<128x1920xf32>
    %slice3A_240 = vector.extract_strided_slice %mul3A_88 {offsets = [0, 128], sizes = [1, 1920], strides = [1, 1]} : vector<1x2048xf32> to vector<1x1920xf32>
    %add3A_241 = vector.broadcast %mul3A_173 : vector<128x1xf32> to vector<128x1920xf32>
    %add3A_242 = vector.broadcast %slice3A_240 : vector<1x1920xf32> to vector<128x1920xf32>
    %add3A_243 = arith.addf %add3A_241, %add3A_242 : vector<128x1920xf32>
    %sub3A_244 = arith.subf %add3A_243, %mul3A_239 : vector<128x1920xf32>
    %add3A_245 = arith.constant 9.99999971E-10 : f32
    %add3A_246 = vector.broadcast %add3A_245 : f32 to vector<128x1920xf32>
    %add3A_247 = arith.addf %sub3A_244, %add3A_246 : vector<128x1920xf32>
    %div3A_248 = arith.divf %mul3A_239, %add3A_247 : vector<128x1920xf32>
    %gt3A_249 = arith.constant 0.699999988 : f32
    %gt3A_250 = vector.broadcast %gt3A_249 : f32 to vector<128x1920xf32>
    %gt3A_251 = arith.cmpf ogt, %div3A_248, %gt3A_250 : vector<128x1920xf32>
    %convert_element_type3A_252 = arith.extui %gt3A_251 : vector<128x1920xi1> to vector<128x1920xi32>
    %convert_element_type3A_253 = arith.sitofp %convert_element_type3A_252 : vector<128x1920xi32> to vector<128x1920xf32>
    %convert_element_type3A_254 = arith.truncf %convert_element_type3A_253 : vector<128x1920xf32> to vector<128x1920xbf16>
    %swap3A_255 = arith.constant 0 : index
    %swap3A_256 = arith.constant 128 : index
    %swap3A_257 = vector.load %arg3[%swap3A_255, %swap3A_256] : memref<2048x2048xbf16, #tpu.memory_space<vmem>>, vector<128x1920xbf16>
    tpu.vector_store %arg3[%swap3A_255, %swap3A_256], %convert_element_type3A_254 {strides = array<i32>} : memref<2048x2048xbf16, #tpu.memory_space<vmem>>, vector<128x1920xbf16>,
    %get3A_258 = arith.constant 128 : index
    %get3A_259 = arith.constant 0 : index
    %get3A_260 = vector.load %arg0[%get3A_258, %get3A_259] : memref<2048x16xf32, #tpu.memory_space<vmem>>, vector<128x16xf32>
    %slice3A_261 = vector.extract_strided_slice %get3A_260 {offsets = [0, 0], sizes = [128, 1], strides = [1, 1]} : vector<128x16xf32> to vector<128x1xf32>
    %slice3A_262 = vector.extract_strided_slice %get3A_260 {offsets = [0, 1], sizes = [128, 1], strides = [1, 1]} : vector<128x16xf32> to vector<128x1xf32>
    %slice3A_263 = vector.extract_strided_slice %get3A_260 {offsets = [0, 2], sizes = [128, 1], strides = [1, 1]} : vector<128x16xf32> to vector<128x1xf32>
    %slice3A_264 = vector.extract_strided_slice %get3A_260 {offsets = [0, 3], sizes = [128, 1], strides = [1, 1]} : vector<128x16xf32> to vector<128x1xf32>
    %slice3A_265 = vector.extract_strided_slice %get3A_260 {offsets = [0, 4], sizes = [128, 1], strides = [1, 1]} : vector<128x16xf32> to vector<128x1xf32>
    %slice3A_266 = vector.extract_strided_slice %get3A_260 {offsets = [0, 5], sizes = [128, 1], strides = [1, 1]} : vector<128x16xf32> to vector<128x1xf32>
    %slice3A_267 = vector.extract_strided_slice %get3A_260 {offsets = [0, 6], sizes = [128, 1], strides = [1, 1]} : vector<128x16xf32> to vector<128x1xf32>
    %slice3A_268 = vector.extract_strided_slice %get3A_260 {offsets = [0, 7], sizes = [128, 1], strides = [1, 1]} : vector<128x16xf32> to vector<128x1xf32>
    %sub3A_269 = arith.subf %slice3A_263, %slice3A_261 : vector<128x1xf32>
    %sub3A_270 = arith.subf %slice3A_264, %slice3A_262 : vector<128x1xf32>
    %mul3A_271 = arith.constant 5.000000e-01 : f32
    %mul3A_272 = vector.broadcast %mul3A_271 : f32 to vector<128x1xf32>
    %mul3A_273 = arith.mulf %mul3A_272, %sub3A_269 : vector<128x1xf32>
    %add3A_274 = arith.addf %slice3A_261, %mul3A_273 : vector<128x1xf32>
    %mul3A_275 = arith.constant 5.000000e-01 : f32
    %mul3A_276 = vector.broadcast %mul3A_275 : f32 to vector<128x1xf32>
    %mul3A_277 = arith.mulf %mul3A_276, %sub3A_270 : vector<128x1xf32>
    %add3A_278 = arith.addf %slice3A_262, %mul3A_277 : vector<128x1xf32>
    %jit3A_279 = arith.constant -4.000000e+00 : f32
    %jit3A_280 = arith.constant 4.000000e+00 : f32
    %max3A_281 = vector.broadcast %jit3A_279 : f32 to vector<128x1xf32>
    %max3A_282 = arith.maximumf %max3A_281, %slice3A_267 : vector<128x1xf32>
    %min3A_283 = vector.broadcast %jit3A_280 : f32 to vector<128x1xf32>
    %min3A_284 = arith.minimumf %min3A_283, %max3A_282 : vector<128x1xf32>
    %jit3A_285 = arith.constant -4.000000e+00 : f32
    %jit3A_286 = arith.constant 4.000000e+00 : f32
    %max3A_287 = vector.broadcast %jit3A_285 : f32 to vector<128x1xf32>
    %max3A_288 = arith.maximumf %max3A_287, %slice3A_268 : vector<128x1xf32>
    %min3A_289 = vector.broadcast %jit3A_286 : f32 to vector<128x1xf32>
    %min3A_290 = arith.minimumf %min3A_289, %max3A_288 : vector<128x1xf32>
    %mul3A_291 = arith.mulf %slice3A_265, %sub3A_269 : vector<128x1xf32>
    %add3A_292 = arith.addf %mul3A_291, %add3A_274 : vector<128x1xf32>
    %mul3A_293 = arith.mulf %slice3A_266, %sub3A_270 : vector<128x1xf32>
    %add3A_294 = arith.addf %mul3A_293, %add3A_278 : vector<128x1xf32>
    %exp3A_295 = math.exp %min3A_284 : vector<128x1xf32>
    %mul3A_296 = arith.mulf %exp3A_295, %sub3A_269 : vector<128x1xf32>
    %exp3A_297 = math.exp %min3A_290 : vector<128x1xf32>
    %mul3A_298 = arith.mulf %exp3A_297, %sub3A_270 : vector<128x1xf32>
    %mul3A_299 = arith.constant 5.000000e-01 : f32
    %mul3A_300 = vector.broadcast %mul3A_299 : f32 to vector<128x1xf32>
    %mul3A_301 = arith.mulf %mul3A_300, %mul3A_296 : vector<128x1xf32>
    %sub3A_302 = arith.subf %add3A_292, %mul3A_301 : vector<128x1xf32>
    %jit3A_303 = arith.constant 0.000000e+00 : f32
    %jit3A_304 = arith.constant 1.216000e+03 : f32
    %max3A_305 = vector.broadcast %jit3A_303 : f32 to vector<128x1xf32>
    %max3A_306 = arith.maximumf %max3A_305, %sub3A_302 : vector<128x1xf32>
    %min3A_307 = vector.broadcast %jit3A_304 : f32 to vector<128x1xf32>
    %min3A_308 = arith.minimumf %min3A_307, %max3A_306 : vector<128x1xf32>
    %mul3A_309 = arith.constant 5.000000e-01 : f32
    %mul3A_310 = vector.broadcast %mul3A_309 : f32 to vector<128x1xf32>
    %mul3A_311 = arith.mulf %mul3A_310, %mul3A_298 : vector<128x1xf32>
    %sub3A_312 = arith.subf %add3A_294, %mul3A_311 : vector<128x1xf32>
    %jit3A_313 = arith.constant 0.000000e+00 : f32
    %jit3A_314 = arith.constant 8.000000e+02 : f32
    %max3A_315 = vector.broadcast %jit3A_313 : f32 to vector<128x1xf32>
    %max3A_316 = arith.maximumf %max3A_315, %sub3A_312 : vector<128x1xf32>
    %min3A_317 = vector.broadcast %jit3A_314 : f32 to vector<128x1xf32>
    %min3A_318 = arith.minimumf %min3A_317, %max3A_316 : vector<128x1xf32>
    %mul3A_319 = arith.constant 5.000000e-01 : f32
    %mul3A_320 = vector.broadcast %mul3A_319 : f32 to vector<128x1xf32>
    %mul3A_321 = arith.mulf %mul3A_320, %mul3A_296 : vector<128x1xf32>
    %add3A_322 = arith.addf %add3A_292, %mul3A_321 : vector<128x1xf32>
    %jit3A_323 = arith.constant 0.000000e+00 : f32
    %jit3A_324 = arith.constant 1.216000e+03 : f32
    %max3A_325 = vector.broadcast %jit3A_323 : f32 to vector<128x1xf32>
    %max3A_326 = arith.maximumf %max3A_325, %add3A_322 : vector<128x1xf32>
    %min3A_327 = vector.broadcast %jit3A_324 : f32 to vector<128x1xf32>
    %min3A_328 = arith.minimumf %min3A_327, %max3A_326 : vector<128x1xf32>
    %mul3A_329 = arith.constant 5.000000e-01 : f32
    %mul3A_330 = vector.broadcast %mul3A_329 : f32 to vector<128x1xf32>
    %mul3A_331 = arith.mulf %mul3A_330, %mul3A_298 : vector<128x1xf32>
    %add3A_332 = arith.addf %add3A_294, %mul3A_331 : vector<128x1xf32>
    %jit3A_333 = arith.constant 0.000000e+00 : f32
    %jit3A_334 = arith.constant 8.000000e+02 : f32
    %max3A_335 = vector.broadcast %jit3A_333 : f32 to vector<128x1xf32>
    %max3A_336 = arith.maximumf %max3A_335, %add3A_332 : vector<128x1xf32>
    %min3A_337 = vector.broadcast %jit3A_334 : f32 to vector<128x1xf32>
    %min3A_338 = arith.minimumf %min3A_337, %max3A_336 : vector<128x1xf32>
    %concatenate3A_339 = tpu.concatenate %min3A_308, %min3A_318, %min3A_328, %min3A_338 in 1 : vector<128x1xf32>, vector<128x1xf32>, vector<128x1xf32>, vector<128x1xf32> -> vector<128x4xf32>
    %swap3A_340 = arith.constant 128 : index
    %swap3A_341 = arith.constant 0 : index
    %swap3A_342 = vector.load %arg4[%swap3A_340, %swap3A_341] : memref<2048x4xf32, #tpu.memory_space<vmem>>, vector<128x4xf32>
    tpu.vector_store %arg4[%swap3A_340, %swap3A_341], %concatenate3A_339 {strides = array<i32>} : memref<2048x4xf32, #tpu.memory_space<vmem>>, vector<128x4xf32>,
    %sub3A_343 = arith.subf %min3A_328, %min3A_308 : vector<128x1xf32>
    %sub3A_344 = arith.subf %min3A_338, %min3A_318 : vector<128x1xf32>
    %mul3A_345 = arith.mulf %sub3A_343, %sub3A_344 : vector<128x1xf32>
    %broadcast_in_dim3A = arith.constant 0.000000e+00 : bf16
    %broadcast_in_dim3A_346 = vector.broadcast %broadcast_in_dim3A : bf16 to vector<128x128xbf16>
    %swap3A_347 = arith.constant 128 : index
    %swap3A_348 = arith.constant 0 : index
    %swap3A_349 = vector.load %arg3[%swap3A_347, %swap3A_348] : memref<2048x2048xbf16, #tpu.memory_space<vmem>>, vector<128x128xbf16>
    tpu.vector_store %arg3[%swap3A_347, %swap3A_348], %broadcast_in_dim3A_346 {strides = array<i32>} : memref<2048x2048xbf16, #tpu.memory_space<vmem>>, vector<128x128xbf16>,
    %slice3A_350 = vector.extract_strided_slice %min3A_75 {offsets = [0, 128], sizes = [1, 128], strides = [1, 1]} : vector<1x2048xf32> to vector<1x128xf32>
    %min3A_351 = vector.broadcast %min3A_328 : vector<128x1xf32> to vector<128x128xf32>
    %min3A_352 = vector.broadcast %slice3A_350 : vector<1x128xf32> to vector<128x128xf32>
    %min3A_353 = arith.minimumf %min3A_351, %min3A_352 : vector<128x128xf32>
    %slice3A_354 = vector.extract_strided_slice %min3A_55 {offsets = [0, 128], sizes = [1, 128], strides = [1, 1]} : vector<1x2048xf32> to vector<1x128xf32>
    %max3A_355 = vector.broadcast %min3A_308 : vector<128x1xf32> to vector<128x128xf32>
    %max3A_356 = vector.broadcast %slice3A_354 : vector<1x128xf32> to vector<128x128xf32>
    %max3A_357 = arith.maximumf %max3A_355, %max3A_356 : vector<128x128xf32>
    %sub3A_358 = arith.subf %min3A_353, %max3A_357 : vector<128x128xf32>
    %jit3A_359 = arith.constant 0.000000e+00 : f32
    %max3A_360 = vector.broadcast %jit3A_359 : f32 to vector<128x128xf32>
    %max3A_361 = arith.maximumf %max3A_360, %sub3A_358 : vector<128x128xf32>
    %slice3A_362 = vector.extract_strided_slice %min3A_85 {offsets = [0, 128], sizes = [1, 128], strides = [1, 1]} : vector<1x2048xf32> to vector<1x128xf32>
    %min3A_363 = vector.broadcast %min3A_338 : vector<128x1xf32> to vector<128x128xf32>
    %min3A_364 = vector.broadcast %slice3A_362 : vector<1x128xf32> to vector<128x128xf32>
    %min3A_365 = arith.minimumf %min3A_363, %min3A_364 : vector<128x128xf32>
    %slice3A_366 = vector.extract_strided_slice %min3A_65 {offsets = [0, 128], sizes = [1, 128], strides = [1, 1]} : vector<1x2048xf32> to vector<1x128xf32>
    %max3A_367 = vector.broadcast %min3A_318 : vector<128x1xf32> to vector<128x128xf32>
    %max3A_368 = vector.broadcast %slice3A_366 : vector<1x128xf32> to vector<128x128xf32>
    %max3A_369 = arith.maximumf %max3A_367, %max3A_368 : vector<128x128xf32>
    %sub3A_370 = arith.subf %min3A_365, %max3A_369 : vector<128x128xf32>
    %jit3A_371 = arith.constant 0.000000e+00 : f32
    %max3A_372 = vector.broadcast %jit3A_371 : f32 to vector<128x128xf32>
    %max3A_373 = arith.maximumf %max3A_372, %sub3A_370 : vector<128x128xf32>
    %mul3A_374 = arith.mulf %max3A_361, %max3A_373 : vector<128x128xf32>
    %slice3A_375 = vector.extract_strided_slice %mul3A_88 {offsets = [0, 128], sizes = [1, 128], strides = [1, 1]} : vector<1x2048xf32> to vector<1x128xf32>
    %add3A_376 = vector.broadcast %mul3A_345 : vector<128x1xf32> to vector<128x128xf32>
    %add3A_377 = vector.broadcast %slice3A_375 : vector<1x128xf32> to vector<128x128xf32>
    %add3A_378 = arith.addf %add3A_376, %add3A_377 : vector<128x128xf32>
    %sub3A_379 = arith.subf %add3A_378, %mul3A_374 : vector<128x128xf32>
    %add3A_380 = arith.constant 9.99999971E-10 : f32
    %add3A_381 = vector.broadcast %add3A_380 : f32 to vector<128x128xf32>
    %add3A_382 = arith.addf %sub3A_379, %add3A_381 : vector<128x128xf32>
    %div3A_383 = arith.divf %mul3A_374, %add3A_382 : vector<128x128xf32>
    %iota3A_384 = tpu.iota {dimensions = array<i32: 0>} : vector<128x128xi32>
    %iota3A_385 = tpu.iota {dimensions = array<i32: 1>} : vector<128x128xi32>
    %gt3A_386 = arith.constant 0.699999988 : f32
    %gt3A_387 = vector.broadcast %gt3A_386 : f32 to vector<128x128xf32>
    %gt3A_388 = arith.cmpf ogt, %div3A_383, %gt3A_387 : vector<128x128xf32>
    %lt3A_389 = arith.cmpi slt, %iota3A_384, %iota3A_385 : vector<128x128xi32>
    %and3A_390 = arith.andi %gt3A_388, %lt3A_389 : vector<128x128xi1>
    %convert_element_type3A_391 = arith.extui %and3A_390 : vector<128x128xi1> to vector<128x128xi32>
    %convert_element_type3A_392 = arith.sitofp %convert_element_type3A_391 : vector<128x128xi32> to vector<128x128xf32>
    %convert_element_type3A_393 = arith.truncf %convert_element_type3A_392 : vector<128x128xf32> to vector<128x128xbf16>
    %swap3A_394 = arith.constant 128 : index
    %swap3A_395 = arith.constant 128 : index
    %swap3A_396 = vector.load %arg3[%swap3A_394, %swap3A_395] : memref<2048x2048xbf16, #tpu.memory_space<vmem>>, vector<128x128xbf16>
    tpu.vector_store %arg3[%swap3A_394, %swap3A_395], %convert_element_type3A_393 {strides = array<i32>} : memref<2048x2048xbf16, #tpu.memory_space<vmem>>, vector<128x128xbf16>,
    %slice3A_397 = vector.extract_strided_slice %min3A_75 {offsets = [0, 256], sizes = [1, 1792], strides = [1, 1]} : vector<1x2048xf32> to vector<1x1792xf32>
    %min3A_398 = vector.broadcast %min3A_328 : vector<128x1xf32> to vector<128x1792xf32>
    %min3A_399 = vector.broadcast %slice3A_397 : vector<1x1792xf32> to vector<128x1792xf32>
    %min3A_400 = arith.minimumf %min3A_398, %min3A_399 : vector<128x1792xf32>
    %slice3A_401 = vector.extract_strided_slice %min3A_55 {offsets = [0, 256], sizes = [1, 1792], strides = [1, 1]} : vector<1x2048xf32> to vector<1x1792xf32>
    %max3A_402 = vector.broadcast %min3A_308 : vector<128x1xf32> to vector<128x1792xf32>
    %max3A_403 = vector.broadcast %slice3A_401 : vector<1x1792xf32> to vector<128x1792xf32>
    %max3A_404 = arith.maximumf %max3A_402, %max3A_403 : vector<128x1792xf32>
    %sub3A_405 = arith.subf %min3A_400, %max3A_404 : vector<128x1792xf32>
    %jit3A_406 = arith.constant 0.000000e+00 : f32
    %max3A_407 = vector.broadcast %jit3A_406 : f32 to vector<128x1792xf32>
    %max3A_408 = arith.maximumf %max3A_407, %sub3A_405 : vector<128x1792xf32>
    %slice3A_409 = vector.extract_strided_slice %min3A_85 {offsets = [0, 256], sizes = [1, 1792], strides = [1, 1]} : vector<1x2048xf32> to vector<1x1792xf32>
    %min3A_410 = vector.broadcast %min3A_338 : vector<128x1xf32> to vector<128x1792xf32>
    %min3A_411 = vector.broadcast %slice3A_409 : vector<1x1792xf32> to vector<128x1792xf32>
    %min3A_412 = arith.minimumf %min3A_410, %min3A_411 : vector<128x1792xf32>
    %slice3A_413 = vector.extract_strided_slice %min3A_65 {offsets = [0, 256], sizes = [1, 1792], strides = [1, 1]} : vector<1x2048xf32> to vector<1x1792xf32>
    %max3A_414 = vector.broadcast %min3A_318 : vector<128x1xf32> to vector<128x1792xf32>
    %max3A_415 = vector.broadcast %slice3A_413 : vector<1x1792xf32> to vector<128x1792xf32>
    %max3A_416 = arith.maximumf %max3A_414, %max3A_415 : vector<128x1792xf32>
    %sub3A_417 = arith.subf %min3A_412, %max3A_416 : vector<128x1792xf32>
    %jit3A_418 = arith.constant 0.000000e+00 : f32
    %max3A_419 = vector.broadcast %jit3A_418 : f32 to vector<128x1792xf32>
    %max3A_420 = arith.maximumf %max3A_419, %sub3A_417 : vector<128x1792xf32>
    %mul3A_421 = arith.mulf %max3A_408, %max3A_420 : vector<128x1792xf32>
    %slice3A_422 = vector.extract_strided_slice %mul3A_88 {offsets = [0, 256], sizes = [1, 1792], strides = [1, 1]} : vector<1x2048xf32> to vector<1x1792xf32>
    %add3A_423 = vector.broadcast %mul3A_345 : vector<128x1xf32> to vector<128x1792xf32>
    %add3A_424 = vector.broadcast %slice3A_422 : vector<1x1792xf32> to vector<128x1792xf32>
    %add3A_425 = arith.addf %add3A_423, %add3A_424 : vector<128x1792xf32>
    %sub3A_426 = arith.subf %add3A_425, %mul3A_421 : vector<128x1792xf32>
    %add3A_427 = arith.constant 9.99999971E-10 : f32
    %add3A_428 = vector.broadcast %add3A_427 : f32 to vector<128x1792xf32>
    %add3A_429 = arith.addf %sub3A_426, %add3A_428 : vector<128x1792xf32>
    %div3A_430 = arith.divf %mul3A_421, %add3A_429 : vector<128x1792xf32>
    %gt3A_431 = arith.constant 0.699999988 : f32
    %gt3A_432 = vector.broadcast %gt3A_431 : f32 to vector<128x1792xf32>
    %gt3A_433 = arith.cmpf ogt, %div3A_430, %gt3A_432 : vector<128x1792xf32>
    %convert_element_type3A_434 = arith.extui %gt3A_433 : vector<128x1792xi1> to vector<128x1792xi32>
    %convert_element_type3A_435 = arith.sitofp %convert_element_type3A_434 : vector<128x1792xi32> to vector<128x1792xf32>
    %convert_element_type3A_436 = arith.truncf %convert_element_type3A_435 : vector<128x1792xf32> to vector<128x1792xbf16>
    %swap3A_437 = arith.constant 128 : index
    %swap3A_438 = arith.constant 256 : index
    %swap3A_439 = vector.load %arg3[%swap3A_437, %swap3A_438] : memref<2048x2048xbf16, #tpu.memory_space<vmem>>, vector<128x1792xbf16>
    tpu.vector_store %arg3[%swap3A_437, %swap3A_438], %convert_element_type3A_436 {strides = array<i32>} : memref<2048x2048xbf16, #tpu.memory_space<vmem>>, vector<128x1792xbf16>,
    %get3A_440 = arith.constant 256 : index
    %get3A_441 = arith.constant 0 : index
    %get3A_442 = vector.load %arg0[%get3A_440, %get3A_441] : memref<2048x16xf32, #tpu.memory_space<vmem>>, vector<128x16xf32>
    %slice3A_443 = vector.extract_strided_slice %get3A_442 {offsets = [0, 0], sizes = [128, 1], strides = [1, 1]} : vector<128x16xf32> to vector<128x1xf32>
    %slice3A_444 = vector.extract_strided_slice %get3A_442 {offsets = [0, 1], sizes = [128, 1], strides = [1, 1]} : vector<128x16xf32> to vector<128x1xf32>
    %slice3A_445 = vector.extract_strided_slice %get3A_442 {offsets = [0, 2], sizes = [128, 1], strides = [1, 1]} : vector<128x16xf32> to vector<128x1xf32>
    %slice3A_446 = vector.extract_strided_slice %get3A_442 {offsets = [0, 3], sizes = [128, 1], strides = [1, 1]} : vector<128x16xf32> to vector<128x1xf32>
    %slice3A_447 = vector.extract_strided_slice %get3A_442 {offsets = [0, 4], sizes = [128, 1], strides = [1, 1]} : vector<128x16xf32> to vector<128x1xf32>
    %slice3A_448 = vector.extract_strided_slice %get3A_442 {offsets = [0, 5], sizes = [128, 1], strides = [1, 1]} : vector<128x16xf32> to vector<128x1xf32>
    %slice3A_449 = vector.extract_strided_slice %get3A_442 {offsets = [0, 6], sizes = [128, 1], strides = [1, 1]} : vector<128x16xf32> to vector<128x1xf32>
    %slice3A_450 = vector.extract_strided_slice %get3A_442 {offsets = [0, 7], sizes = [128, 1], strides = [1, 1]} : vector<128x16xf32> to vector<128x1xf32>
    %sub3A_451 = arith.subf %slice3A_445, %slice3A_443 : vector<128x1xf32>
    %sub3A_452 = arith.subf %slice3A_446, %slice3A_444 : vector<128x1xf32>
    %mul3A_453 = arith.constant 5.000000e-01 : f32
    %mul3A_454 = vector.broadcast %mul3A_453 : f32 to vector<128x1xf32>
    %mul3A_455 = arith.mulf %mul3A_454, %sub3A_451 : vector<128x1xf32>
    %add3A_456 = arith.addf %slice3A_443, %mul3A_455 : vector<128x1xf32>
    %mul3A_457 = arith.constant 5.000000e-01 : f32
    %mul3A_458 = vector.broadcast %mul3A_457 : f32 to vector<128x1xf32>
    %mul3A_459 = arith.mulf %mul3A_458, %sub3A_452 : vector<128x1xf32>
    %add3A_460 = arith.addf %slice3A_444, %mul3A_459 : vector<128x1xf32>
    %jit3A_461 = arith.constant -4.000000e+00 : f32
    %jit3A_462 = arith.constant 4.000000e+00 : f32
    %max3A_463 = vector.broadcast %jit3A_461 : f32 to vector<128x1xf32>
    %max3A_464 = arith.maximumf %max3A_463, %slice3A_449 : vector<128x1xf32>
    %min3A_465 = vector.broadcast %jit3A_462 : f32 to vector<128x1xf32>
    %min3A_466 = arith.minimumf %min3A_465, %max3A_464 : vector<128x1xf32>
    %jit3A_467 = arith.constant -4.000000e+00 : f32
    %jit3A_468 = arith.constant 4.000000e+00 : f32
    %max3A_469 = vector.broadcast %jit3A_467 : f32 to vector<128x1xf32>
    %max3A_470 = arith.maximumf %max3A_469, %slice3A_450 : vector<128x1xf32>
    %min3A_471 = vector.broadcast %jit3A_468 : f32 to vector<128x1xf32>
    %min3A_472 = arith.minimumf %min3A_471, %max3A_470 : vector<128x1xf32>
    %mul3A_473 = arith.mulf %slice3A_447, %sub3A_451 : vector<128x1xf32>
    %add3A_474 = arith.addf %mul3A_473, %add3A_456 : vector<128x1xf32>
    %mul3A_475 = arith.mulf %slice3A_448, %sub3A_452 : vector<128x1xf32>
    %add3A_476 = arith.addf %mul3A_475, %add3A_460 : vector<128x1xf32>
    %exp3A_477 = math.exp %min3A_466 : vector<128x1xf32>
    %mul3A_478 = arith.mulf %exp3A_477, %sub3A_451 : vector<128x1xf32>
    %exp3A_479 = math.exp %min3A_472 : vector<128x1xf32>
    %mul3A_480 = arith.mulf %exp3A_479, %sub3A_452 : vector<128x1xf32>
    %mul3A_481 = arith.constant 5.000000e-01 : f32
    %mul3A_482 = vector.broadcast %mul3A_481 : f32 to vector<128x1xf32>
    %mul3A_483 = arith.mulf %mul3A_482, %mul3A_478 : vector<128x1xf32>
    %sub3A_484 = arith.subf %add3A_474, %mul3A_483 : vector<128x1xf32>
    %jit3A_485 = arith.constant 0.000000e+00 : f32
    %jit3A_486 = arith.constant 1.216000e+03 : f32
    %max3A_487 = vector.broadcast %jit3A_485 : f32 to vector<128x1xf32>
    %max3A_488 = arith.maximumf %max3A_487, %sub3A_484 : vector<128x1xf32>
    %min3A_489 = vector.broadcast %jit3A_486 : f32 to vector<128x1xf32>
    %min3A_490 = arith.minimumf %min3A_489, %max3A_488 : vector<128x1xf32>
    %mul3A_491 = arith.constant 5.000000e-01 : f32
    %mul3A_492 = vector.broadcast %mul3A_491 : f32 to vector<128x1xf32>
    %mul3A_493 = arith.mulf %mul3A_492, %mul3A_480 : vector<128x1xf32>
    %sub3A_494 = arith.subf %add3A_476, %mul3A_493 : vector<128x1xf32>
    %jit3A_495 = arith.constant 0.000000e+00 : f32
    %jit3A_496 = arith.constant 8.000000e+02 : f32
    %max3A_497 = vector.broadcast %jit3A_495 : f32 to vector<128x1xf32>
    %max3A_498 = arith.maximumf %max3A_497, %sub3A_494 : vector<128x1xf32>
    %min3A_499 = vector.broadcast %jit3A_496 : f32 to vector<128x1xf32>
    %min3A_500 = arith.minimumf %min3A_499, %max3A_498 : vector<128x1xf32>
    %mul3A_501 = arith.constant 5.000000e-01 : f32
    %mul3A_502 = vector.broadcast %mul3A_501 : f32 to vector<128x1xf32>
    %mul3A_503 = arith.mulf %mul3A_502, %mul3A_478 : vector<128x1xf32>
    %add3A_504 = arith.addf %add3A_474, %mul3A_503 : vector<128x1xf32>
    %jit3A_505 = arith.constant 0.000000e+00 : f32
    %jit3A_506 = arith.constant 1.216000e+03 : f32
    %max3A_507 = vector.broadcast %jit3A_505 : f32 to vector<128x1xf32>
    %max3A_508 = arith.maximumf %max3A_507, %add3A_504 : vector<128x1xf32>
    %min3A_509 = vector.broadcast %jit3A_506 : f32 to vector<128x1xf32>
    %min3A_510 = arith.minimumf %min3A_509, %max3A_508 : vector<128x1xf32>
    %mul3A_511 = arith.constant 5.000000e-01 : f32
    %mul3A_512 = vector.broadcast %mul3A_511 : f32 to vector<128x1xf32>
    %mul3A_513 = arith.mulf %mul3A_512, %mul3A_480 : vector<128x1xf32>
    %add3A_514 = arith.addf %add3A_476, %mul3A_513 : vector<128x1xf32>
    %jit3A_515 = arith.constant 0.000000e+00 : f32
    %jit3A_516 = arith.constant 8.000000e+02 : f32
    %max3A_517 = vector.broadcast %jit3A_515 : f32 to vector<128x1xf32>
    %max3A_518 = arith.maximumf %max3A_517, %add3A_514 : vector<128x1xf32>
    %min3A_519 = vector.broadcast %jit3A_516 : f32 to vector<128x1xf32>
    %min3A_520 = arith.minimumf %min3A_519, %max3A_518 : vector<128x1xf32>
    %concatenate3A_521 = tpu.concatenate %min3A_490, %min3A_500, %min3A_510, %min3A_520 in 1 : vector<128x1xf32>, vector<128x1xf32>, vector<128x1xf32>, vector<128x1xf32> -> vector<128x4xf32>
    %swap3A_522 = arith.constant 256 : index
    %swap3A_523 = arith.constant 0 : index
    %swap3A_524 = vector.load %arg4[%swap3A_522, %swap3A_523] : memref<2048x4xf32, #tpu.memory_space<vmem>>, vector<128x4xf32>
    tpu.vector_store %arg4[%swap3A_522, %swap3A_523], %concatenate3A_521 {strides = array<i32>} : memref<2048x4xf32, #tpu.memory_space<vmem>>, vector<128x4xf32>,
    %sub3A_525 = arith.subf %min3A_510, %min3A_490 : vector<128x1xf32>
    %sub3A_526 = arith.subf %min3A_520, %min3A_500 : vector<128x1xf32>
    %mul3A_527 = arith.mulf %sub3A_525, %sub3A_526 : vector<128x1xf32>
    %broadcast_in_dim3A_528 = arith.constant 0.000000e+00 : bf16
    %broadcast_in_dim3A_529 = vector.broadcast %broadcast_in_dim3A_528 : bf16 to vector<128x256xbf16>
    %swap3A_530 = arith.constant 256 : index
    %swap3A_531 = arith.constant 0 : index
    %swap3A_532 = vector.load %arg3[%swap3A_530, %swap3A_531] : memref<2048x2048xbf16, #tpu.memory_space<vmem>>, vector<128x256xbf16>
    tpu.vector_store %arg3[%swap3A_530, %swap3A_531], %broadcast_in_dim3A_529 {strides = array<i32>} : memref<2048x2048xbf16, #tpu.memory_space<vmem>>, vector<128x256xbf16>,
    %slice3A_533 = vector.extract_strided_slice %min3A_75 {offsets = [0, 256], sizes = [1, 128], strides = [1, 1]} : vector<1x2048xf32> to vector<1x128xf32>
    %min3A_534 = vector.broadcast %min3A_510 : vector<128x1xf32> to vector<128x128xf32>
    %min3A_535 = vector.broadcast %slice3A_533 : vector<1x128xf32> to vector<128x128xf32>
    %min3A_536 = arith.minimumf %min3A_534, %min3A_535 : vector<128x128xf32>
    %slice3A_537 = vector.extract_strided_slice %min3A_55 {offsets = [0, 256], sizes = [1, 128], strides = [1, 1]} : vector<1x2048xf32> to vector<1x128xf32>
    %max3A_538 = vector.broadcast %min3A_490 : vector<128x1xf32> to vector<128x128xf32>
    %max3A_539 = vector.broadcast %slice3A_537 : vector<1x128xf32> to vector<128x128xf32>
    %max3A_540 = arith.maximumf %max3A_538, %max3A_539 : vector<128x128xf32>
    %sub3A_541 = arith.subf %min3A_536, %max3A_540 : vector<128x128xf32>
    %jit3A_542 = arith.constant 0.000000e+00 : f32
    %max3A_543 = vector.broadcast %jit3A_542 : f32 to vector<128x128xf32>
    %max3A_544 = arith.maximumf %max3A_543, %sub3A_541 : vector<128x128xf32>
    %slice3A_545 = vector.extract_strided_slice %min3A_85 {offsets = [0, 256], sizes = [1, 128], strides = [1, 1]} : vector<1x2048xf32> to vector<1x128xf32>
    %min3A_546 = vector.broadcast %min3A_520 : vector<128x1xf32> to vector<128x128xf32>
    %min3A_547 = vector.broadcast %slice3A_545 : vector<1x128xf32> to vector<128x128xf32>
    %min3A_548 = arith.minimumf %min3A_546, %min3A_547 : vector<128x128xf32>
    %slice3A_549 = vector.extract_strided_slice %min3A_65 {offsets = [0, 256], sizes = [1, 128], strides = [1, 1]} : vector<1x2048xf32> to vector<1x128xf32>
    %max3A_550 = vector.broadcast %min3A_500 : vector<128x1xf32> to vector<128x128xf32>
    %max3A_551 = vector.broadcast %slice3A_549 : vector<1x128xf32> to vector<128x128xf32>
    %max3A_552 = arith.maximumf %max3A_550, %max3A_551 : vector<128x128xf32>
    %sub3A_553 = arith.subf %min3A_548, %max3A_552 : vector<128x128xf32>
    %jit3A_554 = arith.constant 0.000000e+00 : f32
    %max3A_555 = vector.broadcast %jit3A_554 : f32 to vector<128x128xf32>
    %max3A_556 = arith.maximumf %max3A_555, %sub3A_553 : vector<128x128xf32>
    %mul3A_557 = arith.mulf %max3A_544, %max3A_556 : vector<128x128xf32>
    %slice3A_558 = vector.extract_strided_slice %mul3A_88 {offsets = [0, 256], sizes = [1, 128], strides = [1, 1]} : vector<1x2048xf32> to vector<1x128xf32>
    %add3A_559 = vector.broadcast %mul3A_527 : vector<128x1xf32> to vector<128x128xf32>
    %add3A_560 = vector.broadcast %slice3A_558 : vector<1x128xf32> to vector<128x128xf32>
    %add3A_561 = arith.addf %add3A_559, %add3A_560 : vector<128x128xf32>
    %sub3A_562 = arith.subf %add3A_561, %mul3A_557 : vector<128x128xf32>
    %add3A_563 = arith.constant 9.99999971E-10 : f32
    %add3A_564 = vector.broadcast %add3A_563 : f32 to vector<128x128xf32>
    %add3A_565 = arith.addf %sub3A_562, %add3A_564 : vector<128x128xf32>
    %div3A_566 = arith.divf %mul3A_557, %add3A_565 : vector<128x128xf32>
    %iota3A_567 = tpu.iota {dimensions = array<i32: 0>} : vector<128x128xi32>
    %iota3A_568 = tpu.iota {dimensions = array<i32: 1>} : vector<128x128xi32>
    %gt3A_569 = arith.constant 0.699999988 : f32
    %gt3A_570 = vector.broadcast %gt3A_569 : f32 to vector<128x128xf32>
    %gt3A_571 = arith.cmpf ogt, %div3A_566, %gt3A_570 : vector<128x128xf32>
    %lt3A_572 = arith.cmpi slt, %iota3A_567, %iota3A_568 : vector<128x128xi32>
    %and3A_573 = arith.andi %gt3A_571, %lt3A_572 : vector<128x128xi1>
    %convert_element_type3A_574 = arith.extui %and3A_573 : vector<128x128xi1> to vector<128x128xi32>
    %convert_element_type3A_575 = arith.sitofp %convert_element_type3A_574 : vector<128x128xi32> to vector<128x128xf32>
    %convert_element_type3A_576 = arith.truncf %convert_element_type3A_575 : vector<128x128xf32> to vector<128x128xbf16>
    %swap3A_577 = arith.constant 256 : index
    %swap3A_578 = arith.constant 256 : index
    %swap3A_579 = vector.load %arg3[%swap3A_577, %swap3A_578] : memref<2048x2048xbf16, #tpu.memory_space<vmem>>, vector<128x128xbf16>
    tpu.vector_store %arg3[%swap3A_577, %swap3A_578], %convert_element_type3A_576 {strides = array<i32>} : memref<2048x2048xbf16, #tpu.memory_space<vmem>>, vector<128x128xbf16>,
    %slice3A_580 = vector.extract_strided_slice %min3A_75 {offsets = [0, 384], sizes = [1, 1664], strides = [1, 1]} : vector<1x2048xf32> to vector<1x1664xf32>
    %min3A_581 = vector.broadcast %min3A_510 : vector<128x1xf32> to vector<128x1664xf32>
    %min3A_582 = vector.broadcast %slice3A_580 : vector<1x1664xf32> to vector<128x1664xf32>
    %min3A_583 = arith.minimumf %min3A_581, %min3A_582 : vector<128x1664xf32>
    %slice3A_584 = vector.extract_strided_slice %min3A_55 {offsets = [0, 384], sizes = [1, 1664], strides = [1, 1]} : vector<1x2048xf32> to vector<1x1664xf32>
    %max3A_585 = vector.broadcast %min3A_490 : vector<128x1xf32> to vector<128x1664xf32>
    %max3A_586 = vector.broadcast %slice3A_584 : vector<1x1664xf32> to vector<128x1664xf32>
    %max3A_587 = arith.maximumf %max3A_585, %max3A_586 : vector<128x1664xf32>
    %sub3A_588 = arith.subf %min3A_583, %max3A_587 : vector<128x1664xf32>
    %jit3A_589 = arith.constant 0.000000e+00 : f32
    %max3A_590 = vector.broadcast %jit3A_589 : f32 to vector<128x1664xf32>
    %max3A_591 = arith.maximumf %max3A_590, %sub3A_588 : vector<128x1664xf32>
    %slice3A_592 = vector.extract_strided_slice %min3A_85 {offsets = [0, 384], sizes = [1, 1664], strides = [1, 1]} : vector<1x2048xf32> to vector<1x1664xf32>
    %min3A_593 = vector.broadcast %min3A_520 : vector<128x1xf32> to vector<128x1664xf32>
    %min3A_594 = vector.broadcast %slice3A_592 : vector<1x1664xf32> to vector<128x1664xf32>
    %min3A_595 = arith.minimumf %min3A_593, %min3A_594 : vector<128x1664xf32>
    %slice3A_596 = vector.extract_strided_slice %min3A_65 {offsets = [0, 384], sizes = [1, 1664], strides = [1, 1]} : vector<1x2048xf32> to vector<1x1664xf32>
    %max3A_597 = vector.broadcast %min3A_500 : vector<128x1xf32> to vector<128x1664xf32>
    %max3A_598 = vector.broadcast %slice3A_596 : vector<1x1664xf32> to vector<128x1664xf32>
    %max3A_599 = arith.maximumf %max3A_597, %max3A_598 : vector<128x1664xf32>
    %sub3A_600 = arith.subf %min3A_595, %max3A_599 : vector<128x1664xf32>
    %jit3A_601 = arith.constant 0.000000e+00 : f32
    %max3A_602 = vector.broadcast %jit3A_601 : f32 to vector<128x1664xf32>
    %max3A_603 = arith.maximumf %max3A_602, %sub3A_600 : vector<128x1664xf32>
    %mul3A_604 = arith.mulf %max3A_591, %max3A_603 : vector<128x1664xf32>
    %slice3A_605 = vector.extract_strided_slice %mul3A_88 {offsets = [0, 384], sizes = [1, 1664], strides = [1, 1]} : vector<1x2048xf32> to vector<1x1664xf32>
    %add3A_606 = vector.broadcast %mul3A_527 : vector<128x1xf32> to vector<128x1664xf32>
    %add3A_607 = vector.broadcast %slice3A_605 : vector<1x1664xf32> to vector<128x1664xf32>
    %add3A_608 = arith.addf %add3A_606, %add3A_607 : vector<128x1664xf32>
    %sub3A_609 = arith.subf %add3A_608, %mul3A_604 : vector<128x1664xf32>
    %add3A_610 = arith.constant 9.99999971E-10 : f32
    %add3A_611 = vector.broadcast %add3A_610 : f32 to vector<128x1664xf32>
    %add3A_612 = arith.addf %sub3A_609, %add3A_611 : vector<128x1664xf32>
    %div3A_613 = arith.divf %mul3A_604, %add3A_612 : vector<128x1664xf32>
    %gt3A_614 = arith.constant 0.699999988 : f32
    %gt3A_615 = vector.broadcast %gt3A_614 : f32 to vector<128x1664xf32>
    %gt3A_616 = arith.cmpf ogt, %div3A_613, %gt3A_615 : vector<128x1664xf32>
    %convert_element_type3A_617 = arith.extui %gt3A_616 : vector<128x1664xi1> to vector<128x1664xi32>
    %convert_element_type3A_618 = arith.sitofp %convert_element_type3A_617 : vector<128x1664xi32> to vector<128x1664xf32>
    %convert_element_type3A_619 = arith.truncf %convert_element_type3A_618 : vector<128x1664xf32> to vector<128x1664xbf16>
    %swap3A_620 = arith.constant 256 : index
    %swap3A_621 = arith.constant 384 : index
    %swap3A_622 = vector.load %arg3[%swap3A_620, %swap3A_621] : memref<2048x2048xbf16, #tpu.memory_space<vmem>>, vector<128x1664xbf16>
    tpu.vector_store %arg3[%swap3A_620, %swap3A_621], %convert_element_type3A_619 {strides = array<i32>} : memref<2048x2048xbf16, #tpu.memory_space<vmem>>, vector<128x1664xbf16>,
    %get3A_623 = arith.constant 384 : index
    %get3A_624 = arith.constant 0 : index
    %get3A_625 = vector.load %arg0[%get3A_623, %get3A_624] : memref<2048x16xf32, #tpu.memory_space<vmem>>, vector<128x16xf32>
    %slice3A_626 = vector.extract_strided_slice %get3A_625 {offsets = [0, 0], sizes = [128, 1], strides = [1, 1]} : vector<128x16xf32> to vector<128x1xf32>
    %slice3A_627 = vector.extract_strided_slice %get3A_625 {offsets = [0, 1], sizes = [128, 1], strides = [1, 1]} : vector<128x16xf32> to vector<128x1xf32>
    %slice3A_628 = vector.extract_strided_slice %get3A_625 {offsets = [0, 2], sizes = [128, 1], strides = [1, 1]} : vector<128x16xf32> to vector<128x1xf32>
    %slice3A_629 = vector.extract_strided_slice %get3A_625 {offsets = [0, 3], sizes = [128, 1], strides = [1, 1]} : vector<128x16xf32> to vector<128x1xf32>
    %slice3A_630 = vector.extract_strided_slice %get3A_625 {offsets = [0, 4], sizes = [128, 1], strides = [1, 1]} : vector<128x16xf32> to vector<128x1xf32>
    %slice3A_631 = vector.extract_strided_slice %get3A_625 {offsets = [0, 5], sizes = [128, 1], strides = [1, 1]} : vector<128x16xf32> to vector<128x1xf32>
    %slice3A_632 = vector.extract_strided_slice %get3A_625 {offsets = [0, 6], sizes = [128, 1], strides = [1, 1]} : vector<128x16xf32> to vector<128x1xf32>
    %slice3A_633 = vector.extract_strided_slice %get3A_625 {offsets = [0, 7], sizes = [128, 1], strides = [1, 1]} : vector<128x16xf32> to vector<128x1xf32>
    %sub3A_634 = arith.subf %slice3A_628, %slice3A_626 : vector<128x1xf32>
    %sub3A_635 = arith.subf %slice3A_629, %slice3A_627 : vector<128x1xf32>
    %mul3A_636 = arith.constant 5.000000e-01 : f32
    %mul3A_637 = vector.broadcast %mul3A_636 : f32 to vector<128x1xf32>
    %mul3A_638 = arith.mulf %mul3A_637, %sub3A_634 : vector<128x1xf32>
    %add3A_639 = arith.addf %slice3A_626, %mul3A_638 : vector<128x1xf32>
    %mul3A_640 = arith.constant 5.000000e-01 : f32
    %mul3A_641 = vector.broadcast %mul3A_640 : f32 to vector<128x1xf32>
    %mul3A_642 = arith.mulf %mul3A_641, %sub3A_635 : vector<128x1xf32>
    %add3A_643 = arith.addf %slice3A_627, %mul3A_642 : vector<128x1xf32>
    %jit3A_644 = arith.constant -4.000000e+00 : f32
    %jit3A_645 = arith.constant 4.000000e+00 : f32
    %max3A_646 = vector.broadcast %jit3A_644 : f32 to vector<128x1xf32>
    %max3A_647 = arith.maximumf %max3A_646, %slice3A_632 : vector<128x1xf32>
    %min3A_648 = vector.broadcast %jit3A_645 : f32 to vector<128x1xf32>
    %min3A_649 = arith.minimumf %min3A_648, %max3A_647 : vector<128x1xf32>
    %jit3A_650 = arith.constant -4.000000e+00 : f32
    %jit3A_651 = arith.constant 4.000000e+00 : f32
    %max3A_652 = vector.broadcast %jit3A_650 : f32 to vector<128x1xf32>
    %max3A_653 = arith.maximumf %max3A_652, %slice3A_633 : vector<128x1xf32>
    %min3A_654 = vector.broadcast %jit3A_651 : f32 to vector<128x1xf32>
    %min3A_655 = arith.minimumf %min3A_654, %max3A_653 : vector<128x1xf32>
    %mul3A_656 = arith.mulf %slice3A_630, %sub3A_634 : vector<128x1xf32>
    %add3A_657 = arith.addf %mul3A_656, %add3A_639 : vector<128x1xf32>
    %mul3A_658 = arith.mulf %slice3A_631, %sub3A_635 : vector<128x1xf32>
    %add3A_659 = arith.addf %mul3A_658, %add3A_643 : vector<128x1xf32>
    %exp3A_660 = math.exp %min3A_649 : vector<128x1xf32>
    %mul3A_661 = arith.mulf %exp3A_660, %sub3A_634 : vector<128x1xf32>
    %exp3A_662 = math.exp %min3A_655 : vector<128x1xf32>
    %mul3A_663 = arith.mulf %exp3A_662, %sub3A_635 : vector<128x1xf32>
    %mul3A_664 = arith.constant 5.000000e-01 : f32
    %mul3A_665 = vector.broadcast %mul3A_664 : f32 to vector<128x1xf32>
    %mul3A_666 = arith.mulf %mul3A_665, %mul3A_661 : vector<128x1xf32>
    %sub3A_667 = arith.subf %add3A_657, %mul3A_666 : vector<128x1xf32>
    %jit3A_668 = arith.constant 0.000000e+00 : f32
    %jit3A_669 = arith.constant 1.216000e+03 : f32
    %max3A_670 = vector.broadcast %jit3A_668 : f32 to vector<128x1xf32>
    %max3A_671 = arith.maximumf %max3A_670, %sub3A_667 : vector<128x1xf32>
    %min3A_672 = vector.broadcast %jit3A_669 : f32 to vector<128x1xf32>
    %min3A_673 = arith.minimumf %min3A_672, %max3A_671 : vector<128x1xf32>
    %mul3A_674 = arith.constant 5.000000e-01 : f32
    %mul3A_675 = vector.broadcast %mul3A_674 : f32 to vector<128x1xf32>
    %mul3A_676 = arith.mulf %mul3A_675, %mul3A_663 : vector<128x1xf32>
    %sub3A_677 = arith.subf %add3A_659, %mul3A_676 : vector<128x1xf32>
    %jit3A_678 = arith.constant 0.000000e+00 : f32
    %jit3A_679 = arith.constant 8.000000e+02 : f32
    %max3A_680 = vector.broadcast %jit3A_678 : f32 to vector<128x1xf32>
    %max3A_681 = arith.maximumf %max3A_680, %sub3A_677 : vector<128x1xf32>
    %min3A_682 = vector.broadcast %jit3A_679 : f32 to vector<128x1xf32>
    %min3A_683 = arith.minimumf %min3A_682, %max3A_681 : vector<128x1xf32>
    %mul3A_684 = arith.constant 5.000000e-01 : f32
    %mul3A_685 = vector.broadcast %mul3A_684 : f32 to vector<128x1xf32>
    %mul3A_686 = arith.mulf %mul3A_685, %mul3A_661 : vector<128x1xf32>
    %add3A_687 = arith.addf %add3A_657, %mul3A_686 : vector<128x1xf32>
    %jit3A_688 = arith.constant 0.000000e+00 : f32
    %jit3A_689 = arith.constant 1.216000e+03 : f32
    %max3A_690 = vector.broadcast %jit3A_688 : f32 to vector<128x1xf32>
    %max3A_691 = arith.maximumf %max3A_690, %add3A_687 : vector<128x1xf32>
    %min3A_692 = vector.broadcast %jit3A_689 : f32 to vector<128x1xf32>
    %min3A_693 = arith.minimumf %min3A_692, %max3A_691 : vector<128x1xf32>
    %mul3A_694 = arith.constant 5.000000e-01 : f32
    %mul3A_695 = vector.broadcast %mul3A_694 : f32 to vector<128x1xf32>
    %mul3A_696 = arith.mulf %mul3A_695, %mul3A_663 : vector<128x1xf32>
    %add3A_697 = arith.addf %add3A_659, %mul3A_696 : vector<128x1xf32>
    %jit3A_698 = arith.constant 0.000000e+00 : f32
    %jit3A_699 = arith.constant 8.000000e+02 : f32
    %max3A_700 = vector.broadcast %jit3A_698 : f32 to vector<128x1xf32>
    %max3A_701 = arith.maximumf %max3A_700, %add3A_697 : vector<128x1xf32>
    %min3A_702 = vector.broadcast %jit3A_699 : f32 to vector<128x1xf32>
    %min3A_703 = arith.minimumf %min3A_702, %max3A_701 : vector<128x1xf32>
    %concatenate3A_704 = tpu.concatenate %min3A_673, %min3A_683, %min3A_693, %min3A_703 in 1 : vector<128x1xf32>, vector<128x1xf32>, vector<128x1xf32>, vector<128x1xf32> -> vector<128x4xf32>
    %swap3A_705 = arith.constant 384 : index
    %swap3A_706 = arith.constant 0 : index
    %swap3A_707 = vector.load %arg4[%swap3A_705, %swap3A_706] : memref<2048x4xf32, #tpu.memory_space<vmem>>, vector<128x4xf32>
    tpu.vector_store %arg4[%swap3A_705, %swap3A_706], %concatenate3A_704 {strides = array<i32>} : memref<2048x4xf32, #tpu.memory_space<vmem>>, vector<128x4xf32>,
    %sub3A_708 = arith.subf %min3A_693, %min3A_673 : vector<128x1xf32>
    %sub3A_709 = arith.subf %min3A_703, %min3A_683 : vector<128x1xf32>
    %mul3A_710 = arith.mulf %sub3A_708, %sub3A_709 : vector<128x1xf32>
    %broadcast_in_dim3A_711 = arith.constant 0.000000e+00 : bf16
    %broadcast_in_dim3A_712 = vector.broadcast %broadcast_in_dim3A_711 : bf16 to vector<128x384xbf16>
    %swap3A_713 = arith.constant 384 : index
    %swap3A_714 = arith.constant 0 : index
    %swap3A_715 = vector.load %arg3[%swap3A_713, %swap3A_714] : memref<2048x2048xbf16, #tpu.memory_space<vmem>>, vector<128x384xbf16>
    tpu.vector_store %arg3[%swap3A_713, %swap3A_714], %broadcast_in_dim3A_712 {strides = array<i32>} : memref<2048x2048xbf16, #tpu.memory_space<vmem>>, vector<128x384xbf16>,
    %slice3A_716 = vector.extract_strided_slice %min3A_75 {offsets = [0, 384], sizes = [1, 128], strides = [1, 1]} : vector<1x2048xf32> to vector<1x128xf32>
    %min3A_717 = vector.broadcast %min3A_693 : vector<128x1xf32> to vector<128x128xf32>
    %min3A_718 = vector.broadcast %slice3A_716 : vector<1x128xf32> to vector<128x128xf32>
    %min3A_719 = arith.minimumf %min3A_717, %min3A_718 : vector<128x128xf32>
    %slice3A_720 = vector.extract_strided_slice %min3A_55 {offsets = [0, 384], sizes = [1, 128], strides = [1, 1]} : vector<1x2048xf32> to vector<1x128xf32>
    %max3A_721 = vector.broadcast %min3A_673 : vector<128x1xf32> to vector<128x128xf32>
    %max3A_722 = vector.broadcast %slice3A_720 : vector<1x128xf32> to vector<128x128xf32>
    %max3A_723 = arith.maximumf %max3A_721, %max3A_722 : vector<128x128xf32>
    %sub3A_724 = arith.subf %min3A_719, %max3A_723 : vector<128x128xf32>
    %jit3A_725 = arith.constant 0.000000e+00 : f32
    %max3A_726 = vector.broadcast %jit3A_725 : f32 to vector<128x128xf32>
    %max3A_727 = arith.maximumf %max3A_726, %sub3A_724 : vector<128x128xf32>
    %slice3A_728 = vector.extract_strided_slice %min3A_85 {offsets = [0, 384], sizes = [1, 128], strides = [1, 1]} : vector<1x2048xf32> to vector<1x128xf32>
    %min3A_729 = vector.broadcast %min3A_703 : vector<128x1xf32> to vector<128x128xf32>
    %min3A_730 = vector.broadcast %slice3A_728 : vector<1x128xf32> to vector<128x128xf32>
    %min3A_731 = arith.minimumf %min3A_729, %min3A_730 : vector<128x128xf32>
    %slice3A_732 = vector.extract_strided_slice %min3A_65 {offsets = [0, 384], sizes = [1, 128], strides = [1, 1]} : vector<1x2048xf32> to vector<1x128xf32>
    %max3A_733 = vector.broadcast %min3A_683 : vector<128x1xf32> to vector<128x128xf32>
    %max3A_734 = vector.broadcast %slice3A_732 : vector<1x128xf32> to vector<128x128xf32>
    %max3A_735 = arith.maximumf %max3A_733, %max3A_734 : vector<128x128xf32>
    %sub3A_736 = arith.subf %min3A_731, %max3A_735 : vector<128x128xf32>
    %jit3A_737 = arith.constant 0.000000e+00 : f32
    %max3A_738 = vector.broadcast %jit3A_737 : f32 to vector<128x128xf32>
    %max3A_739 = arith.maximumf %max3A_738, %sub3A_736 : vector<128x128xf32>
    %mul3A_740 = arith.mulf %max3A_727, %max3A_739 : vector<128x128xf32>
    %slice3A_741 = vector.extract_strided_slice %mul3A_88 {offsets = [0, 384], sizes = [1, 128], strides = [1, 1]} : vector<1x2048xf32> to vector<1x128xf32>
    %add3A_742 = vector.broadcast %mul3A_710 : vector<128x1xf32> to vector<128x128xf32>
    %add3A_743 = vector.broadcast %slice3A_741 : vector<1x128xf32> to vector<128x128xf32>
    %add3A_744 = arith.addf %add3A_742, %add3A_743 : vector<128x128xf32>
    %sub3A_745 = arith.subf %add3A_744, %mul3A_740 : vector<128x128xf32>
    %add3A_746 = arith.constant 9.99999971E-10 : f32
    %add3A_747 = vector.broadcast %add3A_746 : f32 to vector<128x128xf32>
    %add3A_748 = arith.addf %sub3A_745, %add3A_747 : vector<128x128xf32>
    %div3A_749 = arith.divf %mul3A_740, %add3A_748 : vector<128x128xf32>
    %iota3A_750 = tpu.iota {dimensions = array<i32: 0>} : vector<128x128xi32>
    %iota3A_751 = tpu.iota {dimensions = array<i32: 1>} : vector<128x128xi32>
    %gt3A_752 = arith.constant 0.699999988 : f32
    %gt3A_753 = vector.broadcast %gt3A_752 : f32 to vector<128x128xf32>
    %gt3A_754 = arith.cmpf ogt, %div3A_749, %gt3A_753 : vector<128x128xf32>
    %lt3A_755 = arith.cmpi slt, %iota3A_750, %iota3A_751 : vector<128x128xi32>
    %and3A_756 = arith.andi %gt3A_754, %lt3A_755 : vector<128x128xi1>
    %convert_element_type3A_757 = arith.extui %and3A_756 : vector<128x128xi1> to vector<128x128xi32>
    %convert_element_type3A_758 = arith.sitofp %convert_element_type3A_757 : vector<128x128xi32> to vector<128x128xf32>
    %convert_element_type3A_759 = arith.truncf %convert_element_type3A_758 : vector<128x128xf32> to vector<128x128xbf16>
    %swap3A_760 = arith.constant 384 : index
    %swap3A_761 = arith.constant 384 : index
    %swap3A_762 = vector.load %arg3[%swap3A_760, %swap3A_761] : memref<2048x2048xbf16, #tpu.memory_space<vmem>>, vector<128x128xbf16>
    tpu.vector_store %arg3[%swap3A_760, %swap3A_761], %convert_element_type3A_759 {strides = array<i32>} : memref<2048x2048xbf16, #tpu.memory_space<vmem>>, vector<128x128xbf16>,
    %slice3A_763 = vector.extract_strided_slice %min3A_75 {offsets = [0, 512], sizes = [1, 1536], strides = [1, 1]} : vector<1x2048xf32> to vector<1x1536xf32>
    %min3A_764 = vector.broadcast %min3A_693 : vector<128x1xf32> to vector<128x1536xf32>
    %min3A_765 = vector.broadcast %slice3A_763 : vector<1x1536xf32> to vector<128x1536xf32>
    %min3A_766 = arith.minimumf %min3A_764, %min3A_765 : vector<128x1536xf32>
    %slice3A_767 = vector.extract_strided_slice %min3A_55 {offsets = [0, 512], sizes = [1, 1536], strides = [1, 1]} : vector<1x2048xf32> to vector<1x1536xf32>
    %max3A_768 = vector.broadcast %min3A_673 : vector<128x1xf32> to vector<128x1536xf32>
    %max3A_769 = vector.broadcast %slice3A_767 : vector<1x1536xf32> to vector<128x1536xf32>
    %max3A_770 = arith.maximumf %max3A_768, %max3A_769 : vector<128x1536xf32>
    %sub3A_771 = arith.subf %min3A_766, %max3A_770 : vector<128x1536xf32>
    %jit3A_772 = arith.constant 0.000000e+00 : f32
    %max3A_773 = vector.broadcast %jit3A_772 : f32 to vector<128x1536xf32>
    %max3A_774 = arith.maximumf %max3A_773, %sub3A_771 : vector<128x1536xf32>
    %slice3A_775 = vector.extract_strided_slice %min3A_85 {offsets = [0, 512], sizes = [1, 1536], strides = [1, 1]} : vector<1x2048xf32> to vector<1x1536xf32>
    %min3A_776 = vector.broadcast %min3A_703 : vector<128x1xf32> to vector<128x1536xf32>
    %min3A_777 = vector.broadcast %slice3A_775 : vector<1x1536xf32> to vector<128x1536xf32>
    %min3A_778 = arith.minimumf %min3A_776, %min3A_777 : vector<128x1536xf32>
    %slice3A_779 = vector.extract_strided_slice %min3A_65 {offsets = [0, 512], sizes = [1, 1536], strides = [1, 1]} : vector<1x2048xf32> to vector<1x1536xf32>
    %max3A_780 = vector.broadcast %min3A_683 : vector<128x1xf32> to vector<128x1536xf32>
    %max3A_781 = vector.broadcast %slice3A_779 : vector<1x1536xf32> to vector<128x1536xf32>
    %max3A_782 = arith.maximumf %max3A_780, %max3A_781 : vector<128x1536xf32>
    %sub3A_783 = arith.subf %min3A_778, %max3A_782 : vector<128x1536xf32>
    %jit3A_784 = arith.constant 0.000000e+00 : f32
    %max3A_785 = vector.broadcast %jit3A_784 : f32 to vector<128x1536xf32>
    %max3A_786 = arith.maximumf %max3A_785, %sub3A_783 : vector<128x1536xf32>
    %mul3A_787 = arith.mulf %max3A_774, %max3A_786 : vector<128x1536xf32>
    %slice3A_788 = vector.extract_strided_slice %mul3A_88 {offsets = [0, 512], sizes = [1, 1536], strides = [1, 1]} : vector<1x2048xf32> to vector<1x1536xf32>
    %add3A_789 = vector.broadcast %mul3A_710 : vector<128x1xf32> to vector<128x1536xf32>
    %add3A_790 = vector.broadcast %slice3A_788 : vector<1x1536xf32> to vector<128x1536xf32>
    %add3A_791 = arith.addf %add3A_789, %add3A_790 : vector<128x1536xf32>
    %sub3A_792 = arith.subf %add3A_791, %mul3A_787 : vector<128x1536xf32>
    %add3A_793 = arith.constant 9.99999971E-10 : f32
    %add3A_794 = vector.broadcast %add3A_793 : f32 to vector<128x1536xf32>
    %add3A_795 = arith.addf %sub3A_792, %add3A_794 : vector<128x1536xf32>
    %div3A_796 = arith.divf %mul3A_787, %add3A_795 : vector<128x1536xf32>
    %gt3A_797 = arith.constant 0.699999988 : f32
    %gt3A_798 = vector.broadcast %gt3A_797 : f32 to vector<128x1536xf32>
    %gt3A_799 = arith.cmpf ogt, %div3A_796, %gt3A_798 : vector<128x1536xf32>
    %convert_element_type3A_800 = arith.extui %gt3A_799 : vector<128x1536xi1> to vector<128x1536xi32>
    %convert_element_type3A_801 = arith.sitofp %convert_element_type3A_800 : vector<128x1536xi32> to vector<128x1536xf32>
    %convert_element_type3A_802 = arith.truncf %convert_element_type3A_801 : vector<128x1536xf32> to vector<128x1536xbf16>
    %swap3A_803 = arith.constant 384 : index
    %swap3A_804 = arith.constant 512 : index
    %swap3A_805 = vector.load %arg3[%swap3A_803, %swap3A_804] : memref<2048x2048xbf16, #tpu.memory_space<vmem>>, vector<128x1536xbf16>
    tpu.vector_store %arg3[%swap3A_803, %swap3A_804], %convert_element_type3A_802 {strides = array<i32>} : memref<2048x2048xbf16, #tpu.memory_space<vmem>>, vector<128x1536xbf16>,
    %get3A_806 = arith.constant 512 : index
    %get3A_807 = arith.constant 0 : index
    %get3A_808 = vector.load %arg0[%get3A_806, %get3A_807] : memref<2048x16xf32, #tpu.memory_space<vmem>>, vector<128x16xf32>
    %slice3A_809 = vector.extract_strided_slice %get3A_808 {offsets = [0, 0], sizes = [128, 1], strides = [1, 1]} : vector<128x16xf32> to vector<128x1xf32>
    %slice3A_810 = vector.extract_strided_slice %get3A_808 {offsets = [0, 1], sizes = [128, 1], strides = [1, 1]} : vector<128x16xf32> to vector<128x1xf32>
    %slice3A_811 = vector.extract_strided_slice %get3A_808 {offsets = [0, 2], sizes = [128, 1], strides = [1, 1]} : vector<128x16xf32> to vector<128x1xf32>
    %slice3A_812 = vector.extract_strided_slice %get3A_808 {offsets = [0, 3], sizes = [128, 1], strides = [1, 1]} : vector<128x16xf32> to vector<128x1xf32>
    %slice3A_813 = vector.extract_strided_slice %get3A_808 {offsets = [0, 4], sizes = [128, 1], strides = [1, 1]} : vector<128x16xf32> to vector<128x1xf32>
    %slice3A_814 = vector.extract_strided_slice %get3A_808 {offsets = [0, 5], sizes = [128, 1], strides = [1, 1]} : vector<128x16xf32> to vector<128x1xf32>
    %slice3A_815 = vector.extract_strided_slice %get3A_808 {offsets = [0, 6], sizes = [128, 1], strides = [1, 1]} : vector<128x16xf32> to vector<128x1xf32>
    %slice3A_816 = vector.extract_strided_slice %get3A_808 {offsets = [0, 7], sizes = [128, 1], strides = [1, 1]} : vector<128x16xf32> to vector<128x1xf32>
    %sub3A_817 = arith.subf %slice3A_811, %slice3A_809 : vector<128x1xf32>
    %sub3A_818 = arith.subf %slice3A_812, %slice3A_810 : vector<128x1xf32>
    %mul3A_819 = arith.constant 5.000000e-01 : f32
    %mul3A_820 = vector.broadcast %mul3A_819 : f32 to vector<128x1xf32>
    %mul3A_821 = arith.mulf %mul3A_820, %sub3A_817 : vector<128x1xf32>
    %add3A_822 = arith.addf %slice3A_809, %mul3A_821 : vector<128x1xf32>
    %mul3A_823 = arith.constant 5.000000e-01 : f32
    %mul3A_824 = vector.broadcast %mul3A_823 : f32 to vector<128x1xf32>
    %mul3A_825 = arith.mulf %mul3A_824, %sub3A_818 : vector<128x1xf32>
    %add3A_826 = arith.addf %slice3A_810, %mul3A_825 : vector<128x1xf32>
    %jit3A_827 = arith.constant -4.000000e+00 : f32
    %jit3A_828 = arith.constant 4.000000e+00 : f32
    %max3A_829 = vector.broadcast %jit3A_827 : f32 to vector<128x1xf32>
    %max3A_830 = arith.maximumf %max3A_829, %slice3A_815 : vector<128x1xf32>
    %min3A_831 = vector.broadcast %jit3A_828 : f32 to vector<128x1xf32>
    %min3A_832 = arith.minimumf %min3A_831, %max3A_830 : vector<128x1xf32>
    %jit3A_833 = arith.constant -4.000000e+00 : f32
    %jit3A_834 = arith.constant 4.000000e+00 : f32
    %max3A_835 = vector.broadcast %jit3A_833 : f32 to vector<128x1xf32>
    %max3A_836 = arith.maximumf %max3A_835, %slice3A_816 : vector<128x1xf32>
    %min3A_837 = vector.broadcast %jit3A_834 : f32 to vector<128x1xf32>
    %min3A_838 = arith.minimumf %min3A_837, %max3A_836 : vector<128x1xf32>
    %mul3A_839 = arith.mulf %slice3A_813, %sub3A_817 : vector<128x1xf32>
    %add3A_840 = arith.addf %mul3A_839, %add3A_822 : vector<128x1xf32>
    %mul3A_841 = arith.mulf %slice3A_814, %sub3A_818 : vector<128x1xf32>
    %add3A_842 = arith.addf %mul3A_841, %add3A_826 : vector<128x1xf32>
    %exp3A_843 = math.exp %min3A_832 : vector<128x1xf32>
    %mul3A_844 = arith.mulf %exp3A_843, %sub3A_817 : vector<128x1xf32>
    %exp3A_845 = math.exp %min3A_838 : vector<128x1xf32>
    %mul3A_846 = arith.mulf %exp3A_845, %sub3A_818 : vector<128x1xf32>
    %mul3A_847 = arith.constant 5.000000e-01 : f32
    %mul3A_848 = vector.broadcast %mul3A_847 : f32 to vector<128x1xf32>
    %mul3A_849 = arith.mulf %mul3A_848, %mul3A_844 : vector<128x1xf32>
    %sub3A_850 = arith.subf %add3A_840, %mul3A_849 : vector<128x1xf32>
    %jit3A_851 = arith.constant 0.000000e+00 : f32
    %jit3A_852 = arith.constant 1.216000e+03 : f32
    %max3A_853 = vector.broadcast %jit3A_851 : f32 to vector<128x1xf32>
    %max3A_854 = arith.maximumf %max3A_853, %sub3A_850 : vector<128x1xf32>
    %min3A_855 = vector.broadcast %jit3A_852 : f32 to vector<128x1xf32>
    %min3A_856 = arith.minimumf %min3A_855, %max3A_854 : vector<128x1xf32>
    %mul3A_857 = arith.constant 5.000000e-01 : f32
    %mul3A_858 = vector.broadcast %mul3A_857 : f32 to vector<128x1xf32>
    %mul3A_859 = arith.mulf %mul3A_858, %mul3A_846 : vector<128x1xf32>
    %sub3A_860 = arith.subf %add3A_842, %mul3A_859 : vector<128x1xf32>
    %jit3A_861 = arith.constant 0.000000e+00 : f32
    %jit3A_862 = arith.constant 8.000000e+02 : f32
    %max3A_863 = vector.broadcast %jit3A_861 : f32 to vector<128x1xf32>
    %max3A_864 = arith.maximumf %max3A_863, %sub3A_860 : vector<128x1xf32>
    %min3A_865 = vector.broadcast %jit3A_862 : f32 to vector<128x1xf32>
    %min3A_866 = arith.minimumf %min3A_865, %max3A_864 : vector<128x1xf32>
    %mul3A_867 = arith.constant 5.000000e-01 : f32
    %mul3A_868 = vector.broadcast %mul3A_867 : f32 to vector<128x1xf32>
    %mul3A_869 = arith.mulf %mul3A_868, %mul3A_844 : vector<128x1xf32>
    %add3A_870 = arith.addf %add3A_840, %mul3A_869 : vector<128x1xf32>
    %jit3A_871 = arith.constant 0.000000e+00 : f32
    %jit3A_872 = arith.constant 1.216000e+03 : f32
    %max3A_873 = vector.broadcast %jit3A_871 : f32 to vector<128x1xf32>
    %max3A_874 = arith.maximumf %max3A_873, %add3A_870 : vector<128x1xf32>
    %min3A_875 = vector.broadcast %jit3A_872 : f32 to vector<128x1xf32>
    %min3A_876 = arith.minimumf %min3A_875, %max3A_874 : vector<128x1xf32>
    %mul3A_877 = arith.constant 5.000000e-01 : f32
    %mul3A_878 = vector.broadcast %mul3A_877 : f32 to vector<128x1xf32>
    %mul3A_879 = arith.mulf %mul3A_878, %mul3A_846 : vector<128x1xf32>
    %add3A_880 = arith.addf %add3A_842, %mul3A_879 : vector<128x1xf32>
    %jit3A_881 = arith.constant 0.000000e+00 : f32
    %jit3A_882 = arith.constant 8.000000e+02 : f32
    %max3A_883 = vector.broadcast %jit3A_881 : f32 to vector<128x1xf32>
    %max3A_884 = arith.maximumf %max3A_883, %add3A_880 : vector<128x1xf32>
    %min3A_885 = vector.broadcast %jit3A_882 : f32 to vector<128x1xf32>
    %min3A_886 = arith.minimumf %min3A_885, %max3A_884 : vector<128x1xf32>
    %concatenate3A_887 = tpu.concatenate %min3A_856, %min3A_866, %min3A_876, %min3A_886 in 1 : vector<128x1xf32>, vector<128x1xf32>, vector<128x1xf32>, vector<128x1xf32> -> vector<128x4xf32>
    %swap3A_888 = arith.constant 512 : index
    %swap3A_889 = arith.constant 0 : index
    %swap3A_890 = vector.load %arg4[%swap3A_888, %swap3A_889] : memref<2048x4xf32, #tpu.memory_space<vmem>>, vector<128x4xf32>
    tpu.vector_store %arg4[%swap3A_888, %swap3A_889], %concatenate3A_887 {strides = array<i32>} : memref<2048x4xf32, #tpu.memory_space<vmem>>, vector<128x4xf32>,
    %sub3A_891 = arith.subf %min3A_876, %min3A_856 : vector<128x1xf32>
    %sub3A_892 = arith.subf %min3A_886, %min3A_866 : vector<128x1xf32>
    %mul3A_893 = arith.mulf %sub3A_891, %sub3A_892 : vector<128x1xf32>
    %broadcast_in_dim3A_894 = arith.constant 0.000000e+00 : bf16
    %broadcast_in_dim3A_895 = vector.broadcast %broadcast_in_dim3A_894 : bf16 to vector<128x512xbf16>
    %swap3A_896 = arith.constant 512 : index
    %swap3A_897 = arith.constant 0 : index
    %swap3A_898 = vector.load %arg3[%swap3A_896, %swap3A_897] : memref<2048x2048xbf16, #tpu.memory_space<vmem>>, vector<128x512xbf16>
    tpu.vector_store %arg3[%swap3A_896, %swap3A_897], %broadcast_in_dim3A_895 {strides = array<i32>} : memref<2048x2048xbf16, #tpu.memory_space<vmem>>, vector<128x512xbf16>,
    %slice3A_899 = vector.extract_strided_slice %min3A_75 {offsets = [0, 512], sizes = [1, 128], strides = [1, 1]} : vector<1x2048xf32> to vector<1x128xf32>
    %min3A_900 = vector.broadcast %min3A_876 : vector<128x1xf32> to vector<128x128xf32>
    %min3A_901 = vector.broadcast %slice3A_899 : vector<1x128xf32> to vector<128x128xf32>
    %min3A_902 = arith.minimumf %min3A_900, %min3A_901 : vector<128x128xf32>
    %slice3A_903 = vector.extract_strided_slice %min3A_55 {offsets = [0, 512], sizes = [1, 128], strides = [1, 1]} : vector<1x2048xf32> to vector<1x128xf32>
    %max3A_904 = vector.broadcast %min3A_856 : vector<128x1xf32> to vector<128x128xf32>
    %max3A_905 = vector.broadcast %slice3A_903 : vector<1x128xf32> to vector<128x128xf32>
    %max3A_906 = arith.maximumf %max3A_904, %max3A_905 : vector<128x128xf32>
    %sub3A_907 = arith.subf %min3A_902, %max3A_906 : vector<128x128xf32>
    %jit3A_908 = arith.constant 0.000000e+00 : f32
    %max3A_909 = vector.broadcast %jit3A_908 : f32 to vector<128x128xf32>
    %max3A_910 = arith.maximumf %max3A_909, %sub3A_907 : vector<128x128xf32>
    %slice3A_911 = vector.extract_strided_slice %min3A_85 {offsets = [0, 512], sizes = [1, 128], strides = [1, 1]} : vector<1x2048xf32> to vector<1x128xf32>
    %min3A_912 = vector.broadcast %min3A_886 : vector<128x1xf32> to vector<128x128xf32>
    %min3A_913 = vector.broadcast %slice3A_911 : vector<1x128xf32> to vector<128x128xf32>
    %min3A_914 = arith.minimumf %min3A_912, %min3A_913 : vector<128x128xf32>
    %slice3A_915 = vector.extract_strided_slice %min3A_65 {offsets = [0, 512], sizes = [1, 128], strides = [1, 1]} : vector<1x2048xf32> to vector<1x128xf32>
    %max3A_916 = vector.broadcast %min3A_866 : vector<128x1xf32> to vector<128x128xf32>
    %max3A_917 = vector.broadcast %slice3A_915 : vector<1x128xf32> to vector<128x128xf32>
    %max3A_918 = arith.maximumf %max3A_916, %max3A_917 : vector<128x128xf32>
    %sub3A_919 = arith.subf %min3A_914, %max3A_918 : vector<128x128xf32>
    %jit3A_920 = arith.constant 0.000000e+00 : f32
    %max3A_921 = vector.broadcast %jit3A_920 : f32 to vector<128x128xf32>
    %max3A_922 = arith.maximumf %max3A_921, %sub3A_919 : vector<128x128xf32>
    %mul3A_923 = arith.mulf %max3A_910, %max3A_922 : vector<128x128xf32>
    %slice3A_924 = vector.extract_strided_slice %mul3A_88 {offsets = [0, 512], sizes = [1, 128], strides = [1, 1]} : vector<1x2048xf32> to vector<1x128xf32>
    %add3A_925 = vector.broadcast %mul3A_893 : vector<128x1xf32> to vector<128x128xf32>
    %add3A_926 = vector.broadcast %slice3A_924 : vector<1x128xf32> to vector<128x128xf32>
    %add3A_927 = arith.addf %add3A_925, %add3A_926 : vector<128x128xf32>
    %sub3A_928 = arith.subf %add3A_927, %mul3A_923 : vector<128x128xf32>
    %add3A_929 = arith.constant 9.99999971E-10 : f32
    %add3A_930 = vector.broadcast %add3A_929 : f32 to vector<128x128xf32>
    %add3A_931 = arith.addf %sub3A_928, %add3A_930 : vector<128x128xf32>
    %div3A_932 = arith.divf %mul3A_923, %add3A_931 : vector<128x128xf32>
    %iota3A_933 = tpu.iota {dimensions = array<i32: 0>} : vector<128x128xi32>
    %iota3A_934 = tpu.iota {dimensions = array<i32: 1>} : vector<128x128xi32>
    %gt3A_935 = arith.constant 0.699999988 : f32
    %gt3A_936 = vector.broadcast %gt3A_935 : f32 to vector<128x128xf32>
    %gt3A_937 = arith.cmpf ogt, %div3A_932, %gt3A_936 : vector<128x128xf32>
    %lt3A_938 = arith.cmpi slt, %iota3A_933, %iota3A_934 : vector<128x128xi32>
    %and3A_939 = arith.andi %gt3A_937, %lt3A_938 : vector<128x128xi1>
    %convert_element_type3A_940 = arith.extui %and3A_939 : vector<128x128xi1> to vector<128x128xi32>
    %convert_element_type3A_941 = arith.sitofp %convert_element_type3A_940 : vector<128x128xi32> to vector<128x128xf32>
    %convert_element_type3A_942 = arith.truncf %convert_element_type3A_941 : vector<128x128xf32> to vector<128x128xbf16>
    %swap3A_943 = arith.constant 512 : index
    %swap3A_944 = arith.constant 512 : index
    %swap3A_945 = vector.load %arg3[%swap3A_943, %swap3A_944] : memref<2048x2048xbf16, #tpu.memory_space<vmem>>, vector<128x128xbf16>
    tpu.vector_store %arg3[%swap3A_943, %swap3A_944], %convert_element_type3A_942 {strides = array<i32>} : memref<2048x2048xbf16, #tpu.memory_space<vmem>>, vector<128x128xbf16>,
    %slice3A_946 = vector.extract_strided_slice %min3A_75 {offsets = [0, 640], sizes = [1, 1408], strides = [1, 1]} : vector<1x2048xf32> to vector<1x1408xf32>
    %min3A_947 = vector.broadcast %min3A_876 : vector<128x1xf32> to vector<128x1408xf32>
    %min3A_948 = vector.broadcast %slice3A_946 : vector<1x1408xf32> to vector<128x1408xf32>
    %min3A_949 = arith.minimumf %min3A_947, %min3A_948 : vector<128x1408xf32>
    %slice3A_950 = vector.extract_strided_slice %min3A_55 {offsets = [0, 640], sizes = [1, 1408], strides = [1, 1]} : vector<1x2048xf32> to vector<1x1408xf32>
    %max3A_951 = vector.broadcast %min3A_856 : vector<128x1xf32> to vector<128x1408xf32>
    %max3A_952 = vector.broadcast %slice3A_950 : vector<1x1408xf32> to vector<128x1408xf32>
    %max3A_953 = arith.maximumf %max3A_951, %max3A_952 : vector<128x1408xf32>
    %sub3A_954 = arith.subf %min3A_949, %max3A_953 : vector<128x1408xf32>
    %jit3A_955 = arith.constant 0.000000e+00 : f32
    %max3A_956 = vector.broadcast %jit3A_955 : f32 to vector<128x1408xf32>
    %max3A_957 = arith.maximumf %max3A_956, %sub3A_954 : vector<128x1408xf32>
    %slice3A_958 = vector.extract_strided_slice %min3A_85 {offsets = [0, 640], sizes = [1, 1408], strides = [1, 1]} : vector<1x2048xf32> to vector<1x1408xf32>
    %min3A_959 = vector.broadcast %min3A_886 : vector<128x1xf32> to vector<128x1408xf32>
    %min3A_960 = vector.broadcast %slice3A_958 : vector<1x1408xf32> to vector<128x1408xf32>
    %min3A_961 = arith.minimumf %min3A_959, %min3A_960 : vector<128x1408xf32>
    %slice3A_962 = vector.extract_strided_slice %min3A_65 {offsets = [0, 640], sizes = [1, 1408], strides = [1, 1]} : vector<1x2048xf32> to vector<1x1408xf32>
    %max3A_963 = vector.broadcast %min3A_866 : vector<128x1xf32> to vector<128x1408xf32>
    %max3A_964 = vector.broadcast %slice3A_962 : vector<1x1408xf32> to vector<128x1408xf32>
    %max3A_965 = arith.maximumf %max3A_963, %max3A_964 : vector<128x1408xf32>
    %sub3A_966 = arith.subf %min3A_961, %max3A_965 : vector<128x1408xf32>
    %jit3A_967 = arith.constant 0.000000e+00 : f32
    %max3A_968 = vector.broadcast %jit3A_967 : f32 to vector<128x1408xf32>
    %max3A_969 = arith.maximumf %max3A_968, %sub3A_966 : vector<128x1408xf32>
    %mul3A_970 = arith.mulf %max3A_957, %max3A_969 : vector<128x1408xf32>
    %slice3A_971 = vector.extract_strided_slice %mul3A_88 {offsets = [0, 640], sizes = [1, 1408], strides = [1, 1]} : vector<1x2048xf32> to vector<1x1408xf32>
    %add3A_972 = vector.broadcast %mul3A_893 : vector<128x1xf32> to vector<128x1408xf32>
    %add3A_973 = vector.broadcast %slice3A_971 : vector<1x1408xf32> to vector<128x1408xf32>
    %add3A_974 = arith.addf %add3A_972, %add3A_973 : vector<128x1408xf32>
    %sub3A_975 = arith.subf %add3A_974, %mul3A_970 : vector<128x1408xf32>
    %add3A_976 = arith.constant 9.99999971E-10 : f32
    %add3A_977 = vector.broadcast %add3A_976 : f32 to vector<128x1408xf32>
    %add3A_978 = arith.addf %sub3A_975, %add3A_977 : vector<128x1408xf32>
    %div3A_979 = arith.divf %mul3A_970, %add3A_978 : vector<128x1408xf32>
    %gt3A_980 = arith.constant 0.699999988 : f32
    %gt3A_981 = vector.broadcast %gt3A_980 : f32 to vector<128x1408xf32>
    %gt3A_982 = arith.cmpf ogt, %div3A_979, %gt3A_981 : vector<128x1408xf32>
    %convert_element_type3A_983 = arith.extui %gt3A_982 : vector<128x1408xi1> to vector<128x1408xi32>
    %convert_element_type3A_984 = arith.sitofp %convert_element_type3A_983 : vector<128x1408xi32> to vector<128x1408xf32>
    %convert_element_type3A_985 = arith.truncf %convert_element_type3A_984 : vector<128x1408xf32> to vector<128x1408xbf16>
    %swap3A_986 = arith.constant 512 : index
    %swap3A_987 = arith.constant 640 : index
    %swap3A_988 = vector.load %arg3[%swap3A_986, %swap3A_987] : memref<2048x2048xbf16, #tpu.memory_space<vmem>>, vector<128x1408xbf16>
    tpu.vector_store %arg3[%swap3A_986, %swap3A_987], %convert_element_type3A_985 {strides = array<i32>} : memref<2048x2048xbf16, #tpu.memory_space<vmem>>, vector<128x1408xbf16>,
    %get3A_989 = arith.constant 640 : index
    %get3A_990 = arith.constant 0 : index
    %get3A_991 = vector.load %arg0[%get3A_989, %get3A_990] : memref<2048x16xf32, #tpu.memory_space<vmem>>, vector<128x16xf32>
    %slice3A_992 = vector.extract_strided_slice %get3A_991 {offsets = [0, 0], sizes = [128, 1], strides = [1, 1]} : vector<128x16xf32> to vector<128x1xf32>
    %slice3A_993 = vector.extract_strided_slice %get3A_991 {offsets = [0, 1], sizes = [128, 1], strides = [1, 1]} : vector<128x16xf32> to vector<128x1xf32>
    %slice3A_994 = vector.extract_strided_slice %get3A_991 {offsets = [0, 2], sizes = [128, 1], strides = [1, 1]} : vector<128x16xf32> to vector<128x1xf32>
    %slice3A_995 = vector.extract_strided_slice %get3A_991 {offsets = [0, 3], sizes = [128, 1], strides = [1, 1]} : vector<128x16xf32> to vector<128x1xf32>
    %slice3A_996 = vector.extract_strided_slice %get3A_991 {offsets = [0, 4], sizes = [128, 1], strides = [1, 1]} : vector<128x16xf32> to vector<128x1xf32>
    %slice3A_997 = vector.extract_strided_slice %get3A_991 {offsets = [0, 5], sizes = [128, 1], strides = [1, 1]} : vector<128x16xf32> to vector<128x1xf32>
    %slice3A_998 = vector.extract_strided_slice %get3A_991 {offsets = [0, 6], sizes = [128, 1], strides = [1, 1]} : vector<128x16xf32> to vector<128x1xf32>
    %slice3A_999 = vector.extract_strided_slice %get3A_991 {offsets = [0, 7], sizes = [128, 1], strides = [1, 1]} : vector<128x16xf32> to vector<128x1xf32>
    %sub3A_1000 = arith.subf %slice3A_994, %slice3A_992 : vector<128x1xf32>
    %sub3A_1001 = arith.subf %slice3A_995, %slice3A_993 : vector<128x1xf32>
    %mul3A_1002 = arith.constant 5.000000e-01 : f32
    %mul3A_1003 = vector.broadcast %mul3A_1002 : f32 to vector<128x1xf32>
    %mul3A_1004 = arith.mulf %mul3A_1003, %sub3A_1000 : vector<128x1xf32>
    %add3A_1005 = arith.addf %slice3A_992, %mul3A_1004 : vector<128x1xf32>
    %mul3A_1006 = arith.constant 5.000000e-01 : f32
    %mul3A_1007 = vector.broadcast %mul3A_1006 : f32 to vector<128x1xf32>
    %mul3A_1008 = arith.mulf %mul3A_1007, %sub3A_1001 : vector<128x1xf32>
    %add3A_1009 = arith.addf %slice3A_993, %mul3A_1008 : vector<128x1xf32>
    %jit3A_1010 = arith.constant -4.000000e+00 : f32
    %jit3A_1011 = arith.constant 4.000000e+00 : f32
    %max3A_1012 = vector.broadcast %jit3A_1010 : f32 to vector<128x1xf32>
    %max3A_1013 = arith.maximumf %max3A_1012, %slice3A_998 : vector<128x1xf32>
    %min3A_1014 = vector.broadcast %jit3A_1011 : f32 to vector<128x1xf32>
    %min3A_1015 = arith.minimumf %min3A_1014, %max3A_1013 : vector<128x1xf32>
    %jit3A_1016 = arith.constant -4.000000e+00 : f32
    %jit3A_1017 = arith.constant 4.000000e+00 : f32
    %max3A_1018 = vector.broadcast %jit3A_1016 : f32 to vector<128x1xf32>
    %max3A_1019 = arith.maximumf %max3A_1018, %slice3A_999 : vector<128x1xf32>
    %min3A_1020 = vector.broadcast %jit3A_1017 : f32 to vector<128x1xf32>
    %min3A_1021 = arith.minimumf %min3A_1020, %max3A_1019 : vector<128x1xf32>
    %mul3A_1022 = arith.mulf %slice3A_996, %sub3A_1000 : vector<128x1xf32>
    %add3A_1023 = arith.addf %mul3A_1022, %add3A_1005 : vector<128x1xf32>
    %mul3A_1024 = arith.mulf %slice3A_997, %sub3A_1001 : vector<128x1xf32>
    %add3A_1025 = arith.addf %mul3A_1024, %add3A_1009 : vector<128x1xf32>
    %exp3A_1026 = math.exp %min3A_1015 : vector<128x1xf32>
    %mul3A_1027 = arith.mulf %exp3A_1026, %sub3A_1000 : vector<128x1xf32>
    %exp3A_1028 = math.exp %min3A_1021 : vector<128x1xf32>
    %mul3A_1029 = arith.mulf %exp3A_1028, %sub3A_1001 : vector<128x1xf32>
    %mul3A_1030 = arith.constant 5.000000e-01 : f32
    %mul3A_1031 = vector.broadcast %mul3A_1030 : f32 to vector<128x1xf32>
    %mul3A_1032 = arith.mulf %mul3A_1031, %mul3A_1027 : vector<128x1xf32>
    %sub3A_1033 = arith.subf %add3A_1023, %mul3A_1032 : vector<128x1xf32>
    %jit3A_1034 = arith.constant 0.000000e+00 : f32
    %jit3A_1035 = arith.constant 1.216000e+03 : f32
    %max3A_1036 = vector.broadcast %jit3A_1034 : f32 to vector<128x1xf32>
    %max3A_1037 = arith.maximumf %max3A_1036, %sub3A_1033 : vector<128x1xf32>
    %min3A_1038 = vector.broadcast %jit3A_1035 : f32 to vector<128x1xf32>
    %min3A_1039 = arith.minimumf %min3A_1038, %max3A_1037 : vector<128x1xf32>
    %mul3A_1040 = arith.constant 5.000000e-01 : f32
    %mul3A_1041 = vector.broadcast %mul3A_1040 : f32 to vector<128x1xf32>
    %mul3A_1042 = arith.mulf %mul3A_1041, %mul3A_1029 : vector<128x1xf32>
    %sub3A_1043 = arith.subf %add3A_1025, %mul3A_1042 : vector<128x1xf32>
    %jit3A_1044 = arith.constant 0.000000e+00 : f32
    %jit3A_1045 = arith.constant 8.000000e+02 : f32
    %max3A_1046 = vector.broadcast %jit3A_1044 : f32 to vector<128x1xf32>
    %max3A_1047 = arith.maximumf %max3A_1046, %sub3A_1043 : vector<128x1xf32>
    %min3A_1048 = vector.broadcast %jit3A_1045 : f32 to vector<128x1xf32>
    %min3A_1049 = arith.minimumf %min3A_1048, %max3A_1047 : vector<128x1xf32>
    %mul3A_1050 = arith.constant 5.000000e-01 : f32
    %mul3A_1051 = vector.broadcast %mul3A_1050 : f32 to vector<128x1xf32>
    %mul3A_1052 = arith.mulf %mul3A_1051, %mul3A_1027 : vector<128x1xf32>
    %add3A_1053 = arith.addf %add3A_1023, %mul3A_1052 : vector<128x1xf32>
    %jit3A_1054 = arith.constant 0.000000e+00 : f32
    %jit3A_1055 = arith.constant 1.216000e+03 : f32
    %max3A_1056 = vector.broadcast %jit3A_1054 : f32 to vector<128x1xf32>
    %max3A_1057 = arith.maximumf %max3A_1056, %add3A_1053 : vector<128x1xf32>
    %min3A_1058 = vector.broadcast %jit3A_1055 : f32 to vector<128x1xf32>
    %min3A_1059 = arith.minimumf %min3A_1058, %max3A_1057 : vector<128x1xf32>
    %mul3A_1060 = arith.constant 5.000000e-01 : f32
    %mul3A_1061 = vector.broadcast %mul3A_1060 : f32 to vector<128x1xf32>
    %mul3A_1062 = arith.mulf %mul3A_1061, %mul3A_1029 : vector<128x1xf32>
    %add3A_1063 = arith.addf %add3A_1025, %mul3A_1062 : vector<128x1xf32>
    %jit3A_1064 = arith.constant 0.000000e+00 : f32
    %jit3A_1065 = arith.constant 8.000000e+02 : f32
    %max3A_1066 = vector.broadcast %jit3A_1064 : f32 to vector<128x1xf32>
    %max3A_1067 = arith.maximumf %max3A_1066, %add3A_1063 : vector<128x1xf32>
    %min3A_1068 = vector.broadcast %jit3A_1065 : f32 to vector<128x1xf32>
    %min3A_1069 = arith.minimumf %min3A_1068, %max3A_1067 : vector<128x1xf32>
    %concatenate3A_1070 = tpu.concatenate %min3A_1039, %min3A_1049, %min3A_1059, %min3A_1069 in 1 : vector<128x1xf32>, vector<128x1xf32>, vector<128x1xf32>, vector<128x1xf32> -> vector<128x4xf32>
    %swap3A_1071 = arith.constant 640 : index
    %swap3A_1072 = arith.constant 0 : index
    %swap3A_1073 = vector.load %arg4[%swap3A_1071, %swap3A_1072] : memref<2048x4xf32, #tpu.memory_space<vmem>>, vector<128x4xf32>
    tpu.vector_store %arg4[%swap3A_1071, %swap3A_1072], %concatenate3A_1070 {strides = array<i32>} : memref<2048x4xf32, #tpu.memory_space<vmem>>, vector<128x4xf32>,
    %sub3A_1074 = arith.subf %min3A_1059, %min3A_1039 : vector<128x1xf32>
    %sub3A_1075 = arith.subf %min3A_1069, %min3A_1049 : vector<128x1xf32>
    %mul3A_1076 = arith.mulf %sub3A_1074, %sub3A_1075 : vector<128x1xf32>
    %broadcast_in_dim3A_1077 = arith.constant 0.000000e+00 : bf16
    %broadcast_in_dim3A_1078 = vector.broadcast %broadcast_in_dim3A_1077 : bf16 to vector<128x640xbf16>
    %swap3A_1079 = arith.constant 640 : index
    %swap3A_1080 = arith.constant 0 : index
    %swap3A_1081 = vector.load %arg3[%swap3A_1079, %swap3A_1080] : memref<2048x2048xbf16, #tpu.memory_space<vmem>>, vector<128x640xbf16>
    tpu.vector_store %arg3[%swap3A_1079, %swap3A_1080], %broadcast_in_dim3A_1078 {strides = array<i32>} : memref<2048x2048xbf16, #tpu.memory_space<vmem>>, vector<128x640xbf16>,
    %slice3A_1082 = vector.extract_strided_slice %min3A_75 {offsets = [0, 640], sizes = [1, 128], strides = [1, 1]} : vector<1x2048xf32> to vector<1x128xf32>
    %min3A_1083 = vector.broadcast %min3A_1059 : vector<128x1xf32> to vector<128x128xf32>
    %min3A_1084 = vector.broadcast %slice3A_1082 : vector<1x128xf32> to vector<128x128xf32>
    %min3A_1085 = arith.minimumf %min3A_1083, %min3A_1084 : vector<128x128xf32>
    %slice3A_1086 = vector.extract_strided_slice %min3A_55 {offsets = [0, 640], sizes = [1, 128], strides = [1, 1]} : vector<1x2048xf32> to vector<1x128xf32>
    %max3A_1087 = vector.broadcast %min3A_1039 : vector<128x1xf32> to vector<128x128xf32>
    %max3A_1088 = vector.broadcast %slice3A_1086 : vector<1x128xf32> to vector<128x128xf32>
    %max3A_1089 = arith.maximumf %max3A_1087, %max3A_1088 : vector<128x128xf32>
    %sub3A_1090 = arith.subf %min3A_1085, %max3A_1089 : vector<128x128xf32>
    %jit3A_1091 = arith.constant 0.000000e+00 : f32
    %max3A_1092 = vector.broadcast %jit3A_1091 : f32 to vector<128x128xf32>
    %max3A_1093 = arith.maximumf %max3A_1092, %sub3A_1090 : vector<128x128xf32>
    %slice3A_1094 = vector.extract_strided_slice %min3A_85 {offsets = [0, 640], sizes = [1, 128], strides = [1, 1]} : vector<1x2048xf32> to vector<1x128xf32>
    %min3A_1095 = vector.broadcast %min3A_1069 : vector<128x1xf32> to vector<128x128xf32>
    %min3A_1096 = vector.broadcast %slice3A_1094 : vector<1x128xf32> to vector<128x128xf32>
    %min3A_1097 = arith.minimumf %min3A_1095, %min3A_1096 : vector<128x128xf32>
    %slice3A_1098 = vector.extract_strided_slice %min3A_65 {offsets = [0, 640], sizes = [1, 128], strides = [1, 1]} : vector<1x2048xf32> to vector<1x128xf32>
    %max3A_1099 = vector.broadcast %min3A_1049 : vector<128x1xf32> to vector<128x128xf32>
    %max3A_1100 = vector.broadcast %slice3A_1098 : vector<1x128xf32> to vector<128x128xf32>
    %max3A_1101 = arith.maximumf %max3A_1099, %max3A_1100 : vector<128x128xf32>
    %sub3A_1102 = arith.subf %min3A_1097, %max3A_1101 : vector<128x128xf32>
    %jit3A_1103 = arith.constant 0.000000e+00 : f32
    %max3A_1104 = vector.broadcast %jit3A_1103 : f32 to vector<128x128xf32>
    %max3A_1105 = arith.maximumf %max3A_1104, %sub3A_1102 : vector<128x128xf32>
    %mul3A_1106 = arith.mulf %max3A_1093, %max3A_1105 : vector<128x128xf32>
    %slice3A_1107 = vector.extract_strided_slice %mul3A_88 {offsets = [0, 640], sizes = [1, 128], strides = [1, 1]} : vector<1x2048xf32> to vector<1x128xf32>
    %add3A_1108 = vector.broadcast %mul3A_1076 : vector<128x1xf32> to vector<128x128xf32>
    %add3A_1109 = vector.broadcast %slice3A_1107 : vector<1x128xf32> to vector<128x128xf32>
    %add3A_1110 = arith.addf %add3A_1108, %add3A_1109 : vector<128x128xf32>
    %sub3A_1111 = arith.subf %add3A_1110, %mul3A_1106 : vector<128x128xf32>
    %add3A_1112 = arith.constant 9.99999971E-10 : f32
    %add3A_1113 = vector.broadcast %add3A_1112 : f32 to vector<128x128xf32>
    %add3A_1114 = arith.addf %sub3A_1111, %add3A_1113 : vector<128x128xf32>
    %div3A_1115 = arith.divf %mul3A_1106, %add3A_1114 : vector<128x128xf32>
    %iota3A_1116 = tpu.iota {dimensions = array<i32: 0>} : vector<128x128xi32>
    %iota3A_1117 = tpu.iota {dimensions = array<i32: 1>} : vector<128x128xi32>
    %gt3A_1118 = arith.constant 0.699999988 : f32
    %gt3A_1119 = vector.broadcast %gt3A_1118 : f32 to vector<128x128xf32>
    %gt3A_1120 = arith.cmpf ogt, %div3A_1115, %gt3A_1119 : vector<128x128xf32>
    %lt3A_1121 = arith.cmpi slt, %iota3A_1116, %iota3A_1117 : vector<128x128xi32>
    %and3A_1122 = arith.andi %gt3A_1120, %lt3A_1121 : vector<128x128xi1>
    %convert_element_type3A_1123 = arith.extui %and3A_1122 : vector<128x128xi1> to vector<128x128xi32>
    %convert_element_type3A_1124 = arith.sitofp %convert_element_type3A_1123 : vector<128x128xi32> to vector<128x128xf32>
    %convert_element_type3A_1125 = arith.truncf %convert_element_type3A_1124 : vector<128x128xf32> to vector<128x128xbf16>
    %swap3A_1126 = arith.constant 640 : index
    %swap3A_1127 = arith.constant 640 : index
    %swap3A_1128 = vector.load %arg3[%swap3A_1126, %swap3A_1127] : memref<2048x2048xbf16, #tpu.memory_space<vmem>>, vector<128x128xbf16>
    tpu.vector_store %arg3[%swap3A_1126, %swap3A_1127], %convert_element_type3A_1125 {strides = array<i32>} : memref<2048x2048xbf16, #tpu.memory_space<vmem>>, vector<128x128xbf16>,
    %slice3A_1129 = vector.extract_strided_slice %min3A_75 {offsets = [0, 768], sizes = [1, 1280], strides = [1, 1]} : vector<1x2048xf32> to vector<1x1280xf32>
    %min3A_1130 = vector.broadcast %min3A_1059 : vector<128x1xf32> to vector<128x1280xf32>
    %min3A_1131 = vector.broadcast %slice3A_1129 : vector<1x1280xf32> to vector<128x1280xf32>
    %min3A_1132 = arith.minimumf %min3A_1130, %min3A_1131 : vector<128x1280xf32>
    %slice3A_1133 = vector.extract_strided_slice %min3A_55 {offsets = [0, 768], sizes = [1, 1280], strides = [1, 1]} : vector<1x2048xf32> to vector<1x1280xf32>
    %max3A_1134 = vector.broadcast %min3A_1039 : vector<128x1xf32> to vector<128x1280xf32>
    %max3A_1135 = vector.broadcast %slice3A_1133 : vector<1x1280xf32> to vector<128x1280xf32>
    %max3A_1136 = arith.maximumf %max3A_1134, %max3A_1135 : vector<128x1280xf32>
    %sub3A_1137 = arith.subf %min3A_1132, %max3A_1136 : vector<128x1280xf32>
    %jit3A_1138 = arith.constant 0.000000e+00 : f32
    %max3A_1139 = vector.broadcast %jit3A_1138 : f32 to vector<128x1280xf32>
    %max3A_1140 = arith.maximumf %max3A_1139, %sub3A_1137 : vector<128x1280xf32>
    %slice3A_1141 = vector.extract_strided_slice %min3A_85 {offsets = [0, 768], sizes = [1, 1280], strides = [1, 1]} : vector<1x2048xf32> to vector<1x1280xf32>
    %min3A_1142 = vector.broadcast %min3A_1069 : vector<128x1xf32> to vector<128x1280xf32>
    %min3A_1143 = vector.broadcast %slice3A_1141 : vector<1x1280xf32> to vector<128x1280xf32>
    %min3A_1144 = arith.minimumf %min3A_1142, %min3A_1143 : vector<128x1280xf32>
    %slice3A_1145 = vector.extract_strided_slice %min3A_65 {offsets = [0, 768], sizes = [1, 1280], strides = [1, 1]} : vector<1x2048xf32> to vector<1x1280xf32>
    %max3A_1146 = vector.broadcast %min3A_1049 : vector<128x1xf32> to vector<128x1280xf32>
    %max3A_1147 = vector.broadcast %slice3A_1145 : vector<1x1280xf32> to vector<128x1280xf32>
    %max3A_1148 = arith.maximumf %max3A_1146, %max3A_1147 : vector<128x1280xf32>
    %sub3A_1149 = arith.subf %min3A_1144, %max3A_1148 : vector<128x1280xf32>
    %jit3A_1150 = arith.constant 0.000000e+00 : f32
    %max3A_1151 = vector.broadcast %jit3A_1150 : f32 to vector<128x1280xf32>
    %max3A_1152 = arith.maximumf %max3A_1151, %sub3A_1149 : vector<128x1280xf32>
    %mul3A_1153 = arith.mulf %max3A_1140, %max3A_1152 : vector<128x1280xf32>
    %slice3A_1154 = vector.extract_strided_slice %mul3A_88 {offsets = [0, 768], sizes = [1, 1280], strides = [1, 1]} : vector<1x2048xf32> to vector<1x1280xf32>
    %add3A_1155 = vector.broadcast %mul3A_1076 : vector<128x1xf32> to vector<128x1280xf32>
    %add3A_1156 = vector.broadcast %slice3A_1154 : vector<1x1280xf32> to vector<128x1280xf32>
    %add3A_1157 = arith.addf %add3A_1155, %add3A_1156 : vector<128x1280xf32>
    %sub3A_1158 = arith.subf %add3A_1157, %mul3A_1153 : vector<128x1280xf32>
    %add3A_1159 = arith.constant 9.99999971E-10 : f32
    %add3A_1160 = vector.broadcast %add3A_1159 : f32 to vector<128x1280xf32>
    %add3A_1161 = arith.addf %sub3A_1158, %add3A_1160 : vector<128x1280xf32>
    %div3A_1162 = arith.divf %mul3A_1153, %add3A_1161 : vector<128x1280xf32>
    %gt3A_1163 = arith.constant 0.699999988 : f32
    %gt3A_1164 = vector.broadcast %gt3A_1163 : f32 to vector<128x1280xf32>
    %gt3A_1165 = arith.cmpf ogt, %div3A_1162, %gt3A_1164 : vector<128x1280xf32>
    %convert_element_type3A_1166 = arith.extui %gt3A_1165 : vector<128x1280xi1> to vector<128x1280xi32>
    %convert_element_type3A_1167 = arith.sitofp %convert_element_type3A_1166 : vector<128x1280xi32> to vector<128x1280xf32>
    %convert_element_type3A_1168 = arith.truncf %convert_element_type3A_1167 : vector<128x1280xf32> to vector<128x1280xbf16>
    %swap3A_1169 = arith.constant 640 : index
    %swap3A_1170 = arith.constant 768 : index
    %swap3A_1171 = vector.load %arg3[%swap3A_1169, %swap3A_1170] : memref<2048x2048xbf16, #tpu.memory_space<vmem>>, vector<128x1280xbf16>
    tpu.vector_store %arg3[%swap3A_1169, %swap3A_1170], %convert_element_type3A_1168 {strides = array<i32>} : memref<2048x2048xbf16, #tpu.memory_space<vmem>>, vector<128x1280xbf16>,
    %get3A_1172 = arith.constant 768 : index
    %get3A_1173 = arith.constant 0 : index
    %get3A_1174 = vector.load %arg0[%get3A_1172, %get3A_1173] : memref<2048x16xf32, #tpu.memory_space<vmem>>, vector<128x16xf32>
    %slice3A_1175 = vector.extract_strided_slice %get3A_1174 {offsets = [0, 0], sizes = [128, 1], strides = [1, 1]} : vector<128x16xf32> to vector<128x1xf32>
    %slice3A_1176 = vector.extract_strided_slice %get3A_1174 {offsets = [0, 1], sizes = [128, 1], strides = [1, 1]} : vector<128x16xf32> to vector<128x1xf32>
    %slice3A_1177 = vector.extract_strided_slice %get3A_1174 {offsets = [0, 2], sizes = [128, 1], strides = [1, 1]} : vector<128x16xf32> to vector<128x1xf32>
    %slice3A_1178 = vector.extract_strided_slice %get3A_1174 {offsets = [0, 3], sizes = [128, 1], strides = [1, 1]} : vector<128x16xf32> to vector<128x1xf32>
    %slice3A_1179 = vector.extract_strided_slice %get3A_1174 {offsets = [0, 4], sizes = [128, 1], strides = [1, 1]} : vector<128x16xf32> to vector<128x1xf32>
    %slice3A_1180 = vector.extract_strided_slice %get3A_1174 {offsets = [0, 5], sizes = [128, 1], strides = [1, 1]} : vector<128x16xf32> to vector<128x1xf32>
    %slice3A_1181 = vector.extract_strided_slice %get3A_1174 {offsets = [0, 6], sizes = [128, 1], strides = [1, 1]} : vector<128x16xf32> to vector<128x1xf32>
    %slice3A_1182 = vector.extract_strided_slice %get3A_1174 {offsets = [0, 7], sizes = [128, 1], strides = [1, 1]} : vector<128x16xf32> to vector<128x1xf32>
    %sub3A_1183 = arith.subf %slice3A_1177, %slice3A_1175 : vector<128x1xf32>
    %sub3A_1184 = arith.subf %slice3A_1178, %slice3A_1176 : vector<128x1xf32>
    %mul3A_1185 = arith.constant 5.000000e-01 : f32
    %mul3A_1186 = vector.broadcast %mul3A_1185 : f32 to vector<128x1xf32>
    %mul3A_1187 = arith.mulf %mul3A_1186, %sub3A_1183 : vector<128x1xf32>
    %add3A_1188 = arith.addf %slice3A_1175, %mul3A_1187 : vector<128x1xf32>
    %mul3A_1189 = arith.constant 5.000000e-01 : f32
    %mul3A_1190 = vector.broadcast %mul3A_1189 : f32 to vector<128x1xf32>
    %mul3A_1191 = arith.mulf %mul3A_1190, %sub3A_1184 : vector<128x1xf32>
    %add3A_1192 = arith.addf %slice3A_1176, %mul3A_1191 : vector<128x1xf32>
    %jit3A_1193 = arith.constant -4.000000e+00 : f32
    %jit3A_1194 = arith.constant 4.000000e+00 : f32
    %max3A_1195 = vector.broadcast %jit3A_1193 : f32 to vector<128x1xf32>
    %max3A_1196 = arith.maximumf %max3A_1195, %slice3A_1181 : vector<128x1xf32>
    %min3A_1197 = vector.broadcast %jit3A_1194 : f32 to vector<128x1xf32>
    %min3A_1198 = arith.minimumf %min3A_1197, %max3A_1196 : vector<128x1xf32>
    %jit3A_1199 = arith.constant -4.000000e+00 : f32
    %jit3A_1200 = arith.constant 4.000000e+00 : f32
    %max3A_1201 = vector.broadcast %jit3A_1199 : f32 to vector<128x1xf32>
    %max3A_1202 = arith.maximumf %max3A_1201, %slice3A_1182 : vector<128x1xf32>
    %min3A_1203 = vector.broadcast %jit3A_1200 : f32 to vector<128x1xf32>
    %min3A_1204 = arith.minimumf %min3A_1203, %max3A_1202 : vector<128x1xf32>
    %mul3A_1205 = arith.mulf %slice3A_1179, %sub3A_1183 : vector<128x1xf32>
    %add3A_1206 = arith.addf %mul3A_1205, %add3A_1188 : vector<128x1xf32>
    %mul3A_1207 = arith.mulf %slice3A_1180, %sub3A_1184 : vector<128x1xf32>
    %add3A_1208 = arith.addf %mul3A_1207, %add3A_1192 : vector<128x1xf32>
    %exp3A_1209 = math.exp %min3A_1198 : vector<128x1xf32>
    %mul3A_1210 = arith.mulf %exp3A_1209, %sub3A_1183 : vector<128x1xf32>
    %exp3A_1211 = math.exp %min3A_1204 : vector<128x1xf32>
    %mul3A_1212 = arith.mulf %exp3A_1211, %sub3A_1184 : vector<128x1xf32>
    %mul3A_1213 = arith.constant 5.000000e-01 : f32
    %mul3A_1214 = vector.broadcast %mul3A_1213 : f32 to vector<128x1xf32>
    %mul3A_1215 = arith.mulf %mul3A_1214, %mul3A_1210 : vector<128x1xf32>
    %sub3A_1216 = arith.subf %add3A_1206, %mul3A_1215 : vector<128x1xf32>
    %jit3A_1217 = arith.constant 0.000000e+00 : f32
    %jit3A_1218 = arith.constant 1.216000e+03 : f32
    %max3A_1219 = vector.broadcast %jit3A_1217 : f32 to vector<128x1xf32>
    %max3A_1220 = arith.maximumf %max3A_1219, %sub3A_1216 : vector<128x1xf32>
    %min3A_1221 = vector.broadcast %jit3A_1218 : f32 to vector<128x1xf32>
    %min3A_1222 = arith.minimumf %min3A_1221, %max3A_1220 : vector<128x1xf32>
    %mul3A_1223 = arith.constant 5.000000e-01 : f32
    %mul3A_1224 = vector.broadcast %mul3A_1223 : f32 to vector<128x1xf32>
    %mul3A_1225 = arith.mulf %mul3A_1224, %mul3A_1212 : vector<128x1xf32>
    %sub3A_1226 = arith.subf %add3A_1208, %mul3A_1225 : vector<128x1xf32>
    %jit3A_1227 = arith.constant 0.000000e+00 : f32
    %jit3A_1228 = arith.constant 8.000000e+02 : f32
    %max3A_1229 = vector.broadcast %jit3A_1227 : f32 to vector<128x1xf32>
    %max3A_1230 = arith.maximumf %max3A_1229, %sub3A_1226 : vector<128x1xf32>
    %min3A_1231 = vector.broadcast %jit3A_1228 : f32 to vector<128x1xf32>
    %min3A_1232 = arith.minimumf %min3A_1231, %max3A_1230 : vector<128x1xf32>
    %mul3A_1233 = arith.constant 5.000000e-01 : f32
    %mul3A_1234 = vector.broadcast %mul3A_1233 : f32 to vector<128x1xf32>
    %mul3A_1235 = arith.mulf %mul3A_1234, %mul3A_1210 : vector<128x1xf32>
    %add3A_1236 = arith.addf %add3A_1206, %mul3A_1235 : vector<128x1xf32>
    %jit3A_1237 = arith.constant 0.000000e+00 : f32
    %jit3A_1238 = arith.constant 1.216000e+03 : f32
    %max3A_1239 = vector.broadcast %jit3A_1237 : f32 to vector<128x1xf32>
    %max3A_1240 = arith.maximumf %max3A_1239, %add3A_1236 : vector<128x1xf32>
    %min3A_1241 = vector.broadcast %jit3A_1238 : f32 to vector<128x1xf32>
    %min3A_1242 = arith.minimumf %min3A_1241, %max3A_1240 : vector<128x1xf32>
    %mul3A_1243 = arith.constant 5.000000e-01 : f32
    %mul3A_1244 = vector.broadcast %mul3A_1243 : f32 to vector<128x1xf32>
    %mul3A_1245 = arith.mulf %mul3A_1244, %mul3A_1212 : vector<128x1xf32>
    %add3A_1246 = arith.addf %add3A_1208, %mul3A_1245 : vector<128x1xf32>
    %jit3A_1247 = arith.constant 0.000000e+00 : f32
    %jit3A_1248 = arith.constant 8.000000e+02 : f32
    %max3A_1249 = vector.broadcast %jit3A_1247 : f32 to vector<128x1xf32>
    %max3A_1250 = arith.maximumf %max3A_1249, %add3A_1246 : vector<128x1xf32>
    %min3A_1251 = vector.broadcast %jit3A_1248 : f32 to vector<128x1xf32>
    %min3A_1252 = arith.minimumf %min3A_1251, %max3A_1250 : vector<128x1xf32>
    %concatenate3A_1253 = tpu.concatenate %min3A_1222, %min3A_1232, %min3A_1242, %min3A_1252 in 1 : vector<128x1xf32>, vector<128x1xf32>, vector<128x1xf32>, vector<128x1xf32> -> vector<128x4xf32>
    %swap3A_1254 = arith.constant 768 : index
    %swap3A_1255 = arith.constant 0 : index
    %swap3A_1256 = vector.load %arg4[%swap3A_1254, %swap3A_1255] : memref<2048x4xf32, #tpu.memory_space<vmem>>, vector<128x4xf32>
    tpu.vector_store %arg4[%swap3A_1254, %swap3A_1255], %concatenate3A_1253 {strides = array<i32>} : memref<2048x4xf32, #tpu.memory_space<vmem>>, vector<128x4xf32>,
    %sub3A_1257 = arith.subf %min3A_1242, %min3A_1222 : vector<128x1xf32>
    %sub3A_1258 = arith.subf %min3A_1252, %min3A_1232 : vector<128x1xf32>
    %mul3A_1259 = arith.mulf %sub3A_1257, %sub3A_1258 : vector<128x1xf32>
    %broadcast_in_dim3A_1260 = arith.constant 0.000000e+00 : bf16
    %broadcast_in_dim3A_1261 = vector.broadcast %broadcast_in_dim3A_1260 : bf16 to vector<128x768xbf16>
    %swap3A_1262 = arith.constant 768 : index
    %swap3A_1263 = arith.constant 0 : index
    %swap3A_1264 = vector.load %arg3[%swap3A_1262, %swap3A_1263] : memref<2048x2048xbf16, #tpu.memory_space<vmem>>, vector<128x768xbf16>
    tpu.vector_store %arg3[%swap3A_1262, %swap3A_1263], %broadcast_in_dim3A_1261 {strides = array<i32>} : memref<2048x2048xbf16, #tpu.memory_space<vmem>>, vector<128x768xbf16>,
    %slice3A_1265 = vector.extract_strided_slice %min3A_75 {offsets = [0, 768], sizes = [1, 128], strides = [1, 1]} : vector<1x2048xf32> to vector<1x128xf32>
    %min3A_1266 = vector.broadcast %min3A_1242 : vector<128x1xf32> to vector<128x128xf32>
    %min3A_1267 = vector.broadcast %slice3A_1265 : vector<1x128xf32> to vector<128x128xf32>
    %min3A_1268 = arith.minimumf %min3A_1266, %min3A_1267 : vector<128x128xf32>
    %slice3A_1269 = vector.extract_strided_slice %min3A_55 {offsets = [0, 768], sizes = [1, 128], strides = [1, 1]} : vector<1x2048xf32> to vector<1x128xf32>
    %max3A_1270 = vector.broadcast %min3A_1222 : vector<128x1xf32> to vector<128x128xf32>
    %max3A_1271 = vector.broadcast %slice3A_1269 : vector<1x128xf32> to vector<128x128xf32>
    %max3A_1272 = arith.maximumf %max3A_1270, %max3A_1271 : vector<128x128xf32>
    %sub3A_1273 = arith.subf %min3A_1268, %max3A_1272 : vector<128x128xf32>
    %jit3A_1274 = arith.constant 0.000000e+00 : f32
    %max3A_1275 = vector.broadcast %jit3A_1274 : f32 to vector<128x128xf32>
    %max3A_1276 = arith.maximumf %max3A_1275, %sub3A_1273 : vector<128x128xf32>
    %slice3A_1277 = vector.extract_strided_slice %min3A_85 {offsets = [0, 768], sizes = [1, 128], strides = [1, 1]} : vector<1x2048xf32> to vector<1x128xf32>
    %min3A_1278 = vector.broadcast %min3A_1252 : vector<128x1xf32> to vector<128x128xf32>
    %min3A_1279 = vector.broadcast %slice3A_1277 : vector<1x128xf32> to vector<128x128xf32>
    %min3A_1280 = arith.minimumf %min3A_1278, %min3A_1279 : vector<128x128xf32>
    %slice3A_1281 = vector.extract_strided_slice %min3A_65 {offsets = [0, 768], sizes = [1, 128], strides = [1, 1]} : vector<1x2048xf32> to vector<1x128xf32>
    %max3A_1282 = vector.broadcast %min3A_1232 : vector<128x1xf32> to vector<128x128xf32>
    %max3A_1283 = vector.broadcast %slice3A_1281 : vector<1x128xf32> to vector<128x128xf32>
    %max3A_1284 = arith.maximumf %max3A_1282, %max3A_1283 : vector<128x128xf32>
    %sub3A_1285 = arith.subf %min3A_1280, %max3A_1284 : vector<128x128xf32>
    %jit3A_1286 = arith.constant 0.000000e+00 : f32
    %max3A_1287 = vector.broadcast %jit3A_1286 : f32 to vector<128x128xf32>
    %max3A_1288 = arith.maximumf %max3A_1287, %sub3A_1285 : vector<128x128xf32>
    %mul3A_1289 = arith.mulf %max3A_1276, %max3A_1288 : vector<128x128xf32>
    %slice3A_1290 = vector.extract_strided_slice %mul3A_88 {offsets = [0, 768], sizes = [1, 128], strides = [1, 1]} : vector<1x2048xf32> to vector<1x128xf32>
    %add3A_1291 = vector.broadcast %mul3A_1259 : vector<128x1xf32> to vector<128x128xf32>
    %add3A_1292 = vector.broadcast %slice3A_1290 : vector<1x128xf32> to vector<128x128xf32>
    %add3A_1293 = arith.addf %add3A_1291, %add3A_1292 : vector<128x128xf32>
    %sub3A_1294 = arith.subf %add3A_1293, %mul3A_1289 : vector<128x128xf32>
    %add3A_1295 = arith.constant 9.99999971E-10 : f32
    %add3A_1296 = vector.broadcast %add3A_1295 : f32 to vector<128x128xf32>
    %add3A_1297 = arith.addf %sub3A_1294, %add3A_1296 : vector<128x128xf32>
    %div3A_1298 = arith.divf %mul3A_1289, %add3A_1297 : vector<128x128xf32>
    %iota3A_1299 = tpu.iota {dimensions = array<i32: 0>} : vector<128x128xi32>
    %iota3A_1300 = tpu.iota {dimensions = array<i32: 1>} : vector<128x128xi32>
    %gt3A_1301 = arith.constant 0.699999988 : f32
    %gt3A_1302 = vector.broadcast %gt3A_1301 : f32 to vector<128x128xf32>
    %gt3A_1303 = arith.cmpf ogt, %div3A_1298, %gt3A_1302 : vector<128x128xf32>
    %lt3A_1304 = arith.cmpi slt, %iota3A_1299, %iota3A_1300 : vector<128x128xi32>
    %and3A_1305 = arith.andi %gt3A_1303, %lt3A_1304 : vector<128x128xi1>
    %convert_element_type3A_1306 = arith.extui %and3A_1305 : vector<128x128xi1> to vector<128x128xi32>
    %convert_element_type3A_1307 = arith.sitofp %convert_element_type3A_1306 : vector<128x128xi32> to vector<128x128xf32>
    %convert_element_type3A_1308 = arith.truncf %convert_element_type3A_1307 : vector<128x128xf32> to vector<128x128xbf16>
    %swap3A_1309 = arith.constant 768 : index
    %swap3A_1310 = arith.constant 768 : index
    %swap3A_1311 = vector.load %arg3[%swap3A_1309, %swap3A_1310] : memref<2048x2048xbf16, #tpu.memory_space<vmem>>, vector<128x128xbf16>
    tpu.vector_store %arg3[%swap3A_1309, %swap3A_1310], %convert_element_type3A_1308 {strides = array<i32>} : memref<2048x2048xbf16, #tpu.memory_space<vmem>>, vector<128x128xbf16>,
    %slice3A_1312 = vector.extract_strided_slice %min3A_75 {offsets = [0, 896], sizes = [1, 1152], strides = [1, 1]} : vector<1x2048xf32> to vector<1x1152xf32>
    %min3A_1313 = vector.broadcast %min3A_1242 : vector<128x1xf32> to vector<128x1152xf32>
    %min3A_1314 = vector.broadcast %slice3A_1312 : vector<1x1152xf32> to vector<128x1152xf32>
    %min3A_1315 = arith.minimumf %min3A_1313, %min3A_1314 : vector<128x1152xf32>
    %slice3A_1316 = vector.extract_strided_slice %min3A_55 {offsets = [0, 896], sizes = [1, 1152], strides = [1, 1]} : vector<1x2048xf32> to vector<1x1152xf32>
    %max3A_1317 = vector.broadcast %min3A_1222 : vector<128x1xf32> to vector<128x1152xf32>
    %max3A_1318 = vector.broadcast %slice3A_1316 : vector<1x1152xf32> to vector<128x1152xf32>
    %max3A_1319 = arith.maximumf %max3A_1317, %max3A_1318 : vector<128x1152xf32>
    %sub3A_1320 = arith.subf %min3A_1315, %max3A_1319 : vector<128x1152xf32>
    %jit3A_1321 = arith.constant 0.000000e+00 : f32
    %max3A_1322 = vector.broadcast %jit3A_1321 : f32 to vector<128x1152xf32>
    %max3A_1323 = arith.maximumf %max3A_1322, %sub3A_1320 : vector<128x1152xf32>
    %slice3A_1324 = vector.extract_strided_slice %min3A_85 {offsets = [0, 896], sizes = [1, 1152], strides = [1, 1]} : vector<1x2048xf32> to vector<1x1152xf32>
    %min3A_1325 = vector.broadcast %min3A_1252 : vector<128x1xf32> to vector<128x1152xf32>
    %min3A_1326 = vector.broadcast %slice3A_1324 : vector<1x1152xf32> to vector<128x1152xf32>
    %min3A_1327 = arith.minimumf %min3A_1325, %min3A_1326 : vector<128x1152xf32>
    %slice3A_1328 = vector.extract_strided_slice %min3A_65 {offsets = [0, 896], sizes = [1, 1152], strides = [1, 1]} : vector<1x2048xf32> to vector<1x1152xf32>
    %max3A_1329 = vector.broadcast %min3A_1232 : vector<128x1xf32> to vector<128x1152xf32>
    %max3A_1330 = vector.broadcast %slice3A_1328 : vector<1x1152xf32> to vector<128x1152xf32>
    %max3A_1331 = arith.maximumf %max3A_1329, %max3A_1330 : vector<128x1152xf32>
    %sub3A_1332 = arith.subf %min3A_1327, %max3A_1331 : vector<128x1152xf32>
    %jit3A_1333 = arith.constant 0.000000e+00 : f32
    %max3A_1334 = vector.broadcast %jit3A_1333 : f32 to vector<128x1152xf32>
    %max3A_1335 = arith.maximumf %max3A_1334, %sub3A_1332 : vector<128x1152xf32>
    %mul3A_1336 = arith.mulf %max3A_1323, %max3A_1335 : vector<128x1152xf32>
    %slice3A_1337 = vector.extract_strided_slice %mul3A_88 {offsets = [0, 896], sizes = [1, 1152], strides = [1, 1]} : vector<1x2048xf32> to vector<1x1152xf32>
    %add3A_1338 = vector.broadcast %mul3A_1259 : vector<128x1xf32> to vector<128x1152xf32>
    %add3A_1339 = vector.broadcast %slice3A_1337 : vector<1x1152xf32> to vector<128x1152xf32>
    %add3A_1340 = arith.addf %add3A_1338, %add3A_1339 : vector<128x1152xf32>
    %sub3A_1341 = arith.subf %add3A_1340, %mul3A_1336 : vector<128x1152xf32>
    %add3A_1342 = arith.constant 9.99999971E-10 : f32
    %add3A_1343 = vector.broadcast %add3A_1342 : f32 to vector<128x1152xf32>
    %add3A_1344 = arith.addf %sub3A_1341, %add3A_1343 : vector<128x1152xf32>
    %div3A_1345 = arith.divf %mul3A_1336, %add3A_1344 : vector<128x1152xf32>
    %gt3A_1346 = arith.constant 0.699999988 : f32
    %gt3A_1347 = vector.broadcast %gt3A_1346 : f32 to vector<128x1152xf32>
    %gt3A_1348 = arith.cmpf ogt, %div3A_1345, %gt3A_1347 : vector<128x1152xf32>
    %convert_element_type3A_1349 = arith.extui %gt3A_1348 : vector<128x1152xi1> to vector<128x1152xi32>
    %convert_element_type3A_1350 = arith.sitofp %convert_element_type3A_1349 : vector<128x1152xi32> to vector<128x1152xf32>
    %convert_element_type3A_1351 = arith.truncf %convert_element_type3A_1350 : vector<128x1152xf32> to vector<128x1152xbf16>
    %swap3A_1352 = arith.constant 768 : index
    %swap3A_1353 = arith.constant 896 : index
    %swap3A_1354 = vector.load %arg3[%swap3A_1352, %swap3A_1353] : memref<2048x2048xbf16, #tpu.memory_space<vmem>>, vector<128x1152xbf16>
    tpu.vector_store %arg3[%swap3A_1352, %swap3A_1353], %convert_element_type3A_1351 {strides = array<i32>} : memref<2048x2048xbf16, #tpu.memory_space<vmem>>, vector<128x1152xbf16>,
    %get3A_1355 = arith.constant 896 : index
    %get3A_1356 = arith.constant 0 : index
    %get3A_1357 = vector.load %arg0[%get3A_1355, %get3A_1356] : memref<2048x16xf32, #tpu.memory_space<vmem>>, vector<128x16xf32>
    %slice3A_1358 = vector.extract_strided_slice %get3A_1357 {offsets = [0, 0], sizes = [128, 1], strides = [1, 1]} : vector<128x16xf32> to vector<128x1xf32>
    %slice3A_1359 = vector.extract_strided_slice %get3A_1357 {offsets = [0, 1], sizes = [128, 1], strides = [1, 1]} : vector<128x16xf32> to vector<128x1xf32>
    %slice3A_1360 = vector.extract_strided_slice %get3A_1357 {offsets = [0, 2], sizes = [128, 1], strides = [1, 1]} : vector<128x16xf32> to vector<128x1xf32>
    %slice3A_1361 = vector.extract_strided_slice %get3A_1357 {offsets = [0, 3], sizes = [128, 1], strides = [1, 1]} : vector<128x16xf32> to vector<128x1xf32>
    %slice3A_1362 = vector.extract_strided_slice %get3A_1357 {offsets = [0, 4], sizes = [128, 1], strides = [1, 1]} : vector<128x16xf32> to vector<128x1xf32>
    %slice3A_1363 = vector.extract_strided_slice %get3A_1357 {offsets = [0, 5], sizes = [128, 1], strides = [1, 1]} : vector<128x16xf32> to vector<128x1xf32>
    %slice3A_1364 = vector.extract_strided_slice %get3A_1357 {offsets = [0, 6], sizes = [128, 1], strides = [1, 1]} : vector<128x16xf32> to vector<128x1xf32>
    %slice3A_1365 = vector.extract_strided_slice %get3A_1357 {offsets = [0, 7], sizes = [128, 1], strides = [1, 1]} : vector<128x16xf32> to vector<128x1xf32>
    %sub3A_1366 = arith.subf %slice3A_1360, %slice3A_1358 : vector<128x1xf32>
    %sub3A_1367 = arith.subf %slice3A_1361, %slice3A_1359 : vector<128x1xf32>
    %mul3A_1368 = arith.constant 5.000000e-01 : f32
    %mul3A_1369 = vector.broadcast %mul3A_1368 : f32 to vector<128x1xf32>
    %mul3A_1370 = arith.mulf %mul3A_1369, %sub3A_1366 : vector<128x1xf32>
    %add3A_1371 = arith.addf %slice3A_1358, %mul3A_1370 : vector<128x1xf32>
    %mul3A_1372 = arith.constant 5.000000e-01 : f32
    %mul3A_1373 = vector.broadcast %mul3A_1372 : f32 to vector<128x1xf32>
    %mul3A_1374 = arith.mulf %mul3A_1373, %sub3A_1367 : vector<128x1xf32>
    %add3A_1375 = arith.addf %slice3A_1359, %mul3A_1374 : vector<128x1xf32>
    %jit3A_1376 = arith.constant -4.000000e+00 : f32
    %jit3A_1377 = arith.constant 4.000000e+00 : f32
    %max3A_1378 = vector.broadcast %jit3A_1376 : f32 to vector<128x1xf32>
    %max3A_1379 = arith.maximumf %max3A_1378, %slice3A_1364 : vector<128x1xf32>
    %min3A_1380 = vector.broadcast %jit3A_1377 : f32 to vector<128x1xf32>
    %min3A_1381 = arith.minimumf %min3A_1380, %max3A_1379 : vector<128x1xf32>
    %jit3A_1382 = arith.constant -4.000000e+00 : f32
    %jit3A_1383 = arith.constant 4.000000e+00 : f32
    %max3A_1384 = vector.broadcast %jit3A_1382 : f32 to vector<128x1xf32>
    %max3A_1385 = arith.maximumf %max3A_1384, %slice3A_1365 : vector<128x1xf32>
    %min3A_1386 = vector.broadcast %jit3A_1383 : f32 to vector<128x1xf32>
    %min3A_1387 = arith.minimumf %min3A_1386, %max3A_1385 : vector<128x1xf32>
    %mul3A_1388 = arith.mulf %slice3A_1362, %sub3A_1366 : vector<128x1xf32>
    %add3A_1389 = arith.addf %mul3A_1388, %add3A_1371 : vector<128x1xf32>
    %mul3A_1390 = arith.mulf %slice3A_1363, %sub3A_1367 : vector<128x1xf32>
    %add3A_1391 = arith.addf %mul3A_1390, %add3A_1375 : vector<128x1xf32>
    %exp3A_1392 = math.exp %min3A_1381 : vector<128x1xf32>
    %mul3A_1393 = arith.mulf %exp3A_1392, %sub3A_1366 : vector<128x1xf32>
    %exp3A_1394 = math.exp %min3A_1387 : vector<128x1xf32>
    %mul3A_1395 = arith.mulf %exp3A_1394, %sub3A_1367 : vector<128x1xf32>
    %mul3A_1396 = arith.constant 5.000000e-01 : f32
    %mul3A_1397 = vector.broadcast %mul3A_1396 : f32 to vector<128x1xf32>
    %mul3A_1398 = arith.mulf %mul3A_1397, %mul3A_1393 : vector<128x1xf32>
    %sub3A_1399 = arith.subf %add3A_1389, %mul3A_1398 : vector<128x1xf32>
    %jit3A_1400 = arith.constant 0.000000e+00 : f32
    %jit3A_1401 = arith.constant 1.216000e+03 : f32
    %max3A_1402 = vector.broadcast %jit3A_1400 : f32 to vector<128x1xf32>
    %max3A_1403 = arith.maximumf %max3A_1402, %sub3A_1399 : vector<128x1xf32>
    %min3A_1404 = vector.broadcast %jit3A_1401 : f32 to vector<128x1xf32>
    %min3A_1405 = arith.minimumf %min3A_1404, %max3A_1403 : vector<128x1xf32>
    %mul3A_1406 = arith.constant 5.000000e-01 : f32
    %mul3A_1407 = vector.broadcast %mul3A_1406 : f32 to vector<128x1xf32>
    %mul3A_1408 = arith.mulf %mul3A_1407, %mul3A_1395 : vector<128x1xf32>
    %sub3A_1409 = arith.subf %add3A_1391, %mul3A_1408 : vector<128x1xf32>
    %jit3A_1410 = arith.constant 0.000000e+00 : f32
    %jit3A_1411 = arith.constant 8.000000e+02 : f32
    %max3A_1412 = vector.broadcast %jit3A_1410 : f32 to vector<128x1xf32>
    %max3A_1413 = arith.maximumf %max3A_1412, %sub3A_1409 : vector<128x1xf32>
    %min3A_1414 = vector.broadcast %jit3A_1411 : f32 to vector<128x1xf32>
    %min3A_1415 = arith.minimumf %min3A_1414, %max3A_1413 : vector<128x1xf32>
    %mul3A_1416 = arith.constant 5.000000e-01 : f32
    %mul3A_1417 = vector.broadcast %mul3A_1416 : f32 to vector<128x1xf32>
    %mul3A_1418 = arith.mulf %mul3A_1417, %mul3A_1393 : vector<128x1xf32>
    %add3A_1419 = arith.addf %add3A_1389, %mul3A_1418 : vector<128x1xf32>
    %jit3A_1420 = arith.constant 0.000000e+00 : f32
    %jit3A_1421 = arith.constant 1.216000e+03 : f32
    %max3A_1422 = vector.broadcast %jit3A_1420 : f32 to vector<128x1xf32>
    %max3A_1423 = arith.maximumf %max3A_1422, %add3A_1419 : vector<128x1xf32>
    %min3A_1424 = vector.broadcast %jit3A_1421 : f32 to vector<128x1xf32>
    %min3A_1425 = arith.minimumf %min3A_1424, %max3A_1423 : vector<128x1xf32>
    %mul3A_1426 = arith.constant 5.000000e-01 : f32
    %mul3A_1427 = vector.broadcast %mul3A_1426 : f32 to vector<128x1xf32>
    %mul3A_1428 = arith.mulf %mul3A_1427, %mul3A_1395 : vector<128x1xf32>
    %add3A_1429 = arith.addf %add3A_1391, %mul3A_1428 : vector<128x1xf32>
    %jit3A_1430 = arith.constant 0.000000e+00 : f32
    %jit3A_1431 = arith.constant 8.000000e+02 : f32
    %max3A_1432 = vector.broadcast %jit3A_1430 : f32 to vector<128x1xf32>
    %max3A_1433 = arith.maximumf %max3A_1432, %add3A_1429 : vector<128x1xf32>
    %min3A_1434 = vector.broadcast %jit3A_1431 : f32 to vector<128x1xf32>
    %min3A_1435 = arith.minimumf %min3A_1434, %max3A_1433 : vector<128x1xf32>
    %concatenate3A_1436 = tpu.concatenate %min3A_1405, %min3A_1415, %min3A_1425, %min3A_1435 in 1 : vector<128x1xf32>, vector<128x1xf32>, vector<128x1xf32>, vector<128x1xf32> -> vector<128x4xf32>
    %swap3A_1437 = arith.constant 896 : index
    %swap3A_1438 = arith.constant 0 : index
    %swap3A_1439 = vector.load %arg4[%swap3A_1437, %swap3A_1438] : memref<2048x4xf32, #tpu.memory_space<vmem>>, vector<128x4xf32>
    tpu.vector_store %arg4[%swap3A_1437, %swap3A_1438], %concatenate3A_1436 {strides = array<i32>} : memref<2048x4xf32, #tpu.memory_space<vmem>>, vector<128x4xf32>,
    %sub3A_1440 = arith.subf %min3A_1425, %min3A_1405 : vector<128x1xf32>
    %sub3A_1441 = arith.subf %min3A_1435, %min3A_1415 : vector<128x1xf32>
    %mul3A_1442 = arith.mulf %sub3A_1440, %sub3A_1441 : vector<128x1xf32>
    %broadcast_in_dim3A_1443 = arith.constant 0.000000e+00 : bf16
    %broadcast_in_dim3A_1444 = vector.broadcast %broadcast_in_dim3A_1443 : bf16 to vector<128x896xbf16>
    %swap3A_1445 = arith.constant 896 : index
    %swap3A_1446 = arith.constant 0 : index
    %swap3A_1447 = vector.load %arg3[%swap3A_1445, %swap3A_1446] : memref<2048x2048xbf16, #tpu.memory_space<vmem>>, vector<128x896xbf16>
    tpu.vector_store %arg3[%swap3A_1445, %swap3A_1446], %broadcast_in_dim3A_1444 {strides = array<i32>} : memref<2048x2048xbf16, #tpu.memory_space<vmem>>, vector<128x896xbf16>,
    %slice3A_1448 = vector.extract_strided_slice %min3A_75 {offsets = [0, 896], sizes = [1, 128], strides = [1, 1]} : vector<1x2048xf32> to vector<1x128xf32>
    %min3A_1449 = vector.broadcast %min3A_1425 : vector<128x1xf32> to vector<128x128xf32>
    %min3A_1450 = vector.broadcast %slice3A_1448 : vector<1x128xf32> to vector<128x128xf32>
    %min3A_1451 = arith.minimumf %min3A_1449, %min3A_1450 : vector<128x128xf32>
    %slice3A_1452 = vector.extract_strided_slice %min3A_55 {offsets = [0, 896], sizes = [1, 128], strides = [1, 1]} : vector<1x2048xf32> to vector<1x128xf32>
    %max3A_1453 = vector.broadcast %min3A_1405 : vector<128x1xf32> to vector<128x128xf32>
    %max3A_1454 = vector.broadcast %slice3A_1452 : vector<1x128xf32> to vector<128x128xf32>
    %max3A_1455 = arith.maximumf %max3A_1453, %max3A_1454 : vector<128x128xf32>
    %sub3A_1456 = arith.subf %min3A_1451, %max3A_1455 : vector<128x128xf32>
    %jit3A_1457 = arith.constant 0.000000e+00 : f32
    %max3A_1458 = vector.broadcast %jit3A_1457 : f32 to vector<128x128xf32>
    %max3A_1459 = arith.maximumf %max3A_1458, %sub3A_1456 : vector<128x128xf32>
    %slice3A_1460 = vector.extract_strided_slice %min3A_85 {offsets = [0, 896], sizes = [1, 128], strides = [1, 1]} : vector<1x2048xf32> to vector<1x128xf32>
    %min3A_1461 = vector.broadcast %min3A_1435 : vector<128x1xf32> to vector<128x128xf32>
    %min3A_1462 = vector.broadcast %slice3A_1460 : vector<1x128xf32> to vector<128x128xf32>
    %min3A_1463 = arith.minimumf %min3A_1461, %min3A_1462 : vector<128x128xf32>
    %slice3A_1464 = vector.extract_strided_slice %min3A_65 {offsets = [0, 896], sizes = [1, 128], strides = [1, 1]} : vector<1x2048xf32> to vector<1x128xf32>
    %max3A_1465 = vector.broadcast %min3A_1415 : vector<128x1xf32> to vector<128x128xf32>
    %max3A_1466 = vector.broadcast %slice3A_1464 : vector<1x128xf32> to vector<128x128xf32>
    %max3A_1467 = arith.maximumf %max3A_1465, %max3A_1466 : vector<128x128xf32>
    %sub3A_1468 = arith.subf %min3A_1463, %max3A_1467 : vector<128x128xf32>
    %jit3A_1469 = arith.constant 0.000000e+00 : f32
    %max3A_1470 = vector.broadcast %jit3A_1469 : f32 to vector<128x128xf32>
    %max3A_1471 = arith.maximumf %max3A_1470, %sub3A_1468 : vector<128x128xf32>
    %mul3A_1472 = arith.mulf %max3A_1459, %max3A_1471 : vector<128x128xf32>
    %slice3A_1473 = vector.extract_strided_slice %mul3A_88 {offsets = [0, 896], sizes = [1, 128], strides = [1, 1]} : vector<1x2048xf32> to vector<1x128xf32>
    %add3A_1474 = vector.broadcast %mul3A_1442 : vector<128x1xf32> to vector<128x128xf32>
    %add3A_1475 = vector.broadcast %slice3A_1473 : vector<1x128xf32> to vector<128x128xf32>
    %add3A_1476 = arith.addf %add3A_1474, %add3A_1475 : vector<128x128xf32>
    %sub3A_1477 = arith.subf %add3A_1476, %mul3A_1472 : vector<128x128xf32>
    %add3A_1478 = arith.constant 9.99999971E-10 : f32
    %add3A_1479 = vector.broadcast %add3A_1478 : f32 to vector<128x128xf32>
    %add3A_1480 = arith.addf %sub3A_1477, %add3A_1479 : vector<128x128xf32>
    %div3A_1481 = arith.divf %mul3A_1472, %add3A_1480 : vector<128x128xf32>
    %iota3A_1482 = tpu.iota {dimensions = array<i32: 0>} : vector<128x128xi32>
    %iota3A_1483 = tpu.iota {dimensions = array<i32: 1>} : vector<128x128xi32>
    %gt3A_1484 = arith.constant 0.699999988 : f32
    %gt3A_1485 = vector.broadcast %gt3A_1484 : f32 to vector<128x128xf32>
    %gt3A_1486 = arith.cmpf ogt, %div3A_1481, %gt3A_1485 : vector<128x128xf32>
    %lt3A_1487 = arith.cmpi slt, %iota3A_1482, %iota3A_1483 : vector<128x128xi32>
    %and3A_1488 = arith.andi %gt3A_1486, %lt3A_1487 : vector<128x128xi1>
    %convert_element_type3A_1489 = arith.extui %and3A_1488 : vector<128x128xi1> to vector<128x128xi32>
    %convert_element_type3A_1490 = arith.sitofp %convert_element_type3A_1489 : vector<128x128xi32> to vector<128x128xf32>
    %convert_element_type3A_1491 = arith.truncf %convert_element_type3A_1490 : vector<128x128xf32> to vector<128x128xbf16>
    %swap3A_1492 = arith.constant 896 : index
    %swap3A_1493 = arith.constant 896 : index
    %swap3A_1494 = vector.load %arg3[%swap3A_1492, %swap3A_1493] : memref<2048x2048xbf16, #tpu.memory_space<vmem>>, vector<128x128xbf16>
    tpu.vector_store %arg3[%swap3A_1492, %swap3A_1493], %convert_element_type3A_1491 {strides = array<i32>} : memref<2048x2048xbf16, #tpu.memory_space<vmem>>, vector<128x128xbf16>,
    %slice3A_1495 = vector.extract_strided_slice %min3A_75 {offsets = [0, 1024], sizes = [1, 1024], strides = [1, 1]} : vector<1x2048xf32> to vector<1x1024xf32>
    %min3A_1496 = vector.broadcast %min3A_1425 : vector<128x1xf32> to vector<128x1024xf32>
    %min3A_1497 = vector.broadcast %slice3A_1495 : vector<1x1024xf32> to vector<128x1024xf32>
    %min3A_1498 = arith.minimumf %min3A_1496, %min3A_1497 : vector<128x1024xf32>
    %slice3A_1499 = vector.extract_strided_slice %min3A_55 {offsets = [0, 1024], sizes = [1, 1024], strides = [1, 1]} : vector<1x2048xf32> to vector<1x1024xf32>
    %max3A_1500 = vector.broadcast %min3A_1405 : vector<128x1xf32> to vector<128x1024xf32>
    %max3A_1501 = vector.broadcast %slice3A_1499 : vector<1x1024xf32> to vector<128x1024xf32>
    %max3A_1502 = arith.maximumf %max3A_1500, %max3A_1501 : vector<128x1024xf32>
    %sub3A_1503 = arith.subf %min3A_1498, %max3A_1502 : vector<128x1024xf32>
    %jit3A_1504 = arith.constant 0.000000e+00 : f32
    %max3A_1505 = vector.broadcast %jit3A_1504 : f32 to vector<128x1024xf32>
    %max3A_1506 = arith.maximumf %max3A_1505, %sub3A_1503 : vector<128x1024xf32>
    %slice3A_1507 = vector.extract_strided_slice %min3A_85 {offsets = [0, 1024], sizes = [1, 1024], strides = [1, 1]} : vector<1x2048xf32> to vector<1x1024xf32>
    %min3A_1508 = vector.broadcast %min3A_1435 : vector<128x1xf32> to vector<128x1024xf32>
    %min3A_1509 = vector.broadcast %slice3A_1507 : vector<1x1024xf32> to vector<128x1024xf32>
    %min3A_1510 = arith.minimumf %min3A_1508, %min3A_1509 : vector<128x1024xf32>
    %slice3A_1511 = vector.extract_strided_slice %min3A_65 {offsets = [0, 1024], sizes = [1, 1024], strides = [1, 1]} : vector<1x2048xf32> to vector<1x1024xf32>
    %max3A_1512 = vector.broadcast %min3A_1415 : vector<128x1xf32> to vector<128x1024xf32>
    %max3A_1513 = vector.broadcast %slice3A_1511 : vector<1x1024xf32> to vector<128x1024xf32>
    %max3A_1514 = arith.maximumf %max3A_1512, %max3A_1513 : vector<128x1024xf32>
    %sub3A_1515 = arith.subf %min3A_1510, %max3A_1514 : vector<128x1024xf32>
    %jit3A_1516 = arith.constant 0.000000e+00 : f32
    %max3A_1517 = vector.broadcast %jit3A_1516 : f32 to vector<128x1024xf32>
    %max3A_1518 = arith.maximumf %max3A_1517, %sub3A_1515 : vector<128x1024xf32>
    %mul3A_1519 = arith.mulf %max3A_1506, %max3A_1518 : vector<128x1024xf32>
    %slice3A_1520 = vector.extract_strided_slice %mul3A_88 {offsets = [0, 1024], sizes = [1, 1024], strides = [1, 1]} : vector<1x2048xf32> to vector<1x1024xf32>
    %add3A_1521 = vector.broadcast %mul3A_1442 : vector<128x1xf32> to vector<128x1024xf32>
    %add3A_1522 = vector.broadcast %slice3A_1520 : vector<1x1024xf32> to vector<128x1024xf32>
    %add3A_1523 = arith.addf %add3A_1521, %add3A_1522 : vector<128x1024xf32>
    %sub3A_1524 = arith.subf %add3A_1523, %mul3A_1519 : vector<128x1024xf32>
    %add3A_1525 = arith.constant 9.99999971E-10 : f32
    %add3A_1526 = vector.broadcast %add3A_1525 : f32 to vector<128x1024xf32>
    %add3A_1527 = arith.addf %sub3A_1524, %add3A_1526 : vector<128x1024xf32>
    %div3A_1528 = arith.divf %mul3A_1519, %add3A_1527 : vector<128x1024xf32>
    %gt3A_1529 = arith.constant 0.699999988 : f32
    %gt3A_1530 = vector.broadcast %gt3A_1529 : f32 to vector<128x1024xf32>
    %gt3A_1531 = arith.cmpf ogt, %div3A_1528, %gt3A_1530 : vector<128x1024xf32>
    %convert_element_type3A_1532 = arith.extui %gt3A_1531 : vector<128x1024xi1> to vector<128x1024xi32>
    %convert_element_type3A_1533 = arith.sitofp %convert_element_type3A_1532 : vector<128x1024xi32> to vector<128x1024xf32>
    %convert_element_type3A_1534 = arith.truncf %convert_element_type3A_1533 : vector<128x1024xf32> to vector<128x1024xbf16>
    %swap3A_1535 = arith.constant 896 : index
    %swap3A_1536 = arith.constant 1024 : index
    %swap3A_1537 = vector.load %arg3[%swap3A_1535, %swap3A_1536] : memref<2048x2048xbf16, #tpu.memory_space<vmem>>, vector<128x1024xbf16>
    tpu.vector_store %arg3[%swap3A_1535, %swap3A_1536], %convert_element_type3A_1534 {strides = array<i32>} : memref<2048x2048xbf16, #tpu.memory_space<vmem>>, vector<128x1024xbf16>,
    %get3A_1538 = arith.constant 1024 : index
    %get3A_1539 = arith.constant 0 : index
    %get3A_1540 = vector.load %arg0[%get3A_1538, %get3A_1539] : memref<2048x16xf32, #tpu.memory_space<vmem>>, vector<128x16xf32>
    %slice3A_1541 = vector.extract_strided_slice %get3A_1540 {offsets = [0, 0], sizes = [128, 1], strides = [1, 1]} : vector<128x16xf32> to vector<128x1xf32>
    %slice3A_1542 = vector.extract_strided_slice %get3A_1540 {offsets = [0, 1], sizes = [128, 1], strides = [1, 1]} : vector<128x16xf32> to vector<128x1xf32>
    %slice3A_1543 = vector.extract_strided_slice %get3A_1540 {offsets = [0, 2], sizes = [128, 1], strides = [1, 1]} : vector<128x16xf32> to vector<128x1xf32>
    %slice3A_1544 = vector.extract_strided_slice %get3A_1540 {offsets = [0, 3], sizes = [128, 1], strides = [1, 1]} : vector<128x16xf32> to vector<128x1xf32>
    %slice3A_1545 = vector.extract_strided_slice %get3A_1540 {offsets = [0, 4], sizes = [128, 1], strides = [1, 1]} : vector<128x16xf32> to vector<128x1xf32>
    %slice3A_1546 = vector.extract_strided_slice %get3A_1540 {offsets = [0, 5], sizes = [128, 1], strides = [1, 1]} : vector<128x16xf32> to vector<128x1xf32>
    %slice3A_1547 = vector.extract_strided_slice %get3A_1540 {offsets = [0, 6], sizes = [128, 1], strides = [1, 1]} : vector<128x16xf32> to vector<128x1xf32>
    %slice3A_1548 = vector.extract_strided_slice %get3A_1540 {offsets = [0, 7], sizes = [128, 1], strides = [1, 1]} : vector<128x16xf32> to vector<128x1xf32>
    %sub3A_1549 = arith.subf %slice3A_1543, %slice3A_1541 : vector<128x1xf32>
    %sub3A_1550 = arith.subf %slice3A_1544, %slice3A_1542 : vector<128x1xf32>
    %mul3A_1551 = arith.constant 5.000000e-01 : f32
    %mul3A_1552 = vector.broadcast %mul3A_1551 : f32 to vector<128x1xf32>
    %mul3A_1553 = arith.mulf %mul3A_1552, %sub3A_1549 : vector<128x1xf32>
    %add3A_1554 = arith.addf %slice3A_1541, %mul3A_1553 : vector<128x1xf32>
    %mul3A_1555 = arith.constant 5.000000e-01 : f32
    %mul3A_1556 = vector.broadcast %mul3A_1555 : f32 to vector<128x1xf32>
    %mul3A_1557 = arith.mulf %mul3A_1556, %sub3A_1550 : vector<128x1xf32>
    %add3A_1558 = arith.addf %slice3A_1542, %mul3A_1557 : vector<128x1xf32>
    %jit3A_1559 = arith.constant -4.000000e+00 : f32
    %jit3A_1560 = arith.constant 4.000000e+00 : f32
    %max3A_1561 = vector.broadcast %jit3A_1559 : f32 to vector<128x1xf32>
    %max3A_1562 = arith.maximumf %max3A_1561, %slice3A_1547 : vector<128x1xf32>
    %min3A_1563 = vector.broadcast %jit3A_1560 : f32 to vector<128x1xf32>
    %min3A_1564 = arith.minimumf %min3A_1563, %max3A_1562 : vector<128x1xf32>
    %jit3A_1565 = arith.constant -4.000000e+00 : f32
    %jit3A_1566 = arith.constant 4.000000e+00 : f32
    %max3A_1567 = vector.broadcast %jit3A_1565 : f32 to vector<128x1xf32>
    %max3A_1568 = arith.maximumf %max3A_1567, %slice3A_1548 : vector<128x1xf32>
    %min3A_1569 = vector.broadcast %jit3A_1566 : f32 to vector<128x1xf32>
    %min3A_1570 = arith.minimumf %min3A_1569, %max3A_1568 : vector<128x1xf32>
    %mul3A_1571 = arith.mulf %slice3A_1545, %sub3A_1549 : vector<128x1xf32>
    %add3A_1572 = arith.addf %mul3A_1571, %add3A_1554 : vector<128x1xf32>
    %mul3A_1573 = arith.mulf %slice3A_1546, %sub3A_1550 : vector<128x1xf32>
    %add3A_1574 = arith.addf %mul3A_1573, %add3A_1558 : vector<128x1xf32>
    %exp3A_1575 = math.exp %min3A_1564 : vector<128x1xf32>
    %mul3A_1576 = arith.mulf %exp3A_1575, %sub3A_1549 : vector<128x1xf32>
    %exp3A_1577 = math.exp %min3A_1570 : vector<128x1xf32>
    %mul3A_1578 = arith.mulf %exp3A_1577, %sub3A_1550 : vector<128x1xf32>
    %mul3A_1579 = arith.constant 5.000000e-01 : f32
    %mul3A_1580 = vector.broadcast %mul3A_1579 : f32 to vector<128x1xf32>
    %mul3A_1581 = arith.mulf %mul3A_1580, %mul3A_1576 : vector<128x1xf32>
    %sub3A_1582 = arith.subf %add3A_1572, %mul3A_1581 : vector<128x1xf32>
    %jit3A_1583 = arith.constant 0.000000e+00 : f32
    %jit3A_1584 = arith.constant 1.216000e+03 : f32
    %max3A_1585 = vector.broadcast %jit3A_1583 : f32 to vector<128x1xf32>
    %max3A_1586 = arith.maximumf %max3A_1585, %sub3A_1582 : vector<128x1xf32>
    %min3A_1587 = vector.broadcast %jit3A_1584 : f32 to vector<128x1xf32>
    %min3A_1588 = arith.minimumf %min3A_1587, %max3A_1586 : vector<128x1xf32>
    %mul3A_1589 = arith.constant 5.000000e-01 : f32
    %mul3A_1590 = vector.broadcast %mul3A_1589 : f32 to vector<128x1xf32>
    %mul3A_1591 = arith.mulf %mul3A_1590, %mul3A_1578 : vector<128x1xf32>
    %sub3A_1592 = arith.subf %add3A_1574, %mul3A_1591 : vector<128x1xf32>
    %jit3A_1593 = arith.constant 0.000000e+00 : f32
    %jit3A_1594 = arith.constant 8.000000e+02 : f32
    %max3A_1595 = vector.broadcast %jit3A_1593 : f32 to vector<128x1xf32>
    %max3A_1596 = arith.maximumf %max3A_1595, %sub3A_1592 : vector<128x1xf32>
    %min3A_1597 = vector.broadcast %jit3A_1594 : f32 to vector<128x1xf32>
    %min3A_1598 = arith.minimumf %min3A_1597, %max3A_1596 : vector<128x1xf32>
    %mul3A_1599 = arith.constant 5.000000e-01 : f32
    %mul3A_1600 = vector.broadcast %mul3A_1599 : f32 to vector<128x1xf32>
    %mul3A_1601 = arith.mulf %mul3A_1600, %mul3A_1576 : vector<128x1xf32>
    %add3A_1602 = arith.addf %add3A_1572, %mul3A_1601 : vector<128x1xf32>
    %jit3A_1603 = arith.constant 0.000000e+00 : f32
    %jit3A_1604 = arith.constant 1.216000e+03 : f32
    %max3A_1605 = vector.broadcast %jit3A_1603 : f32 to vector<128x1xf32>
    %max3A_1606 = arith.maximumf %max3A_1605, %add3A_1602 : vector<128x1xf32>
    %min3A_1607 = vector.broadcast %jit3A_1604 : f32 to vector<128x1xf32>
    %min3A_1608 = arith.minimumf %min3A_1607, %max3A_1606 : vector<128x1xf32>
    %mul3A_1609 = arith.constant 5.000000e-01 : f32
    %mul3A_1610 = vector.broadcast %mul3A_1609 : f32 to vector<128x1xf32>
    %mul3A_1611 = arith.mulf %mul3A_1610, %mul3A_1578 : vector<128x1xf32>
    %add3A_1612 = arith.addf %add3A_1574, %mul3A_1611 : vector<128x1xf32>
    %jit3A_1613 = arith.constant 0.000000e+00 : f32
    %jit3A_1614 = arith.constant 8.000000e+02 : f32
    %max3A_1615 = vector.broadcast %jit3A_1613 : f32 to vector<128x1xf32>
    %max3A_1616 = arith.maximumf %max3A_1615, %add3A_1612 : vector<128x1xf32>
    %min3A_1617 = vector.broadcast %jit3A_1614 : f32 to vector<128x1xf32>
    %min3A_1618 = arith.minimumf %min3A_1617, %max3A_1616 : vector<128x1xf32>
    %concatenate3A_1619 = tpu.concatenate %min3A_1588, %min3A_1598, %min3A_1608, %min3A_1618 in 1 : vector<128x1xf32>, vector<128x1xf32>, vector<128x1xf32>, vector<128x1xf32> -> vector<128x4xf32>
    %swap3A_1620 = arith.constant 1024 : index
    %swap3A_1621 = arith.constant 0 : index
    %swap3A_1622 = vector.load %arg4[%swap3A_1620, %swap3A_1621] : memref<2048x4xf32, #tpu.memory_space<vmem>>, vector<128x4xf32>
    tpu.vector_store %arg4[%swap3A_1620, %swap3A_1621], %concatenate3A_1619 {strides = array<i32>} : memref<2048x4xf32, #tpu.memory_space<vmem>>, vector<128x4xf32>,
    %sub3A_1623 = arith.subf %min3A_1608, %min3A_1588 : vector<128x1xf32>
    %sub3A_1624 = arith.subf %min3A_1618, %min3A_1598 : vector<128x1xf32>
    %mul3A_1625 = arith.mulf %sub3A_1623, %sub3A_1624 : vector<128x1xf32>
    %broadcast_in_dim3A_1626 = arith.constant 0.000000e+00 : bf16
    %broadcast_in_dim3A_1627 = vector.broadcast %broadcast_in_dim3A_1626 : bf16 to vector<128x1024xbf16>
    %swap3A_1628 = arith.constant 1024 : index
    %swap3A_1629 = arith.constant 0 : index
    %swap3A_1630 = vector.load %arg3[%swap3A_1628, %swap3A_1629] : memref<2048x2048xbf16, #tpu.memory_space<vmem>>, vector<128x1024xbf16>
    tpu.vector_store %arg3[%swap3A_1628, %swap3A_1629], %broadcast_in_dim3A_1627 {strides = array<i32>} : memref<2048x2048xbf16, #tpu.memory_space<vmem>>, vector<128x1024xbf16>,
    %slice3A_1631 = vector.extract_strided_slice %min3A_75 {offsets = [0, 1024], sizes = [1, 128], strides = [1, 1]} : vector<1x2048xf32> to vector<1x128xf32>
    %min3A_1632 = vector.broadcast %min3A_1608 : vector<128x1xf32> to vector<128x128xf32>
    %min3A_1633 = vector.broadcast %slice3A_1631 : vector<1x128xf32> to vector<128x128xf32>
    %min3A_1634 = arith.minimumf %min3A_1632, %min3A_1633 : vector<128x128xf32>
    %slice3A_1635 = vector.extract_strided_slice %min3A_55 {offsets = [0, 1024], sizes = [1, 128], strides = [1, 1]} : vector<1x2048xf32> to vector<1x128xf32>
    %max3A_1636 = vector.broadcast %min3A_1588 : vector<128x1xf32> to vector<128x128xf32>
    %max3A_1637 = vector.broadcast %slice3A_1635 : vector<1x128xf32> to vector<128x128xf32>
    %max3A_1638 = arith.maximumf %max3A_1636, %max3A_1637 : vector<128x128xf32>
    %sub3A_1639 = arith.subf %min3A_1634, %max3A_1638 : vector<128x128xf32>
    %jit3A_1640 = arith.constant 0.000000e+00 : f32
    %max3A_1641 = vector.broadcast %jit3A_1640 : f32 to vector<128x128xf32>
    %max3A_1642 = arith.maximumf %max3A_1641, %sub3A_1639 : vector<128x128xf32>
    %slice3A_1643 = vector.extract_strided_slice %min3A_85 {offsets = [0, 1024], sizes = [1, 128], strides = [1, 1]} : vector<1x2048xf32> to vector<1x128xf32>
    %min3A_1644 = vector.broadcast %min3A_1618 : vector<128x1xf32> to vector<128x128xf32>
    %min3A_1645 = vector.broadcast %slice3A_1643 : vector<1x128xf32> to vector<128x128xf32>
    %min3A_1646 = arith.minimumf %min3A_1644, %min3A_1645 : vector<128x128xf32>
    %slice3A_1647 = vector.extract_strided_slice %min3A_65 {offsets = [0, 1024], sizes = [1, 128], strides = [1, 1]} : vector<1x2048xf32> to vector<1x128xf32>
    %max3A_1648 = vector.broadcast %min3A_1598 : vector<128x1xf32> to vector<128x128xf32>
    %max3A_1649 = vector.broadcast %slice3A_1647 : vector<1x128xf32> to vector<128x128xf32>
    %max3A_1650 = arith.maximumf %max3A_1648, %max3A_1649 : vector<128x128xf32>
    %sub3A_1651 = arith.subf %min3A_1646, %max3A_1650 : vector<128x128xf32>
    %jit3A_1652 = arith.constant 0.000000e+00 : f32
    %max3A_1653 = vector.broadcast %jit3A_1652 : f32 to vector<128x128xf32>
    %max3A_1654 = arith.maximumf %max3A_1653, %sub3A_1651 : vector<128x128xf32>
    %mul3A_1655 = arith.mulf %max3A_1642, %max3A_1654 : vector<128x128xf32>
    %slice3A_1656 = vector.extract_strided_slice %mul3A_88 {offsets = [0, 1024], sizes = [1, 128], strides = [1, 1]} : vector<1x2048xf32> to vector<1x128xf32>
    %add3A_1657 = vector.broadcast %mul3A_1625 : vector<128x1xf32> to vector<128x128xf32>
    %add3A_1658 = vector.broadcast %slice3A_1656 : vector<1x128xf32> to vector<128x128xf32>
    %add3A_1659 = arith.addf %add3A_1657, %add3A_1658 : vector<128x128xf32>
    %sub3A_1660 = arith.subf %add3A_1659, %mul3A_1655 : vector<128x128xf32>
    %add3A_1661 = arith.constant 9.99999971E-10 : f32
    %add3A_1662 = vector.broadcast %add3A_1661 : f32 to vector<128x128xf32>
    %add3A_1663 = arith.addf %sub3A_1660, %add3A_1662 : vector<128x128xf32>
    %div3A_1664 = arith.divf %mul3A_1655, %add3A_1663 : vector<128x128xf32>
    %iota3A_1665 = tpu.iota {dimensions = array<i32: 0>} : vector<128x128xi32>
    %iota3A_1666 = tpu.iota {dimensions = array<i32: 1>} : vector<128x128xi32>
    %gt3A_1667 = arith.constant 0.699999988 : f32
    %gt3A_1668 = vector.broadcast %gt3A_1667 : f32 to vector<128x128xf32>
    %gt3A_1669 = arith.cmpf ogt, %div3A_1664, %gt3A_1668 : vector<128x128xf32>
    %lt3A_1670 = arith.cmpi slt, %iota3A_1665, %iota3A_1666 : vector<128x128xi32>
    %and3A_1671 = arith.andi %gt3A_1669, %lt3A_1670 : vector<128x128xi1>
    %convert_element_type3A_1672 = arith.extui %and3A_1671 : vector<128x128xi1> to vector<128x128xi32>
    %convert_element_type3A_1673 = arith.sitofp %convert_element_type3A_1672 : vector<128x128xi32> to vector<128x128xf32>
    %convert_element_type3A_1674 = arith.truncf %convert_element_type3A_1673 : vector<128x128xf32> to vector<128x128xbf16>
    %swap3A_1675 = arith.constant 1024 : index
    %swap3A_1676 = arith.constant 1024 : index
    %swap3A_1677 = vector.load %arg3[%swap3A_1675, %swap3A_1676] : memref<2048x2048xbf16, #tpu.memory_space<vmem>>, vector<128x128xbf16>
    tpu.vector_store %arg3[%swap3A_1675, %swap3A_1676], %convert_element_type3A_1674 {strides = array<i32>} : memref<2048x2048xbf16, #tpu.memory_space<vmem>>, vector<128x128xbf16>,
    %slice3A_1678 = vector.extract_strided_slice %min3A_75 {offsets = [0, 1152], sizes = [1, 896], strides = [1, 1]} : vector<1x2048xf32> to vector<1x896xf32>
    %min3A_1679 = vector.broadcast %min3A_1608 : vector<128x1xf32> to vector<128x896xf32>
    %min3A_1680 = vector.broadcast %slice3A_1678 : vector<1x896xf32> to vector<128x896xf32>
    %min3A_1681 = arith.minimumf %min3A_1679, %min3A_1680 : vector<128x896xf32>
    %slice3A_1682 = vector.extract_strided_slice %min3A_55 {offsets = [0, 1152], sizes = [1, 896], strides = [1, 1]} : vector<1x2048xf32> to vector<1x896xf32>
    %max3A_1683 = vector.broadcast %min3A_1588 : vector<128x1xf32> to vector<128x896xf32>
    %max3A_1684 = vector.broadcast %slice3A_1682 : vector<1x896xf32> to vector<128x896xf32>
    %max3A_1685 = arith.maximumf %max3A_1683, %max3A_1684 : vector<128x896xf32>
    %sub3A_1686 = arith.subf %min3A_1681, %max3A_1685 : vector<128x896xf32>
    %jit3A_1687 = arith.constant 0.000000e+00 : f32
    %max3A_1688 = vector.broadcast %jit3A_1687 : f32 to vector<128x896xf32>
    %max3A_1689 = arith.maximumf %max3A_1688, %sub3A_1686 : vector<128x896xf32>
    %slice3A_1690 = vector.extract_strided_slice %min3A_85 {offsets = [0, 1152], sizes = [1, 896], strides = [1, 1]} : vector<1x2048xf32> to vector<1x896xf32>
    %min3A_1691 = vector.broadcast %min3A_1618 : vector<128x1xf32> to vector<128x896xf32>
    %min3A_1692 = vector.broadcast %slice3A_1690 : vector<1x896xf32> to vector<128x896xf32>
    %min3A_1693 = arith.minimumf %min3A_1691, %min3A_1692 : vector<128x896xf32>
    %slice3A_1694 = vector.extract_strided_slice %min3A_65 {offsets = [0, 1152], sizes = [1, 896], strides = [1, 1]} : vector<1x2048xf32> to vector<1x896xf32>
    %max3A_1695 = vector.broadcast %min3A_1598 : vector<128x1xf32> to vector<128x896xf32>
    %max3A_1696 = vector.broadcast %slice3A_1694 : vector<1x896xf32> to vector<128x896xf32>
    %max3A_1697 = arith.maximumf %max3A_1695, %max3A_1696 : vector<128x896xf32>
    %sub3A_1698 = arith.subf %min3A_1693, %max3A_1697 : vector<128x896xf32>
    %jit3A_1699 = arith.constant 0.000000e+00 : f32
    %max3A_1700 = vector.broadcast %jit3A_1699 : f32 to vector<128x896xf32>
    %max3A_1701 = arith.maximumf %max3A_1700, %sub3A_1698 : vector<128x896xf32>
    %mul3A_1702 = arith.mulf %max3A_1689, %max3A_1701 : vector<128x896xf32>
    %slice3A_1703 = vector.extract_strided_slice %mul3A_88 {offsets = [0, 1152], sizes = [1, 896], strides = [1, 1]} : vector<1x2048xf32> to vector<1x896xf32>
    %add3A_1704 = vector.broadcast %mul3A_1625 : vector<128x1xf32> to vector<128x896xf32>
    %add3A_1705 = vector.broadcast %slice3A_1703 : vector<1x896xf32> to vector<128x896xf32>
    %add3A_1706 = arith.addf %add3A_1704, %add3A_1705 : vector<128x896xf32>
    %sub3A_1707 = arith.subf %add3A_1706, %mul3A_1702 : vector<128x896xf32>
    %add3A_1708 = arith.constant 9.99999971E-10 : f32
    %add3A_1709 = vector.broadcast %add3A_1708 : f32 to vector<128x896xf32>
    %add3A_1710 = arith.addf %sub3A_1707, %add3A_1709 : vector<128x896xf32>
    %div3A_1711 = arith.divf %mul3A_1702, %add3A_1710 : vector<128x896xf32>
    %gt3A_1712 = arith.constant 0.699999988 : f32
    %gt3A_1713 = vector.broadcast %gt3A_1712 : f32 to vector<128x896xf32>
    %gt3A_1714 = arith.cmpf ogt, %div3A_1711, %gt3A_1713 : vector<128x896xf32>
    %convert_element_type3A_1715 = arith.extui %gt3A_1714 : vector<128x896xi1> to vector<128x896xi32>
    %convert_element_type3A_1716 = arith.sitofp %convert_element_type3A_1715 : vector<128x896xi32> to vector<128x896xf32>
    %convert_element_type3A_1717 = arith.truncf %convert_element_type3A_1716 : vector<128x896xf32> to vector<128x896xbf16>
    %swap3A_1718 = arith.constant 1024 : index
    %swap3A_1719 = arith.constant 1152 : index
    %swap3A_1720 = vector.load %arg3[%swap3A_1718, %swap3A_1719] : memref<2048x2048xbf16, #tpu.memory_space<vmem>>, vector<128x896xbf16>
    tpu.vector_store %arg3[%swap3A_1718, %swap3A_1719], %convert_element_type3A_1717 {strides = array<i32>} : memref<2048x2048xbf16, #tpu.memory_space<vmem>>, vector<128x896xbf16>,
    %get3A_1721 = arith.constant 1152 : index
    %get3A_1722 = arith.constant 0 : index
    %get3A_1723 = vector.load %arg0[%get3A_1721, %get3A_1722] : memref<2048x16xf32, #tpu.memory_space<vmem>>, vector<128x16xf32>
    %slice3A_1724 = vector.extract_strided_slice %get3A_1723 {offsets = [0, 0], sizes = [128, 1], strides = [1, 1]} : vector<128x16xf32> to vector<128x1xf32>
    %slice3A_1725 = vector.extract_strided_slice %get3A_1723 {offsets = [0, 1], sizes = [128, 1], strides = [1, 1]} : vector<128x16xf32> to vector<128x1xf32>
    %slice3A_1726 = vector.extract_strided_slice %get3A_1723 {offsets = [0, 2], sizes = [128, 1], strides = [1, 1]} : vector<128x16xf32> to vector<128x1xf32>
    %slice3A_1727 = vector.extract_strided_slice %get3A_1723 {offsets = [0, 3], sizes = [128, 1], strides = [1, 1]} : vector<128x16xf32> to vector<128x1xf32>
    %slice3A_1728 = vector.extract_strided_slice %get3A_1723 {offsets = [0, 4], sizes = [128, 1], strides = [1, 1]} : vector<128x16xf32> to vector<128x1xf32>
    %slice3A_1729 = vector.extract_strided_slice %get3A_1723 {offsets = [0, 5], sizes = [128, 1], strides = [1, 1]} : vector<128x16xf32> to vector<128x1xf32>
    %slice3A_1730 = vector.extract_strided_slice %get3A_1723 {offsets = [0, 6], sizes = [128, 1], strides = [1, 1]} : vector<128x16xf32> to vector<128x1xf32>
    %slice3A_1731 = vector.extract_strided_slice %get3A_1723 {offsets = [0, 7], sizes = [128, 1], strides = [1, 1]} : vector<128x16xf32> to vector<128x1xf32>
    %sub3A_1732 = arith.subf %slice3A_1726, %slice3A_1724 : vector<128x1xf32>
    %sub3A_1733 = arith.subf %slice3A_1727, %slice3A_1725 : vector<128x1xf32>
    %mul3A_1734 = arith.constant 5.000000e-01 : f32
    %mul3A_1735 = vector.broadcast %mul3A_1734 : f32 to vector<128x1xf32>
    %mul3A_1736 = arith.mulf %mul3A_1735, %sub3A_1732 : vector<128x1xf32>
    %add3A_1737 = arith.addf %slice3A_1724, %mul3A_1736 : vector<128x1xf32>
    %mul3A_1738 = arith.constant 5.000000e-01 : f32
    %mul3A_1739 = vector.broadcast %mul3A_1738 : f32 to vector<128x1xf32>
    %mul3A_1740 = arith.mulf %mul3A_1739, %sub3A_1733 : vector<128x1xf32>
    %add3A_1741 = arith.addf %slice3A_1725, %mul3A_1740 : vector<128x1xf32>
    %jit3A_1742 = arith.constant -4.000000e+00 : f32
    %jit3A_1743 = arith.constant 4.000000e+00 : f32
    %max3A_1744 = vector.broadcast %jit3A_1742 : f32 to vector<128x1xf32>
    %max3A_1745 = arith.maximumf %max3A_1744, %slice3A_1730 : vector<128x1xf32>
    %min3A_1746 = vector.broadcast %jit3A_1743 : f32 to vector<128x1xf32>
    %min3A_1747 = arith.minimumf %min3A_1746, %max3A_1745 : vector<128x1xf32>
    %jit3A_1748 = arith.constant -4.000000e+00 : f32
    %jit3A_1749 = arith.constant 4.000000e+00 : f32
    %max3A_1750 = vector.broadcast %jit3A_1748 : f32 to vector<128x1xf32>
    %max3A_1751 = arith.maximumf %max3A_1750, %slice3A_1731 : vector<128x1xf32>
    %min3A_1752 = vector.broadcast %jit3A_1749 : f32 to vector<128x1xf32>
    %min3A_1753 = arith.minimumf %min3A_1752, %max3A_1751 : vector<128x1xf32>
    %mul3A_1754 = arith.mulf %slice3A_1728, %sub3A_1732 : vector<128x1xf32>
    %add3A_1755 = arith.addf %mul3A_1754, %add3A_1737 : vector<128x1xf32>
    %mul3A_1756 = arith.mulf %slice3A_1729, %sub3A_1733 : vector<128x1xf32>
    %add3A_1757 = arith.addf %mul3A_1756, %add3A_1741 : vector<128x1xf32>
    %exp3A_1758 = math.exp %min3A_1747 : vector<128x1xf32>
    %mul3A_1759 = arith.mulf %exp3A_1758, %sub3A_1732 : vector<128x1xf32>
    %exp3A_1760 = math.exp %min3A_1753 : vector<128x1xf32>
    %mul3A_1761 = arith.mulf %exp3A_1760, %sub3A_1733 : vector<128x1xf32>
    %mul3A_1762 = arith.constant 5.000000e-01 : f32
    %mul3A_1763 = vector.broadcast %mul3A_1762 : f32 to vector<128x1xf32>
    %mul3A_1764 = arith.mulf %mul3A_1763, %mul3A_1759 : vector<128x1xf32>
    %sub3A_1765 = arith.subf %add3A_1755, %mul3A_1764 : vector<128x1xf32>
    %jit3A_1766 = arith.constant 0.000000e+00 : f32
    %jit3A_1767 = arith.constant 1.216000e+03 : f32
    %max3A_1768 = vector.broadcast %jit3A_1766 : f32 to vector<128x1xf32>
    %max3A_1769 = arith.maximumf %max3A_1768, %sub3A_1765 : vector<128x1xf32>
    %min3A_1770 = vector.broadcast %jit3A_1767 : f32 to vector<128x1xf32>
    %min3A_1771 = arith.minimumf %min3A_1770, %max3A_1769 : vector<128x1xf32>
    %mul3A_1772 = arith.constant 5.000000e-01 : f32
    %mul3A_1773 = vector.broadcast %mul3A_1772 : f32 to vector<128x1xf32>
    %mul3A_1774 = arith.mulf %mul3A_1773, %mul3A_1761 : vector<128x1xf32>
    %sub3A_1775 = arith.subf %add3A_1757, %mul3A_1774 : vector<128x1xf32>
    %jit3A_1776 = arith.constant 0.000000e+00 : f32
    %jit3A_1777 = arith.constant 8.000000e+02 : f32
    %max3A_1778 = vector.broadcast %jit3A_1776 : f32 to vector<128x1xf32>
    %max3A_1779 = arith.maximumf %max3A_1778, %sub3A_1775 : vector<128x1xf32>
    %min3A_1780 = vector.broadcast %jit3A_1777 : f32 to vector<128x1xf32>
    %min3A_1781 = arith.minimumf %min3A_1780, %max3A_1779 : vector<128x1xf32>
    %mul3A_1782 = arith.constant 5.000000e-01 : f32
    %mul3A_1783 = vector.broadcast %mul3A_1782 : f32 to vector<128x1xf32>
    %mul3A_1784 = arith.mulf %mul3A_1783, %mul3A_1759 : vector<128x1xf32>
    %add3A_1785 = arith.addf %add3A_1755, %mul3A_1784 : vector<128x1xf32>
    %jit3A_1786 = arith.constant 0.000000e+00 : f32
    %jit3A_1787 = arith.constant 1.216000e+03 : f32
    %max3A_1788 = vector.broadcast %jit3A_1786 : f32 to vector<128x1xf32>
    %max3A_1789 = arith.maximumf %max3A_1788, %add3A_1785 : vector<128x1xf32>
    %min3A_1790 = vector.broadcast %jit3A_1787 : f32 to vector<128x1xf32>
    %min3A_1791 = arith.minimumf %min3A_1790, %max3A_1789 : vector<128x1xf32>
    %mul3A_1792 = arith.constant 5.000000e-01 : f32
    %mul3A_1793 = vector.broadcast %mul3A_1792 : f32 to vector<128x1xf32>
    %mul3A_1794 = arith.mulf %mul3A_1793, %mul3A_1761 : vector<128x1xf32>
    %add3A_1795 = arith.addf %add3A_1757, %mul3A_1794 : vector<128x1xf32>
    %jit3A_1796 = arith.constant 0.000000e+00 : f32
    %jit3A_1797 = arith.constant 8.000000e+02 : f32
    %max3A_1798 = vector.broadcast %jit3A_1796 : f32 to vector<128x1xf32>
    %max3A_1799 = arith.maximumf %max3A_1798, %add3A_1795 : vector<128x1xf32>
    %min3A_1800 = vector.broadcast %jit3A_1797 : f32 to vector<128x1xf32>
    %min3A_1801 = arith.minimumf %min3A_1800, %max3A_1799 : vector<128x1xf32>
    %concatenate3A_1802 = tpu.concatenate %min3A_1771, %min3A_1781, %min3A_1791, %min3A_1801 in 1 : vector<128x1xf32>, vector<128x1xf32>, vector<128x1xf32>, vector<128x1xf32> -> vector<128x4xf32>
    %swap3A_1803 = arith.constant 1152 : index
    %swap3A_1804 = arith.constant 0 : index
    %swap3A_1805 = vector.load %arg4[%swap3A_1803, %swap3A_1804] : memref<2048x4xf32, #tpu.memory_space<vmem>>, vector<128x4xf32>
    tpu.vector_store %arg4[%swap3A_1803, %swap3A_1804], %concatenate3A_1802 {strides = array<i32>} : memref<2048x4xf32, #tpu.memory_space<vmem>>, vector<128x4xf32>,
    %sub3A_1806 = arith.subf %min3A_1791, %min3A_1771 : vector<128x1xf32>
    %sub3A_1807 = arith.subf %min3A_1801, %min3A_1781 : vector<128x1xf32>
    %mul3A_1808 = arith.mulf %sub3A_1806, %sub3A_1807 : vector<128x1xf32>
    %broadcast_in_dim3A_1809 = arith.constant 0.000000e+00 : bf16
    %broadcast_in_dim3A_1810 = vector.broadcast %broadcast_in_dim3A_1809 : bf16 to vector<128x1152xbf16>
    %swap3A_1811 = arith.constant 1152 : index
    %swap3A_1812 = arith.constant 0 : index
    %swap3A_1813 = vector.load %arg3[%swap3A_1811, %swap3A_1812] : memref<2048x2048xbf16, #tpu.memory_space<vmem>>, vector<128x1152xbf16>
    tpu.vector_store %arg3[%swap3A_1811, %swap3A_1812], %broadcast_in_dim3A_1810 {strides = array<i32>} : memref<2048x2048xbf16, #tpu.memory_space<vmem>>, vector<128x1152xbf16>,
    %slice3A_1814 = vector.extract_strided_slice %min3A_75 {offsets = [0, 1152], sizes = [1, 128], strides = [1, 1]} : vector<1x2048xf32> to vector<1x128xf32>
    %min3A_1815 = vector.broadcast %min3A_1791 : vector<128x1xf32> to vector<128x128xf32>
    %min3A_1816 = vector.broadcast %slice3A_1814 : vector<1x128xf32> to vector<128x128xf32>
    %min3A_1817 = arith.minimumf %min3A_1815, %min3A_1816 : vector<128x128xf32>
    %slice3A_1818 = vector.extract_strided_slice %min3A_55 {offsets = [0, 1152], sizes = [1, 128], strides = [1, 1]} : vector<1x2048xf32> to vector<1x128xf32>
    %max3A_1819 = vector.broadcast %min3A_1771 : vector<128x1xf32> to vector<128x128xf32>
    %max3A_1820 = vector.broadcast %slice3A_1818 : vector<1x128xf32> to vector<128x128xf32>
    %max3A_1821 = arith.maximumf %max3A_1819, %max3A_1820 : vector<128x128xf32>
    %sub3A_1822 = arith.subf %min3A_1817, %max3A_1821 : vector<128x128xf32>
    %jit3A_1823 = arith.constant 0.000000e+00 : f32
    %max3A_1824 = vector.broadcast %jit3A_1823 : f32 to vector<128x128xf32>
    %max3A_1825 = arith.maximumf %max3A_1824, %sub3A_1822 : vector<128x128xf32>
    %slice3A_1826 = vector.extract_strided_slice %min3A_85 {offsets = [0, 1152], sizes = [1, 128], strides = [1, 1]} : vector<1x2048xf32> to vector<1x128xf32>
    %min3A_1827 = vector.broadcast %min3A_1801 : vector<128x1xf32> to vector<128x128xf32>
    %min3A_1828 = vector.broadcast %slice3A_1826 : vector<1x128xf32> to vector<128x128xf32>
    %min3A_1829 = arith.minimumf %min3A_1827, %min3A_1828 : vector<128x128xf32>
    %slice3A_1830 = vector.extract_strided_slice %min3A_65 {offsets = [0, 1152], sizes = [1, 128], strides = [1, 1]} : vector<1x2048xf32> to vector<1x128xf32>
    %max3A_1831 = vector.broadcast %min3A_1781 : vector<128x1xf32> to vector<128x128xf32>
    %max3A_1832 = vector.broadcast %slice3A_1830 : vector<1x128xf32> to vector<128x128xf32>
    %max3A_1833 = arith.maximumf %max3A_1831, %max3A_1832 : vector<128x128xf32>
    %sub3A_1834 = arith.subf %min3A_1829, %max3A_1833 : vector<128x128xf32>
    %jit3A_1835 = arith.constant 0.000000e+00 : f32
    %max3A_1836 = vector.broadcast %jit3A_1835 : f32 to vector<128x128xf32>
    %max3A_1837 = arith.maximumf %max3A_1836, %sub3A_1834 : vector<128x128xf32>
    %mul3A_1838 = arith.mulf %max3A_1825, %max3A_1837 : vector<128x128xf32>
    %slice3A_1839 = vector.extract_strided_slice %mul3A_88 {offsets = [0, 1152], sizes = [1, 128], strides = [1, 1]} : vector<1x2048xf32> to vector<1x128xf32>
    %add3A_1840 = vector.broadcast %mul3A_1808 : vector<128x1xf32> to vector<128x128xf32>
    %add3A_1841 = vector.broadcast %slice3A_1839 : vector<1x128xf32> to vector<128x128xf32>
    %add3A_1842 = arith.addf %add3A_1840, %add3A_1841 : vector<128x128xf32>
    %sub3A_1843 = arith.subf %add3A_1842, %mul3A_1838 : vector<128x128xf32>
    %add3A_1844 = arith.constant 9.99999971E-10 : f32
    %add3A_1845 = vector.broadcast %add3A_1844 : f32 to vector<128x128xf32>
    %add3A_1846 = arith.addf %sub3A_1843, %add3A_1845 : vector<128x128xf32>
    %div3A_1847 = arith.divf %mul3A_1838, %add3A_1846 : vector<128x128xf32>
    %iota3A_1848 = tpu.iota {dimensions = array<i32: 0>} : vector<128x128xi32>
    %iota3A_1849 = tpu.iota {dimensions = array<i32: 1>} : vector<128x128xi32>
    %gt3A_1850 = arith.constant 0.699999988 : f32
    %gt3A_1851 = vector.broadcast %gt3A_1850 : f32 to vector<128x128xf32>
    %gt3A_1852 = arith.cmpf ogt, %div3A_1847, %gt3A_1851 : vector<128x128xf32>
    %lt3A_1853 = arith.cmpi slt, %iota3A_1848, %iota3A_1849 : vector<128x128xi32>
    %and3A_1854 = arith.andi %gt3A_1852, %lt3A_1853 : vector<128x128xi1>
    %convert_element_type3A_1855 = arith.extui %and3A_1854 : vector<128x128xi1> to vector<128x128xi32>
    %convert_element_type3A_1856 = arith.sitofp %convert_element_type3A_1855 : vector<128x128xi32> to vector<128x128xf32>
    %convert_element_type3A_1857 = arith.truncf %convert_element_type3A_1856 : vector<128x128xf32> to vector<128x128xbf16>
    %swap3A_1858 = arith.constant 1152 : index
    %swap3A_1859 = arith.constant 1152 : index
    %swap3A_1860 = vector.load %arg3[%swap3A_1858, %swap3A_1859] : memref<2048x2048xbf16, #tpu.memory_space<vmem>>, vector<128x128xbf16>
    tpu.vector_store %arg3[%swap3A_1858, %swap3A_1859], %convert_element_type3A_1857 {strides = array<i32>} : memref<2048x2048xbf16, #tpu.memory_space<vmem>>, vector<128x128xbf16>,
    %slice3A_1861 = vector.extract_strided_slice %min3A_75 {offsets = [0, 1280], sizes = [1, 768], strides = [1, 1]} : vector<1x2048xf32> to vector<1x768xf32>
    %min3A_1862 = vector.broadcast %min3A_1791 : vector<128x1xf32> to vector<128x768xf32>
    %min3A_1863 = vector.broadcast %slice3A_1861 : vector<1x768xf32> to vector<128x768xf32>
    %min3A_1864 = arith.minimumf %min3A_1862, %min3A_1863 : vector<128x768xf32>
    %slice3A_1865 = vector.extract_strided_slice %min3A_55 {offsets = [0, 1280], sizes = [1, 768], strides = [1, 1]} : vector<1x2048xf32> to vector<1x768xf32>
    %max3A_1866 = vector.broadcast %min3A_1771 : vector<128x1xf32> to vector<128x768xf32>
    %max3A_1867 = vector.broadcast %slice3A_1865 : vector<1x768xf32> to vector<128x768xf32>
    %max3A_1868 = arith.maximumf %max3A_1866, %max3A_1867 : vector<128x768xf32>
    %sub3A_1869 = arith.subf %min3A_1864, %max3A_1868 : vector<128x768xf32>
    %jit3A_1870 = arith.constant 0.000000e+00 : f32
    %max3A_1871 = vector.broadcast %jit3A_1870 : f32 to vector<128x768xf32>
    %max3A_1872 = arith.maximumf %max3A_1871, %sub3A_1869 : vector<128x768xf32>
    %slice3A_1873 = vector.extract_strided_slice %min3A_85 {offsets = [0, 1280], sizes = [1, 768], strides = [1, 1]} : vector<1x2048xf32> to vector<1x768xf32>
    %min3A_1874 = vector.broadcast %min3A_1801 : vector<128x1xf32> to vector<128x768xf32>
    %min3A_1875 = vector.broadcast %slice3A_1873 : vector<1x768xf32> to vector<128x768xf32>
    %min3A_1876 = arith.minimumf %min3A_1874, %min3A_1875 : vector<128x768xf32>
    %slice3A_1877 = vector.extract_strided_slice %min3A_65 {offsets = [0, 1280], sizes = [1, 768], strides = [1, 1]} : vector<1x2048xf32> to vector<1x768xf32>
    %max3A_1878 = vector.broadcast %min3A_1781 : vector<128x1xf32> to vector<128x768xf32>
    %max3A_1879 = vector.broadcast %slice3A_1877 : vector<1x768xf32> to vector<128x768xf32>
    %max3A_1880 = arith.maximumf %max3A_1878, %max3A_1879 : vector<128x768xf32>
    %sub3A_1881 = arith.subf %min3A_1876, %max3A_1880 : vector<128x768xf32>
    %jit3A_1882 = arith.constant 0.000000e+00 : f32
    %max3A_1883 = vector.broadcast %jit3A_1882 : f32 to vector<128x768xf32>
    %max3A_1884 = arith.maximumf %max3A_1883, %sub3A_1881 : vector<128x768xf32>
    %mul3A_1885 = arith.mulf %max3A_1872, %max3A_1884 : vector<128x768xf32>
    %slice3A_1886 = vector.extract_strided_slice %mul3A_88 {offsets = [0, 1280], sizes = [1, 768], strides = [1, 1]} : vector<1x2048xf32> to vector<1x768xf32>
    %add3A_1887 = vector.broadcast %mul3A_1808 : vector<128x1xf32> to vector<128x768xf32>
    %add3A_1888 = vector.broadcast %slice3A_1886 : vector<1x768xf32> to vector<128x768xf32>
    %add3A_1889 = arith.addf %add3A_1887, %add3A_1888 : vector<128x768xf32>
    %sub3A_1890 = arith.subf %add3A_1889, %mul3A_1885 : vector<128x768xf32>
    %add3A_1891 = arith.constant 9.99999971E-10 : f32
    %add3A_1892 = vector.broadcast %add3A_1891 : f32 to vector<128x768xf32>
    %add3A_1893 = arith.addf %sub3A_1890, %add3A_1892 : vector<128x768xf32>
    %div3A_1894 = arith.divf %mul3A_1885, %add3A_1893 : vector<128x768xf32>
    %gt3A_1895 = arith.constant 0.699999988 : f32
    %gt3A_1896 = vector.broadcast %gt3A_1895 : f32 to vector<128x768xf32>
    %gt3A_1897 = arith.cmpf ogt, %div3A_1894, %gt3A_1896 : vector<128x768xf32>
    %convert_element_type3A_1898 = arith.extui %gt3A_1897 : vector<128x768xi1> to vector<128x768xi32>
    %convert_element_type3A_1899 = arith.sitofp %convert_element_type3A_1898 : vector<128x768xi32> to vector<128x768xf32>
    %convert_element_type3A_1900 = arith.truncf %convert_element_type3A_1899 : vector<128x768xf32> to vector<128x768xbf16>
    %swap3A_1901 = arith.constant 1152 : index
    %swap3A_1902 = arith.constant 1280 : index
    %swap3A_1903 = vector.load %arg3[%swap3A_1901, %swap3A_1902] : memref<2048x2048xbf16, #tpu.memory_space<vmem>>, vector<128x768xbf16>
    tpu.vector_store %arg3[%swap3A_1901, %swap3A_1902], %convert_element_type3A_1900 {strides = array<i32>} : memref<2048x2048xbf16, #tpu.memory_space<vmem>>, vector<128x768xbf16>,
    %get3A_1904 = arith.constant 1280 : index
    %get3A_1905 = arith.constant 0 : index
    %get3A_1906 = vector.load %arg0[%get3A_1904, %get3A_1905] : memref<2048x16xf32, #tpu.memory_space<vmem>>, vector<128x16xf32>
    %slice3A_1907 = vector.extract_strided_slice %get3A_1906 {offsets = [0, 0], sizes = [128, 1], strides = [1, 1]} : vector<128x16xf32> to vector<128x1xf32>
    %slice3A_1908 = vector.extract_strided_slice %get3A_1906 {offsets = [0, 1], sizes = [128, 1], strides = [1, 1]} : vector<128x16xf32> to vector<128x1xf32>
    %slice3A_1909 = vector.extract_strided_slice %get3A_1906 {offsets = [0, 2], sizes = [128, 1], strides = [1, 1]} : vector<128x16xf32> to vector<128x1xf32>
    %slice3A_1910 = vector.extract_strided_slice %get3A_1906 {offsets = [0, 3], sizes = [128, 1], strides = [1, 1]} : vector<128x16xf32> to vector<128x1xf32>
    %slice3A_1911 = vector.extract_strided_slice %get3A_1906 {offsets = [0, 4], sizes = [128, 1], strides = [1, 1]} : vector<128x16xf32> to vector<128x1xf32>
    %slice3A_1912 = vector.extract_strided_slice %get3A_1906 {offsets = [0, 5], sizes = [128, 1], strides = [1, 1]} : vector<128x16xf32> to vector<128x1xf32>
    %slice3A_1913 = vector.extract_strided_slice %get3A_1906 {offsets = [0, 6], sizes = [128, 1], strides = [1, 1]} : vector<128x16xf32> to vector<128x1xf32>
    %slice3A_1914 = vector.extract_strided_slice %get3A_1906 {offsets = [0, 7], sizes = [128, 1], strides = [1, 1]} : vector<128x16xf32> to vector<128x1xf32>
    %sub3A_1915 = arith.subf %slice3A_1909, %slice3A_1907 : vector<128x1xf32>
    %sub3A_1916 = arith.subf %slice3A_1910, %slice3A_1908 : vector<128x1xf32>
    %mul3A_1917 = arith.constant 5.000000e-01 : f32
    %mul3A_1918 = vector.broadcast %mul3A_1917 : f32 to vector<128x1xf32>
    %mul3A_1919 = arith.mulf %mul3A_1918, %sub3A_1915 : vector<128x1xf32>
    %add3A_1920 = arith.addf %slice3A_1907, %mul3A_1919 : vector<128x1xf32>
    %mul3A_1921 = arith.constant 5.000000e-01 : f32
    %mul3A_1922 = vector.broadcast %mul3A_1921 : f32 to vector<128x1xf32>
    %mul3A_1923 = arith.mulf %mul3A_1922, %sub3A_1916 : vector<128x1xf32>
    %add3A_1924 = arith.addf %slice3A_1908, %mul3A_1923 : vector<128x1xf32>
    %jit3A_1925 = arith.constant -4.000000e+00 : f32
    %jit3A_1926 = arith.constant 4.000000e+00 : f32
    %max3A_1927 = vector.broadcast %jit3A_1925 : f32 to vector<128x1xf32>
    %max3A_1928 = arith.maximumf %max3A_1927, %slice3A_1913 : vector<128x1xf32>
    %min3A_1929 = vector.broadcast %jit3A_1926 : f32 to vector<128x1xf32>
    %min3A_1930 = arith.minimumf %min3A_1929, %max3A_1928 : vector<128x1xf32>
    %jit3A_1931 = arith.constant -4.000000e+00 : f32
    %jit3A_1932 = arith.constant 4.000000e+00 : f32
    %max3A_1933 = vector.broadcast %jit3A_1931 : f32 to vector<128x1xf32>
    %max3A_1934 = arith.maximumf %max3A_1933, %slice3A_1914 : vector<128x1xf32>
    %min3A_1935 = vector.broadcast %jit3A_1932 : f32 to vector<128x1xf32>
    %min3A_1936 = arith.minimumf %min3A_1935, %max3A_1934 : vector<128x1xf32>
    %mul3A_1937 = arith.mulf %slice3A_1911, %sub3A_1915 : vector<128x1xf32>
    %add3A_1938 = arith.addf %mul3A_1937, %add3A_1920 : vector<128x1xf32>
    %mul3A_1939 = arith.mulf %slice3A_1912, %sub3A_1916 : vector<128x1xf32>
    %add3A_1940 = arith.addf %mul3A_1939, %add3A_1924 : vector<128x1xf32>
    %exp3A_1941 = math.exp %min3A_1930 : vector<128x1xf32>
    %mul3A_1942 = arith.mulf %exp3A_1941, %sub3A_1915 : vector<128x1xf32>
    %exp3A_1943 = math.exp %min3A_1936 : vector<128x1xf32>
    %mul3A_1944 = arith.mulf %exp3A_1943, %sub3A_1916 : vector<128x1xf32>
    %mul3A_1945 = arith.constant 5.000000e-01 : f32
    %mul3A_1946 = vector.broadcast %mul3A_1945 : f32 to vector<128x1xf32>
    %mul3A_1947 = arith.mulf %mul3A_1946, %mul3A_1942 : vector<128x1xf32>
    %sub3A_1948 = arith.subf %add3A_1938, %mul3A_1947 : vector<128x1xf32>
    %jit3A_1949 = arith.constant 0.000000e+00 : f32
    %jit3A_1950 = arith.constant 1.216000e+03 : f32
    %max3A_1951 = vector.broadcast %jit3A_1949 : f32 to vector<128x1xf32>
    %max3A_1952 = arith.maximumf %max3A_1951, %sub3A_1948 : vector<128x1xf32>
    %min3A_1953 = vector.broadcast %jit3A_1950 : f32 to vector<128x1xf32>
    %min3A_1954 = arith.minimumf %min3A_1953, %max3A_1952 : vector<128x1xf32>
    %mul3A_1955 = arith.constant 5.000000e-01 : f32
    %mul3A_1956 = vector.broadcast %mul3A_1955 : f32 to vector<128x1xf32>
    %mul3A_1957 = arith.mulf %mul3A_1956, %mul3A_1944 : vector<128x1xf32>
    %sub3A_1958 = arith.subf %add3A_1940, %mul3A_1957 : vector<128x1xf32>
    %jit3A_1959 = arith.constant 0.000000e+00 : f32
    %jit3A_1960 = arith.constant 8.000000e+02 : f32
    %max3A_1961 = vector.broadcast %jit3A_1959 : f32 to vector<128x1xf32>
    %max3A_1962 = arith.maximumf %max3A_1961, %sub3A_1958 : vector<128x1xf32>
    %min3A_1963 = vector.broadcast %jit3A_1960 : f32 to vector<128x1xf32>
    %min3A_1964 = arith.minimumf %min3A_1963, %max3A_1962 : vector<128x1xf32>
    %mul3A_1965 = arith.constant 5.000000e-01 : f32
    %mul3A_1966 = vector.broadcast %mul3A_1965 : f32 to vector<128x1xf32>
    %mul3A_1967 = arith.mulf %mul3A_1966, %mul3A_1942 : vector<128x1xf32>
    %add3A_1968 = arith.addf %add3A_1938, %mul3A_1967 : vector<128x1xf32>
    %jit3A_1969 = arith.constant 0.000000e+00 : f32
    %jit3A_1970 = arith.constant 1.216000e+03 : f32
    %max3A_1971 = vector.broadcast %jit3A_1969 : f32 to vector<128x1xf32>
    %max3A_1972 = arith.maximumf %max3A_1971, %add3A_1968 : vector<128x1xf32>
    %min3A_1973 = vector.broadcast %jit3A_1970 : f32 to vector<128x1xf32>
    %min3A_1974 = arith.minimumf %min3A_1973, %max3A_1972 : vector<128x1xf32>
    %mul3A_1975 = arith.constant 5.000000e-01 : f32
    %mul3A_1976 = vector.broadcast %mul3A_1975 : f32 to vector<128x1xf32>
    %mul3A_1977 = arith.mulf %mul3A_1976, %mul3A_1944 : vector<128x1xf32>
    %add3A_1978 = arith.addf %add3A_1940, %mul3A_1977 : vector<128x1xf32>
    %jit3A_1979 = arith.constant 0.000000e+00 : f32
    %jit3A_1980 = arith.constant 8.000000e+02 : f32
    %max3A_1981 = vector.broadcast %jit3A_1979 : f32 to vector<128x1xf32>
    %max3A_1982 = arith.maximumf %max3A_1981, %add3A_1978 : vector<128x1xf32>
    %min3A_1983 = vector.broadcast %jit3A_1980 : f32 to vector<128x1xf32>
    %min3A_1984 = arith.minimumf %min3A_1983, %max3A_1982 : vector<128x1xf32>
    %concatenate3A_1985 = tpu.concatenate %min3A_1954, %min3A_1964, %min3A_1974, %min3A_1984 in 1 : vector<128x1xf32>, vector<128x1xf32>, vector<128x1xf32>, vector<128x1xf32> -> vector<128x4xf32>
    %swap3A_1986 = arith.constant 1280 : index
    %swap3A_1987 = arith.constant 0 : index
    %swap3A_1988 = vector.load %arg4[%swap3A_1986, %swap3A_1987] : memref<2048x4xf32, #tpu.memory_space<vmem>>, vector<128x4xf32>
    tpu.vector_store %arg4[%swap3A_1986, %swap3A_1987], %concatenate3A_1985 {strides = array<i32>} : memref<2048x4xf32, #tpu.memory_space<vmem>>, vector<128x4xf32>,
    %sub3A_1989 = arith.subf %min3A_1974, %min3A_1954 : vector<128x1xf32>
    %sub3A_1990 = arith.subf %min3A_1984, %min3A_1964 : vector<128x1xf32>
    %mul3A_1991 = arith.mulf %sub3A_1989, %sub3A_1990 : vector<128x1xf32>
    %broadcast_in_dim3A_1992 = arith.constant 0.000000e+00 : bf16
    %broadcast_in_dim3A_1993 = vector.broadcast %broadcast_in_dim3A_1992 : bf16 to vector<128x1280xbf16>
    %swap3A_1994 = arith.constant 1280 : index
    %swap3A_1995 = arith.constant 0 : index
    %swap3A_1996 = vector.load %arg3[%swap3A_1994, %swap3A_1995] : memref<2048x2048xbf16, #tpu.memory_space<vmem>>, vector<128x1280xbf16>
    tpu.vector_store %arg3[%swap3A_1994, %swap3A_1995], %broadcast_in_dim3A_1993 {strides = array<i32>} : memref<2048x2048xbf16, #tpu.memory_space<vmem>>, vector<128x1280xbf16>,
    %slice3A_1997 = vector.extract_strided_slice %min3A_75 {offsets = [0, 1280], sizes = [1, 128], strides = [1, 1]} : vector<1x2048xf32> to vector<1x128xf32>
    %min3A_1998 = vector.broadcast %min3A_1974 : vector<128x1xf32> to vector<128x128xf32>
    %min3A_1999 = vector.broadcast %slice3A_1997 : vector<1x128xf32> to vector<128x128xf32>
    %min3A_2000 = arith.minimumf %min3A_1998, %min3A_1999 : vector<128x128xf32>
    %slice3A_2001 = vector.extract_strided_slice %min3A_55 {offsets = [0, 1280], sizes = [1, 128], strides = [1, 1]} : vector<1x2048xf32> to vector<1x128xf32>
    %max3A_2002 = vector.broadcast %min3A_1954 : vector<128x1xf32> to vector<128x128xf32>
    %max3A_2003 = vector.broadcast %slice3A_2001 : vector<1x128xf32> to vector<128x128xf32>
    %max3A_2004 = arith.maximumf %max3A_2002, %max3A_2003 : vector<128x128xf32>
    %sub3A_2005 = arith.subf %min3A_2000, %max3A_2004 : vector<128x128xf32>
    %jit3A_2006 = arith.constant 0.000000e+00 : f32
    %max3A_2007 = vector.broadcast %jit3A_2006 : f32 to vector<128x128xf32>
    %max3A_2008 = arith.maximumf %max3A_2007, %sub3A_2005 : vector<128x128xf32>
    %slice3A_2009 = vector.extract_strided_slice %min3A_85 {offsets = [0, 1280], sizes = [1, 128], strides = [1, 1]} : vector<1x2048xf32> to vector<1x128xf32>
    %min3A_2010 = vector.broadcast %min3A_1984 : vector<128x1xf32> to vector<128x128xf32>
    %min3A_2011 = vector.broadcast %slice3A_2009 : vector<1x128xf32> to vector<128x128xf32>
    %min3A_2012 = arith.minimumf %min3A_2010, %min3A_2011 : vector<128x128xf32>
    %slice3A_2013 = vector.extract_strided_slice %min3A_65 {offsets = [0, 1280], sizes = [1, 128], strides = [1, 1]} : vector<1x2048xf32> to vector<1x128xf32>
    %max3A_2014 = vector.broadcast %min3A_1964 : vector<128x1xf32> to vector<128x128xf32>
    %max3A_2015 = vector.broadcast %slice3A_2013 : vector<1x128xf32> to vector<128x128xf32>
    %max3A_2016 = arith.maximumf %max3A_2014, %max3A_2015 : vector<128x128xf32>
    %sub3A_2017 = arith.subf %min3A_2012, %max3A_2016 : vector<128x128xf32>
    %jit3A_2018 = arith.constant 0.000000e+00 : f32
    %max3A_2019 = vector.broadcast %jit3A_2018 : f32 to vector<128x128xf32>
    %max3A_2020 = arith.maximumf %max3A_2019, %sub3A_2017 : vector<128x128xf32>
    %mul3A_2021 = arith.mulf %max3A_2008, %max3A_2020 : vector<128x128xf32>
    %slice3A_2022 = vector.extract_strided_slice %mul3A_88 {offsets = [0, 1280], sizes = [1, 128], strides = [1, 1]} : vector<1x2048xf32> to vector<1x128xf32>
    %add3A_2023 = vector.broadcast %mul3A_1991 : vector<128x1xf32> to vector<128x128xf32>
    %add3A_2024 = vector.broadcast %slice3A_2022 : vector<1x128xf32> to vector<128x128xf32>
    %add3A_2025 = arith.addf %add3A_2023, %add3A_2024 : vector<128x128xf32>
    %sub3A_2026 = arith.subf %add3A_2025, %mul3A_2021 : vector<128x128xf32>
    %add3A_2027 = arith.constant 9.99999971E-10 : f32
    %add3A_2028 = vector.broadcast %add3A_2027 : f32 to vector<128x128xf32>
    %add3A_2029 = arith.addf %sub3A_2026, %add3A_2028 : vector<128x128xf32>
    %div3A_2030 = arith.divf %mul3A_2021, %add3A_2029 : vector<128x128xf32>
    %iota3A_2031 = tpu.iota {dimensions = array<i32: 0>} : vector<128x128xi32>
    %iota3A_2032 = tpu.iota {dimensions = array<i32: 1>} : vector<128x128xi32>
    %gt3A_2033 = arith.constant 0.699999988 : f32
    %gt3A_2034 = vector.broadcast %gt3A_2033 : f32 to vector<128x128xf32>
    %gt3A_2035 = arith.cmpf ogt, %div3A_2030, %gt3A_2034 : vector<128x128xf32>
    %lt3A_2036 = arith.cmpi slt, %iota3A_2031, %iota3A_2032 : vector<128x128xi32>
    %and3A_2037 = arith.andi %gt3A_2035, %lt3A_2036 : vector<128x128xi1>
    %convert_element_type3A_2038 = arith.extui %and3A_2037 : vector<128x128xi1> to vector<128x128xi32>
    %convert_element_type3A_2039 = arith.sitofp %convert_element_type3A_2038 : vector<128x128xi32> to vector<128x128xf32>
    %convert_element_type3A_2040 = arith.truncf %convert_element_type3A_2039 : vector<128x128xf32> to vector<128x128xbf16>
    %swap3A_2041 = arith.constant 1280 : index
    %swap3A_2042 = arith.constant 1280 : index
    %swap3A_2043 = vector.load %arg3[%swap3A_2041, %swap3A_2042] : memref<2048x2048xbf16, #tpu.memory_space<vmem>>, vector<128x128xbf16>
    tpu.vector_store %arg3[%swap3A_2041, %swap3A_2042], %convert_element_type3A_2040 {strides = array<i32>} : memref<2048x2048xbf16, #tpu.memory_space<vmem>>, vector<128x128xbf16>,
    %slice3A_2044 = vector.extract_strided_slice %min3A_75 {offsets = [0, 1408], sizes = [1, 640], strides = [1, 1]} : vector<1x2048xf32> to vector<1x640xf32>
    %min3A_2045 = vector.broadcast %min3A_1974 : vector<128x1xf32> to vector<128x640xf32>
    %min3A_2046 = vector.broadcast %slice3A_2044 : vector<1x640xf32> to vector<128x640xf32>
    %min3A_2047 = arith.minimumf %min3A_2045, %min3A_2046 : vector<128x640xf32>
    %slice3A_2048 = vector.extract_strided_slice %min3A_55 {offsets = [0, 1408], sizes = [1, 640], strides = [1, 1]} : vector<1x2048xf32> to vector<1x640xf32>
    %max3A_2049 = vector.broadcast %min3A_1954 : vector<128x1xf32> to vector<128x640xf32>
    %max3A_2050 = vector.broadcast %slice3A_2048 : vector<1x640xf32> to vector<128x640xf32>
    %max3A_2051 = arith.maximumf %max3A_2049, %max3A_2050 : vector<128x640xf32>
    %sub3A_2052 = arith.subf %min3A_2047, %max3A_2051 : vector<128x640xf32>
    %jit3A_2053 = arith.constant 0.000000e+00 : f32
    %max3A_2054 = vector.broadcast %jit3A_2053 : f32 to vector<128x640xf32>
    %max3A_2055 = arith.maximumf %max3A_2054, %sub3A_2052 : vector<128x640xf32>
    %slice3A_2056 = vector.extract_strided_slice %min3A_85 {offsets = [0, 1408], sizes = [1, 640], strides = [1, 1]} : vector<1x2048xf32> to vector<1x640xf32>
    %min3A_2057 = vector.broadcast %min3A_1984 : vector<128x1xf32> to vector<128x640xf32>
    %min3A_2058 = vector.broadcast %slice3A_2056 : vector<1x640xf32> to vector<128x640xf32>
    %min3A_2059 = arith.minimumf %min3A_2057, %min3A_2058 : vector<128x640xf32>
    %slice3A_2060 = vector.extract_strided_slice %min3A_65 {offsets = [0, 1408], sizes = [1, 640], strides = [1, 1]} : vector<1x2048xf32> to vector<1x640xf32>
    %max3A_2061 = vector.broadcast %min3A_1964 : vector<128x1xf32> to vector<128x640xf32>
    %max3A_2062 = vector.broadcast %slice3A_2060 : vector<1x640xf32> to vector<128x640xf32>
    %max3A_2063 = arith.maximumf %max3A_2061, %max3A_2062 : vector<128x640xf32>
    %sub3A_2064 = arith.subf %min3A_2059, %max3A_2063 : vector<128x640xf32>
    %jit3A_2065 = arith.constant 0.000000e+00 : f32
    %max3A_2066 = vector.broadcast %jit3A_2065 : f32 to vector<128x640xf32>
    %max3A_2067 = arith.maximumf %max3A_2066, %sub3A_2064 : vector<128x640xf32>
    %mul3A_2068 = arith.mulf %max3A_2055, %max3A_2067 : vector<128x640xf32>
    %slice3A_2069 = vector.extract_strided_slice %mul3A_88 {offsets = [0, 1408], sizes = [1, 640], strides = [1, 1]} : vector<1x2048xf32> to vector<1x640xf32>
    %add3A_2070 = vector.broadcast %mul3A_1991 : vector<128x1xf32> to vector<128x640xf32>
    %add3A_2071 = vector.broadcast %slice3A_2069 : vector<1x640xf32> to vector<128x640xf32>
    %add3A_2072 = arith.addf %add3A_2070, %add3A_2071 : vector<128x640xf32>
    %sub3A_2073 = arith.subf %add3A_2072, %mul3A_2068 : vector<128x640xf32>
    %add3A_2074 = arith.constant 9.99999971E-10 : f32
    %add3A_2075 = vector.broadcast %add3A_2074 : f32 to vector<128x640xf32>
    %add3A_2076 = arith.addf %sub3A_2073, %add3A_2075 : vector<128x640xf32>
    %div3A_2077 = arith.divf %mul3A_2068, %add3A_2076 : vector<128x640xf32>
    %gt3A_2078 = arith.constant 0.699999988 : f32
    %gt3A_2079 = vector.broadcast %gt3A_2078 : f32 to vector<128x640xf32>
    %gt3A_2080 = arith.cmpf ogt, %div3A_2077, %gt3A_2079 : vector<128x640xf32>
    %convert_element_type3A_2081 = arith.extui %gt3A_2080 : vector<128x640xi1> to vector<128x640xi32>
    %convert_element_type3A_2082 = arith.sitofp %convert_element_type3A_2081 : vector<128x640xi32> to vector<128x640xf32>
    %convert_element_type3A_2083 = arith.truncf %convert_element_type3A_2082 : vector<128x640xf32> to vector<128x640xbf16>
    %swap3A_2084 = arith.constant 1280 : index
    %swap3A_2085 = arith.constant 1408 : index
    %swap3A_2086 = vector.load %arg3[%swap3A_2084, %swap3A_2085] : memref<2048x2048xbf16, #tpu.memory_space<vmem>>, vector<128x640xbf16>
    tpu.vector_store %arg3[%swap3A_2084, %swap3A_2085], %convert_element_type3A_2083 {strides = array<i32>} : memref<2048x2048xbf16, #tpu.memory_space<vmem>>, vector<128x640xbf16>,
    %get3A_2087 = arith.constant 1408 : index
    %get3A_2088 = arith.constant 0 : index
    %get3A_2089 = vector.load %arg0[%get3A_2087, %get3A_2088] : memref<2048x16xf32, #tpu.memory_space<vmem>>, vector<128x16xf32>
    %slice3A_2090 = vector.extract_strided_slice %get3A_2089 {offsets = [0, 0], sizes = [128, 1], strides = [1, 1]} : vector<128x16xf32> to vector<128x1xf32>
    %slice3A_2091 = vector.extract_strided_slice %get3A_2089 {offsets = [0, 1], sizes = [128, 1], strides = [1, 1]} : vector<128x16xf32> to vector<128x1xf32>
    %slice3A_2092 = vector.extract_strided_slice %get3A_2089 {offsets = [0, 2], sizes = [128, 1], strides = [1, 1]} : vector<128x16xf32> to vector<128x1xf32>
    %slice3A_2093 = vector.extract_strided_slice %get3A_2089 {offsets = [0, 3], sizes = [128, 1], strides = [1, 1]} : vector<128x16xf32> to vector<128x1xf32>
    %slice3A_2094 = vector.extract_strided_slice %get3A_2089 {offsets = [0, 4], sizes = [128, 1], strides = [1, 1]} : vector<128x16xf32> to vector<128x1xf32>
    %slice3A_2095 = vector.extract_strided_slice %get3A_2089 {offsets = [0, 5], sizes = [128, 1], strides = [1, 1]} : vector<128x16xf32> to vector<128x1xf32>
    %slice3A_2096 = vector.extract_strided_slice %get3A_2089 {offsets = [0, 6], sizes = [128, 1], strides = [1, 1]} : vector<128x16xf32> to vector<128x1xf32>
    %slice3A_2097 = vector.extract_strided_slice %get3A_2089 {offsets = [0, 7], sizes = [128, 1], strides = [1, 1]} : vector<128x16xf32> to vector<128x1xf32>
    %sub3A_2098 = arith.subf %slice3A_2092, %slice3A_2090 : vector<128x1xf32>
    %sub3A_2099 = arith.subf %slice3A_2093, %slice3A_2091 : vector<128x1xf32>
    %mul3A_2100 = arith.constant 5.000000e-01 : f32
    %mul3A_2101 = vector.broadcast %mul3A_2100 : f32 to vector<128x1xf32>
    %mul3A_2102 = arith.mulf %mul3A_2101, %sub3A_2098 : vector<128x1xf32>
    %add3A_2103 = arith.addf %slice3A_2090, %mul3A_2102 : vector<128x1xf32>
    %mul3A_2104 = arith.constant 5.000000e-01 : f32
    %mul3A_2105 = vector.broadcast %mul3A_2104 : f32 to vector<128x1xf32>
    %mul3A_2106 = arith.mulf %mul3A_2105, %sub3A_2099 : vector<128x1xf32>
    %add3A_2107 = arith.addf %slice3A_2091, %mul3A_2106 : vector<128x1xf32>
    %jit3A_2108 = arith.constant -4.000000e+00 : f32
    %jit3A_2109 = arith.constant 4.000000e+00 : f32
    %max3A_2110 = vector.broadcast %jit3A_2108 : f32 to vector<128x1xf32>
    %max3A_2111 = arith.maximumf %max3A_2110, %slice3A_2096 : vector<128x1xf32>
    %min3A_2112 = vector.broadcast %jit3A_2109 : f32 to vector<128x1xf32>
    %min3A_2113 = arith.minimumf %min3A_2112, %max3A_2111 : vector<128x1xf32>
    %jit3A_2114 = arith.constant -4.000000e+00 : f32
    %jit3A_2115 = arith.constant 4.000000e+00 : f32
    %max3A_2116 = vector.broadcast %jit3A_2114 : f32 to vector<128x1xf32>
    %max3A_2117 = arith.maximumf %max3A_2116, %slice3A_2097 : vector<128x1xf32>
    %min3A_2118 = vector.broadcast %jit3A_2115 : f32 to vector<128x1xf32>
    %min3A_2119 = arith.minimumf %min3A_2118, %max3A_2117 : vector<128x1xf32>
    %mul3A_2120 = arith.mulf %slice3A_2094, %sub3A_2098 : vector<128x1xf32>
    %add3A_2121 = arith.addf %mul3A_2120, %add3A_2103 : vector<128x1xf32>
    %mul3A_2122 = arith.mulf %slice3A_2095, %sub3A_2099 : vector<128x1xf32>
    %add3A_2123 = arith.addf %mul3A_2122, %add3A_2107 : vector<128x1xf32>
    %exp3A_2124 = math.exp %min3A_2113 : vector<128x1xf32>
    %mul3A_2125 = arith.mulf %exp3A_2124, %sub3A_2098 : vector<128x1xf32>
    %exp3A_2126 = math.exp %min3A_2119 : vector<128x1xf32>
    %mul3A_2127 = arith.mulf %exp3A_2126, %sub3A_2099 : vector<128x1xf32>
    %mul3A_2128 = arith.constant 5.000000e-01 : f32
    %mul3A_2129 = vector.broadcast %mul3A_2128 : f32 to vector<128x1xf32>
    %mul3A_2130 = arith.mulf %mul3A_2129, %mul3A_2125 : vector<128x1xf32>
    %sub3A_2131 = arith.subf %add3A_2121, %mul3A_2130 : vector<128x1xf32>
    %jit3A_2132 = arith.constant 0.000000e+00 : f32
    %jit3A_2133 = arith.constant 1.216000e+03 : f32
    %max3A_2134 = vector.broadcast %jit3A_2132 : f32 to vector<128x1xf32>
    %max3A_2135 = arith.maximumf %max3A_2134, %sub3A_2131 : vector<128x1xf32>
    %min3A_2136 = vector.broadcast %jit3A_2133 : f32 to vector<128x1xf32>
    %min3A_2137 = arith.minimumf %min3A_2136, %max3A_2135 : vector<128x1xf32>
    %mul3A_2138 = arith.constant 5.000000e-01 : f32
    %mul3A_2139 = vector.broadcast %mul3A_2138 : f32 to vector<128x1xf32>
    %mul3A_2140 = arith.mulf %mul3A_2139, %mul3A_2127 : vector<128x1xf32>
    %sub3A_2141 = arith.subf %add3A_2123, %mul3A_2140 : vector<128x1xf32>
    %jit3A_2142 = arith.constant 0.000000e+00 : f32
    %jit3A_2143 = arith.constant 8.000000e+02 : f32
    %max3A_2144 = vector.broadcast %jit3A_2142 : f32 to vector<128x1xf32>
    %max3A_2145 = arith.maximumf %max3A_2144, %sub3A_2141 : vector<128x1xf32>
    %min3A_2146 = vector.broadcast %jit3A_2143 : f32 to vector<128x1xf32>
    %min3A_2147 = arith.minimumf %min3A_2146, %max3A_2145 : vector<128x1xf32>
    %mul3A_2148 = arith.constant 5.000000e-01 : f32
    %mul3A_2149 = vector.broadcast %mul3A_2148 : f32 to vector<128x1xf32>
    %mul3A_2150 = arith.mulf %mul3A_2149, %mul3A_2125 : vector<128x1xf32>
    %add3A_2151 = arith.addf %add3A_2121, %mul3A_2150 : vector<128x1xf32>
    %jit3A_2152 = arith.constant 0.000000e+00 : f32
    %jit3A_2153 = arith.constant 1.216000e+03 : f32
    %max3A_2154 = vector.broadcast %jit3A_2152 : f32 to vector<128x1xf32>
    %max3A_2155 = arith.maximumf %max3A_2154, %add3A_2151 : vector<128x1xf32>
    %min3A_2156 = vector.broadcast %jit3A_2153 : f32 to vector<128x1xf32>
    %min3A_2157 = arith.minimumf %min3A_2156, %max3A_2155 : vector<128x1xf32>
    %mul3A_2158 = arith.constant 5.000000e-01 : f32
    %mul3A_2159 = vector.broadcast %mul3A_2158 : f32 to vector<128x1xf32>
    %mul3A_2160 = arith.mulf %mul3A_2159, %mul3A_2127 : vector<128x1xf32>
    %add3A_2161 = arith.addf %add3A_2123, %mul3A_2160 : vector<128x1xf32>
    %jit3A_2162 = arith.constant 0.000000e+00 : f32
    %jit3A_2163 = arith.constant 8.000000e+02 : f32
    %max3A_2164 = vector.broadcast %jit3A_2162 : f32 to vector<128x1xf32>
    %max3A_2165 = arith.maximumf %max3A_2164, %add3A_2161 : vector<128x1xf32>
    %min3A_2166 = vector.broadcast %jit3A_2163 : f32 to vector<128x1xf32>
    %min3A_2167 = arith.minimumf %min3A_2166, %max3A_2165 : vector<128x1xf32>
    %concatenate3A_2168 = tpu.concatenate %min3A_2137, %min3A_2147, %min3A_2157, %min3A_2167 in 1 : vector<128x1xf32>, vector<128x1xf32>, vector<128x1xf32>, vector<128x1xf32> -> vector<128x4xf32>
    %swap3A_2169 = arith.constant 1408 : index
    %swap3A_2170 = arith.constant 0 : index
    %swap3A_2171 = vector.load %arg4[%swap3A_2169, %swap3A_2170] : memref<2048x4xf32, #tpu.memory_space<vmem>>, vector<128x4xf32>
    tpu.vector_store %arg4[%swap3A_2169, %swap3A_2170], %concatenate3A_2168 {strides = array<i32>} : memref<2048x4xf32, #tpu.memory_space<vmem>>, vector<128x4xf32>,
    %sub3A_2172 = arith.subf %min3A_2157, %min3A_2137 : vector<128x1xf32>
    %sub3A_2173 = arith.subf %min3A_2167, %min3A_2147 : vector<128x1xf32>
    %mul3A_2174 = arith.mulf %sub3A_2172, %sub3A_2173 : vector<128x1xf32>
    %broadcast_in_dim3A_2175 = arith.constant 0.000000e+00 : bf16
    %broadcast_in_dim3A_2176 = vector.broadcast %broadcast_in_dim3A_2175 : bf16 to vector<128x1408xbf16>
    %swap3A_2177 = arith.constant 1408 : index
    %swap3A_2178 = arith.constant 0 : index
    %swap3A_2179 = vector.load %arg3[%swap3A_2177, %swap3A_2178] : memref<2048x2048xbf16, #tpu.memory_space<vmem>>, vector<128x1408xbf16>
    tpu.vector_store %arg3[%swap3A_2177, %swap3A_2178], %broadcast_in_dim3A_2176 {strides = array<i32>} : memref<2048x2048xbf16, #tpu.memory_space<vmem>>, vector<128x1408xbf16>,
    %slice3A_2180 = vector.extract_strided_slice %min3A_75 {offsets = [0, 1408], sizes = [1, 128], strides = [1, 1]} : vector<1x2048xf32> to vector<1x128xf32>
    %min3A_2181 = vector.broadcast %min3A_2157 : vector<128x1xf32> to vector<128x128xf32>
    %min3A_2182 = vector.broadcast %slice3A_2180 : vector<1x128xf32> to vector<128x128xf32>
    %min3A_2183 = arith.minimumf %min3A_2181, %min3A_2182 : vector<128x128xf32>
    %slice3A_2184 = vector.extract_strided_slice %min3A_55 {offsets = [0, 1408], sizes = [1, 128], strides = [1, 1]} : vector<1x2048xf32> to vector<1x128xf32>
    %max3A_2185 = vector.broadcast %min3A_2137 : vector<128x1xf32> to vector<128x128xf32>
    %max3A_2186 = vector.broadcast %slice3A_2184 : vector<1x128xf32> to vector<128x128xf32>
    %max3A_2187 = arith.maximumf %max3A_2185, %max3A_2186 : vector<128x128xf32>
    %sub3A_2188 = arith.subf %min3A_2183, %max3A_2187 : vector<128x128xf32>
    %jit3A_2189 = arith.constant 0.000000e+00 : f32
    %max3A_2190 = vector.broadcast %jit3A_2189 : f32 to vector<128x128xf32>
    %max3A_2191 = arith.maximumf %max3A_2190, %sub3A_2188 : vector<128x128xf32>
    %slice3A_2192 = vector.extract_strided_slice %min3A_85 {offsets = [0, 1408], sizes = [1, 128], strides = [1, 1]} : vector<1x2048xf32> to vector<1x128xf32>
    %min3A_2193 = vector.broadcast %min3A_2167 : vector<128x1xf32> to vector<128x128xf32>
    %min3A_2194 = vector.broadcast %slice3A_2192 : vector<1x128xf32> to vector<128x128xf32>
    %min3A_2195 = arith.minimumf %min3A_2193, %min3A_2194 : vector<128x128xf32>
    %slice3A_2196 = vector.extract_strided_slice %min3A_65 {offsets = [0, 1408], sizes = [1, 128], strides = [1, 1]} : vector<1x2048xf32> to vector<1x128xf32>
    %max3A_2197 = vector.broadcast %min3A_2147 : vector<128x1xf32> to vector<128x128xf32>
    %max3A_2198 = vector.broadcast %slice3A_2196 : vector<1x128xf32> to vector<128x128xf32>
    %max3A_2199 = arith.maximumf %max3A_2197, %max3A_2198 : vector<128x128xf32>
    %sub3A_2200 = arith.subf %min3A_2195, %max3A_2199 : vector<128x128xf32>
    %jit3A_2201 = arith.constant 0.000000e+00 : f32
    %max3A_2202 = vector.broadcast %jit3A_2201 : f32 to vector<128x128xf32>
    %max3A_2203 = arith.maximumf %max3A_2202, %sub3A_2200 : vector<128x128xf32>
    %mul3A_2204 = arith.mulf %max3A_2191, %max3A_2203 : vector<128x128xf32>
    %slice3A_2205 = vector.extract_strided_slice %mul3A_88 {offsets = [0, 1408], sizes = [1, 128], strides = [1, 1]} : vector<1x2048xf32> to vector<1x128xf32>
    %add3A_2206 = vector.broadcast %mul3A_2174 : vector<128x1xf32> to vector<128x128xf32>
    %add3A_2207 = vector.broadcast %slice3A_2205 : vector<1x128xf32> to vector<128x128xf32>
    %add3A_2208 = arith.addf %add3A_2206, %add3A_2207 : vector<128x128xf32>
    %sub3A_2209 = arith.subf %add3A_2208, %mul3A_2204 : vector<128x128xf32>
    %add3A_2210 = arith.constant 9.99999971E-10 : f32
    %add3A_2211 = vector.broadcast %add3A_2210 : f32 to vector<128x128xf32>
    %add3A_2212 = arith.addf %sub3A_2209, %add3A_2211 : vector<128x128xf32>
    %div3A_2213 = arith.divf %mul3A_2204, %add3A_2212 : vector<128x128xf32>
    %iota3A_2214 = tpu.iota {dimensions = array<i32: 0>} : vector<128x128xi32>
    %iota3A_2215 = tpu.iota {dimensions = array<i32: 1>} : vector<128x128xi32>
    %gt3A_2216 = arith.constant 0.699999988 : f32
    %gt3A_2217 = vector.broadcast %gt3A_2216 : f32 to vector<128x128xf32>
    %gt3A_2218 = arith.cmpf ogt, %div3A_2213, %gt3A_2217 : vector<128x128xf32>
    %lt3A_2219 = arith.cmpi slt, %iota3A_2214, %iota3A_2215 : vector<128x128xi32>
    %and3A_2220 = arith.andi %gt3A_2218, %lt3A_2219 : vector<128x128xi1>
    %convert_element_type3A_2221 = arith.extui %and3A_2220 : vector<128x128xi1> to vector<128x128xi32>
    %convert_element_type3A_2222 = arith.sitofp %convert_element_type3A_2221 : vector<128x128xi32> to vector<128x128xf32>
    %convert_element_type3A_2223 = arith.truncf %convert_element_type3A_2222 : vector<128x128xf32> to vector<128x128xbf16>
    %swap3A_2224 = arith.constant 1408 : index
    %swap3A_2225 = arith.constant 1408 : index
    %swap3A_2226 = vector.load %arg3[%swap3A_2224, %swap3A_2225] : memref<2048x2048xbf16, #tpu.memory_space<vmem>>, vector<128x128xbf16>
    tpu.vector_store %arg3[%swap3A_2224, %swap3A_2225], %convert_element_type3A_2223 {strides = array<i32>} : memref<2048x2048xbf16, #tpu.memory_space<vmem>>, vector<128x128xbf16>,
    %slice3A_2227 = vector.extract_strided_slice %min3A_75 {offsets = [0, 1536], sizes = [1, 512], strides = [1, 1]} : vector<1x2048xf32> to vector<1x512xf32>
    %min3A_2228 = vector.broadcast %min3A_2157 : vector<128x1xf32> to vector<128x512xf32>
    %min3A_2229 = vector.broadcast %slice3A_2227 : vector<1x512xf32> to vector<128x512xf32>
    %min3A_2230 = arith.minimumf %min3A_2228, %min3A_2229 : vector<128x512xf32>
    %slice3A_2231 = vector.extract_strided_slice %min3A_55 {offsets = [0, 1536], sizes = [1, 512], strides = [1, 1]} : vector<1x2048xf32> to vector<1x512xf32>
    %max3A_2232 = vector.broadcast %min3A_2137 : vector<128x1xf32> to vector<128x512xf32>
    %max3A_2233 = vector.broadcast %slice3A_2231 : vector<1x512xf32> to vector<128x512xf32>
    %max3A_2234 = arith.maximumf %max3A_2232, %max3A_2233 : vector<128x512xf32>
    %sub3A_2235 = arith.subf %min3A_2230, %max3A_2234 : vector<128x512xf32>
    %jit3A_2236 = arith.constant 0.000000e+00 : f32
    %max3A_2237 = vector.broadcast %jit3A_2236 : f32 to vector<128x512xf32>
    %max3A_2238 = arith.maximumf %max3A_2237, %sub3A_2235 : vector<128x512xf32>
    %slice3A_2239 = vector.extract_strided_slice %min3A_85 {offsets = [0, 1536], sizes = [1, 512], strides = [1, 1]} : vector<1x2048xf32> to vector<1x512xf32>
    %min3A_2240 = vector.broadcast %min3A_2167 : vector<128x1xf32> to vector<128x512xf32>
    %min3A_2241 = vector.broadcast %slice3A_2239 : vector<1x512xf32> to vector<128x512xf32>
    %min3A_2242 = arith.minimumf %min3A_2240, %min3A_2241 : vector<128x512xf32>
    %slice3A_2243 = vector.extract_strided_slice %min3A_65 {offsets = [0, 1536], sizes = [1, 512], strides = [1, 1]} : vector<1x2048xf32> to vector<1x512xf32>
    %max3A_2244 = vector.broadcast %min3A_2147 : vector<128x1xf32> to vector<128x512xf32>
    %max3A_2245 = vector.broadcast %slice3A_2243 : vector<1x512xf32> to vector<128x512xf32>
    %max3A_2246 = arith.maximumf %max3A_2244, %max3A_2245 : vector<128x512xf32>
    %sub3A_2247 = arith.subf %min3A_2242, %max3A_2246 : vector<128x512xf32>
    %jit3A_2248 = arith.constant 0.000000e+00 : f32
    %max3A_2249 = vector.broadcast %jit3A_2248 : f32 to vector<128x512xf32>
    %max3A_2250 = arith.maximumf %max3A_2249, %sub3A_2247 : vector<128x512xf32>
    %mul3A_2251 = arith.mulf %max3A_2238, %max3A_2250 : vector<128x512xf32>
    %slice3A_2252 = vector.extract_strided_slice %mul3A_88 {offsets = [0, 1536], sizes = [1, 512], strides = [1, 1]} : vector<1x2048xf32> to vector<1x512xf32>
    %add3A_2253 = vector.broadcast %mul3A_2174 : vector<128x1xf32> to vector<128x512xf32>
    %add3A_2254 = vector.broadcast %slice3A_2252 : vector<1x512xf32> to vector<128x512xf32>
    %add3A_2255 = arith.addf %add3A_2253, %add3A_2254 : vector<128x512xf32>
    %sub3A_2256 = arith.subf %add3A_2255, %mul3A_2251 : vector<128x512xf32>
    %add3A_2257 = arith.constant 9.99999971E-10 : f32
    %add3A_2258 = vector.broadcast %add3A_2257 : f32 to vector<128x512xf32>
    %add3A_2259 = arith.addf %sub3A_2256, %add3A_2258 : vector<128x512xf32>
    %div3A_2260 = arith.divf %mul3A_2251, %add3A_2259 : vector<128x512xf32>
    %gt3A_2261 = arith.constant 0.699999988 : f32
    %gt3A_2262 = vector.broadcast %gt3A_2261 : f32 to vector<128x512xf32>
    %gt3A_2263 = arith.cmpf ogt, %div3A_2260, %gt3A_2262 : vector<128x512xf32>
    %convert_element_type3A_2264 = arith.extui %gt3A_2263 : vector<128x512xi1> to vector<128x512xi32>
    %convert_element_type3A_2265 = arith.sitofp %convert_element_type3A_2264 : vector<128x512xi32> to vector<128x512xf32>
    %convert_element_type3A_2266 = arith.truncf %convert_element_type3A_2265 : vector<128x512xf32> to vector<128x512xbf16>
    %swap3A_2267 = arith.constant 1408 : index
    %swap3A_2268 = arith.constant 1536 : index
    %swap3A_2269 = vector.load %arg3[%swap3A_2267, %swap3A_2268] : memref<2048x2048xbf16, #tpu.memory_space<vmem>>, vector<128x512xbf16>
    tpu.vector_store %arg3[%swap3A_2267, %swap3A_2268], %convert_element_type3A_2266 {strides = array<i32>} : memref<2048x2048xbf16, #tpu.memory_space<vmem>>, vector<128x512xbf16>,
    %get3A_2270 = arith.constant 1536 : index
    %get3A_2271 = arith.constant 0 : index
    %get3A_2272 = vector.load %arg0[%get3A_2270, %get3A_2271] : memref<2048x16xf32, #tpu.memory_space<vmem>>, vector<128x16xf32>
    %slice3A_2273 = vector.extract_strided_slice %get3A_2272 {offsets = [0, 0], sizes = [128, 1], strides = [1, 1]} : vector<128x16xf32> to vector<128x1xf32>
    %slice3A_2274 = vector.extract_strided_slice %get3A_2272 {offsets = [0, 1], sizes = [128, 1], strides = [1, 1]} : vector<128x16xf32> to vector<128x1xf32>
    %slice3A_2275 = vector.extract_strided_slice %get3A_2272 {offsets = [0, 2], sizes = [128, 1], strides = [1, 1]} : vector<128x16xf32> to vector<128x1xf32>
    %slice3A_2276 = vector.extract_strided_slice %get3A_2272 {offsets = [0, 3], sizes = [128, 1], strides = [1, 1]} : vector<128x16xf32> to vector<128x1xf32>
    %slice3A_2277 = vector.extract_strided_slice %get3A_2272 {offsets = [0, 4], sizes = [128, 1], strides = [1, 1]} : vector<128x16xf32> to vector<128x1xf32>
    %slice3A_2278 = vector.extract_strided_slice %get3A_2272 {offsets = [0, 5], sizes = [128, 1], strides = [1, 1]} : vector<128x16xf32> to vector<128x1xf32>
    %slice3A_2279 = vector.extract_strided_slice %get3A_2272 {offsets = [0, 6], sizes = [128, 1], strides = [1, 1]} : vector<128x16xf32> to vector<128x1xf32>
    %slice3A_2280 = vector.extract_strided_slice %get3A_2272 {offsets = [0, 7], sizes = [128, 1], strides = [1, 1]} : vector<128x16xf32> to vector<128x1xf32>
    %sub3A_2281 = arith.subf %slice3A_2275, %slice3A_2273 : vector<128x1xf32>
    %sub3A_2282 = arith.subf %slice3A_2276, %slice3A_2274 : vector<128x1xf32>
    %mul3A_2283 = arith.constant 5.000000e-01 : f32
    %mul3A_2284 = vector.broadcast %mul3A_2283 : f32 to vector<128x1xf32>
    %mul3A_2285 = arith.mulf %mul3A_2284, %sub3A_2281 : vector<128x1xf32>
    %add3A_2286 = arith.addf %slice3A_2273, %mul3A_2285 : vector<128x1xf32>
    %mul3A_2287 = arith.constant 5.000000e-01 : f32
    %mul3A_2288 = vector.broadcast %mul3A_2287 : f32 to vector<128x1xf32>
    %mul3A_2289 = arith.mulf %mul3A_2288, %sub3A_2282 : vector<128x1xf32>
    %add3A_2290 = arith.addf %slice3A_2274, %mul3A_2289 : vector<128x1xf32>
    %jit3A_2291 = arith.constant -4.000000e+00 : f32
    %jit3A_2292 = arith.constant 4.000000e+00 : f32
    %max3A_2293 = vector.broadcast %jit3A_2291 : f32 to vector<128x1xf32>
    %max3A_2294 = arith.maximumf %max3A_2293, %slice3A_2279 : vector<128x1xf32>
    %min3A_2295 = vector.broadcast %jit3A_2292 : f32 to vector<128x1xf32>
    %min3A_2296 = arith.minimumf %min3A_2295, %max3A_2294 : vector<128x1xf32>
    %jit3A_2297 = arith.constant -4.000000e+00 : f32
    %jit3A_2298 = arith.constant 4.000000e+00 : f32
    %max3A_2299 = vector.broadcast %jit3A_2297 : f32 to vector<128x1xf32>
    %max3A_2300 = arith.maximumf %max3A_2299, %slice3A_2280 : vector<128x1xf32>
    %min3A_2301 = vector.broadcast %jit3A_2298 : f32 to vector<128x1xf32>
    %min3A_2302 = arith.minimumf %min3A_2301, %max3A_2300 : vector<128x1xf32>
    %mul3A_2303 = arith.mulf %slice3A_2277, %sub3A_2281 : vector<128x1xf32>
    %add3A_2304 = arith.addf %mul3A_2303, %add3A_2286 : vector<128x1xf32>
    %mul3A_2305 = arith.mulf %slice3A_2278, %sub3A_2282 : vector<128x1xf32>
    %add3A_2306 = arith.addf %mul3A_2305, %add3A_2290 : vector<128x1xf32>
    %exp3A_2307 = math.exp %min3A_2296 : vector<128x1xf32>
    %mul3A_2308 = arith.mulf %exp3A_2307, %sub3A_2281 : vector<128x1xf32>
    %exp3A_2309 = math.exp %min3A_2302 : vector<128x1xf32>
    %mul3A_2310 = arith.mulf %exp3A_2309, %sub3A_2282 : vector<128x1xf32>
    %mul3A_2311 = arith.constant 5.000000e-01 : f32
    %mul3A_2312 = vector.broadcast %mul3A_2311 : f32 to vector<128x1xf32>
    %mul3A_2313 = arith.mulf %mul3A_2312, %mul3A_2308 : vector<128x1xf32>
    %sub3A_2314 = arith.subf %add3A_2304, %mul3A_2313 : vector<128x1xf32>
    %jit3A_2315 = arith.constant 0.000000e+00 : f32
    %jit3A_2316 = arith.constant 1.216000e+03 : f32
    %max3A_2317 = vector.broadcast %jit3A_2315 : f32 to vector<128x1xf32>
    %max3A_2318 = arith.maximumf %max3A_2317, %sub3A_2314 : vector<128x1xf32>
    %min3A_2319 = vector.broadcast %jit3A_2316 : f32 to vector<128x1xf32>
    %min3A_2320 = arith.minimumf %min3A_2319, %max3A_2318 : vector<128x1xf32>
    %mul3A_2321 = arith.constant 5.000000e-01 : f32
    %mul3A_2322 = vector.broadcast %mul3A_2321 : f32 to vector<128x1xf32>
    %mul3A_2323 = arith.mulf %mul3A_2322, %mul3A_2310 : vector<128x1xf32>
    %sub3A_2324 = arith.subf %add3A_2306, %mul3A_2323 : vector<128x1xf32>
    %jit3A_2325 = arith.constant 0.000000e+00 : f32
    %jit3A_2326 = arith.constant 8.000000e+02 : f32
    %max3A_2327 = vector.broadcast %jit3A_2325 : f32 to vector<128x1xf32>
    %max3A_2328 = arith.maximumf %max3A_2327, %sub3A_2324 : vector<128x1xf32>
    %min3A_2329 = vector.broadcast %jit3A_2326 : f32 to vector<128x1xf32>
    %min3A_2330 = arith.minimumf %min3A_2329, %max3A_2328 : vector<128x1xf32>
    %mul3A_2331 = arith.constant 5.000000e-01 : f32
    %mul3A_2332 = vector.broadcast %mul3A_2331 : f32 to vector<128x1xf32>
    %mul3A_2333 = arith.mulf %mul3A_2332, %mul3A_2308 : vector<128x1xf32>
    %add3A_2334 = arith.addf %add3A_2304, %mul3A_2333 : vector<128x1xf32>
    %jit3A_2335 = arith.constant 0.000000e+00 : f32
    %jit3A_2336 = arith.constant 1.216000e+03 : f32
    %max3A_2337 = vector.broadcast %jit3A_2335 : f32 to vector<128x1xf32>
    %max3A_2338 = arith.maximumf %max3A_2337, %add3A_2334 : vector<128x1xf32>
    %min3A_2339 = vector.broadcast %jit3A_2336 : f32 to vector<128x1xf32>
    %min3A_2340 = arith.minimumf %min3A_2339, %max3A_2338 : vector<128x1xf32>
    %mul3A_2341 = arith.constant 5.000000e-01 : f32
    %mul3A_2342 = vector.broadcast %mul3A_2341 : f32 to vector<128x1xf32>
    %mul3A_2343 = arith.mulf %mul3A_2342, %mul3A_2310 : vector<128x1xf32>
    %add3A_2344 = arith.addf %add3A_2306, %mul3A_2343 : vector<128x1xf32>
    %jit3A_2345 = arith.constant 0.000000e+00 : f32
    %jit3A_2346 = arith.constant 8.000000e+02 : f32
    %max3A_2347 = vector.broadcast %jit3A_2345 : f32 to vector<128x1xf32>
    %max3A_2348 = arith.maximumf %max3A_2347, %add3A_2344 : vector<128x1xf32>
    %min3A_2349 = vector.broadcast %jit3A_2346 : f32 to vector<128x1xf32>
    %min3A_2350 = arith.minimumf %min3A_2349, %max3A_2348 : vector<128x1xf32>
    %concatenate3A_2351 = tpu.concatenate %min3A_2320, %min3A_2330, %min3A_2340, %min3A_2350 in 1 : vector<128x1xf32>, vector<128x1xf32>, vector<128x1xf32>, vector<128x1xf32> -> vector<128x4xf32>
    %swap3A_2352 = arith.constant 1536 : index
    %swap3A_2353 = arith.constant 0 : index
    %swap3A_2354 = vector.load %arg4[%swap3A_2352, %swap3A_2353] : memref<2048x4xf32, #tpu.memory_space<vmem>>, vector<128x4xf32>
    tpu.vector_store %arg4[%swap3A_2352, %swap3A_2353], %concatenate3A_2351 {strides = array<i32>} : memref<2048x4xf32, #tpu.memory_space<vmem>>, vector<128x4xf32>,
    %sub3A_2355 = arith.subf %min3A_2340, %min3A_2320 : vector<128x1xf32>
    %sub3A_2356 = arith.subf %min3A_2350, %min3A_2330 : vector<128x1xf32>
    %mul3A_2357 = arith.mulf %sub3A_2355, %sub3A_2356 : vector<128x1xf32>
    %broadcast_in_dim3A_2358 = arith.constant 0.000000e+00 : bf16
    %broadcast_in_dim3A_2359 = vector.broadcast %broadcast_in_dim3A_2358 : bf16 to vector<128x1536xbf16>
    %swap3A_2360 = arith.constant 1536 : index
    %swap3A_2361 = arith.constant 0 : index
    %swap3A_2362 = vector.load %arg3[%swap3A_2360, %swap3A_2361] : memref<2048x2048xbf16, #tpu.memory_space<vmem>>, vector<128x1536xbf16>
    tpu.vector_store %arg3[%swap3A_2360, %swap3A_2361], %broadcast_in_dim3A_2359 {strides = array<i32>} : memref<2048x2048xbf16, #tpu.memory_space<vmem>>, vector<128x1536xbf16>,
    %slice3A_2363 = vector.extract_strided_slice %min3A_75 {offsets = [0, 1536], sizes = [1, 128], strides = [1, 1]} : vector<1x2048xf32> to vector<1x128xf32>
    %min3A_2364 = vector.broadcast %min3A_2340 : vector<128x1xf32> to vector<128x128xf32>
    %min3A_2365 = vector.broadcast %slice3A_2363 : vector<1x128xf32> to vector<128x128xf32>
    %min3A_2366 = arith.minimumf %min3A_2364, %min3A_2365 : vector<128x128xf32>
    %slice3A_2367 = vector.extract_strided_slice %min3A_55 {offsets = [0, 1536], sizes = [1, 128], strides = [1, 1]} : vector<1x2048xf32> to vector<1x128xf32>
    %max3A_2368 = vector.broadcast %min3A_2320 : vector<128x1xf32> to vector<128x128xf32>
    %max3A_2369 = vector.broadcast %slice3A_2367 : vector<1x128xf32> to vector<128x128xf32>
    %max3A_2370 = arith.maximumf %max3A_2368, %max3A_2369 : vector<128x128xf32>
    %sub3A_2371 = arith.subf %min3A_2366, %max3A_2370 : vector<128x128xf32>
    %jit3A_2372 = arith.constant 0.000000e+00 : f32
    %max3A_2373 = vector.broadcast %jit3A_2372 : f32 to vector<128x128xf32>
    %max3A_2374 = arith.maximumf %max3A_2373, %sub3A_2371 : vector<128x128xf32>
    %slice3A_2375 = vector.extract_strided_slice %min3A_85 {offsets = [0, 1536], sizes = [1, 128], strides = [1, 1]} : vector<1x2048xf32> to vector<1x128xf32>
    %min3A_2376 = vector.broadcast %min3A_2350 : vector<128x1xf32> to vector<128x128xf32>
    %min3A_2377 = vector.broadcast %slice3A_2375 : vector<1x128xf32> to vector<128x128xf32>
    %min3A_2378 = arith.minimumf %min3A_2376, %min3A_2377 : vector<128x128xf32>
    %slice3A_2379 = vector.extract_strided_slice %min3A_65 {offsets = [0, 1536], sizes = [1, 128], strides = [1, 1]} : vector<1x2048xf32> to vector<1x128xf32>
    %max3A_2380 = vector.broadcast %min3A_2330 : vector<128x1xf32> to vector<128x128xf32>
    %max3A_2381 = vector.broadcast %slice3A_2379 : vector<1x128xf32> to vector<128x128xf32>
    %max3A_2382 = arith.maximumf %max3A_2380, %max3A_2381 : vector<128x128xf32>
    %sub3A_2383 = arith.subf %min3A_2378, %max3A_2382 : vector<128x128xf32>
    %jit3A_2384 = arith.constant 0.000000e+00 : f32
    %max3A_2385 = vector.broadcast %jit3A_2384 : f32 to vector<128x128xf32>
    %max3A_2386 = arith.maximumf %max3A_2385, %sub3A_2383 : vector<128x128xf32>
    %mul3A_2387 = arith.mulf %max3A_2374, %max3A_2386 : vector<128x128xf32>
    %slice3A_2388 = vector.extract_strided_slice %mul3A_88 {offsets = [0, 1536], sizes = [1, 128], strides = [1, 1]} : vector<1x2048xf32> to vector<1x128xf32>
    %add3A_2389 = vector.broadcast %mul3A_2357 : vector<128x1xf32> to vector<128x128xf32>
    %add3A_2390 = vector.broadcast %slice3A_2388 : vector<1x128xf32> to vector<128x128xf32>
    %add3A_2391 = arith.addf %add3A_2389, %add3A_2390 : vector<128x128xf32>
    %sub3A_2392 = arith.subf %add3A_2391, %mul3A_2387 : vector<128x128xf32>
    %add3A_2393 = arith.constant 9.99999971E-10 : f32
    %add3A_2394 = vector.broadcast %add3A_2393 : f32 to vector<128x128xf32>
    %add3A_2395 = arith.addf %sub3A_2392, %add3A_2394 : vector<128x128xf32>
    %div3A_2396 = arith.divf %mul3A_2387, %add3A_2395 : vector<128x128xf32>
    %iota3A_2397 = tpu.iota {dimensions = array<i32: 0>} : vector<128x128xi32>
    %iota3A_2398 = tpu.iota {dimensions = array<i32: 1>} : vector<128x128xi32>
    %gt3A_2399 = arith.constant 0.699999988 : f32
    %gt3A_2400 = vector.broadcast %gt3A_2399 : f32 to vector<128x128xf32>
    %gt3A_2401 = arith.cmpf ogt, %div3A_2396, %gt3A_2400 : vector<128x128xf32>
    %lt3A_2402 = arith.cmpi slt, %iota3A_2397, %iota3A_2398 : vector<128x128xi32>
    %and3A_2403 = arith.andi %gt3A_2401, %lt3A_2402 : vector<128x128xi1>
    %convert_element_type3A_2404 = arith.extui %and3A_2403 : vector<128x128xi1> to vector<128x128xi32>
    %convert_element_type3A_2405 = arith.sitofp %convert_element_type3A_2404 : vector<128x128xi32> to vector<128x128xf32>
    %convert_element_type3A_2406 = arith.truncf %convert_element_type3A_2405 : vector<128x128xf32> to vector<128x128xbf16>
    %swap3A_2407 = arith.constant 1536 : index
    %swap3A_2408 = arith.constant 1536 : index
    %swap3A_2409 = vector.load %arg3[%swap3A_2407, %swap3A_2408] : memref<2048x2048xbf16, #tpu.memory_space<vmem>>, vector<128x128xbf16>
    tpu.vector_store %arg3[%swap3A_2407, %swap3A_2408], %convert_element_type3A_2406 {strides = array<i32>} : memref<2048x2048xbf16, #tpu.memory_space<vmem>>, vector<128x128xbf16>,
    %slice3A_2410 = vector.extract_strided_slice %min3A_75 {offsets = [0, 1664], sizes = [1, 384], strides = [1, 1]} : vector<1x2048xf32> to vector<1x384xf32>
    %min3A_2411 = vector.broadcast %min3A_2340 : vector<128x1xf32> to vector<128x384xf32>
    %min3A_2412 = vector.broadcast %slice3A_2410 : vector<1x384xf32> to vector<128x384xf32>
    %min3A_2413 = arith.minimumf %min3A_2411, %min3A_2412 : vector<128x384xf32>
    %slice3A_2414 = vector.extract_strided_slice %min3A_55 {offsets = [0, 1664], sizes = [1, 384], strides = [1, 1]} : vector<1x2048xf32> to vector<1x384xf32>
    %max3A_2415 = vector.broadcast %min3A_2320 : vector<128x1xf32> to vector<128x384xf32>
    %max3A_2416 = vector.broadcast %slice3A_2414 : vector<1x384xf32> to vector<128x384xf32>
    %max3A_2417 = arith.maximumf %max3A_2415, %max3A_2416 : vector<128x384xf32>
    %sub3A_2418 = arith.subf %min3A_2413, %max3A_2417 : vector<128x384xf32>
    %jit3A_2419 = arith.constant 0.000000e+00 : f32
    %max3A_2420 = vector.broadcast %jit3A_2419 : f32 to vector<128x384xf32>
    %max3A_2421 = arith.maximumf %max3A_2420, %sub3A_2418 : vector<128x384xf32>
    %slice3A_2422 = vector.extract_strided_slice %min3A_85 {offsets = [0, 1664], sizes = [1, 384], strides = [1, 1]} : vector<1x2048xf32> to vector<1x384xf32>
    %min3A_2423 = vector.broadcast %min3A_2350 : vector<128x1xf32> to vector<128x384xf32>
    %min3A_2424 = vector.broadcast %slice3A_2422 : vector<1x384xf32> to vector<128x384xf32>
    %min3A_2425 = arith.minimumf %min3A_2423, %min3A_2424 : vector<128x384xf32>
    %slice3A_2426 = vector.extract_strided_slice %min3A_65 {offsets = [0, 1664], sizes = [1, 384], strides = [1, 1]} : vector<1x2048xf32> to vector<1x384xf32>
    %max3A_2427 = vector.broadcast %min3A_2330 : vector<128x1xf32> to vector<128x384xf32>
    %max3A_2428 = vector.broadcast %slice3A_2426 : vector<1x384xf32> to vector<128x384xf32>
    %max3A_2429 = arith.maximumf %max3A_2427, %max3A_2428 : vector<128x384xf32>
    %sub3A_2430 = arith.subf %min3A_2425, %max3A_2429 : vector<128x384xf32>
    %jit3A_2431 = arith.constant 0.000000e+00 : f32
    %max3A_2432 = vector.broadcast %jit3A_2431 : f32 to vector<128x384xf32>
    %max3A_2433 = arith.maximumf %max3A_2432, %sub3A_2430 : vector<128x384xf32>
    %mul3A_2434 = arith.mulf %max3A_2421, %max3A_2433 : vector<128x384xf32>
    %slice3A_2435 = vector.extract_strided_slice %mul3A_88 {offsets = [0, 1664], sizes = [1, 384], strides = [1, 1]} : vector<1x2048xf32> to vector<1x384xf32>
    %add3A_2436 = vector.broadcast %mul3A_2357 : vector<128x1xf32> to vector<128x384xf32>
    %add3A_2437 = vector.broadcast %slice3A_2435 : vector<1x384xf32> to vector<128x384xf32>
    %add3A_2438 = arith.addf %add3A_2436, %add3A_2437 : vector<128x384xf32>
    %sub3A_2439 = arith.subf %add3A_2438, %mul3A_2434 : vector<128x384xf32>
    %add3A_2440 = arith.constant 9.99999971E-10 : f32
    %add3A_2441 = vector.broadcast %add3A_2440 : f32 to vector<128x384xf32>
    %add3A_2442 = arith.addf %sub3A_2439, %add3A_2441 : vector<128x384xf32>
    %div3A_2443 = arith.divf %mul3A_2434, %add3A_2442 : vector<128x384xf32>
    %gt3A_2444 = arith.constant 0.699999988 : f32
    %gt3A_2445 = vector.broadcast %gt3A_2444 : f32 to vector<128x384xf32>
    %gt3A_2446 = arith.cmpf ogt, %div3A_2443, %gt3A_2445 : vector<128x384xf32>
    %convert_element_type3A_2447 = arith.extui %gt3A_2446 : vector<128x384xi1> to vector<128x384xi32>
    %convert_element_type3A_2448 = arith.sitofp %convert_element_type3A_2447 : vector<128x384xi32> to vector<128x384xf32>
    %convert_element_type3A_2449 = arith.truncf %convert_element_type3A_2448 : vector<128x384xf32> to vector<128x384xbf16>
    %swap3A_2450 = arith.constant 1536 : index
    %swap3A_2451 = arith.constant 1664 : index
    %swap3A_2452 = vector.load %arg3[%swap3A_2450, %swap3A_2451] : memref<2048x2048xbf16, #tpu.memory_space<vmem>>, vector<128x384xbf16>
    tpu.vector_store %arg3[%swap3A_2450, %swap3A_2451], %convert_element_type3A_2449 {strides = array<i32>} : memref<2048x2048xbf16, #tpu.memory_space<vmem>>, vector<128x384xbf16>,
    %get3A_2453 = arith.constant 1664 : index
    %get3A_2454 = arith.constant 0 : index
    %get3A_2455 = vector.load %arg0[%get3A_2453, %get3A_2454] : memref<2048x16xf32, #tpu.memory_space<vmem>>, vector<128x16xf32>
    %slice3A_2456 = vector.extract_strided_slice %get3A_2455 {offsets = [0, 0], sizes = [128, 1], strides = [1, 1]} : vector<128x16xf32> to vector<128x1xf32>
    %slice3A_2457 = vector.extract_strided_slice %get3A_2455 {offsets = [0, 1], sizes = [128, 1], strides = [1, 1]} : vector<128x16xf32> to vector<128x1xf32>
    %slice3A_2458 = vector.extract_strided_slice %get3A_2455 {offsets = [0, 2], sizes = [128, 1], strides = [1, 1]} : vector<128x16xf32> to vector<128x1xf32>
    %slice3A_2459 = vector.extract_strided_slice %get3A_2455 {offsets = [0, 3], sizes = [128, 1], strides = [1, 1]} : vector<128x16xf32> to vector<128x1xf32>
    %slice3A_2460 = vector.extract_strided_slice %get3A_2455 {offsets = [0, 4], sizes = [128, 1], strides = [1, 1]} : vector<128x16xf32> to vector<128x1xf32>
    %slice3A_2461 = vector.extract_strided_slice %get3A_2455 {offsets = [0, 5], sizes = [128, 1], strides = [1, 1]} : vector<128x16xf32> to vector<128x1xf32>
    %slice3A_2462 = vector.extract_strided_slice %get3A_2455 {offsets = [0, 6], sizes = [128, 1], strides = [1, 1]} : vector<128x16xf32> to vector<128x1xf32>
    %slice3A_2463 = vector.extract_strided_slice %get3A_2455 {offsets = [0, 7], sizes = [128, 1], strides = [1, 1]} : vector<128x16xf32> to vector<128x1xf32>
    %sub3A_2464 = arith.subf %slice3A_2458, %slice3A_2456 : vector<128x1xf32>
    %sub3A_2465 = arith.subf %slice3A_2459, %slice3A_2457 : vector<128x1xf32>
    %mul3A_2466 = arith.constant 5.000000e-01 : f32
    %mul3A_2467 = vector.broadcast %mul3A_2466 : f32 to vector<128x1xf32>
    %mul3A_2468 = arith.mulf %mul3A_2467, %sub3A_2464 : vector<128x1xf32>
    %add3A_2469 = arith.addf %slice3A_2456, %mul3A_2468 : vector<128x1xf32>
    %mul3A_2470 = arith.constant 5.000000e-01 : f32
    %mul3A_2471 = vector.broadcast %mul3A_2470 : f32 to vector<128x1xf32>
    %mul3A_2472 = arith.mulf %mul3A_2471, %sub3A_2465 : vector<128x1xf32>
    %add3A_2473 = arith.addf %slice3A_2457, %mul3A_2472 : vector<128x1xf32>
    %jit3A_2474 = arith.constant -4.000000e+00 : f32
    %jit3A_2475 = arith.constant 4.000000e+00 : f32
    %max3A_2476 = vector.broadcast %jit3A_2474 : f32 to vector<128x1xf32>
    %max3A_2477 = arith.maximumf %max3A_2476, %slice3A_2462 : vector<128x1xf32>
    %min3A_2478 = vector.broadcast %jit3A_2475 : f32 to vector<128x1xf32>
    %min3A_2479 = arith.minimumf %min3A_2478, %max3A_2477 : vector<128x1xf32>
    %jit3A_2480 = arith.constant -4.000000e+00 : f32
    %jit3A_2481 = arith.constant 4.000000e+00 : f32
    %max3A_2482 = vector.broadcast %jit3A_2480 : f32 to vector<128x1xf32>
    %max3A_2483 = arith.maximumf %max3A_2482, %slice3A_2463 : vector<128x1xf32>
    %min3A_2484 = vector.broadcast %jit3A_2481 : f32 to vector<128x1xf32>
    %min3A_2485 = arith.minimumf %min3A_2484, %max3A_2483 : vector<128x1xf32>
    %mul3A_2486 = arith.mulf %slice3A_2460, %sub3A_2464 : vector<128x1xf32>
    %add3A_2487 = arith.addf %mul3A_2486, %add3A_2469 : vector<128x1xf32>
    %mul3A_2488 = arith.mulf %slice3A_2461, %sub3A_2465 : vector<128x1xf32>
    %add3A_2489 = arith.addf %mul3A_2488, %add3A_2473 : vector<128x1xf32>
    %exp3A_2490 = math.exp %min3A_2479 : vector<128x1xf32>
    %mul3A_2491 = arith.mulf %exp3A_2490, %sub3A_2464 : vector<128x1xf32>
    %exp3A_2492 = math.exp %min3A_2485 : vector<128x1xf32>
    %mul3A_2493 = arith.mulf %exp3A_2492, %sub3A_2465 : vector<128x1xf32>
    %mul3A_2494 = arith.constant 5.000000e-01 : f32
    %mul3A_2495 = vector.broadcast %mul3A_2494 : f32 to vector<128x1xf32>
    %mul3A_2496 = arith.mulf %mul3A_2495, %mul3A_2491 : vector<128x1xf32>
    %sub3A_2497 = arith.subf %add3A_2487, %mul3A_2496 : vector<128x1xf32>
    %jit3A_2498 = arith.constant 0.000000e+00 : f32
    %jit3A_2499 = arith.constant 1.216000e+03 : f32
    %max3A_2500 = vector.broadcast %jit3A_2498 : f32 to vector<128x1xf32>
    %max3A_2501 = arith.maximumf %max3A_2500, %sub3A_2497 : vector<128x1xf32>
    %min3A_2502 = vector.broadcast %jit3A_2499 : f32 to vector<128x1xf32>
    %min3A_2503 = arith.minimumf %min3A_2502, %max3A_2501 : vector<128x1xf32>
    %mul3A_2504 = arith.constant 5.000000e-01 : f32
    %mul3A_2505 = vector.broadcast %mul3A_2504 : f32 to vector<128x1xf32>
    %mul3A_2506 = arith.mulf %mul3A_2505, %mul3A_2493 : vector<128x1xf32>
    %sub3A_2507 = arith.subf %add3A_2489, %mul3A_2506 : vector<128x1xf32>
    %jit3A_2508 = arith.constant 0.000000e+00 : f32
    %jit3A_2509 = arith.constant 8.000000e+02 : f32
    %max3A_2510 = vector.broadcast %jit3A_2508 : f32 to vector<128x1xf32>
    %max3A_2511 = arith.maximumf %max3A_2510, %sub3A_2507 : vector<128x1xf32>
    %min3A_2512 = vector.broadcast %jit3A_2509 : f32 to vector<128x1xf32>
    %min3A_2513 = arith.minimumf %min3A_2512, %max3A_2511 : vector<128x1xf32>
    %mul3A_2514 = arith.constant 5.000000e-01 : f32
    %mul3A_2515 = vector.broadcast %mul3A_2514 : f32 to vector<128x1xf32>
    %mul3A_2516 = arith.mulf %mul3A_2515, %mul3A_2491 : vector<128x1xf32>
    %add3A_2517 = arith.addf %add3A_2487, %mul3A_2516 : vector<128x1xf32>
    %jit3A_2518 = arith.constant 0.000000e+00 : f32
    %jit3A_2519 = arith.constant 1.216000e+03 : f32
    %max3A_2520 = vector.broadcast %jit3A_2518 : f32 to vector<128x1xf32>
    %max3A_2521 = arith.maximumf %max3A_2520, %add3A_2517 : vector<128x1xf32>
    %min3A_2522 = vector.broadcast %jit3A_2519 : f32 to vector<128x1xf32>
    %min3A_2523 = arith.minimumf %min3A_2522, %max3A_2521 : vector<128x1xf32>
    %mul3A_2524 = arith.constant 5.000000e-01 : f32
    %mul3A_2525 = vector.broadcast %mul3A_2524 : f32 to vector<128x1xf32>
    %mul3A_2526 = arith.mulf %mul3A_2525, %mul3A_2493 : vector<128x1xf32>
    %add3A_2527 = arith.addf %add3A_2489, %mul3A_2526 : vector<128x1xf32>
    %jit3A_2528 = arith.constant 0.000000e+00 : f32
    %jit3A_2529 = arith.constant 8.000000e+02 : f32
    %max3A_2530 = vector.broadcast %jit3A_2528 : f32 to vector<128x1xf32>
    %max3A_2531 = arith.maximumf %max3A_2530, %add3A_2527 : vector<128x1xf32>
    %min3A_2532 = vector.broadcast %jit3A_2529 : f32 to vector<128x1xf32>
    %min3A_2533 = arith.minimumf %min3A_2532, %max3A_2531 : vector<128x1xf32>
    %concatenate3A_2534 = tpu.concatenate %min3A_2503, %min3A_2513, %min3A_2523, %min3A_2533 in 1 : vector<128x1xf32>, vector<128x1xf32>, vector<128x1xf32>, vector<128x1xf32> -> vector<128x4xf32>
    %swap3A_2535 = arith.constant 1664 : index
    %swap3A_2536 = arith.constant 0 : index
    %swap3A_2537 = vector.load %arg4[%swap3A_2535, %swap3A_2536] : memref<2048x4xf32, #tpu.memory_space<vmem>>, vector<128x4xf32>
    tpu.vector_store %arg4[%swap3A_2535, %swap3A_2536], %concatenate3A_2534 {strides = array<i32>} : memref<2048x4xf32, #tpu.memory_space<vmem>>, vector<128x4xf32>,
    %sub3A_2538 = arith.subf %min3A_2523, %min3A_2503 : vector<128x1xf32>
    %sub3A_2539 = arith.subf %min3A_2533, %min3A_2513 : vector<128x1xf32>
    %mul3A_2540 = arith.mulf %sub3A_2538, %sub3A_2539 : vector<128x1xf32>
    %broadcast_in_dim3A_2541 = arith.constant 0.000000e+00 : bf16
    %broadcast_in_dim3A_2542 = vector.broadcast %broadcast_in_dim3A_2541 : bf16 to vector<128x1664xbf16>
    %swap3A_2543 = arith.constant 1664 : index
    %swap3A_2544 = arith.constant 0 : index
    %swap3A_2545 = vector.load %arg3[%swap3A_2543, %swap3A_2544] : memref<2048x2048xbf16, #tpu.memory_space<vmem>>, vector<128x1664xbf16>
    tpu.vector_store %arg3[%swap3A_2543, %swap3A_2544], %broadcast_in_dim3A_2542 {strides = array<i32>} : memref<2048x2048xbf16, #tpu.memory_space<vmem>>, vector<128x1664xbf16>,
    %slice3A_2546 = vector.extract_strided_slice %min3A_75 {offsets = [0, 1664], sizes = [1, 128], strides = [1, 1]} : vector<1x2048xf32> to vector<1x128xf32>
    %min3A_2547 = vector.broadcast %min3A_2523 : vector<128x1xf32> to vector<128x128xf32>
    %min3A_2548 = vector.broadcast %slice3A_2546 : vector<1x128xf32> to vector<128x128xf32>
    %min3A_2549 = arith.minimumf %min3A_2547, %min3A_2548 : vector<128x128xf32>
    %slice3A_2550 = vector.extract_strided_slice %min3A_55 {offsets = [0, 1664], sizes = [1, 128], strides = [1, 1]} : vector<1x2048xf32> to vector<1x128xf32>
    %max3A_2551 = vector.broadcast %min3A_2503 : vector<128x1xf32> to vector<128x128xf32>
    %max3A_2552 = vector.broadcast %slice3A_2550 : vector<1x128xf32> to vector<128x128xf32>
    %max3A_2553 = arith.maximumf %max3A_2551, %max3A_2552 : vector<128x128xf32>
    %sub3A_2554 = arith.subf %min3A_2549, %max3A_2553 : vector<128x128xf32>
    %jit3A_2555 = arith.constant 0.000000e+00 : f32
    %max3A_2556 = vector.broadcast %jit3A_2555 : f32 to vector<128x128xf32>
    %max3A_2557 = arith.maximumf %max3A_2556, %sub3A_2554 : vector<128x128xf32>
    %slice3A_2558 = vector.extract_strided_slice %min3A_85 {offsets = [0, 1664], sizes = [1, 128], strides = [1, 1]} : vector<1x2048xf32> to vector<1x128xf32>
    %min3A_2559 = vector.broadcast %min3A_2533 : vector<128x1xf32> to vector<128x128xf32>
    %min3A_2560 = vector.broadcast %slice3A_2558 : vector<1x128xf32> to vector<128x128xf32>
    %min3A_2561 = arith.minimumf %min3A_2559, %min3A_2560 : vector<128x128xf32>
    %slice3A_2562 = vector.extract_strided_slice %min3A_65 {offsets = [0, 1664], sizes = [1, 128], strides = [1, 1]} : vector<1x2048xf32> to vector<1x128xf32>
    %max3A_2563 = vector.broadcast %min3A_2513 : vector<128x1xf32> to vector<128x128xf32>
    %max3A_2564 = vector.broadcast %slice3A_2562 : vector<1x128xf32> to vector<128x128xf32>
    %max3A_2565 = arith.maximumf %max3A_2563, %max3A_2564 : vector<128x128xf32>
    %sub3A_2566 = arith.subf %min3A_2561, %max3A_2565 : vector<128x128xf32>
    %jit3A_2567 = arith.constant 0.000000e+00 : f32
    %max3A_2568 = vector.broadcast %jit3A_2567 : f32 to vector<128x128xf32>
    %max3A_2569 = arith.maximumf %max3A_2568, %sub3A_2566 : vector<128x128xf32>
    %mul3A_2570 = arith.mulf %max3A_2557, %max3A_2569 : vector<128x128xf32>
    %slice3A_2571 = vector.extract_strided_slice %mul3A_88 {offsets = [0, 1664], sizes = [1, 128], strides = [1, 1]} : vector<1x2048xf32> to vector<1x128xf32>
    %add3A_2572 = vector.broadcast %mul3A_2540 : vector<128x1xf32> to vector<128x128xf32>
    %add3A_2573 = vector.broadcast %slice3A_2571 : vector<1x128xf32> to vector<128x128xf32>
    %add3A_2574 = arith.addf %add3A_2572, %add3A_2573 : vector<128x128xf32>
    %sub3A_2575 = arith.subf %add3A_2574, %mul3A_2570 : vector<128x128xf32>
    %add3A_2576 = arith.constant 9.99999971E-10 : f32
    %add3A_2577 = vector.broadcast %add3A_2576 : f32 to vector<128x128xf32>
    %add3A_2578 = arith.addf %sub3A_2575, %add3A_2577 : vector<128x128xf32>
    %div3A_2579 = arith.divf %mul3A_2570, %add3A_2578 : vector<128x128xf32>
    %iota3A_2580 = tpu.iota {dimensions = array<i32: 0>} : vector<128x128xi32>
    %iota3A_2581 = tpu.iota {dimensions = array<i32: 1>} : vector<128x128xi32>
    %gt3A_2582 = arith.constant 0.699999988 : f32
    %gt3A_2583 = vector.broadcast %gt3A_2582 : f32 to vector<128x128xf32>
    %gt3A_2584 = arith.cmpf ogt, %div3A_2579, %gt3A_2583 : vector<128x128xf32>
    %lt3A_2585 = arith.cmpi slt, %iota3A_2580, %iota3A_2581 : vector<128x128xi32>
    %and3A_2586 = arith.andi %gt3A_2584, %lt3A_2585 : vector<128x128xi1>
    %convert_element_type3A_2587 = arith.extui %and3A_2586 : vector<128x128xi1> to vector<128x128xi32>
    %convert_element_type3A_2588 = arith.sitofp %convert_element_type3A_2587 : vector<128x128xi32> to vector<128x128xf32>
    %convert_element_type3A_2589 = arith.truncf %convert_element_type3A_2588 : vector<128x128xf32> to vector<128x128xbf16>
    %swap3A_2590 = arith.constant 1664 : index
    %swap3A_2591 = arith.constant 1664 : index
    %swap3A_2592 = vector.load %arg3[%swap3A_2590, %swap3A_2591] : memref<2048x2048xbf16, #tpu.memory_space<vmem>>, vector<128x128xbf16>
    tpu.vector_store %arg3[%swap3A_2590, %swap3A_2591], %convert_element_type3A_2589 {strides = array<i32>} : memref<2048x2048xbf16, #tpu.memory_space<vmem>>, vector<128x128xbf16>,
    %slice3A_2593 = vector.extract_strided_slice %min3A_75 {offsets = [0, 1792], sizes = [1, 256], strides = [1, 1]} : vector<1x2048xf32> to vector<1x256xf32>
    %min3A_2594 = vector.broadcast %min3A_2523 : vector<128x1xf32> to vector<128x256xf32>
    %min3A_2595 = vector.broadcast %slice3A_2593 : vector<1x256xf32> to vector<128x256xf32>
    %min3A_2596 = arith.minimumf %min3A_2594, %min3A_2595 : vector<128x256xf32>
    %slice3A_2597 = vector.extract_strided_slice %min3A_55 {offsets = [0, 1792], sizes = [1, 256], strides = [1, 1]} : vector<1x2048xf32> to vector<1x256xf32>
    %max3A_2598 = vector.broadcast %min3A_2503 : vector<128x1xf32> to vector<128x256xf32>
    %max3A_2599 = vector.broadcast %slice3A_2597 : vector<1x256xf32> to vector<128x256xf32>
    %max3A_2600 = arith.maximumf %max3A_2598, %max3A_2599 : vector<128x256xf32>
    %sub3A_2601 = arith.subf %min3A_2596, %max3A_2600 : vector<128x256xf32>
    %jit3A_2602 = arith.constant 0.000000e+00 : f32
    %max3A_2603 = vector.broadcast %jit3A_2602 : f32 to vector<128x256xf32>
    %max3A_2604 = arith.maximumf %max3A_2603, %sub3A_2601 : vector<128x256xf32>
    %slice3A_2605 = vector.extract_strided_slice %min3A_85 {offsets = [0, 1792], sizes = [1, 256], strides = [1, 1]} : vector<1x2048xf32> to vector<1x256xf32>
    %min3A_2606 = vector.broadcast %min3A_2533 : vector<128x1xf32> to vector<128x256xf32>
    %min3A_2607 = vector.broadcast %slice3A_2605 : vector<1x256xf32> to vector<128x256xf32>
    %min3A_2608 = arith.minimumf %min3A_2606, %min3A_2607 : vector<128x256xf32>
    %slice3A_2609 = vector.extract_strided_slice %min3A_65 {offsets = [0, 1792], sizes = [1, 256], strides = [1, 1]} : vector<1x2048xf32> to vector<1x256xf32>
    %max3A_2610 = vector.broadcast %min3A_2513 : vector<128x1xf32> to vector<128x256xf32>
    %max3A_2611 = vector.broadcast %slice3A_2609 : vector<1x256xf32> to vector<128x256xf32>
    %max3A_2612 = arith.maximumf %max3A_2610, %max3A_2611 : vector<128x256xf32>
    %sub3A_2613 = arith.subf %min3A_2608, %max3A_2612 : vector<128x256xf32>
    %jit3A_2614 = arith.constant 0.000000e+00 : f32
    %max3A_2615 = vector.broadcast %jit3A_2614 : f32 to vector<128x256xf32>
    %max3A_2616 = arith.maximumf %max3A_2615, %sub3A_2613 : vector<128x256xf32>
    %mul3A_2617 = arith.mulf %max3A_2604, %max3A_2616 : vector<128x256xf32>
    %slice3A_2618 = vector.extract_strided_slice %mul3A_88 {offsets = [0, 1792], sizes = [1, 256], strides = [1, 1]} : vector<1x2048xf32> to vector<1x256xf32>
    %add3A_2619 = vector.broadcast %mul3A_2540 : vector<128x1xf32> to vector<128x256xf32>
    %add3A_2620 = vector.broadcast %slice3A_2618 : vector<1x256xf32> to vector<128x256xf32>
    %add3A_2621 = arith.addf %add3A_2619, %add3A_2620 : vector<128x256xf32>
    %sub3A_2622 = arith.subf %add3A_2621, %mul3A_2617 : vector<128x256xf32>
    %add3A_2623 = arith.constant 9.99999971E-10 : f32
    %add3A_2624 = vector.broadcast %add3A_2623 : f32 to vector<128x256xf32>
    %add3A_2625 = arith.addf %sub3A_2622, %add3A_2624 : vector<128x256xf32>
    %div3A_2626 = arith.divf %mul3A_2617, %add3A_2625 : vector<128x256xf32>
    %gt3A_2627 = arith.constant 0.699999988 : f32
    %gt3A_2628 = vector.broadcast %gt3A_2627 : f32 to vector<128x256xf32>
    %gt3A_2629 = arith.cmpf ogt, %div3A_2626, %gt3A_2628 : vector<128x256xf32>
    %convert_element_type3A_2630 = arith.extui %gt3A_2629 : vector<128x256xi1> to vector<128x256xi32>
    %convert_element_type3A_2631 = arith.sitofp %convert_element_type3A_2630 : vector<128x256xi32> to vector<128x256xf32>
    %convert_element_type3A_2632 = arith.truncf %convert_element_type3A_2631 : vector<128x256xf32> to vector<128x256xbf16>
    %swap3A_2633 = arith.constant 1664 : index
    %swap3A_2634 = arith.constant 1792 : index
    %swap3A_2635 = vector.load %arg3[%swap3A_2633, %swap3A_2634] : memref<2048x2048xbf16, #tpu.memory_space<vmem>>, vector<128x256xbf16>
    tpu.vector_store %arg3[%swap3A_2633, %swap3A_2634], %convert_element_type3A_2632 {strides = array<i32>} : memref<2048x2048xbf16, #tpu.memory_space<vmem>>, vector<128x256xbf16>,
    %get3A_2636 = arith.constant 1792 : index
    %get3A_2637 = arith.constant 0 : index
    %get3A_2638 = vector.load %arg0[%get3A_2636, %get3A_2637] : memref<2048x16xf32, #tpu.memory_space<vmem>>, vector<128x16xf32>
    %slice3A_2639 = vector.extract_strided_slice %get3A_2638 {offsets = [0, 0], sizes = [128, 1], strides = [1, 1]} : vector<128x16xf32> to vector<128x1xf32>
    %slice3A_2640 = vector.extract_strided_slice %get3A_2638 {offsets = [0, 1], sizes = [128, 1], strides = [1, 1]} : vector<128x16xf32> to vector<128x1xf32>
    %slice3A_2641 = vector.extract_strided_slice %get3A_2638 {offsets = [0, 2], sizes = [128, 1], strides = [1, 1]} : vector<128x16xf32> to vector<128x1xf32>
    %slice3A_2642 = vector.extract_strided_slice %get3A_2638 {offsets = [0, 3], sizes = [128, 1], strides = [1, 1]} : vector<128x16xf32> to vector<128x1xf32>
    %slice3A_2643 = vector.extract_strided_slice %get3A_2638 {offsets = [0, 4], sizes = [128, 1], strides = [1, 1]} : vector<128x16xf32> to vector<128x1xf32>
    %slice3A_2644 = vector.extract_strided_slice %get3A_2638 {offsets = [0, 5], sizes = [128, 1], strides = [1, 1]} : vector<128x16xf32> to vector<128x1xf32>
    %slice3A_2645 = vector.extract_strided_slice %get3A_2638 {offsets = [0, 6], sizes = [128, 1], strides = [1, 1]} : vector<128x16xf32> to vector<128x1xf32>
    %slice3A_2646 = vector.extract_strided_slice %get3A_2638 {offsets = [0, 7], sizes = [128, 1], strides = [1, 1]} : vector<128x16xf32> to vector<128x1xf32>
    %sub3A_2647 = arith.subf %slice3A_2641, %slice3A_2639 : vector<128x1xf32>
    %sub3A_2648 = arith.subf %slice3A_2642, %slice3A_2640 : vector<128x1xf32>
    %mul3A_2649 = arith.constant 5.000000e-01 : f32
    %mul3A_2650 = vector.broadcast %mul3A_2649 : f32 to vector<128x1xf32>
    %mul3A_2651 = arith.mulf %mul3A_2650, %sub3A_2647 : vector<128x1xf32>
    %add3A_2652 = arith.addf %slice3A_2639, %mul3A_2651 : vector<128x1xf32>
    %mul3A_2653 = arith.constant 5.000000e-01 : f32
    %mul3A_2654 = vector.broadcast %mul3A_2653 : f32 to vector<128x1xf32>
    %mul3A_2655 = arith.mulf %mul3A_2654, %sub3A_2648 : vector<128x1xf32>
    %add3A_2656 = arith.addf %slice3A_2640, %mul3A_2655 : vector<128x1xf32>
    %jit3A_2657 = arith.constant -4.000000e+00 : f32
    %jit3A_2658 = arith.constant 4.000000e+00 : f32
    %max3A_2659 = vector.broadcast %jit3A_2657 : f32 to vector<128x1xf32>
    %max3A_2660 = arith.maximumf %max3A_2659, %slice3A_2645 : vector<128x1xf32>
    %min3A_2661 = vector.broadcast %jit3A_2658 : f32 to vector<128x1xf32>
    %min3A_2662 = arith.minimumf %min3A_2661, %max3A_2660 : vector<128x1xf32>
    %jit3A_2663 = arith.constant -4.000000e+00 : f32
    %jit3A_2664 = arith.constant 4.000000e+00 : f32
    %max3A_2665 = vector.broadcast %jit3A_2663 : f32 to vector<128x1xf32>
    %max3A_2666 = arith.maximumf %max3A_2665, %slice3A_2646 : vector<128x1xf32>
    %min3A_2667 = vector.broadcast %jit3A_2664 : f32 to vector<128x1xf32>
    %min3A_2668 = arith.minimumf %min3A_2667, %max3A_2666 : vector<128x1xf32>
    %mul3A_2669 = arith.mulf %slice3A_2643, %sub3A_2647 : vector<128x1xf32>
    %add3A_2670 = arith.addf %mul3A_2669, %add3A_2652 : vector<128x1xf32>
    %mul3A_2671 = arith.mulf %slice3A_2644, %sub3A_2648 : vector<128x1xf32>
    %add3A_2672 = arith.addf %mul3A_2671, %add3A_2656 : vector<128x1xf32>
    %exp3A_2673 = math.exp %min3A_2662 : vector<128x1xf32>
    %mul3A_2674 = arith.mulf %exp3A_2673, %sub3A_2647 : vector<128x1xf32>
    %exp3A_2675 = math.exp %min3A_2668 : vector<128x1xf32>
    %mul3A_2676 = arith.mulf %exp3A_2675, %sub3A_2648 : vector<128x1xf32>
    %mul3A_2677 = arith.constant 5.000000e-01 : f32
    %mul3A_2678 = vector.broadcast %mul3A_2677 : f32 to vector<128x1xf32>
    %mul3A_2679 = arith.mulf %mul3A_2678, %mul3A_2674 : vector<128x1xf32>
    %sub3A_2680 = arith.subf %add3A_2670, %mul3A_2679 : vector<128x1xf32>
    %jit3A_2681 = arith.constant 0.000000e+00 : f32
    %jit3A_2682 = arith.constant 1.216000e+03 : f32
    %max3A_2683 = vector.broadcast %jit3A_2681 : f32 to vector<128x1xf32>
    %max3A_2684 = arith.maximumf %max3A_2683, %sub3A_2680 : vector<128x1xf32>
    %min3A_2685 = vector.broadcast %jit3A_2682 : f32 to vector<128x1xf32>
    %min3A_2686 = arith.minimumf %min3A_2685, %max3A_2684 : vector<128x1xf32>
    %mul3A_2687 = arith.constant 5.000000e-01 : f32
    %mul3A_2688 = vector.broadcast %mul3A_2687 : f32 to vector<128x1xf32>
    %mul3A_2689 = arith.mulf %mul3A_2688, %mul3A_2676 : vector<128x1xf32>
    %sub3A_2690 = arith.subf %add3A_2672, %mul3A_2689 : vector<128x1xf32>
    %jit3A_2691 = arith.constant 0.000000e+00 : f32
    %jit3A_2692 = arith.constant 8.000000e+02 : f32
    %max3A_2693 = vector.broadcast %jit3A_2691 : f32 to vector<128x1xf32>
    %max3A_2694 = arith.maximumf %max3A_2693, %sub3A_2690 : vector<128x1xf32>
    %min3A_2695 = vector.broadcast %jit3A_2692 : f32 to vector<128x1xf32>
    %min3A_2696 = arith.minimumf %min3A_2695, %max3A_2694 : vector<128x1xf32>
    %mul3A_2697 = arith.constant 5.000000e-01 : f32
    %mul3A_2698 = vector.broadcast %mul3A_2697 : f32 to vector<128x1xf32>
    %mul3A_2699 = arith.mulf %mul3A_2698, %mul3A_2674 : vector<128x1xf32>
    %add3A_2700 = arith.addf %add3A_2670, %mul3A_2699 : vector<128x1xf32>
    %jit3A_2701 = arith.constant 0.000000e+00 : f32
    %jit3A_2702 = arith.constant 1.216000e+03 : f32
    %max3A_2703 = vector.broadcast %jit3A_2701 : f32 to vector<128x1xf32>
    %max3A_2704 = arith.maximumf %max3A_2703, %add3A_2700 : vector<128x1xf32>
    %min3A_2705 = vector.broadcast %jit3A_2702 : f32 to vector<128x1xf32>
    %min3A_2706 = arith.minimumf %min3A_2705, %max3A_2704 : vector<128x1xf32>
    %mul3A_2707 = arith.constant 5.000000e-01 : f32
    %mul3A_2708 = vector.broadcast %mul3A_2707 : f32 to vector<128x1xf32>
    %mul3A_2709 = arith.mulf %mul3A_2708, %mul3A_2676 : vector<128x1xf32>
    %add3A_2710 = arith.addf %add3A_2672, %mul3A_2709 : vector<128x1xf32>
    %jit3A_2711 = arith.constant 0.000000e+00 : f32
    %jit3A_2712 = arith.constant 8.000000e+02 : f32
    %max3A_2713 = vector.broadcast %jit3A_2711 : f32 to vector<128x1xf32>
    %max3A_2714 = arith.maximumf %max3A_2713, %add3A_2710 : vector<128x1xf32>
    %min3A_2715 = vector.broadcast %jit3A_2712 : f32 to vector<128x1xf32>
    %min3A_2716 = arith.minimumf %min3A_2715, %max3A_2714 : vector<128x1xf32>
    %concatenate3A_2717 = tpu.concatenate %min3A_2686, %min3A_2696, %min3A_2706, %min3A_2716 in 1 : vector<128x1xf32>, vector<128x1xf32>, vector<128x1xf32>, vector<128x1xf32> -> vector<128x4xf32>
    %swap3A_2718 = arith.constant 1792 : index
    %swap3A_2719 = arith.constant 0 : index
    %swap3A_2720 = vector.load %arg4[%swap3A_2718, %swap3A_2719] : memref<2048x4xf32, #tpu.memory_space<vmem>>, vector<128x4xf32>
    tpu.vector_store %arg4[%swap3A_2718, %swap3A_2719], %concatenate3A_2717 {strides = array<i32>} : memref<2048x4xf32, #tpu.memory_space<vmem>>, vector<128x4xf32>,
    %sub3A_2721 = arith.subf %min3A_2706, %min3A_2686 : vector<128x1xf32>
    %sub3A_2722 = arith.subf %min3A_2716, %min3A_2696 : vector<128x1xf32>
    %mul3A_2723 = arith.mulf %sub3A_2721, %sub3A_2722 : vector<128x1xf32>
    %broadcast_in_dim3A_2724 = arith.constant 0.000000e+00 : bf16
    %broadcast_in_dim3A_2725 = vector.broadcast %broadcast_in_dim3A_2724 : bf16 to vector<128x1792xbf16>
    %swap3A_2726 = arith.constant 1792 : index
    %swap3A_2727 = arith.constant 0 : index
    %swap3A_2728 = vector.load %arg3[%swap3A_2726, %swap3A_2727] : memref<2048x2048xbf16, #tpu.memory_space<vmem>>, vector<128x1792xbf16>
    tpu.vector_store %arg3[%swap3A_2726, %swap3A_2727], %broadcast_in_dim3A_2725 {strides = array<i32>} : memref<2048x2048xbf16, #tpu.memory_space<vmem>>, vector<128x1792xbf16>,
    %slice3A_2729 = vector.extract_strided_slice %min3A_75 {offsets = [0, 1792], sizes = [1, 128], strides = [1, 1]} : vector<1x2048xf32> to vector<1x128xf32>
    %min3A_2730 = vector.broadcast %min3A_2706 : vector<128x1xf32> to vector<128x128xf32>
    %min3A_2731 = vector.broadcast %slice3A_2729 : vector<1x128xf32> to vector<128x128xf32>
    %min3A_2732 = arith.minimumf %min3A_2730, %min3A_2731 : vector<128x128xf32>
    %slice3A_2733 = vector.extract_strided_slice %min3A_55 {offsets = [0, 1792], sizes = [1, 128], strides = [1, 1]} : vector<1x2048xf32> to vector<1x128xf32>
    %max3A_2734 = vector.broadcast %min3A_2686 : vector<128x1xf32> to vector<128x128xf32>
    %max3A_2735 = vector.broadcast %slice3A_2733 : vector<1x128xf32> to vector<128x128xf32>
    %max3A_2736 = arith.maximumf %max3A_2734, %max3A_2735 : vector<128x128xf32>
    %sub3A_2737 = arith.subf %min3A_2732, %max3A_2736 : vector<128x128xf32>
    %jit3A_2738 = arith.constant 0.000000e+00 : f32
    %max3A_2739 = vector.broadcast %jit3A_2738 : f32 to vector<128x128xf32>
    %max3A_2740 = arith.maximumf %max3A_2739, %sub3A_2737 : vector<128x128xf32>
    %slice3A_2741 = vector.extract_strided_slice %min3A_85 {offsets = [0, 1792], sizes = [1, 128], strides = [1, 1]} : vector<1x2048xf32> to vector<1x128xf32>
    %min3A_2742 = vector.broadcast %min3A_2716 : vector<128x1xf32> to vector<128x128xf32>
    %min3A_2743 = vector.broadcast %slice3A_2741 : vector<1x128xf32> to vector<128x128xf32>
    %min3A_2744 = arith.minimumf %min3A_2742, %min3A_2743 : vector<128x128xf32>
    %slice3A_2745 = vector.extract_strided_slice %min3A_65 {offsets = [0, 1792], sizes = [1, 128], strides = [1, 1]} : vector<1x2048xf32> to vector<1x128xf32>
    %max3A_2746 = vector.broadcast %min3A_2696 : vector<128x1xf32> to vector<128x128xf32>
    %max3A_2747 = vector.broadcast %slice3A_2745 : vector<1x128xf32> to vector<128x128xf32>
    %max3A_2748 = arith.maximumf %max3A_2746, %max3A_2747 : vector<128x128xf32>
    %sub3A_2749 = arith.subf %min3A_2744, %max3A_2748 : vector<128x128xf32>
    %jit3A_2750 = arith.constant 0.000000e+00 : f32
    %max3A_2751 = vector.broadcast %jit3A_2750 : f32 to vector<128x128xf32>
    %max3A_2752 = arith.maximumf %max3A_2751, %sub3A_2749 : vector<128x128xf32>
    %mul3A_2753 = arith.mulf %max3A_2740, %max3A_2752 : vector<128x128xf32>
    %slice3A_2754 = vector.extract_strided_slice %mul3A_88 {offsets = [0, 1792], sizes = [1, 128], strides = [1, 1]} : vector<1x2048xf32> to vector<1x128xf32>
    %add3A_2755 = vector.broadcast %mul3A_2723 : vector<128x1xf32> to vector<128x128xf32>
    %add3A_2756 = vector.broadcast %slice3A_2754 : vector<1x128xf32> to vector<128x128xf32>
    %add3A_2757 = arith.addf %add3A_2755, %add3A_2756 : vector<128x128xf32>
    %sub3A_2758 = arith.subf %add3A_2757, %mul3A_2753 : vector<128x128xf32>
    %add3A_2759 = arith.constant 9.99999971E-10 : f32
    %add3A_2760 = vector.broadcast %add3A_2759 : f32 to vector<128x128xf32>
    %add3A_2761 = arith.addf %sub3A_2758, %add3A_2760 : vector<128x128xf32>
    %div3A_2762 = arith.divf %mul3A_2753, %add3A_2761 : vector<128x128xf32>
    %iota3A_2763 = tpu.iota {dimensions = array<i32: 0>} : vector<128x128xi32>
    %iota3A_2764 = tpu.iota {dimensions = array<i32: 1>} : vector<128x128xi32>
    %gt3A_2765 = arith.constant 0.699999988 : f32
    %gt3A_2766 = vector.broadcast %gt3A_2765 : f32 to vector<128x128xf32>
    %gt3A_2767 = arith.cmpf ogt, %div3A_2762, %gt3A_2766 : vector<128x128xf32>
    %lt3A_2768 = arith.cmpi slt, %iota3A_2763, %iota3A_2764 : vector<128x128xi32>
    %and3A_2769 = arith.andi %gt3A_2767, %lt3A_2768 : vector<128x128xi1>
    %convert_element_type3A_2770 = arith.extui %and3A_2769 : vector<128x128xi1> to vector<128x128xi32>
    %convert_element_type3A_2771 = arith.sitofp %convert_element_type3A_2770 : vector<128x128xi32> to vector<128x128xf32>
    %convert_element_type3A_2772 = arith.truncf %convert_element_type3A_2771 : vector<128x128xf32> to vector<128x128xbf16>
    %swap3A_2773 = arith.constant 1792 : index
    %swap3A_2774 = arith.constant 1792 : index
    %swap3A_2775 = vector.load %arg3[%swap3A_2773, %swap3A_2774] : memref<2048x2048xbf16, #tpu.memory_space<vmem>>, vector<128x128xbf16>
    tpu.vector_store %arg3[%swap3A_2773, %swap3A_2774], %convert_element_type3A_2772 {strides = array<i32>} : memref<2048x2048xbf16, #tpu.memory_space<vmem>>, vector<128x128xbf16>,
    %slice3A_2776 = vector.extract_strided_slice %min3A_75 {offsets = [0, 1920], sizes = [1, 128], strides = [1, 1]} : vector<1x2048xf32> to vector<1x128xf32>
    %min3A_2777 = vector.broadcast %min3A_2706 : vector<128x1xf32> to vector<128x128xf32>
    %min3A_2778 = vector.broadcast %slice3A_2776 : vector<1x128xf32> to vector<128x128xf32>
    %min3A_2779 = arith.minimumf %min3A_2777, %min3A_2778 : vector<128x128xf32>
    %slice3A_2780 = vector.extract_strided_slice %min3A_55 {offsets = [0, 1920], sizes = [1, 128], strides = [1, 1]} : vector<1x2048xf32> to vector<1x128xf32>
    %max3A_2781 = vector.broadcast %min3A_2686 : vector<128x1xf32> to vector<128x128xf32>
    %max3A_2782 = vector.broadcast %slice3A_2780 : vector<1x128xf32> to vector<128x128xf32>
    %max3A_2783 = arith.maximumf %max3A_2781, %max3A_2782 : vector<128x128xf32>
    %sub3A_2784 = arith.subf %min3A_2779, %max3A_2783 : vector<128x128xf32>
    %jit3A_2785 = arith.constant 0.000000e+00 : f32
    %max3A_2786 = vector.broadcast %jit3A_2785 : f32 to vector<128x128xf32>
    %max3A_2787 = arith.maximumf %max3A_2786, %sub3A_2784 : vector<128x128xf32>
    %slice3A_2788 = vector.extract_strided_slice %min3A_85 {offsets = [0, 1920], sizes = [1, 128], strides = [1, 1]} : vector<1x2048xf32> to vector<1x128xf32>
    %min3A_2789 = vector.broadcast %min3A_2716 : vector<128x1xf32> to vector<128x128xf32>
    %min3A_2790 = vector.broadcast %slice3A_2788 : vector<1x128xf32> to vector<128x128xf32>
    %min3A_2791 = arith.minimumf %min3A_2789, %min3A_2790 : vector<128x128xf32>
    %slice3A_2792 = vector.extract_strided_slice %min3A_65 {offsets = [0, 1920], sizes = [1, 128], strides = [1, 1]} : vector<1x2048xf32> to vector<1x128xf32>
    %max3A_2793 = vector.broadcast %min3A_2696 : vector<128x1xf32> to vector<128x128xf32>
    %max3A_2794 = vector.broadcast %slice3A_2792 : vector<1x128xf32> to vector<128x128xf32>
    %max3A_2795 = arith.maximumf %max3A_2793, %max3A_2794 : vector<128x128xf32>
    %sub3A_2796 = arith.subf %min3A_2791, %max3A_2795 : vector<128x128xf32>
    %jit3A_2797 = arith.constant 0.000000e+00 : f32
    %max3A_2798 = vector.broadcast %jit3A_2797 : f32 to vector<128x128xf32>
    %max3A_2799 = arith.maximumf %max3A_2798, %sub3A_2796 : vector<128x128xf32>
    %mul3A_2800 = arith.mulf %max3A_2787, %max3A_2799 : vector<128x128xf32>
    %slice3A_2801 = vector.extract_strided_slice %mul3A_88 {offsets = [0, 1920], sizes = [1, 128], strides = [1, 1]} : vector<1x2048xf32> to vector<1x128xf32>
    %add3A_2802 = vector.broadcast %mul3A_2723 : vector<128x1xf32> to vector<128x128xf32>
    %add3A_2803 = vector.broadcast %slice3A_2801 : vector<1x128xf32> to vector<128x128xf32>
    %add3A_2804 = arith.addf %add3A_2802, %add3A_2803 : vector<128x128xf32>
    %sub3A_2805 = arith.subf %add3A_2804, %mul3A_2800 : vector<128x128xf32>
    %add3A_2806 = arith.constant 9.99999971E-10 : f32
    %add3A_2807 = vector.broadcast %add3A_2806 : f32 to vector<128x128xf32>
    %add3A_2808 = arith.addf %sub3A_2805, %add3A_2807 : vector<128x128xf32>
    %div3A_2809 = arith.divf %mul3A_2800, %add3A_2808 : vector<128x128xf32>
    %gt3A_2810 = arith.constant 0.699999988 : f32
    %gt3A_2811 = vector.broadcast %gt3A_2810 : f32 to vector<128x128xf32>
    %gt3A_2812 = arith.cmpf ogt, %div3A_2809, %gt3A_2811 : vector<128x128xf32>
    %convert_element_type3A_2813 = arith.extui %gt3A_2812 : vector<128x128xi1> to vector<128x128xi32>
    %convert_element_type3A_2814 = arith.sitofp %convert_element_type3A_2813 : vector<128x128xi32> to vector<128x128xf32>
    %convert_element_type3A_2815 = arith.truncf %convert_element_type3A_2814 : vector<128x128xf32> to vector<128x128xbf16>
    %swap3A_2816 = arith.constant 1792 : index
    %swap3A_2817 = arith.constant 1920 : index
    %swap3A_2818 = vector.load %arg3[%swap3A_2816, %swap3A_2817] : memref<2048x2048xbf16, #tpu.memory_space<vmem>>, vector<128x128xbf16>
    tpu.vector_store %arg3[%swap3A_2816, %swap3A_2817], %convert_element_type3A_2815 {strides = array<i32>} : memref<2048x2048xbf16, #tpu.memory_space<vmem>>, vector<128x128xbf16>,
    %get3A_2819 = arith.constant 1920 : index
    %get3A_2820 = arith.constant 0 : index
    %get3A_2821 = vector.load %arg0[%get3A_2819, %get3A_2820] : memref<2048x16xf32, #tpu.memory_space<vmem>>, vector<128x16xf32>
    %slice3A_2822 = vector.extract_strided_slice %get3A_2821 {offsets = [0, 0], sizes = [128, 1], strides = [1, 1]} : vector<128x16xf32> to vector<128x1xf32>
    %slice3A_2823 = vector.extract_strided_slice %get3A_2821 {offsets = [0, 1], sizes = [128, 1], strides = [1, 1]} : vector<128x16xf32> to vector<128x1xf32>
    %slice3A_2824 = vector.extract_strided_slice %get3A_2821 {offsets = [0, 2], sizes = [128, 1], strides = [1, 1]} : vector<128x16xf32> to vector<128x1xf32>
    %slice3A_2825 = vector.extract_strided_slice %get3A_2821 {offsets = [0, 3], sizes = [128, 1], strides = [1, 1]} : vector<128x16xf32> to vector<128x1xf32>
    %slice3A_2826 = vector.extract_strided_slice %get3A_2821 {offsets = [0, 4], sizes = [128, 1], strides = [1, 1]} : vector<128x16xf32> to vector<128x1xf32>
    %slice3A_2827 = vector.extract_strided_slice %get3A_2821 {offsets = [0, 5], sizes = [128, 1], strides = [1, 1]} : vector<128x16xf32> to vector<128x1xf32>
    %slice3A_2828 = vector.extract_strided_slice %get3A_2821 {offsets = [0, 6], sizes = [128, 1], strides = [1, 1]} : vector<128x16xf32> to vector<128x1xf32>
    %slice3A_2829 = vector.extract_strided_slice %get3A_2821 {offsets = [0, 7], sizes = [128, 1], strides = [1, 1]} : vector<128x16xf32> to vector<128x1xf32>
    %sub3A_2830 = arith.subf %slice3A_2824, %slice3A_2822 : vector<128x1xf32>
    %sub3A_2831 = arith.subf %slice3A_2825, %slice3A_2823 : vector<128x1xf32>
    %mul3A_2832 = arith.constant 5.000000e-01 : f32
    %mul3A_2833 = vector.broadcast %mul3A_2832 : f32 to vector<128x1xf32>
    %mul3A_2834 = arith.mulf %mul3A_2833, %sub3A_2830 : vector<128x1xf32>
    %add3A_2835 = arith.addf %slice3A_2822, %mul3A_2834 : vector<128x1xf32>
    %mul3A_2836 = arith.constant 5.000000e-01 : f32
    %mul3A_2837 = vector.broadcast %mul3A_2836 : f32 to vector<128x1xf32>
    %mul3A_2838 = arith.mulf %mul3A_2837, %sub3A_2831 : vector<128x1xf32>
    %add3A_2839 = arith.addf %slice3A_2823, %mul3A_2838 : vector<128x1xf32>
    %jit3A_2840 = arith.constant -4.000000e+00 : f32
    %jit3A_2841 = arith.constant 4.000000e+00 : f32
    %max3A_2842 = vector.broadcast %jit3A_2840 : f32 to vector<128x1xf32>
    %max3A_2843 = arith.maximumf %max3A_2842, %slice3A_2828 : vector<128x1xf32>
    %min3A_2844 = vector.broadcast %jit3A_2841 : f32 to vector<128x1xf32>
    %min3A_2845 = arith.minimumf %min3A_2844, %max3A_2843 : vector<128x1xf32>
    %jit3A_2846 = arith.constant -4.000000e+00 : f32
    %jit3A_2847 = arith.constant 4.000000e+00 : f32
    %max3A_2848 = vector.broadcast %jit3A_2846 : f32 to vector<128x1xf32>
    %max3A_2849 = arith.maximumf %max3A_2848, %slice3A_2829 : vector<128x1xf32>
    %min3A_2850 = vector.broadcast %jit3A_2847 : f32 to vector<128x1xf32>
    %min3A_2851 = arith.minimumf %min3A_2850, %max3A_2849 : vector<128x1xf32>
    %mul3A_2852 = arith.mulf %slice3A_2826, %sub3A_2830 : vector<128x1xf32>
    %add3A_2853 = arith.addf %mul3A_2852, %add3A_2835 : vector<128x1xf32>
    %mul3A_2854 = arith.mulf %slice3A_2827, %sub3A_2831 : vector<128x1xf32>
    %add3A_2855 = arith.addf %mul3A_2854, %add3A_2839 : vector<128x1xf32>
    %exp3A_2856 = math.exp %min3A_2845 : vector<128x1xf32>
    %mul3A_2857 = arith.mulf %exp3A_2856, %sub3A_2830 : vector<128x1xf32>
    %exp3A_2858 = math.exp %min3A_2851 : vector<128x1xf32>
    %mul3A_2859 = arith.mulf %exp3A_2858, %sub3A_2831 : vector<128x1xf32>
    %mul3A_2860 = arith.constant 5.000000e-01 : f32
    %mul3A_2861 = vector.broadcast %mul3A_2860 : f32 to vector<128x1xf32>
    %mul3A_2862 = arith.mulf %mul3A_2861, %mul3A_2857 : vector<128x1xf32>
    %sub3A_2863 = arith.subf %add3A_2853, %mul3A_2862 : vector<128x1xf32>
    %jit3A_2864 = arith.constant 0.000000e+00 : f32
    %jit3A_2865 = arith.constant 1.216000e+03 : f32
    %max3A_2866 = vector.broadcast %jit3A_2864 : f32 to vector<128x1xf32>
    %max3A_2867 = arith.maximumf %max3A_2866, %sub3A_2863 : vector<128x1xf32>
    %min3A_2868 = vector.broadcast %jit3A_2865 : f32 to vector<128x1xf32>
    %min3A_2869 = arith.minimumf %min3A_2868, %max3A_2867 : vector<128x1xf32>
    %mul3A_2870 = arith.constant 5.000000e-01 : f32
    %mul3A_2871 = vector.broadcast %mul3A_2870 : f32 to vector<128x1xf32>
    %mul3A_2872 = arith.mulf %mul3A_2871, %mul3A_2859 : vector<128x1xf32>
    %sub3A_2873 = arith.subf %add3A_2855, %mul3A_2872 : vector<128x1xf32>
    %jit3A_2874 = arith.constant 0.000000e+00 : f32
    %jit3A_2875 = arith.constant 8.000000e+02 : f32
    %max3A_2876 = vector.broadcast %jit3A_2874 : f32 to vector<128x1xf32>
    %max3A_2877 = arith.maximumf %max3A_2876, %sub3A_2873 : vector<128x1xf32>
    %min3A_2878 = vector.broadcast %jit3A_2875 : f32 to vector<128x1xf32>
    %min3A_2879 = arith.minimumf %min3A_2878, %max3A_2877 : vector<128x1xf32>
    %mul3A_2880 = arith.constant 5.000000e-01 : f32
    %mul3A_2881 = vector.broadcast %mul3A_2880 : f32 to vector<128x1xf32>
    %mul3A_2882 = arith.mulf %mul3A_2881, %mul3A_2857 : vector<128x1xf32>
    %add3A_2883 = arith.addf %add3A_2853, %mul3A_2882 : vector<128x1xf32>
    %jit3A_2884 = arith.constant 0.000000e+00 : f32
    %jit3A_2885 = arith.constant 1.216000e+03 : f32
    %max3A_2886 = vector.broadcast %jit3A_2884 : f32 to vector<128x1xf32>
    %max3A_2887 = arith.maximumf %max3A_2886, %add3A_2883 : vector<128x1xf32>
    %min3A_2888 = vector.broadcast %jit3A_2885 : f32 to vector<128x1xf32>
    %min3A_2889 = arith.minimumf %min3A_2888, %max3A_2887 : vector<128x1xf32>
    %mul3A_2890 = arith.constant 5.000000e-01 : f32
    %mul3A_2891 = vector.broadcast %mul3A_2890 : f32 to vector<128x1xf32>
    %mul3A_2892 = arith.mulf %mul3A_2891, %mul3A_2859 : vector<128x1xf32>
    %add3A_2893 = arith.addf %add3A_2855, %mul3A_2892 : vector<128x1xf32>
    %jit3A_2894 = arith.constant 0.000000e+00 : f32
    %jit3A_2895 = arith.constant 8.000000e+02 : f32
    %max3A_2896 = vector.broadcast %jit3A_2894 : f32 to vector<128x1xf32>
    %max3A_2897 = arith.maximumf %max3A_2896, %add3A_2893 : vector<128x1xf32>
    %min3A_2898 = vector.broadcast %jit3A_2895 : f32 to vector<128x1xf32>
    %min3A_2899 = arith.minimumf %min3A_2898, %max3A_2897 : vector<128x1xf32>
    %concatenate3A_2900 = tpu.concatenate %min3A_2869, %min3A_2879, %min3A_2889, %min3A_2899 in 1 : vector<128x1xf32>, vector<128x1xf32>, vector<128x1xf32>, vector<128x1xf32> -> vector<128x4xf32>
    %swap3A_2901 = arith.constant 1920 : index
    %swap3A_2902 = arith.constant 0 : index
    %swap3A_2903 = vector.load %arg4[%swap3A_2901, %swap3A_2902] : memref<2048x4xf32, #tpu.memory_space<vmem>>, vector<128x4xf32>
    tpu.vector_store %arg4[%swap3A_2901, %swap3A_2902], %concatenate3A_2900 {strides = array<i32>} : memref<2048x4xf32, #tpu.memory_space<vmem>>, vector<128x4xf32>,
    %sub3A_2904 = arith.subf %min3A_2889, %min3A_2869 : vector<128x1xf32>
    %sub3A_2905 = arith.subf %min3A_2899, %min3A_2879 : vector<128x1xf32>
    %mul3A_2906 = arith.mulf %sub3A_2904, %sub3A_2905 : vector<128x1xf32>
    %broadcast_in_dim3A_2907 = arith.constant 0.000000e+00 : bf16
    %broadcast_in_dim3A_2908 = vector.broadcast %broadcast_in_dim3A_2907 : bf16 to vector<128x1920xbf16>
    %swap3A_2909 = arith.constant 1920 : index
    %swap3A_2910 = arith.constant 0 : index
    %swap3A_2911 = vector.load %arg3[%swap3A_2909, %swap3A_2910] : memref<2048x2048xbf16, #tpu.memory_space<vmem>>, vector<128x1920xbf16>
    tpu.vector_store %arg3[%swap3A_2909, %swap3A_2910], %broadcast_in_dim3A_2908 {strides = array<i32>} : memref<2048x2048xbf16, #tpu.memory_space<vmem>>, vector<128x1920xbf16>,
    %slice3A_2912 = vector.extract_strided_slice %min3A_75 {offsets = [0, 1920], sizes = [1, 128], strides = [1, 1]} : vector<1x2048xf32> to vector<1x128xf32>
    %min3A_2913 = vector.broadcast %min3A_2889 : vector<128x1xf32> to vector<128x128xf32>
    %min3A_2914 = vector.broadcast %slice3A_2912 : vector<1x128xf32> to vector<128x128xf32>
    %min3A_2915 = arith.minimumf %min3A_2913, %min3A_2914 : vector<128x128xf32>
    %slice3A_2916 = vector.extract_strided_slice %min3A_55 {offsets = [0, 1920], sizes = [1, 128], strides = [1, 1]} : vector<1x2048xf32> to vector<1x128xf32>
    %max3A_2917 = vector.broadcast %min3A_2869 : vector<128x1xf32> to vector<128x128xf32>
    %max3A_2918 = vector.broadcast %slice3A_2916 : vector<1x128xf32> to vector<128x128xf32>
    %max3A_2919 = arith.maximumf %max3A_2917, %max3A_2918 : vector<128x128xf32>
    %sub3A_2920 = arith.subf %min3A_2915, %max3A_2919 : vector<128x128xf32>
    %jit3A_2921 = arith.constant 0.000000e+00 : f32
    %max3A_2922 = vector.broadcast %jit3A_2921 : f32 to vector<128x128xf32>
    %max3A_2923 = arith.maximumf %max3A_2922, %sub3A_2920 : vector<128x128xf32>
    %slice3A_2924 = vector.extract_strided_slice %min3A_85 {offsets = [0, 1920], sizes = [1, 128], strides = [1, 1]} : vector<1x2048xf32> to vector<1x128xf32>
    %min3A_2925 = vector.broadcast %min3A_2899 : vector<128x1xf32> to vector<128x128xf32>
    %min3A_2926 = vector.broadcast %slice3A_2924 : vector<1x128xf32> to vector<128x128xf32>
    %min3A_2927 = arith.minimumf %min3A_2925, %min3A_2926 : vector<128x128xf32>
    %slice3A_2928 = vector.extract_strided_slice %min3A_65 {offsets = [0, 1920], sizes = [1, 128], strides = [1, 1]} : vector<1x2048xf32> to vector<1x128xf32>
    %max3A_2929 = vector.broadcast %min3A_2879 : vector<128x1xf32> to vector<128x128xf32>
    %max3A_2930 = vector.broadcast %slice3A_2928 : vector<1x128xf32> to vector<128x128xf32>
    %max3A_2931 = arith.maximumf %max3A_2929, %max3A_2930 : vector<128x128xf32>
    %sub3A_2932 = arith.subf %min3A_2927, %max3A_2931 : vector<128x128xf32>
    %jit3A_2933 = arith.constant 0.000000e+00 : f32
    %max3A_2934 = vector.broadcast %jit3A_2933 : f32 to vector<128x128xf32>
    %max3A_2935 = arith.maximumf %max3A_2934, %sub3A_2932 : vector<128x128xf32>
    %mul3A_2936 = arith.mulf %max3A_2923, %max3A_2935 : vector<128x128xf32>
    %slice3A_2937 = vector.extract_strided_slice %mul3A_88 {offsets = [0, 1920], sizes = [1, 128], strides = [1, 1]} : vector<1x2048xf32> to vector<1x128xf32>
    %add3A_2938 = vector.broadcast %mul3A_2906 : vector<128x1xf32> to vector<128x128xf32>
    %add3A_2939 = vector.broadcast %slice3A_2937 : vector<1x128xf32> to vector<128x128xf32>
    %add3A_2940 = arith.addf %add3A_2938, %add3A_2939 : vector<128x128xf32>
    %sub3A_2941 = arith.subf %add3A_2940, %mul3A_2936 : vector<128x128xf32>
    %add3A_2942 = arith.constant 9.99999971E-10 : f32
    %add3A_2943 = vector.broadcast %add3A_2942 : f32 to vector<128x128xf32>
    %add3A_2944 = arith.addf %sub3A_2941, %add3A_2943 : vector<128x128xf32>
    %div3A_2945 = arith.divf %mul3A_2936, %add3A_2944 : vector<128x128xf32>
    %iota3A_2946 = tpu.iota {dimensions = array<i32: 0>} : vector<128x128xi32>
    %iota3A_2947 = tpu.iota {dimensions = array<i32: 1>} : vector<128x128xi32>
    %gt3A_2948 = arith.constant 0.699999988 : f32
    %gt3A_2949 = vector.broadcast %gt3A_2948 : f32 to vector<128x128xf32>
    %gt3A_2950 = arith.cmpf ogt, %div3A_2945, %gt3A_2949 : vector<128x128xf32>
    %lt3A_2951 = arith.cmpi slt, %iota3A_2946, %iota3A_2947 : vector<128x128xi32>
    %and3A_2952 = arith.andi %gt3A_2950, %lt3A_2951 : vector<128x128xi1>
    %convert_element_type3A_2953 = arith.extui %and3A_2952 : vector<128x128xi1> to vector<128x128xi32>
    %convert_element_type3A_2954 = arith.sitofp %convert_element_type3A_2953 : vector<128x128xi32> to vector<128x128xf32>
    %convert_element_type3A_2955 = arith.truncf %convert_element_type3A_2954 : vector<128x128xf32> to vector<128x128xbf16>
    %swap3A_2956 = arith.constant 1920 : index
    %swap3A_2957 = arith.constant 1920 : index
    %swap3A_2958 = vector.load %arg3[%swap3A_2956, %swap3A_2957] : memref<2048x2048xbf16, #tpu.memory_space<vmem>>, vector<128x128xbf16>
    tpu.vector_store %arg3[%swap3A_2956, %swap3A_2957], %convert_element_type3A_2955 {strides = array<i32>} : memref<2048x2048xbf16, #tpu.memory_space<vmem>>, vector<128x128xbf16>,
    %iota3A_2959 = tpu.iota {dimensions = array<i32: 1>} : vector<1x2048xi32>
    %lt3A_2960 = arith.constant 2000 : i32
    %lt3A_2961 = vector.broadcast %lt3A_2960 : i32 to vector<1x2048xi32>
    %lt3A_2962 = arith.cmpi slt, %iota3A_2959, %lt3A_2961 : vector<1x2048xi32>
    %convert_element_type3A_2963 = arith.extui %lt3A_2962 : vector<1x2048xi1> to vector<1x2048xi32>
    %convert_element_type3A_2964 = arith.sitofp %convert_element_type3A_2963 : vector<1x2048xi32> to vector<1x2048xf32>
    %while3A = arith.constant true
    %while3A_2965:2 = scf.while (%while3A_3402 = %convert_element_type3A_2964, %while3A_3403 = %while3A) : (vector<1x2048xf32>, i1) -> (vector<1x2048xf32>, i1) {
      scf.condition(%while3A_3403) %while3A_3402, %while3A_3403 : vector<1x2048xf32>, i1
    } do {
    ^bb0(%while3A_3402: vector<1x2048xf32>, %while3A_3403: i1):
      %convert_element_type3A_3404 = arith.truncf %while3A_3402 : vector<1x2048xf32> to vector<1x2048xbf16>
      %get3A_3405 = arith.constant 0 : index
      %get3A_3406 = arith.constant 0 : index
      %get3A_3407 = vector.load %arg3[%get3A_3405, %get3A_3406] : memref<2048x2048xbf16, #tpu.memory_space<vmem>>, vector<2048x2048xbf16>
      %dot_general3A_3408 = arith.constant dense<0.000000e+00> : vector<1x2048xf32>
      %dot_general3A_3409 = tpu.matmul %convert_element_type3A_3404, %get3A_3407, %dot_general3A_3408 {dimension_numbers = #tpu.dot_dimension_numbers<[1], [0], [0], [1], [0, 0, 1, 1], [], []>, transpose_lhs_hint = false} : vector<1x2048xbf16>, vector<2048x2048xbf16>, vector<1x2048xf32> -> vector<1x2048xf32>
      %eq3A_3410 = arith.constant 0.000000e+00 : f32
      %eq3A_3411 = vector.broadcast %eq3A_3410 : f32 to vector<1x2048xf32>
      %eq3A_3412 = arith.cmpf oeq, %dot_general3A_3409, %eq3A_3411 : vector<1x2048xf32>
      %and3A_3413 = arith.andi %eq3A_3412, %lt3A_2962 : vector<1x2048xi1>
      %jit3A_3414 = arith.constant 1.000000e+00 : f32
      %jit3A_3415 = arith.constant 0.000000e+00 : f32
      %broadcast_in_dim3A_3416 = vector.broadcast %jit3A_3414 : f32 to vector<1x2048xf32>
      %broadcast_in_dim3A_3417 = vector.broadcast %jit3A_3415 : f32 to vector<1x2048xf32>
      %select_n3A = arith.select %and3A_3413, %broadcast_in_dim3A_3416, %broadcast_in_dim3A_3417 : vector<1x2048xi1>, vector<1x2048xf32>
      %ne3A = arith.cmpf one, %select_n3A, %while3A_3402 : vector<1x2048xf32>
      %reduce_or3A = arith.constant 1.000000e+00 : f32
      %reduce_or3A_3418 = arith.constant 0.000000e+00 : f32
      %reduce_or3A_3419 = vector.broadcast %reduce_or3A : f32 to vector<1x2048xf32>
      %reduce_or3A_3420 = vector.broadcast %reduce_or3A_3418 : f32 to vector<1x2048xf32>
      %reduce_or3A_3421 = arith.select %ne3A, %reduce_or3A_3419, %reduce_or3A_3420 : vector<1x2048xi1>, vector<1x2048xf32>
      %reduce_or3A_3422 = vector.shape_cast %reduce_or3A_3421 : vector<1x2048xf32> to vector<1x1x2048xf32>
      %reduce_or3A_3423 = arith.constant dense<0xFF800000> : vector<1xf32>
      %reduce_or3A_3424 = vector.multi_reduction <maximumf>, %reduce_or3A_3422, %reduce_or3A_3423 [1, 2] : vector<1x1x2048xf32> to vector<1xf32>
      %reduce_or3A_3425 = vector.shape_cast %reduce_or3A_3424 : vector<1xf32> to vector<1x1x1xf32>
      %reduce_or3A_3426 = vector.extract %reduce_or3A_3425[0, 0, 0] : f32 from vector<1x1x1xf32>
      %reduce_or3A_3427 = arith.constant 0.000000e+00 : f32
      %reduce_or3A_3428 = arith.cmpf ogt, %reduce_or3A_3426, %reduce_or3A_3427 : f32
      scf.yield %select_n3A, %reduce_or3A_3428 : vector<1x2048xf32>, i1
    }
    %iota3A_2966 = tpu.iota {dimensions = array<i32: 0>} : vector<128x128xi32>
    %iota3A_2967 = tpu.iota {dimensions = array<i32: 1>} : vector<128x128xi32>
    %lt3A_2968 = arith.cmpi slt, %iota3A_2966, %iota3A_2967 : vector<128x128xi32>
    %convert_element_type3A_2969 = arith.extui %lt3A_2968 : vector<128x128xi1> to vector<128x128xi32>
    %convert_element_type3A_2970 = arith.sitofp %convert_element_type3A_2969 : vector<128x128xi32> to vector<128x128xf32>
    %iota3A_2971 = tpu.iota {dimensions = array<i32: 0>} : vector<1000x128xi32>
    %broadcast_in_dim3A_2972 = arith.constant 0.000000e+00 : f32
    %broadcast_in_dim3A_2973 = vector.broadcast %broadcast_in_dim3A_2972 : f32 to vector<1000x4xf32>
    %slice3A_2974 = vector.extract_strided_slice %while3A_2965#0 {offsets = [0, 0], sizes = [1, 128], strides = [1, 1]} : vector<1x2048xf32> to vector<1x128xf32>
    %dot_general3A = arith.constant dense<0.000000e+00> : vector<1x128xf32>
    %dot_general3A_2975 = tpu.matmul %slice3A_2974, %convert_element_type3A_2970, %dot_general3A {dimension_numbers = #tpu.dot_dimension_numbers<[1], [0], [0], [1], [0, 0, 1, 1], [], []>, transpose_lhs_hint = false} : vector<1x128xf32>, vector<128x128xf32>, vector<1x128xf32> -> vector<1x128xf32>
    %add3A_2976 = arith.constant 0.000000e+00 : f32
    %add3A_2977 = vector.broadcast %add3A_2976 : f32 to vector<1x128xf32>
    %add3A_2978 = arith.addf %add3A_2977, %dot_general3A_2975 : vector<1x128xf32>
    %reduce_sum3A = vector.shape_cast %slice3A_2974 : vector<1x128xf32> to vector<1x1x128xf32>
    %reduce_sum3A_2979 = arith.constant dense<0.000000e+00> : vector<1xf32>
    %reduce_sum3A_2980 = vector.multi_reduction <add>, %reduce_sum3A, %reduce_sum3A_2979 [1, 2] : vector<1x1x128xf32> to vector<1xf32>
    %reduce_sum3A_2981 = vector.shape_cast %reduce_sum3A_2980 : vector<1xf32> to vector<1x1x1xf32>
    %reduce_sum3A_2982 = vector.extract %reduce_sum3A_2981[0, 0, 0] : f32 from vector<1x1x1xf32>
    %add3A_2983 = arith.constant 0.000000e+00 : f32
    %add3A_2984 = arith.addf %add3A_2983, %reduce_sum3A_2982 : f32
    %convert_element_type3A_2985 = arith.fptosi %add3A_2978 : vector<1x128xf32> to vector<1x128xi32>
    %eq3A = vector.broadcast %convert_element_type3A_2985 : vector<1x128xi32> to vector<1000x128xi32>
    %eq3A_2986 = arith.cmpi eq, %eq3A, %iota3A_2971 : vector<1000x128xi32>
    %eq3A_2987 = arith.constant 1.000000e+00 : f32
    %eq3A_2988 = vector.broadcast %eq3A_2987 : f32 to vector<1x128xf32>
    %eq3A_2989 = arith.cmpf oeq, %slice3A_2974, %eq3A_2988 : vector<1x128xf32>
    %and3A_2990 = vector.broadcast %eq3A_2989 : vector<1x128xi1> to vector<1000x128xi1>
    %and3A_2991 = arith.andi %eq3A_2986, %and3A_2990 : vector<1000x128xi1>
    %convert_element_type3A_2992 = arith.extui %and3A_2991 : vector<1000x128xi1> to vector<1000x128xi32>
    %convert_element_type3A_2993 = arith.sitofp %convert_element_type3A_2992 : vector<1000x128xi32> to vector<1000x128xf32>
    %get3A_2994 = arith.constant 0 : index
    %get3A_2995 = arith.constant 0 : index
    %get3A_2996 = vector.load %arg4[%get3A_2994, %get3A_2995] : memref<2048x4xf32, #tpu.memory_space<vmem>>, vector<128x4xf32>
    %dot_general3A_2997 = arith.constant dense<0.000000e+00> : vector<1000x4xf32>
    %dot_general3A_2998 = tpu.matmul %convert_element_type3A_2993, %get3A_2996, %dot_general3A_2997 {dimension_numbers = #tpu.dot_dimension_numbers<[1], [0], [0], [1], [0, 0, 1, 1], [], []>, transpose_lhs_hint = false} : vector<1000x128xf32>, vector<128x4xf32>, vector<1000x4xf32> -> vector<1000x4xf32>
    %add3A_2999 = arith.addf %broadcast_in_dim3A_2973, %dot_general3A_2998 : vector<1000x4xf32>
    %slice3A_3000 = vector.extract_strided_slice %while3A_2965#0 {offsets = [0, 128], sizes = [1, 128], strides = [1, 1]} : vector<1x2048xf32> to vector<1x128xf32>
    %dot_general3A_3001 = arith.constant dense<0.000000e+00> : vector<1x128xf32>
    %dot_general3A_3002 = tpu.matmul %slice3A_3000, %convert_element_type3A_2970, %dot_general3A_3001 {dimension_numbers = #tpu.dot_dimension_numbers<[1], [0], [0], [1], [0, 0, 1, 1], [], []>, transpose_lhs_hint = false} : vector<1x128xf32>, vector<128x128xf32>, vector<1x128xf32> -> vector<1x128xf32>
    %add3A_3003 = vector.broadcast %add3A_2984 : f32 to vector<1x128xf32>
    %add3A_3004 = arith.addf %add3A_3003, %dot_general3A_3002 : vector<1x128xf32>
    %reduce_sum3A_3005 = vector.shape_cast %slice3A_3000 : vector<1x128xf32> to vector<1x1x128xf32>
    %reduce_sum3A_3006 = arith.constant dense<0.000000e+00> : vector<1xf32>
    %reduce_sum3A_3007 = vector.multi_reduction <add>, %reduce_sum3A_3005, %reduce_sum3A_3006 [1, 2] : vector<1x1x128xf32> to vector<1xf32>
    %reduce_sum3A_3008 = vector.shape_cast %reduce_sum3A_3007 : vector<1xf32> to vector<1x1x1xf32>
    %reduce_sum3A_3009 = vector.extract %reduce_sum3A_3008[0, 0, 0] : f32 from vector<1x1x1xf32>
    %add3A_3010 = arith.addf %add3A_2984, %reduce_sum3A_3009 : f32
    %convert_element_type3A_3011 = arith.fptosi %add3A_3004 : vector<1x128xf32> to vector<1x128xi32>
    %eq3A_3012 = vector.broadcast %convert_element_type3A_3011 : vector<1x128xi32> to vector<1000x128xi32>
    %eq3A_3013 = arith.cmpi eq, %eq3A_3012, %iota3A_2971 : vector<1000x128xi32>
    %eq3A_3014 = arith.constant 1.000000e+00 : f32
    %eq3A_3015 = vector.broadcast %eq3A_3014 : f32 to vector<1x128xf32>
    %eq3A_3016 = arith.cmpf oeq, %slice3A_3000, %eq3A_3015 : vector<1x128xf32>
    %and3A_3017 = vector.broadcast %eq3A_3016 : vector<1x128xi1> to vector<1000x128xi1>
    %and3A_3018 = arith.andi %eq3A_3013, %and3A_3017 : vector<1000x128xi1>
    %convert_element_type3A_3019 = arith.extui %and3A_3018 : vector<1000x128xi1> to vector<1000x128xi32>
    %convert_element_type3A_3020 = arith.sitofp %convert_element_type3A_3019 : vector<1000x128xi32> to vector<1000x128xf32>
    %get3A_3021 = arith.constant 128 : index
    %get3A_3022 = arith.constant 0 : index
    %get3A_3023 = vector.load %arg4[%get3A_3021, %get3A_3022] : memref<2048x4xf32, #tpu.memory_space<vmem>>, vector<128x4xf32>
    %dot_general3A_3024 = arith.constant dense<0.000000e+00> : vector<1000x4xf32>
    %dot_general3A_3025 = tpu.matmul %convert_element_type3A_3020, %get3A_3023, %dot_general3A_3024 {dimension_numbers = #tpu.dot_dimension_numbers<[1], [0], [0], [1], [0, 0, 1, 1], [], []>, transpose_lhs_hint = false} : vector<1000x128xf32>, vector<128x4xf32>, vector<1000x4xf32> -> vector<1000x4xf32>
    %add3A_3026 = arith.addf %add3A_2999, %dot_general3A_3025 : vector<1000x4xf32>
    %slice3A_3027 = vector.extract_strided_slice %while3A_2965#0 {offsets = [0, 256], sizes = [1, 128], strides = [1, 1]} : vector<1x2048xf32> to vector<1x128xf32>
    %dot_general3A_3028 = arith.constant dense<0.000000e+00> : vector<1x128xf32>
    %dot_general3A_3029 = tpu.matmul %slice3A_3027, %convert_element_type3A_2970, %dot_general3A_3028 {dimension_numbers = #tpu.dot_dimension_numbers<[1], [0], [0], [1], [0, 0, 1, 1], [], []>, transpose_lhs_hint = false} : vector<1x128xf32>, vector<128x128xf32>, vector<1x128xf32> -> vector<1x128xf32>
    %add3A_3030 = vector.broadcast %add3A_3010 : f32 to vector<1x128xf32>
    %add3A_3031 = arith.addf %add3A_3030, %dot_general3A_3029 : vector<1x128xf32>
    %reduce_sum3A_3032 = vector.shape_cast %slice3A_3027 : vector<1x128xf32> to vector<1x1x128xf32>
    %reduce_sum3A_3033 = arith.constant dense<0.000000e+00> : vector<1xf32>
    %reduce_sum3A_3034 = vector.multi_reduction <add>, %reduce_sum3A_3032, %reduce_sum3A_3033 [1, 2] : vector<1x1x128xf32> to vector<1xf32>
    %reduce_sum3A_3035 = vector.shape_cast %reduce_sum3A_3034 : vector<1xf32> to vector<1x1x1xf32>
    %reduce_sum3A_3036 = vector.extract %reduce_sum3A_3035[0, 0, 0] : f32 from vector<1x1x1xf32>
    %add3A_3037 = arith.addf %add3A_3010, %reduce_sum3A_3036 : f32
    %convert_element_type3A_3038 = arith.fptosi %add3A_3031 : vector<1x128xf32> to vector<1x128xi32>
    %eq3A_3039 = vector.broadcast %convert_element_type3A_3038 : vector<1x128xi32> to vector<1000x128xi32>
    %eq3A_3040 = arith.cmpi eq, %eq3A_3039, %iota3A_2971 : vector<1000x128xi32>
    %eq3A_3041 = arith.constant 1.000000e+00 : f32
    %eq3A_3042 = vector.broadcast %eq3A_3041 : f32 to vector<1x128xf32>
    %eq3A_3043 = arith.cmpf oeq, %slice3A_3027, %eq3A_3042 : vector<1x128xf32>
    %and3A_3044 = vector.broadcast %eq3A_3043 : vector<1x128xi1> to vector<1000x128xi1>
    %and3A_3045 = arith.andi %eq3A_3040, %and3A_3044 : vector<1000x128xi1>
    %convert_element_type3A_3046 = arith.extui %and3A_3045 : vector<1000x128xi1> to vector<1000x128xi32>
    %convert_element_type3A_3047 = arith.sitofp %convert_element_type3A_3046 : vector<1000x128xi32> to vector<1000x128xf32>
    %get3A_3048 = arith.constant 256 : index
    %get3A_3049 = arith.constant 0 : index
    %get3A_3050 = vector.load %arg4[%get3A_3048, %get3A_3049] : memref<2048x4xf32, #tpu.memory_space<vmem>>, vector<128x4xf32>
    %dot_general3A_3051 = arith.constant dense<0.000000e+00> : vector<1000x4xf32>
    %dot_general3A_3052 = tpu.matmul %convert_element_type3A_3047, %get3A_3050, %dot_general3A_3051 {dimension_numbers = #tpu.dot_dimension_numbers<[1], [0], [0], [1], [0, 0, 1, 1], [], []>, transpose_lhs_hint = false} : vector<1000x128xf32>, vector<128x4xf32>, vector<1000x4xf32> -> vector<1000x4xf32>
    %add3A_3053 = arith.addf %add3A_3026, %dot_general3A_3052 : vector<1000x4xf32>
    %slice3A_3054 = vector.extract_strided_slice %while3A_2965#0 {offsets = [0, 384], sizes = [1, 128], strides = [1, 1]} : vector<1x2048xf32> to vector<1x128xf32>
    %dot_general3A_3055 = arith.constant dense<0.000000e+00> : vector<1x128xf32>
    %dot_general3A_3056 = tpu.matmul %slice3A_3054, %convert_element_type3A_2970, %dot_general3A_3055 {dimension_numbers = #tpu.dot_dimension_numbers<[1], [0], [0], [1], [0, 0, 1, 1], [], []>, transpose_lhs_hint = false} : vector<1x128xf32>, vector<128x128xf32>, vector<1x128xf32> -> vector<1x128xf32>
    %add3A_3057 = vector.broadcast %add3A_3037 : f32 to vector<1x128xf32>
    %add3A_3058 = arith.addf %add3A_3057, %dot_general3A_3056 : vector<1x128xf32>
    %reduce_sum3A_3059 = vector.shape_cast %slice3A_3054 : vector<1x128xf32> to vector<1x1x128xf32>
    %reduce_sum3A_3060 = arith.constant dense<0.000000e+00> : vector<1xf32>
    %reduce_sum3A_3061 = vector.multi_reduction <add>, %reduce_sum3A_3059, %reduce_sum3A_3060 [1, 2] : vector<1x1x128xf32> to vector<1xf32>
    %reduce_sum3A_3062 = vector.shape_cast %reduce_sum3A_3061 : vector<1xf32> to vector<1x1x1xf32>
    %reduce_sum3A_3063 = vector.extract %reduce_sum3A_3062[0, 0, 0] : f32 from vector<1x1x1xf32>
    %add3A_3064 = arith.addf %add3A_3037, %reduce_sum3A_3063 : f32
    %convert_element_type3A_3065 = arith.fptosi %add3A_3058 : vector<1x128xf32> to vector<1x128xi32>
    %eq3A_3066 = vector.broadcast %convert_element_type3A_3065 : vector<1x128xi32> to vector<1000x128xi32>
    %eq3A_3067 = arith.cmpi eq, %eq3A_3066, %iota3A_2971 : vector<1000x128xi32>
    %eq3A_3068 = arith.constant 1.000000e+00 : f32
    %eq3A_3069 = vector.broadcast %eq3A_3068 : f32 to vector<1x128xf32>
    %eq3A_3070 = arith.cmpf oeq, %slice3A_3054, %eq3A_3069 : vector<1x128xf32>
    %and3A_3071 = vector.broadcast %eq3A_3070 : vector<1x128xi1> to vector<1000x128xi1>
    %and3A_3072 = arith.andi %eq3A_3067, %and3A_3071 : vector<1000x128xi1>
    %convert_element_type3A_3073 = arith.extui %and3A_3072 : vector<1000x128xi1> to vector<1000x128xi32>
    %convert_element_type3A_3074 = arith.sitofp %convert_element_type3A_3073 : vector<1000x128xi32> to vector<1000x128xf32>
    %get3A_3075 = arith.constant 384 : index
    %get3A_3076 = arith.constant 0 : index
    %get3A_3077 = vector.load %arg4[%get3A_3075, %get3A_3076] : memref<2048x4xf32, #tpu.memory_space<vmem>>, vector<128x4xf32>
    %dot_general3A_3078 = arith.constant dense<0.000000e+00> : vector<1000x4xf32>
    %dot_general3A_3079 = tpu.matmul %convert_element_type3A_3074, %get3A_3077, %dot_general3A_3078 {dimension_numbers = #tpu.dot_dimension_numbers<[1], [0], [0], [1], [0, 0, 1, 1], [], []>, transpose_lhs_hint = false} : vector<1000x128xf32>, vector<128x4xf32>, vector<1000x4xf32> -> vector<1000x4xf32>
    %add3A_3080 = arith.addf %add3A_3053, %dot_general3A_3079 : vector<1000x4xf32>
    %slice3A_3081 = vector.extract_strided_slice %while3A_2965#0 {offsets = [0, 512], sizes = [1, 128], strides = [1, 1]} : vector<1x2048xf32> to vector<1x128xf32>
    %dot_general3A_3082 = arith.constant dense<0.000000e+00> : vector<1x128xf32>
    %dot_general3A_3083 = tpu.matmul %slice3A_3081, %convert_element_type3A_2970, %dot_general3A_3082 {dimension_numbers = #tpu.dot_dimension_numbers<[1], [0], [0], [1], [0, 0, 1, 1], [], []>, transpose_lhs_hint = false} : vector<1x128xf32>, vector<128x128xf32>, vector<1x128xf32> -> vector<1x128xf32>
    %add3A_3084 = vector.broadcast %add3A_3064 : f32 to vector<1x128xf32>
    %add3A_3085 = arith.addf %add3A_3084, %dot_general3A_3083 : vector<1x128xf32>
    %reduce_sum3A_3086 = vector.shape_cast %slice3A_3081 : vector<1x128xf32> to vector<1x1x128xf32>
    %reduce_sum3A_3087 = arith.constant dense<0.000000e+00> : vector<1xf32>
    %reduce_sum3A_3088 = vector.multi_reduction <add>, %reduce_sum3A_3086, %reduce_sum3A_3087 [1, 2] : vector<1x1x128xf32> to vector<1xf32>
    %reduce_sum3A_3089 = vector.shape_cast %reduce_sum3A_3088 : vector<1xf32> to vector<1x1x1xf32>
    %reduce_sum3A_3090 = vector.extract %reduce_sum3A_3089[0, 0, 0] : f32 from vector<1x1x1xf32>
    %add3A_3091 = arith.addf %add3A_3064, %reduce_sum3A_3090 : f32
    %convert_element_type3A_3092 = arith.fptosi %add3A_3085 : vector<1x128xf32> to vector<1x128xi32>
    %eq3A_3093 = vector.broadcast %convert_element_type3A_3092 : vector<1x128xi32> to vector<1000x128xi32>
    %eq3A_3094 = arith.cmpi eq, %eq3A_3093, %iota3A_2971 : vector<1000x128xi32>
    %eq3A_3095 = arith.constant 1.000000e+00 : f32
    %eq3A_3096 = vector.broadcast %eq3A_3095 : f32 to vector<1x128xf32>
    %eq3A_3097 = arith.cmpf oeq, %slice3A_3081, %eq3A_3096 : vector<1x128xf32>
    %and3A_3098 = vector.broadcast %eq3A_3097 : vector<1x128xi1> to vector<1000x128xi1>
    %and3A_3099 = arith.andi %eq3A_3094, %and3A_3098 : vector<1000x128xi1>
    %convert_element_type3A_3100 = arith.extui %and3A_3099 : vector<1000x128xi1> to vector<1000x128xi32>
    %convert_element_type3A_3101 = arith.sitofp %convert_element_type3A_3100 : vector<1000x128xi32> to vector<1000x128xf32>
    %get3A_3102 = arith.constant 512 : index
    %get3A_3103 = arith.constant 0 : index
    %get3A_3104 = vector.load %arg4[%get3A_3102, %get3A_3103] : memref<2048x4xf32, #tpu.memory_space<vmem>>, vector<128x4xf32>
    %dot_general3A_3105 = arith.constant dense<0.000000e+00> : vector<1000x4xf32>
    %dot_general3A_3106 = tpu.matmul %convert_element_type3A_3101, %get3A_3104, %dot_general3A_3105 {dimension_numbers = #tpu.dot_dimension_numbers<[1], [0], [0], [1], [0, 0, 1, 1], [], []>, transpose_lhs_hint = false} : vector<1000x128xf32>, vector<128x4xf32>, vector<1000x4xf32> -> vector<1000x4xf32>
    %add3A_3107 = arith.addf %add3A_3080, %dot_general3A_3106 : vector<1000x4xf32>
    %slice3A_3108 = vector.extract_strided_slice %while3A_2965#0 {offsets = [0, 640], sizes = [1, 128], strides = [1, 1]} : vector<1x2048xf32> to vector<1x128xf32>
    %dot_general3A_3109 = arith.constant dense<0.000000e+00> : vector<1x128xf32>
    %dot_general3A_3110 = tpu.matmul %slice3A_3108, %convert_element_type3A_2970, %dot_general3A_3109 {dimension_numbers = #tpu.dot_dimension_numbers<[1], [0], [0], [1], [0, 0, 1, 1], [], []>, transpose_lhs_hint = false} : vector<1x128xf32>, vector<128x128xf32>, vector<1x128xf32> -> vector<1x128xf32>
    %add3A_3111 = vector.broadcast %add3A_3091 : f32 to vector<1x128xf32>
    %add3A_3112 = arith.addf %add3A_3111, %dot_general3A_3110 : vector<1x128xf32>
    %reduce_sum3A_3113 = vector.shape_cast %slice3A_3108 : vector<1x128xf32> to vector<1x1x128xf32>
    %reduce_sum3A_3114 = arith.constant dense<0.000000e+00> : vector<1xf32>
    %reduce_sum3A_3115 = vector.multi_reduction <add>, %reduce_sum3A_3113, %reduce_sum3A_3114 [1, 2] : vector<1x1x128xf32> to vector<1xf32>
    %reduce_sum3A_3116 = vector.shape_cast %reduce_sum3A_3115 : vector<1xf32> to vector<1x1x1xf32>
    %reduce_sum3A_3117 = vector.extract %reduce_sum3A_3116[0, 0, 0] : f32 from vector<1x1x1xf32>
    %add3A_3118 = arith.addf %add3A_3091, %reduce_sum3A_3117 : f32
    %convert_element_type3A_3119 = arith.fptosi %add3A_3112 : vector<1x128xf32> to vector<1x128xi32>
    %eq3A_3120 = vector.broadcast %convert_element_type3A_3119 : vector<1x128xi32> to vector<1000x128xi32>
    %eq3A_3121 = arith.cmpi eq, %eq3A_3120, %iota3A_2971 : vector<1000x128xi32>
    %eq3A_3122 = arith.constant 1.000000e+00 : f32
    %eq3A_3123 = vector.broadcast %eq3A_3122 : f32 to vector<1x128xf32>
    %eq3A_3124 = arith.cmpf oeq, %slice3A_3108, %eq3A_3123 : vector<1x128xf32>
    %and3A_3125 = vector.broadcast %eq3A_3124 : vector<1x128xi1> to vector<1000x128xi1>
    %and3A_3126 = arith.andi %eq3A_3121, %and3A_3125 : vector<1000x128xi1>
    %convert_element_type3A_3127 = arith.extui %and3A_3126 : vector<1000x128xi1> to vector<1000x128xi32>
    %convert_element_type3A_3128 = arith.sitofp %convert_element_type3A_3127 : vector<1000x128xi32> to vector<1000x128xf32>
    %get3A_3129 = arith.constant 640 : index
    %get3A_3130 = arith.constant 0 : index
    %get3A_3131 = vector.load %arg4[%get3A_3129, %get3A_3130] : memref<2048x4xf32, #tpu.memory_space<vmem>>, vector<128x4xf32>
    %dot_general3A_3132 = arith.constant dense<0.000000e+00> : vector<1000x4xf32>
    %dot_general3A_3133 = tpu.matmul %convert_element_type3A_3128, %get3A_3131, %dot_general3A_3132 {dimension_numbers = #tpu.dot_dimension_numbers<[1], [0], [0], [1], [0, 0, 1, 1], [], []>, transpose_lhs_hint = false} : vector<1000x128xf32>, vector<128x4xf32>, vector<1000x4xf32> -> vector<1000x4xf32>
    %add3A_3134 = arith.addf %add3A_3107, %dot_general3A_3133 : vector<1000x4xf32>
    %slice3A_3135 = vector.extract_strided_slice %while3A_2965#0 {offsets = [0, 768], sizes = [1, 128], strides = [1, 1]} : vector<1x2048xf32> to vector<1x128xf32>
    %dot_general3A_3136 = arith.constant dense<0.000000e+00> : vector<1x128xf32>
    %dot_general3A_3137 = tpu.matmul %slice3A_3135, %convert_element_type3A_2970, %dot_general3A_3136 {dimension_numbers = #tpu.dot_dimension_numbers<[1], [0], [0], [1], [0, 0, 1, 1], [], []>, transpose_lhs_hint = false} : vector<1x128xf32>, vector<128x128xf32>, vector<1x128xf32> -> vector<1x128xf32>
    %add3A_3138 = vector.broadcast %add3A_3118 : f32 to vector<1x128xf32>
    %add3A_3139 = arith.addf %add3A_3138, %dot_general3A_3137 : vector<1x128xf32>
    %reduce_sum3A_3140 = vector.shape_cast %slice3A_3135 : vector<1x128xf32> to vector<1x1x128xf32>
    %reduce_sum3A_3141 = arith.constant dense<0.000000e+00> : vector<1xf32>
    %reduce_sum3A_3142 = vector.multi_reduction <add>, %reduce_sum3A_3140, %reduce_sum3A_3141 [1, 2] : vector<1x1x128xf32> to vector<1xf32>
    %reduce_sum3A_3143 = vector.shape_cast %reduce_sum3A_3142 : vector<1xf32> to vector<1x1x1xf32>
    %reduce_sum3A_3144 = vector.extract %reduce_sum3A_3143[0, 0, 0] : f32 from vector<1x1x1xf32>
    %add3A_3145 = arith.addf %add3A_3118, %reduce_sum3A_3144 : f32
    %convert_element_type3A_3146 = arith.fptosi %add3A_3139 : vector<1x128xf32> to vector<1x128xi32>
    %eq3A_3147 = vector.broadcast %convert_element_type3A_3146 : vector<1x128xi32> to vector<1000x128xi32>
    %eq3A_3148 = arith.cmpi eq, %eq3A_3147, %iota3A_2971 : vector<1000x128xi32>
    %eq3A_3149 = arith.constant 1.000000e+00 : f32
    %eq3A_3150 = vector.broadcast %eq3A_3149 : f32 to vector<1x128xf32>
    %eq3A_3151 = arith.cmpf oeq, %slice3A_3135, %eq3A_3150 : vector<1x128xf32>
    %and3A_3152 = vector.broadcast %eq3A_3151 : vector<1x128xi1> to vector<1000x128xi1>
    %and3A_3153 = arith.andi %eq3A_3148, %and3A_3152 : vector<1000x128xi1>
    %convert_element_type3A_3154 = arith.extui %and3A_3153 : vector<1000x128xi1> to vector<1000x128xi32>
    %convert_element_type3A_3155 = arith.sitofp %convert_element_type3A_3154 : vector<1000x128xi32> to vector<1000x128xf32>
    %get3A_3156 = arith.constant 768 : index
    %get3A_3157 = arith.constant 0 : index
    %get3A_3158 = vector.load %arg4[%get3A_3156, %get3A_3157] : memref<2048x4xf32, #tpu.memory_space<vmem>>, vector<128x4xf32>
    %dot_general3A_3159 = arith.constant dense<0.000000e+00> : vector<1000x4xf32>
    %dot_general3A_3160 = tpu.matmul %convert_element_type3A_3155, %get3A_3158, %dot_general3A_3159 {dimension_numbers = #tpu.dot_dimension_numbers<[1], [0], [0], [1], [0, 0, 1, 1], [], []>, transpose_lhs_hint = false} : vector<1000x128xf32>, vector<128x4xf32>, vector<1000x4xf32> -> vector<1000x4xf32>
    %add3A_3161 = arith.addf %add3A_3134, %dot_general3A_3160 : vector<1000x4xf32>
    %slice3A_3162 = vector.extract_strided_slice %while3A_2965#0 {offsets = [0, 896], sizes = [1, 128], strides = [1, 1]} : vector<1x2048xf32> to vector<1x128xf32>
    %dot_general3A_3163 = arith.constant dense<0.000000e+00> : vector<1x128xf32>
    %dot_general3A_3164 = tpu.matmul %slice3A_3162, %convert_element_type3A_2970, %dot_general3A_3163 {dimension_numbers = #tpu.dot_dimension_numbers<[1], [0], [0], [1], [0, 0, 1, 1], [], []>, transpose_lhs_hint = false} : vector<1x128xf32>, vector<128x128xf32>, vector<1x128xf32> -> vector<1x128xf32>
    %add3A_3165 = vector.broadcast %add3A_3145 : f32 to vector<1x128xf32>
    %add3A_3166 = arith.addf %add3A_3165, %dot_general3A_3164 : vector<1x128xf32>
    %reduce_sum3A_3167 = vector.shape_cast %slice3A_3162 : vector<1x128xf32> to vector<1x1x128xf32>
    %reduce_sum3A_3168 = arith.constant dense<0.000000e+00> : vector<1xf32>
    %reduce_sum3A_3169 = vector.multi_reduction <add>, %reduce_sum3A_3167, %reduce_sum3A_3168 [1, 2] : vector<1x1x128xf32> to vector<1xf32>
    %reduce_sum3A_3170 = vector.shape_cast %reduce_sum3A_3169 : vector<1xf32> to vector<1x1x1xf32>
    %reduce_sum3A_3171 = vector.extract %reduce_sum3A_3170[0, 0, 0] : f32 from vector<1x1x1xf32>
    %add3A_3172 = arith.addf %add3A_3145, %reduce_sum3A_3171 : f32
    %convert_element_type3A_3173 = arith.fptosi %add3A_3166 : vector<1x128xf32> to vector<1x128xi32>
    %eq3A_3174 = vector.broadcast %convert_element_type3A_3173 : vector<1x128xi32> to vector<1000x128xi32>
    %eq3A_3175 = arith.cmpi eq, %eq3A_3174, %iota3A_2971 : vector<1000x128xi32>
    %eq3A_3176 = arith.constant 1.000000e+00 : f32
    %eq3A_3177 = vector.broadcast %eq3A_3176 : f32 to vector<1x128xf32>
    %eq3A_3178 = arith.cmpf oeq, %slice3A_3162, %eq3A_3177 : vector<1x128xf32>
    %and3A_3179 = vector.broadcast %eq3A_3178 : vector<1x128xi1> to vector<1000x128xi1>
    %and3A_3180 = arith.andi %eq3A_3175, %and3A_3179 : vector<1000x128xi1>
    %convert_element_type3A_3181 = arith.extui %and3A_3180 : vector<1000x128xi1> to vector<1000x128xi32>
    %convert_element_type3A_3182 = arith.sitofp %convert_element_type3A_3181 : vector<1000x128xi32> to vector<1000x128xf32>
    %get3A_3183 = arith.constant 896 : index
    %get3A_3184 = arith.constant 0 : index
    %get3A_3185 = vector.load %arg4[%get3A_3183, %get3A_3184] : memref<2048x4xf32, #tpu.memory_space<vmem>>, vector<128x4xf32>
    %dot_general3A_3186 = arith.constant dense<0.000000e+00> : vector<1000x4xf32>
    %dot_general3A_3187 = tpu.matmul %convert_element_type3A_3182, %get3A_3185, %dot_general3A_3186 {dimension_numbers = #tpu.dot_dimension_numbers<[1], [0], [0], [1], [0, 0, 1, 1], [], []>, transpose_lhs_hint = false} : vector<1000x128xf32>, vector<128x4xf32>, vector<1000x4xf32> -> vector<1000x4xf32>
    %add3A_3188 = arith.addf %add3A_3161, %dot_general3A_3187 : vector<1000x4xf32>
    %slice3A_3189 = vector.extract_strided_slice %while3A_2965#0 {offsets = [0, 1024], sizes = [1, 128], strides = [1, 1]} : vector<1x2048xf32> to vector<1x128xf32>
    %dot_general3A_3190 = arith.constant dense<0.000000e+00> : vector<1x128xf32>
    %dot_general3A_3191 = tpu.matmul %slice3A_3189, %convert_element_type3A_2970, %dot_general3A_3190 {dimension_numbers = #tpu.dot_dimension_numbers<[1], [0], [0], [1], [0, 0, 1, 1], [], []>, transpose_lhs_hint = false} : vector<1x128xf32>, vector<128x128xf32>, vector<1x128xf32> -> vector<1x128xf32>
    %add3A_3192 = vector.broadcast %add3A_3172 : f32 to vector<1x128xf32>
    %add3A_3193 = arith.addf %add3A_3192, %dot_general3A_3191 : vector<1x128xf32>
    %reduce_sum3A_3194 = vector.shape_cast %slice3A_3189 : vector<1x128xf32> to vector<1x1x128xf32>
    %reduce_sum3A_3195 = arith.constant dense<0.000000e+00> : vector<1xf32>
    %reduce_sum3A_3196 = vector.multi_reduction <add>, %reduce_sum3A_3194, %reduce_sum3A_3195 [1, 2] : vector<1x1x128xf32> to vector<1xf32>
    %reduce_sum3A_3197 = vector.shape_cast %reduce_sum3A_3196 : vector<1xf32> to vector<1x1x1xf32>
    %reduce_sum3A_3198 = vector.extract %reduce_sum3A_3197[0, 0, 0] : f32 from vector<1x1x1xf32>
    %add3A_3199 = arith.addf %add3A_3172, %reduce_sum3A_3198 : f32
    %convert_element_type3A_3200 = arith.fptosi %add3A_3193 : vector<1x128xf32> to vector<1x128xi32>
    %eq3A_3201 = vector.broadcast %convert_element_type3A_3200 : vector<1x128xi32> to vector<1000x128xi32>
    %eq3A_3202 = arith.cmpi eq, %eq3A_3201, %iota3A_2971 : vector<1000x128xi32>
    %eq3A_3203 = arith.constant 1.000000e+00 : f32
    %eq3A_3204 = vector.broadcast %eq3A_3203 : f32 to vector<1x128xf32>
    %eq3A_3205 = arith.cmpf oeq, %slice3A_3189, %eq3A_3204 : vector<1x128xf32>
    %and3A_3206 = vector.broadcast %eq3A_3205 : vector<1x128xi1> to vector<1000x128xi1>
    %and3A_3207 = arith.andi %eq3A_3202, %and3A_3206 : vector<1000x128xi1>
    %convert_element_type3A_3208 = arith.extui %and3A_3207 : vector<1000x128xi1> to vector<1000x128xi32>
    %convert_element_type3A_3209 = arith.sitofp %convert_element_type3A_3208 : vector<1000x128xi32> to vector<1000x128xf32>
    %get3A_3210 = arith.constant 1024 : index
    %get3A_3211 = arith.constant 0 : index
    %get3A_3212 = vector.load %arg4[%get3A_3210, %get3A_3211] : memref<2048x4xf32, #tpu.memory_space<vmem>>, vector<128x4xf32>
    %dot_general3A_3213 = arith.constant dense<0.000000e+00> : vector<1000x4xf32>
    %dot_general3A_3214 = tpu.matmul %convert_element_type3A_3209, %get3A_3212, %dot_general3A_3213 {dimension_numbers = #tpu.dot_dimension_numbers<[1], [0], [0], [1], [0, 0, 1, 1], [], []>, transpose_lhs_hint = false} : vector<1000x128xf32>, vector<128x4xf32>, vector<1000x4xf32> -> vector<1000x4xf32>
    %add3A_3215 = arith.addf %add3A_3188, %dot_general3A_3214 : vector<1000x4xf32>
    %slice3A_3216 = vector.extract_strided_slice %while3A_2965#0 {offsets = [0, 1152], sizes = [1, 128], strides = [1, 1]} : vector<1x2048xf32> to vector<1x128xf32>
    %dot_general3A_3217 = arith.constant dense<0.000000e+00> : vector<1x128xf32>
    %dot_general3A_3218 = tpu.matmul %slice3A_3216, %convert_element_type3A_2970, %dot_general3A_3217 {dimension_numbers = #tpu.dot_dimension_numbers<[1], [0], [0], [1], [0, 0, 1, 1], [], []>, transpose_lhs_hint = false} : vector<1x128xf32>, vector<128x128xf32>, vector<1x128xf32> -> vector<1x128xf32>
    %add3A_3219 = vector.broadcast %add3A_3199 : f32 to vector<1x128xf32>
    %add3A_3220 = arith.addf %add3A_3219, %dot_general3A_3218 : vector<1x128xf32>
    %reduce_sum3A_3221 = vector.shape_cast %slice3A_3216 : vector<1x128xf32> to vector<1x1x128xf32>
    %reduce_sum3A_3222 = arith.constant dense<0.000000e+00> : vector<1xf32>
    %reduce_sum3A_3223 = vector.multi_reduction <add>, %reduce_sum3A_3221, %reduce_sum3A_3222 [1, 2] : vector<1x1x128xf32> to vector<1xf32>
    %reduce_sum3A_3224 = vector.shape_cast %reduce_sum3A_3223 : vector<1xf32> to vector<1x1x1xf32>
    %reduce_sum3A_3225 = vector.extract %reduce_sum3A_3224[0, 0, 0] : f32 from vector<1x1x1xf32>
    %add3A_3226 = arith.addf %add3A_3199, %reduce_sum3A_3225 : f32
    %convert_element_type3A_3227 = arith.fptosi %add3A_3220 : vector<1x128xf32> to vector<1x128xi32>
    %eq3A_3228 = vector.broadcast %convert_element_type3A_3227 : vector<1x128xi32> to vector<1000x128xi32>
    %eq3A_3229 = arith.cmpi eq, %eq3A_3228, %iota3A_2971 : vector<1000x128xi32>
    %eq3A_3230 = arith.constant 1.000000e+00 : f32
    %eq3A_3231 = vector.broadcast %eq3A_3230 : f32 to vector<1x128xf32>
    %eq3A_3232 = arith.cmpf oeq, %slice3A_3216, %eq3A_3231 : vector<1x128xf32>
    %and3A_3233 = vector.broadcast %eq3A_3232 : vector<1x128xi1> to vector<1000x128xi1>
    %and3A_3234 = arith.andi %eq3A_3229, %and3A_3233 : vector<1000x128xi1>
    %convert_element_type3A_3235 = arith.extui %and3A_3234 : vector<1000x128xi1> to vector<1000x128xi32>
    %convert_element_type3A_3236 = arith.sitofp %convert_element_type3A_3235 : vector<1000x128xi32> to vector<1000x128xf32>
    %get3A_3237 = arith.constant 1152 : index
    %get3A_3238 = arith.constant 0 : index
    %get3A_3239 = vector.load %arg4[%get3A_3237, %get3A_3238] : memref<2048x4xf32, #tpu.memory_space<vmem>>, vector<128x4xf32>
    %dot_general3A_3240 = arith.constant dense<0.000000e+00> : vector<1000x4xf32>
    %dot_general3A_3241 = tpu.matmul %convert_element_type3A_3236, %get3A_3239, %dot_general3A_3240 {dimension_numbers = #tpu.dot_dimension_numbers<[1], [0], [0], [1], [0, 0, 1, 1], [], []>, transpose_lhs_hint = false} : vector<1000x128xf32>, vector<128x4xf32>, vector<1000x4xf32> -> vector<1000x4xf32>
    %add3A_3242 = arith.addf %add3A_3215, %dot_general3A_3241 : vector<1000x4xf32>
    %slice3A_3243 = vector.extract_strided_slice %while3A_2965#0 {offsets = [0, 1280], sizes = [1, 128], strides = [1, 1]} : vector<1x2048xf32> to vector<1x128xf32>
    %dot_general3A_3244 = arith.constant dense<0.000000e+00> : vector<1x128xf32>
    %dot_general3A_3245 = tpu.matmul %slice3A_3243, %convert_element_type3A_2970, %dot_general3A_3244 {dimension_numbers = #tpu.dot_dimension_numbers<[1], [0], [0], [1], [0, 0, 1, 1], [], []>, transpose_lhs_hint = false} : vector<1x128xf32>, vector<128x128xf32>, vector<1x128xf32> -> vector<1x128xf32>
    %add3A_3246 = vector.broadcast %add3A_3226 : f32 to vector<1x128xf32>
    %add3A_3247 = arith.addf %add3A_3246, %dot_general3A_3245 : vector<1x128xf32>
    %reduce_sum3A_3248 = vector.shape_cast %slice3A_3243 : vector<1x128xf32> to vector<1x1x128xf32>
    %reduce_sum3A_3249 = arith.constant dense<0.000000e+00> : vector<1xf32>
    %reduce_sum3A_3250 = vector.multi_reduction <add>, %reduce_sum3A_3248, %reduce_sum3A_3249 [1, 2] : vector<1x1x128xf32> to vector<1xf32>
    %reduce_sum3A_3251 = vector.shape_cast %reduce_sum3A_3250 : vector<1xf32> to vector<1x1x1xf32>
    %reduce_sum3A_3252 = vector.extract %reduce_sum3A_3251[0, 0, 0] : f32 from vector<1x1x1xf32>
    %add3A_3253 = arith.addf %add3A_3226, %reduce_sum3A_3252 : f32
    %convert_element_type3A_3254 = arith.fptosi %add3A_3247 : vector<1x128xf32> to vector<1x128xi32>
    %eq3A_3255 = vector.broadcast %convert_element_type3A_3254 : vector<1x128xi32> to vector<1000x128xi32>
    %eq3A_3256 = arith.cmpi eq, %eq3A_3255, %iota3A_2971 : vector<1000x128xi32>
    %eq3A_3257 = arith.constant 1.000000e+00 : f32
    %eq3A_3258 = vector.broadcast %eq3A_3257 : f32 to vector<1x128xf32>
    %eq3A_3259 = arith.cmpf oeq, %slice3A_3243, %eq3A_3258 : vector<1x128xf32>
    %and3A_3260 = vector.broadcast %eq3A_3259 : vector<1x128xi1> to vector<1000x128xi1>
    %and3A_3261 = arith.andi %eq3A_3256, %and3A_3260 : vector<1000x128xi1>
    %convert_element_type3A_3262 = arith.extui %and3A_3261 : vector<1000x128xi1> to vector<1000x128xi32>
    %convert_element_type3A_3263 = arith.sitofp %convert_element_type3A_3262 : vector<1000x128xi32> to vector<1000x128xf32>
    %get3A_3264 = arith.constant 1280 : index
    %get3A_3265 = arith.constant 0 : index
    %get3A_3266 = vector.load %arg4[%get3A_3264, %get3A_3265] : memref<2048x4xf32, #tpu.memory_space<vmem>>, vector<128x4xf32>
    %dot_general3A_3267 = arith.constant dense<0.000000e+00> : vector<1000x4xf32>
    %dot_general3A_3268 = tpu.matmul %convert_element_type3A_3263, %get3A_3266, %dot_general3A_3267 {dimension_numbers = #tpu.dot_dimension_numbers<[1], [0], [0], [1], [0, 0, 1, 1], [], []>, transpose_lhs_hint = false} : vector<1000x128xf32>, vector<128x4xf32>, vector<1000x4xf32> -> vector<1000x4xf32>
    %add3A_3269 = arith.addf %add3A_3242, %dot_general3A_3268 : vector<1000x4xf32>
    %slice3A_3270 = vector.extract_strided_slice %while3A_2965#0 {offsets = [0, 1408], sizes = [1, 128], strides = [1, 1]} : vector<1x2048xf32> to vector<1x128xf32>
    %dot_general3A_3271 = arith.constant dense<0.000000e+00> : vector<1x128xf32>
    %dot_general3A_3272 = tpu.matmul %slice3A_3270, %convert_element_type3A_2970, %dot_general3A_3271 {dimension_numbers = #tpu.dot_dimension_numbers<[1], [0], [0], [1], [0, 0, 1, 1], [], []>, transpose_lhs_hint = false} : vector<1x128xf32>, vector<128x128xf32>, vector<1x128xf32> -> vector<1x128xf32>
    %add3A_3273 = vector.broadcast %add3A_3253 : f32 to vector<1x128xf32>
    %add3A_3274 = arith.addf %add3A_3273, %dot_general3A_3272 : vector<1x128xf32>
    %reduce_sum3A_3275 = vector.shape_cast %slice3A_3270 : vector<1x128xf32> to vector<1x1x128xf32>
    %reduce_sum3A_3276 = arith.constant dense<0.000000e+00> : vector<1xf32>
    %reduce_sum3A_3277 = vector.multi_reduction <add>, %reduce_sum3A_3275, %reduce_sum3A_3276 [1, 2] : vector<1x1x128xf32> to vector<1xf32>
    %reduce_sum3A_3278 = vector.shape_cast %reduce_sum3A_3277 : vector<1xf32> to vector<1x1x1xf32>
    %reduce_sum3A_3279 = vector.extract %reduce_sum3A_3278[0, 0, 0] : f32 from vector<1x1x1xf32>
    %add3A_3280 = arith.addf %add3A_3253, %reduce_sum3A_3279 : f32
    %convert_element_type3A_3281 = arith.fptosi %add3A_3274 : vector<1x128xf32> to vector<1x128xi32>
    %eq3A_3282 = vector.broadcast %convert_element_type3A_3281 : vector<1x128xi32> to vector<1000x128xi32>
    %eq3A_3283 = arith.cmpi eq, %eq3A_3282, %iota3A_2971 : vector<1000x128xi32>
    %eq3A_3284 = arith.constant 1.000000e+00 : f32
    %eq3A_3285 = vector.broadcast %eq3A_3284 : f32 to vector<1x128xf32>
    %eq3A_3286 = arith.cmpf oeq, %slice3A_3270, %eq3A_3285 : vector<1x128xf32>
    %and3A_3287 = vector.broadcast %eq3A_3286 : vector<1x128xi1> to vector<1000x128xi1>
    %and3A_3288 = arith.andi %eq3A_3283, %and3A_3287 : vector<1000x128xi1>
    %convert_element_type3A_3289 = arith.extui %and3A_3288 : vector<1000x128xi1> to vector<1000x128xi32>
    %convert_element_type3A_3290 = arith.sitofp %convert_element_type3A_3289 : vector<1000x128xi32> to vector<1000x128xf32>
    %get3A_3291 = arith.constant 1408 : index
    %get3A_3292 = arith.constant 0 : index
    %get3A_3293 = vector.load %arg4[%get3A_3291, %get3A_3292] : memref<2048x4xf32, #tpu.memory_space<vmem>>, vector<128x4xf32>
    %dot_general3A_3294 = arith.constant dense<0.000000e+00> : vector<1000x4xf32>
    %dot_general3A_3295 = tpu.matmul %convert_element_type3A_3290, %get3A_3293, %dot_general3A_3294 {dimension_numbers = #tpu.dot_dimension_numbers<[1], [0], [0], [1], [0, 0, 1, 1], [], []>, transpose_lhs_hint = false} : vector<1000x128xf32>, vector<128x4xf32>, vector<1000x4xf32> -> vector<1000x4xf32>
    %add3A_3296 = arith.addf %add3A_3269, %dot_general3A_3295 : vector<1000x4xf32>
    %slice3A_3297 = vector.extract_strided_slice %while3A_2965#0 {offsets = [0, 1536], sizes = [1, 128], strides = [1, 1]} : vector<1x2048xf32> to vector<1x128xf32>
    %dot_general3A_3298 = arith.constant dense<0.000000e+00> : vector<1x128xf32>
    %dot_general3A_3299 = tpu.matmul %slice3A_3297, %convert_element_type3A_2970, %dot_general3A_3298 {dimension_numbers = #tpu.dot_dimension_numbers<[1], [0], [0], [1], [0, 0, 1, 1], [], []>, transpose_lhs_hint = false} : vector<1x128xf32>, vector<128x128xf32>, vector<1x128xf32> -> vector<1x128xf32>
    %add3A_3300 = vector.broadcast %add3A_3280 : f32 to vector<1x128xf32>
    %add3A_3301 = arith.addf %add3A_3300, %dot_general3A_3299 : vector<1x128xf32>
    %reduce_sum3A_3302 = vector.shape_cast %slice3A_3297 : vector<1x128xf32> to vector<1x1x128xf32>
    %reduce_sum3A_3303 = arith.constant dense<0.000000e+00> : vector<1xf32>
    %reduce_sum3A_3304 = vector.multi_reduction <add>, %reduce_sum3A_3302, %reduce_sum3A_3303 [1, 2] : vector<1x1x128xf32> to vector<1xf32>
    %reduce_sum3A_3305 = vector.shape_cast %reduce_sum3A_3304 : vector<1xf32> to vector<1x1x1xf32>
    %reduce_sum3A_3306 = vector.extract %reduce_sum3A_3305[0, 0, 0] : f32 from vector<1x1x1xf32>
    %add3A_3307 = arith.addf %add3A_3280, %reduce_sum3A_3306 : f32
    %convert_element_type3A_3308 = arith.fptosi %add3A_3301 : vector<1x128xf32> to vector<1x128xi32>
    %eq3A_3309 = vector.broadcast %convert_element_type3A_3308 : vector<1x128xi32> to vector<1000x128xi32>
    %eq3A_3310 = arith.cmpi eq, %eq3A_3309, %iota3A_2971 : vector<1000x128xi32>
    %eq3A_3311 = arith.constant 1.000000e+00 : f32
    %eq3A_3312 = vector.broadcast %eq3A_3311 : f32 to vector<1x128xf32>
    %eq3A_3313 = arith.cmpf oeq, %slice3A_3297, %eq3A_3312 : vector<1x128xf32>
    %and3A_3314 = vector.broadcast %eq3A_3313 : vector<1x128xi1> to vector<1000x128xi1>
    %and3A_3315 = arith.andi %eq3A_3310, %and3A_3314 : vector<1000x128xi1>
    %convert_element_type3A_3316 = arith.extui %and3A_3315 : vector<1000x128xi1> to vector<1000x128xi32>
    %convert_element_type3A_3317 = arith.sitofp %convert_element_type3A_3316 : vector<1000x128xi32> to vector<1000x128xf32>
    %get3A_3318 = arith.constant 1536 : index
    %get3A_3319 = arith.constant 0 : index
    %get3A_3320 = vector.load %arg4[%get3A_3318, %get3A_3319] : memref<2048x4xf32, #tpu.memory_space<vmem>>, vector<128x4xf32>
    %dot_general3A_3321 = arith.constant dense<0.000000e+00> : vector<1000x4xf32>
    %dot_general3A_3322 = tpu.matmul %convert_element_type3A_3317, %get3A_3320, %dot_general3A_3321 {dimension_numbers = #tpu.dot_dimension_numbers<[1], [0], [0], [1], [0, 0, 1, 1], [], []>, transpose_lhs_hint = false} : vector<1000x128xf32>, vector<128x4xf32>, vector<1000x4xf32> -> vector<1000x4xf32>
    %add3A_3323 = arith.addf %add3A_3296, %dot_general3A_3322 : vector<1000x4xf32>
    %slice3A_3324 = vector.extract_strided_slice %while3A_2965#0 {offsets = [0, 1664], sizes = [1, 128], strides = [1, 1]} : vector<1x2048xf32> to vector<1x128xf32>
    %dot_general3A_3325 = arith.constant dense<0.000000e+00> : vector<1x128xf32>
    %dot_general3A_3326 = tpu.matmul %slice3A_3324, %convert_element_type3A_2970, %dot_general3A_3325 {dimension_numbers = #tpu.dot_dimension_numbers<[1], [0], [0], [1], [0, 0, 1, 1], [], []>, transpose_lhs_hint = false} : vector<1x128xf32>, vector<128x128xf32>, vector<1x128xf32> -> vector<1x128xf32>
    %add3A_3327 = vector.broadcast %add3A_3307 : f32 to vector<1x128xf32>
    %add3A_3328 = arith.addf %add3A_3327, %dot_general3A_3326 : vector<1x128xf32>
    %reduce_sum3A_3329 = vector.shape_cast %slice3A_3324 : vector<1x128xf32> to vector<1x1x128xf32>
    %reduce_sum3A_3330 = arith.constant dense<0.000000e+00> : vector<1xf32>
    %reduce_sum3A_3331 = vector.multi_reduction <add>, %reduce_sum3A_3329, %reduce_sum3A_3330 [1, 2] : vector<1x1x128xf32> to vector<1xf32>
    %reduce_sum3A_3332 = vector.shape_cast %reduce_sum3A_3331 : vector<1xf32> to vector<1x1x1xf32>
    %reduce_sum3A_3333 = vector.extract %reduce_sum3A_3332[0, 0, 0] : f32 from vector<1x1x1xf32>
    %add3A_3334 = arith.addf %add3A_3307, %reduce_sum3A_3333 : f32
    %convert_element_type3A_3335 = arith.fptosi %add3A_3328 : vector<1x128xf32> to vector<1x128xi32>
    %eq3A_3336 = vector.broadcast %convert_element_type3A_3335 : vector<1x128xi32> to vector<1000x128xi32>
    %eq3A_3337 = arith.cmpi eq, %eq3A_3336, %iota3A_2971 : vector<1000x128xi32>
    %eq3A_3338 = arith.constant 1.000000e+00 : f32
    %eq3A_3339 = vector.broadcast %eq3A_3338 : f32 to vector<1x128xf32>
    %eq3A_3340 = arith.cmpf oeq, %slice3A_3324, %eq3A_3339 : vector<1x128xf32>
    %and3A_3341 = vector.broadcast %eq3A_3340 : vector<1x128xi1> to vector<1000x128xi1>
    %and3A_3342 = arith.andi %eq3A_3337, %and3A_3341 : vector<1000x128xi1>
    %convert_element_type3A_3343 = arith.extui %and3A_3342 : vector<1000x128xi1> to vector<1000x128xi32>
    %convert_element_type3A_3344 = arith.sitofp %convert_element_type3A_3343 : vector<1000x128xi32> to vector<1000x128xf32>
    %get3A_3345 = arith.constant 1664 : index
    %get3A_3346 = arith.constant 0 : index
    %get3A_3347 = vector.load %arg4[%get3A_3345, %get3A_3346] : memref<2048x4xf32, #tpu.memory_space<vmem>>, vector<128x4xf32>
    %dot_general3A_3348 = arith.constant dense<0.000000e+00> : vector<1000x4xf32>
    %dot_general3A_3349 = tpu.matmul %convert_element_type3A_3344, %get3A_3347, %dot_general3A_3348 {dimension_numbers = #tpu.dot_dimension_numbers<[1], [0], [0], [1], [0, 0, 1, 1], [], []>, transpose_lhs_hint = false} : vector<1000x128xf32>, vector<128x4xf32>, vector<1000x4xf32> -> vector<1000x4xf32>
    %add3A_3350 = arith.addf %add3A_3323, %dot_general3A_3349 : vector<1000x4xf32>
    %slice3A_3351 = vector.extract_strided_slice %while3A_2965#0 {offsets = [0, 1792], sizes = [1, 128], strides = [1, 1]} : vector<1x2048xf32> to vector<1x128xf32>
    %dot_general3A_3352 = arith.constant dense<0.000000e+00> : vector<1x128xf32>
    %dot_general3A_3353 = tpu.matmul %slice3A_3351, %convert_element_type3A_2970, %dot_general3A_3352 {dimension_numbers = #tpu.dot_dimension_numbers<[1], [0], [0], [1], [0, 0, 1, 1], [], []>, transpose_lhs_hint = false} : vector<1x128xf32>, vector<128x128xf32>, vector<1x128xf32> -> vector<1x128xf32>
    %add3A_3354 = vector.broadcast %add3A_3334 : f32 to vector<1x128xf32>
    %add3A_3355 = arith.addf %add3A_3354, %dot_general3A_3353 : vector<1x128xf32>
    %reduce_sum3A_3356 = vector.shape_cast %slice3A_3351 : vector<1x128xf32> to vector<1x1x128xf32>
    %reduce_sum3A_3357 = arith.constant dense<0.000000e+00> : vector<1xf32>
    %reduce_sum3A_3358 = vector.multi_reduction <add>, %reduce_sum3A_3356, %reduce_sum3A_3357 [1, 2] : vector<1x1x128xf32> to vector<1xf32>
    %reduce_sum3A_3359 = vector.shape_cast %reduce_sum3A_3358 : vector<1xf32> to vector<1x1x1xf32>
    %reduce_sum3A_3360 = vector.extract %reduce_sum3A_3359[0, 0, 0] : f32 from vector<1x1x1xf32>
    %add3A_3361 = arith.addf %add3A_3334, %reduce_sum3A_3360 : f32
    %convert_element_type3A_3362 = arith.fptosi %add3A_3355 : vector<1x128xf32> to vector<1x128xi32>
    %eq3A_3363 = vector.broadcast %convert_element_type3A_3362 : vector<1x128xi32> to vector<1000x128xi32>
    %eq3A_3364 = arith.cmpi eq, %eq3A_3363, %iota3A_2971 : vector<1000x128xi32>
    %eq3A_3365 = arith.constant 1.000000e+00 : f32
    %eq3A_3366 = vector.broadcast %eq3A_3365 : f32 to vector<1x128xf32>
    %eq3A_3367 = arith.cmpf oeq, %slice3A_3351, %eq3A_3366 : vector<1x128xf32>
    %and3A_3368 = vector.broadcast %eq3A_3367 : vector<1x128xi1> to vector<1000x128xi1>
    %and3A_3369 = arith.andi %eq3A_3364, %and3A_3368 : vector<1000x128xi1>
    %convert_element_type3A_3370 = arith.extui %and3A_3369 : vector<1000x128xi1> to vector<1000x128xi32>
    %convert_element_type3A_3371 = arith.sitofp %convert_element_type3A_3370 : vector<1000x128xi32> to vector<1000x128xf32>
    %get3A_3372 = arith.constant 1792 : index
    %get3A_3373 = arith.constant 0 : index
    %get3A_3374 = vector.load %arg4[%get3A_3372, %get3A_3373] : memref<2048x4xf32, #tpu.memory_space<vmem>>, vector<128x4xf32>
    %dot_general3A_3375 = arith.constant dense<0.000000e+00> : vector<1000x4xf32>
    %dot_general3A_3376 = tpu.matmul %convert_element_type3A_3371, %get3A_3374, %dot_general3A_3375 {dimension_numbers = #tpu.dot_dimension_numbers<[1], [0], [0], [1], [0, 0, 1, 1], [], []>, transpose_lhs_hint = false} : vector<1000x128xf32>, vector<128x4xf32>, vector<1000x4xf32> -> vector<1000x4xf32>
    %add3A_3377 = arith.addf %add3A_3350, %dot_general3A_3376 : vector<1000x4xf32>
    %slice3A_3378 = vector.extract_strided_slice %while3A_2965#0 {offsets = [0, 1920], sizes = [1, 128], strides = [1, 1]} : vector<1x2048xf32> to vector<1x128xf32>
    %dot_general3A_3379 = arith.constant dense<0.000000e+00> : vector<1x128xf32>
    %dot_general3A_3380 = tpu.matmul %slice3A_3378, %convert_element_type3A_2970, %dot_general3A_3379 {dimension_numbers = #tpu.dot_dimension_numbers<[1], [0], [0], [1], [0, 0, 1, 1], [], []>, transpose_lhs_hint = false} : vector<1x128xf32>, vector<128x128xf32>, vector<1x128xf32> -> vector<1x128xf32>
    %add3A_3381 = vector.broadcast %add3A_3361 : f32 to vector<1x128xf32>
    %add3A_3382 = arith.addf %add3A_3381, %dot_general3A_3380 : vector<1x128xf32>
    %convert_element_type3A_3383 = arith.fptosi %add3A_3382 : vector<1x128xf32> to vector<1x128xi32>
    %eq3A_3384 = vector.broadcast %convert_element_type3A_3383 : vector<1x128xi32> to vector<1000x128xi32>
    %eq3A_3385 = arith.cmpi eq, %eq3A_3384, %iota3A_2971 : vector<1000x128xi32>
    %eq3A_3386 = arith.constant 1.000000e+00 : f32
    %eq3A_3387 = vector.broadcast %eq3A_3386 : f32 to vector<1x128xf32>
    %eq3A_3388 = arith.cmpf oeq, %slice3A_3378, %eq3A_3387 : vector<1x128xf32>
    %and3A_3389 = vector.broadcast %eq3A_3388 : vector<1x128xi1> to vector<1000x128xi1>
    %and3A_3390 = arith.andi %eq3A_3385, %and3A_3389 : vector<1000x128xi1>
    %convert_element_type3A_3391 = arith.extui %and3A_3390 : vector<1000x128xi1> to vector<1000x128xi32>
    %convert_element_type3A_3392 = arith.sitofp %convert_element_type3A_3391 : vector<1000x128xi32> to vector<1000x128xf32>
    %get3A_3393 = arith.constant 1920 : index
    %get3A_3394 = arith.constant 0 : index
    %get3A_3395 = vector.load %arg4[%get3A_3393, %get3A_3394] : memref<2048x4xf32, #tpu.memory_space<vmem>>, vector<128x4xf32>
    %dot_general3A_3396 = arith.constant dense<0.000000e+00> : vector<1000x4xf32>
    %dot_general3A_3397 = tpu.matmul %convert_element_type3A_3392, %get3A_3395, %dot_general3A_3396 {dimension_numbers = #tpu.dot_dimension_numbers<[1], [0], [0], [1], [0, 0, 1, 1], [], []>, transpose_lhs_hint = false} : vector<1000x128xf32>, vector<128x4xf32>, vector<1000x4xf32> -> vector<1000x4xf32>
    %add3A_3398 = arith.addf %add3A_3377, %dot_general3A_3397 : vector<1000x4xf32>
    %swap3A_3399 = arith.constant 0 : index
    %swap3A_3400 = arith.constant 0 : index
    %swap3A_3401 = vector.load %arg2[%swap3A_3399, %swap3A_3400] : memref<1000x4xf32, #tpu.memory_space<vmem>>, vector<1000x4xf32>
    tpu.vector_store %arg2[%swap3A_3399, %swap3A_3400], %add3A_3398 {strides = array<i32>} : memref<1000x4xf32, #tpu.memory_space<vmem>>, vector<1000x4xf32>,
    return
  }
}

</mosaic_0001>

<sc_bundles>
// kernel: kernel.5.cloned.1.call-start
scs
__scs_entry_jumppad:
0x0: {  	(pc) =	sbr.rel $0x88, $3  }
0x1: {  	(tag) =	ssettag $0x0;
	lr =	simm.s32 $0x1  }
0x2: {  	[smem:$0x3F99] =	sst lr;
	_ =	strace $0xD0000000  }
0x3: {  	_ = 	snop  }
0x4: {  	_ = 	snop  }
0x5: {  	_ = 	snop  }
0x6: {  	_ = 	snop  }
0x7: {  	_ = 	snop  }
__scs_overlays_trampoline_lowered:
0x8: {  	[smem:$0x3FA8] =	sst s0  }
0x9: {  	[smem:$0x3FA9] =	sst s1  }
0xa: {  	[smem:$0x3FAA] =	sst s2  }
0xb: {  	[smem:$0x3FAB] =	sst s3  }
0xc: {  	[smem:$0x3FAC] =	sst s4  }
0xd: {  	[smem:$0x3FAD] =	sst s5  }
0xe: {  	[smem:$0x3FAE] =	sst s6  }
0xf: {  	[smem:$0x3FAF] =	sst s7  }
0x10: {  	[smem:$0x3FB0] =	sst s8  }
0x11: {  	[smem:$0x3FB1] =	sst s9;
	s0 =	simm.s32 @!p0 $0x0  }
0x12: {  	s1 =	sld [smem:$0x3F97];
	s0 =	simm.s32 @p0 $0x1  }
0x13: {  	[smem:$0x3FB2] =	sst s0;
	s0 =	simm.s32 @!p1 $0x0  }
0x14: {  	s2 =	sld [smem:$0x3F96];
	s0 =	simm.s32 @p1 $0x1  }
0x15: {  	[smem:$0x3FB3] =	sst s0;
	s0 =	simm.s32 @!p2 $0x0  }
0x16: {  	s3 =	sld [smem:$0x3FDB];
	s0 =	simm.s32 @p2 $0x1  }
0x17: {  	s4 =	simm.s32 $0x1BF5;
	[smem:$0x3FB5] =	sst s0  }
0x18: {  	s0 =	sld [smem:$0x3F98];
	_ =	swait.ge [sflag:s4], $0x0  }
0x19: {  	s7 =	sld [smem:$0x3F99]  }
0x1a: {  	s8 =	sadd.s32 $0xFFFFE003, lr  }
0x1b: {  	s9 =	sadd.s32 $0xFFFFFEF7, lr;
	s5 =	simm.s32 $0xFFFFFFFF;
	p2 =	slt.u32 s8, $0xFFFFF086  }
0x1c: {  	p1 =	slt.u32 s9, $0xF7A;
	s5 =	simm.s32 @!p2 $0x0  }
0x1d: {  	s5 =	simm.s32 @p1 $0x1;
	p0 =	seq.s32 s7, s2  }
0x1e: {  	s7 =	smul.u32 @!p0 $0xF7A, s2;
	p2 =	seq.s32 @!p0 s5, $0x0  }
0x1f: {  	s9 =	smul.u32 $0xF7A, s1;
	s8 =	simm.s32 @!p0 $0x1BF5;
	p2 =	por !p2, p0  }
0x20: {  	[sflag:s8] =	ssyncset.s32 @!p0 $0xFFFFF086;
	s6 =	sadd.s32 @!p0 s3, s7;
	s7 =	simm.s32 @!p0 $0x108  }
0x21: {  	s3 =	sadd.s32 s3, s9;
	s6 =	sadd.s32 @!p0 $0x88, s6;
	s7 =	simm.s32 @p2 $0x1082  }
0x22: {  	[simem:s7], [sflag:s8] =	dma.local @!p0 [hbm:s6], $0xF7A  }
0x23: {  	s9 =	sor.u32 $0xD0000000, s2;
	s6 =	simm.s32 $0x108;
	_ =	swait.ge @!p0 [sflag:s8], $0x0  }
0x24: {  	s3 =	sadd.s32 $0x88, s3;
	s6 =	simm.s32 @!p1 $0x1082;
	[sflag:s4] =	ssyncset.s32 $0xFFFFF086  }
0x25: {  	[simem:s6], [sflag:s4] =	dma.local [hbm:s3], $0xF7A  }
0x26: {  	[smem:$0x3F99] =	sst s1;
	(tag) =	ssettag s2;
	_ =	strace s9  }
0x27: {  	s1 =	sld [smem:$0x3FA9]  }
0x28: {  	s2 =	sld [smem:$0x3FAA]  }
0x29: {  	s4 =	sld [smem:$0x3FAC]  }
0x2a: {  	p0 =	seq.s32 s5, $0x0;
	s5 =	sld [smem:$0x3FAD]  }
0x2b: {  	s6 =	sld [smem:$0x3FAE]  }
0x2c: {  	s7 =	sld [smem:$0x3FAF]  }
0x2d: {  	s3 =	simm.s32 $0x108;
	s8 =	sld [smem:$0x3FB0]  }
0x2e: {  	s3 =	simm.s32 @!p0 $0x1082;
	s9 =	sld [smem:$0x3FB1]  }
0x2f: {  	lr =	sadd.s32 s0, s3;
	s0 =	sld [smem:$0x3FA8]  }
0x30: {  	s3 =	sld [smem:$0x3FAB]  }
0x31: {  	[smem:$0x3FB4] =	sst s10  }
0x32: {  	s10 =	sld [smem:$0x3FB2];
	_ =	sdelay $0x3  }
0x33: {  	p0 =	seq.s32 s10, $0x1;
	s10 =	sld [smem:$0x3FB4];
	_ =	sdelay $0x3  }
0x34: {  	[smem:$0x3FB4] =	sst s10  }
0x35: {  	s10 =	sld [smem:$0x3FB3];
	_ =	sdelay $0x3  }
0x36: {  	p1 =	seq.s32 s10, $0x1;
	s10 =	sld [smem:$0x3FB4];
	_ =	sdelay $0x3  }
0x37: {  	[smem:$0x3FB4] =	sst s10  }
0x38: {  	s10 =	sld [smem:$0x3FB5]  }
0x39: {  	_ = 	snop;
	(pc) =	sbr.ind lr, $3  }
0x3a: {  	_ = 	snop  }
0x3b: {  	_ = 	snop  }
0x3c: {  	p2 =	seq.s32 s10, $0x1;
	s10 =	sld [smem:$0x3FB4]  }
0x3d: {  	_ =	shalt  }
0x3e: {  	_ =	shalt  }
0x3f: {  	_ =	shalt  }
0x40: {  	_ =	shalt  }
0x41: {  	_ =	shalt  }
0x42: {  	_ =	shalt  }
0x43: {  	_ =	shalt  }
0x44: {  	_ =	shalt  }
0x45: {  	_ =	shalt  }
0x46: {  	_ =	shalt  }
0x47: {  	_ =	shalt  }
0x48: {  	_ =	shalt  }
0x49: {  	_ =	shalt  }
0x4a: {  	_ =	shalt  }
0x4b: {  	_ =	shalt  }
0x4c: {  	_ =	shalt  }
0x4d: {  	_ =	shalt  }
0x4e: {  	_ =	shalt  }
0x4f: {  	_ =	shalt  }
0x50: {  	_ =	shalt  }
0x51: {  	_ =	shalt  }
0x52: {  	_ =	shalt  }
0x53: {  	_ =	shalt  }
0x54: {  	_ =	shalt  }
0x55: {  	_ =	shalt  }
0x56: {  	_ =	shalt  }
0x57: {  	_ =	shalt  }
0x58: {  	_ =	shalt  }
0x59: {  	_ =	shalt  }
0x5a: {  	_ =	shalt  }
0x5b: {  	_ =	shalt  }
0x5c: {  	_ =	shalt  }
0x5d: {  	_ =	shalt  }
0x5e: {  	_ =	shalt  }
0x5f: {  	_ =	shalt  }
0x60: {  	_ =	shalt  }
0x61: {  	_ =	shalt  }
0x62: {  	_ =	shalt  }
0x63: {  	_ =	shalt  }
0x64: {  	_ =	shalt  }
0x65: {  	_ =	shalt  }
0x66: {  	_ =	shalt  }
0x67: {  	_ =	shalt  }
0x68: {  	_ =	shalt  }
0x69: {  	_ =	shalt  }
0x6a: {  	_ =	shalt  }
0x6b: {  	_ =	shalt  }
0x6c: {  	_ =	shalt  }
0x6d: {  	_ =	shalt  }
0x6e: {  	_ =	shalt  }
0x6f: {  	_ =	shalt  }
0x70: {  	_ =	shalt  }
0x71: {  	_ =	shalt  }
0x72: {  	_ =	shalt  }
0x73: {  	_ =	shalt  }
0x74: {  	_ =	shalt  }
0x75: {  	_ =	shalt  }
0x76: {  	_ =	shalt  }
0x77: {  	_ =	shalt  }
0x78: {  	_ =	shalt  }
0x79: {  	_ =	shalt  }
0x7a: {  	_ =	shalt  }
0x7b: {  	_ =	shalt  }
0x7c: {  	_ =	shalt  }
0x7d: {  	_ =	shalt  }
0x7e: {  	_ =	shalt  }
0x7f: {  	_ =	shalt  }
0x80: {  	_ =	shalt  }
0x81: {  	_ =	shalt  }
0x82: {  	_ =	shalt  }
0x83: {  	_ =	shalt  }
0x84: {  	_ =	shalt  }
0x85: {  	_ =	shalt  }
0x86: {  	_ =	shalt  }
0x87: {  	_ =	shalt  }
.Lfunc_end0:
.L_simem_size_0:
called_computation_lowered:
.L_overlay_start_0:
0x88: {  	s2 =	sld [smem:$0x3FD9]  }
0x89: {  	s3 =	sld [smem:$0x3FFE];
	_ =	sdelay $0x1  }
0x8a: {  	s1 =	srdreg.scid  }
0x8b: {  	s0 =	sand.u32 $0x1, s1  }
0x8c: {  	s17 =	sshll.u32 s0, $0xA;
	s2 =	sadd.s32 s3, s2  }
0x8d: {  	s2 =	sadd.s32 s2, s17  }
0x8e: {  	[smem:$0x3FC0] =	sst s2  }
0x8f: {  	_ = 	snop  }
0x90: {  	s2 =	sld [smem:$0x3FD0];
	(tm) =	ssettm $0x1  }
0x91: {  	s18 =	sld [smem:$0x3FFB];
	_ =	sdelay $0x3  }
0x92: {  	_ =	strace s18  }
0x93: {  	s3 =	sld [smem:$0x3FFC];
	_ =	sdelay $0x3  }
0x94: {  	_ =	strace s3  }
0x95: {  	s3 =	sld [smem:$0x3FFD];
	_ =	sdelay $0x3  }
0x96: {  	_ =	strace s3  }
0x97: {  	_ =	strace $0x8FFFFFFF  }
0x98: {  	s19 =	sld [smem:$0x3FDB];
	_ =	sdelay $0x1  }
0x99: {  	s4 =	simm.s32 $_scs_section_size  }
0x9a: {  	s5 =	simm.s32 $_size__tile_overlayer_lowered;
	s6 =	simm.s32 $_tile_overlayer_lowered  }
0x9b: {  	s22 =	simm.s32 $0x1BFF;
	s21 =	sshll.u32 s6, $0x1;
	s3 =	sadd.s32 s4, s19  }
0x9c: {  	s7 =	simm.s32 $0x0;
	s20 =	sshll.u32 s5, $0x1;
	s5 =	sadd.s32 s21, s3  }
0x9d: {  	[timem:s7], [sflag:s22] =	dma.local [hbm:s5], s20  }
0x9e: {  	_ =	swait.ge [sflag:s22], s20  }
0x9f: {  	s4 =	ssub.s32 $0x0, s20;
	[sflag:s22] =	ssyncset.done $0x0  }
0xa0: {  	[sflag:s22] =	ssyncadd.s32 s4;
	_ =	sdelay $0x1  }
0xa1: {  	s23 =	simm.s32 $0x1B8B  }
0xa2: {  	_ =	swait.ge [sflag:s23], $0x1  }
0xa3: {  	[sflag:s23] =	ssyncset.done $0x0  }
0xa4: {  	s25 =	simm.s32 $0x1B8E;
	s24 =	sld [smem:$0x3FFE];
	[sflag:s23] =	ssyncadd.s32 $0xFFFFFFFF  }
0xa5: {  	s26 =	simm.s32 $execute0_lowered;
	[smem:$0x3FD2] =	sst s25  }
0xa6: {  	s5 =	sshll.u32 s26, $0x1;
	_ =	strace $0x80000046;
	[dreg:$0x1] =	wrdreg $0xFFFFFFFF  }
0xa7: {  	s28 =	simm.s32 $_size_execute0_lowered;
	s3 =	sadd.s32 s3, s5;
	[dreg:$0x0] =	wrdreg $0x0  }
0xa8: {  	s5 =	sshll.u32 s28, $0x1;
	[dreg:$0x2] =	wrdreg s3  }
0xa9: {  	[dreg:$0x3] =	wrdreg s5  }
0xaa: {  	[dreg:$0x4] =	wrdreg $0xC0  }
0xab: {  	_ =	task [dreg:s7], $0x5FFFF  }
0xac: {  	[dreg:$0x1] =	wrdreg $0xFFFFFFFF  }
0xad: {  	[dreg:$0x0] =	wrdreg $0x60  }
0xae: {  	[dreg:$0x2] =	wrdreg s24  }
0xaf: {  	[dreg:$0x3] =	wrdreg s2  }
0xb0: {  	[dreg:$0x4] =	wrdreg $0x9  }
0xb1: {  	_ =	task.clear_ibuf [dreg:s7], $0x5FFFF;
	_ =	strace $0x90000046  }
0xb2: {  	s29 =	simm.s32 $0x9;
	_ =	strace $0x80000048  }
0xb3: {  	_ =	swait.ge [sflag:s29], $0x1  }
0xb4: {  	[sflag:s29] =	ssyncadd.s32 $0xFFFFFFFF  }
0xb5: {  	_ =	strace $0x90000048  }
0xb6: {  	_ =	sfence  }
0xb7: {  	s30 =	sld [smem:$0x0];
	_ =	sdelay $0x2  }
0xb8: {  	s31 =	sshll.u32 s1, $0xD;
	s1 =	sshrl.u32 s1, $0x2  }
0xb9: {  	s3 =	sand.u32 $0x4000, s31;
	s1 =	sadd.s32 s1, s30  }
0xba: {  	s0 =	sor.u32 s3, s0;
	s1 =	sshll.u32 s1, $0x11  }
0xbb: {  	s0 =	sor.u32 s1, s0  }
0xbc: {  	s0 =	sadd.s32 $0x8F2B, s0  }
0xbd: {  	[sflag:s0] =	ssyncadd.remote.s32 $0x1  }
0xbe: {  	_ =	sfence.sel $0xFFFF  }
0xbf: {  	[dreg:$0x0] =	wrdreg $0xFFFFFFFF;
	(pc) =	sbr.abs _section_cstart, $3  }
0xc0: {  	[dreg:$0x1] =	wrdreg $0xFFFFFFFF  }
0xc1: {  	_ =	task.clear_ibuf [dreg:s7], $0x2FFFF;
	_ =	strace $0x9FFFFFFF  }
0xc2: {  	(tm) =	ssettm $0x7FFFFFFF  }
0xc3: {  	_ =	shalt  }
tec
execute0_lowered:
.L_overlay_start_1:
0x0: {  	(tag) =	ssettag $0x1  }
0x1: {  	s1 =	srdreg.scid;
	s9 =	rddreg [dreg:$0x0]  }
0x2: {  	s0 =	stileid.u32;
	s3 =	rddreg [dreg:$0x1];
	s6 =	sand.u32 $0x1, s1  }
0x3: {  	s2 =	simm.s32 $0x0;
	s4 =	sshll.u32 s0, $0x7;
	s5 =	sshll.u32 s6, $0x6  }
0x4: {  	s7 =	simm.s32 $0x80;
	[smem:$0x7FF] =	sst s2;
	s10 =	sor.u32 s5, s4  }
0x5: {  	s1 =	rddreg [dreg:$0x2];
	_ =	strace $0x80000047;
	s4 =	sshrl.u32 s10, $0x3  }
0x6: {  	s11 =	ssub.s32 $0x2, s6;
	s4 =	sadd.s32 s3, s4;
	s3 =	simm.s32 $0x2  }
0x7: {  	[tilespmem:s2], [sflag:$0x2] =	stream.linear.gather [hbm4b:s4+s2], $0x40, $0x38;
	[tilespmem:$0x2080] =	vst v63  }
0x8: {  	s8 =	simm.s32 $0x1;
	s12 =	sshrl.u32 s11, $0x1;
	_ =	swait.ge [sflag:s3], $0x40  }
0x9: {  	s6 =	simm.s32 $0x40;
	s11 =	ssub.s32 s11, s12;
	[sflag:s3] =	ssyncset.done $0x0  }
0xa: {  	s5 =	sadd.s32 $0xB2200, s9;
	s31 =	smax.u32 s11, $0x1;
	[sflag:s3] =	ssyncadd.s32 $0xFFFFFFC0  }
0xb: {  	[tilespmem:s7], [sflag:$0x1] =	stream.indirect.gather [hbm4b:s5+s6], $0x80, s2, s6, $0xb8;
	[tilespmem:$0x2080] =	vst v63  }
0xc: {  	p0 =	sne.s32 s31, $0x1;
	_ =	swait.ge [sflag:s8], $0x2000  }
.Ltmp0:
0xd: {  	s10 =	sshll.u32 s10, $0x4;
	[sflag:s8] =	ssyncset.done $0x0;
	(pc) =	sbr.rel @!p0 .LBB2_2-.Ltmp0, $4  }
0xe: {  	s9 =	sadd.s32 s9, s10;
	[sflag:s8] =	ssyncadd.s32 $0xFFFFE000  }
0xf: {  	[hbm4b:s9+s2] =	stream.linear.scatter [tilespmem:s7], [sflag:$0x2], $0x2000, $0x38;
	[tilespmem:$0x2080] =	vst v63  }
0x10: {  	_ =	swait.ge [sflag:s3], $0x2000  }
0x11: {  	s10 =	sadd.s32 $0xFFFFFFFF, s31;
	[sflag:s3] =	ssyncset.done $0x0  }
.LBB2_1:
0x12: {  	p0 =	sne.s32 s10, $0x1;
	s10 =	sadd.s32 $0xFFFFFFFF, s10;
	[sflag:s3] =	ssyncadd.s32 $0xFFFFE000  }
0x13: {  	[tilespmem:s2], [sflag:$0x2] =	stream.linear.gather [hbm4b:s4+s2], $0x40, $0x38;
	[tilespmem:$0x2080] =	vst v63  }
0x14: {  	_ =	swait.ge [sflag:s3], $0x40  }
0x15: {  	[sflag:s3] =	ssyncset.done $0x0  }
0x16: {  	[sflag:s3] =	ssyncadd.s32 $0xFFFFFFC0  }
0x17: {  	[tilespmem:s7], [sflag:$0x1] =	stream.indirect.gather [hbm4b:s5+s6], $0x80, s2, s6, $0xb8;
	[tilespmem:$0x2080] =	vst v63  }
0x18: {  	_ =	swait.ge [sflag:s8], $0x2000  }
.Ltmp1:
0x19: {  	[sflag:s8] =	ssyncset.done $0x0;
	(pc) =	sbr.rel @p0 .LBB2_1-.Ltmp1, $4  }
0x1a: {  	[sflag:s8] =	ssyncadd.s32 $0xFFFFE000  }
0x1b: {  	[hbm4b:s9+s2] =	stream.linear.scatter [tilespmem:s7], [sflag:$0x2], $0x2000, $0x38;
	[tilespmem:$0x2080] =	vst v63  }
0x1c: {  	_ =	swait.ge [sflag:s3], $0x2000  }
0x1d: {  	[sflag:s3] =	ssyncset.done $0x0  }
.LBB2_2:
0x1e: {  	[sflag:s3] =	ssyncadd.s32 $0xFFFFE000  }
0x1f: {  	_ =	sfence.sel $0x180000  }
0x20: {  	[bflag:$0x0] =	sbarrier.arrive $0xFFFF  }
0x21: {  	p0 =	sne.s32 s0, $0x0;
	_ =	strace $0x90000047  }
0x22: {  	s0 =	sadd.s32 @!p0 $0x100000, s1;
	[bflag:$0x2] =	sbarrier.arrive $0xFFFF  }
0x23: {  	[sflag:s0] =	ssyncadd.tile.s32 @!p0 $0x1;
	_ =	shalt  }
.Lfunc_end2:
_tile_overlayer_lowered:
.L_overlay_start_2:
0x24: {  	(tag) =	ssettag $0x2  }
0x25: {  	s0 =	rddreg [dreg:$0x0];
	s2 =	stileid.u32  }
0x26: {  	s1 =	rddreg [dreg:$0x1];
	p0 =	sne.s32 s2, $0x0  }
0x27: {  	s3 =	rddreg [dreg:$0x2];
	[bflag:$0x3] =	sbarrier.arrive $0xFFFF;
	s2 =	simm.s32 @!p0 $0x1C02  }
0x28: {  	[timem:s3], [sflag:s2] =	dma.local @!p0 [hbm:s0], s1  }
0x29: {  	s0 =	simm.s32 @!p0 $0x2  }
0x2a: {  	_ =	swait.ge @!p0 [sflag:s0], s1  }
0x2b: {  	s1 =	ssub.s32 @!p0 $0x0, s1;
	[sflag:s0] =	ssyncset.done @!p0 $0x0  }
0x2c: {  	[sflag:s0] =	ssyncadd.s32 @!p0 s1  }
0x2d: {  	[bflag:$0x3] =	sbarrier.arrive $0xFFFF  }
0x2e: {  	_ =	shalt  }

</sc_bundles>
